<compile_context>
chip_gen: v7x
topology: tpu7x:2x2x1
jax: 0.10.2.dev20260603
libtpu: 0.0.44.dev20260713+nightly
codegen_flags: <defaults>
</compile_context>

<pallas_src>
import functools

import jax
import jax.numpy as jnp
from jax import lax
from jax.experimental import pallas as pl
from jax.experimental.pallas import tpu as pltpu
from jax.experimental.pallas import tpu_sc as plsc

N = 10000
HD = 128
ZD = 64
EPS = 1e-10

NP = 10240
NC = 2
NS = 16
NW = NC * NS
CHUNK = 128

BR = 2000
GRID = N // BR
CC = 1000


def _softplus(x):
    mx = jnp.maximum(x, 0.0)
    return mx + jnp.log(jnp.exp(x - mx) + jnp.exp(-mx))


def _sigmoid(x):
    return 1.0 / (1.0 + jnp.exp(-x))



NBUF = 2


def _sc_prop_body(nch, width, y_hbm, row_hbm, col_hbm, zero_hbm, out_hbm,
                  acc, rowt, colt, bufs, gsem, ssem):
    cid = lax.axis_index("c")
    sid = lax.axis_index("s")
    wid = sid * NC + cid
    rpt = NP // NS

    pltpu.sync_copy(zero_hbm, acc.at[pl.ds(sid * rpt, rpt)])
    plsc.subcore_barrier()

    def body(j, carry):
        pltpu.sync_copy(col_hbm.at[wid, j], colt)
        pltpu.sync_copy(row_hbm.at[wid, j], rowt)
        pltpu.async_copy(y_hbm.at[colt], bufs, gsem).wait()
        pltpu.async_copy(bufs, acc.at[rowt], ssem, add=True).wait()
        return carry

    lax.fori_loop(0, nch, body, 0)
    plsc.subcore_barrier()

    sl = pl.ds(sid * rpt, rpt)
    pltpu.sync_copy(acc.at[sl], out_hbm.at[cid, sl])


@functools.lru_cache(maxsize=None)
def _make_prop(nch, width):
    mesh = plsc.VectorSubcoreMesh(core_axis_name="c", subcore_axis_name="s")
    return pl.kernel(
        functools.partial(_sc_prop_body, nch, width),
        out_type=jax.ShapeDtypeStruct((NC, NP, width), jnp.float32),
        mesh=mesh,
        scratch_types=[
            pltpu.VMEM_SHARED((NP, width), jnp.float32),
            pltpu.VMEM((CHUNK,), jnp.int32),
            pltpu.VMEM((CHUNK,), jnp.int32),
            pltpu.VMEM((CHUNK, width), jnp.float32),
            pltpu.SemaphoreType.DMA,
            pltpu.SemaphoreType.DMA,
        ],
    )


def _sc_scatter(y, row3, col3, zero_tile, nch):
    return _make_prop(nch, y.shape[-1])(y, row3, col3, zero_tile)



def _sc_edge_body(nch, z_hbm, ru_hbm, cu_hbm, out_hbm,
                  ruv, cuv, bufr, bufc, outv, gsem):

    cid = lax.axis_index("c")
    sid = lax.axis_index("s")
    wid = sid * NC + cid

    def body(j, carry):
        pltpu.sync_copy(ru_hbm.at[wid, j], ruv)
        pltpu.sync_copy(cu_hbm.at[wid, j], cuv)
        d1 = pltpu.async_copy(z_hbm.at[ruv], bufr, gsem)
        d2 = pltpu.async_copy(z_hbm.at[cuv], bufc, gsem)
        d1.wait()
        d2.wait()

        def edge(e, c2):
            p = bufr[e, 0:16] * bufc[e, 0:16]
            for k in range(1, ZD // 16):
                p = p + bufr[e, 16 * k:16 * (k + 1)] * bufc[e, 16 * k:16 * (k + 1)]
            outv[e, :] = p
            return c2

        lax.fori_loop(0, CHUNK, edge, 0)
        pltpu.sync_copy(outv, out_hbm.at[wid, j])
        return carry

    lax.fori_loop(0, nch, body, 0)


@functools.lru_cache(maxsize=None)
def _make_edge(nch):
    mesh = plsc.VectorSubcoreMesh(core_axis_name="c", subcore_axis_name="s")
    return pl.kernel(
        functools.partial(_sc_edge_body, nch),
        out_type=jax.ShapeDtypeStruct((NW, nch, CHUNK, 16), jnp.float32),
        mesh=mesh,
        scratch_types=[
            pltpu.VMEM((CHUNK,), jnp.int32),
            pltpu.VMEM((CHUNK,), jnp.int32),
            pltpu.VMEM((CHUNK, HD), jnp.float32),
            pltpu.VMEM((CHUNK, HD), jnp.float32),
            pltpu.VMEM((CHUNK, 16), jnp.float32),
            pltpu.SemaphoreType.DMA,
        ],
    )



def _dot(a, b):
    return jnp.dot(a, b, preferred_element_type=jnp.float32)


def _rows_spec(c, rank3=False):
    if rank3:
        return pl.BlockSpec((NC, BR, c), lambda i: (0, i, 0))
    return pl.BlockSpec((BR, c), lambda i: (i, 0))


def _full_spec(r, c):
    return pl.BlockSpec((r, c), lambda i: (0, 0))


def _phix_body(x_ref, w_ref, b_ref, dinv_ref, y_ref):
    h = jnp.maximum(_dot(x_ref[...], w_ref[...]) + b_ref[...], 0.0)
    y_ref[...] = dinv_ref[...] * h


def _phix(x_t, w, b, dinv):
    return pl.pallas_call(
        _phix_body,
        grid=(GRID,),
        in_specs=[_rows_spec(HD), _full_spec(HD, HD), _full_spec(1, HD),
                  _rows_spec(1)],
        out_specs=_rows_spec(HD),
        out_shape=jax.ShapeDtypeStruct((N, HD), jnp.float32),
    )(x_t, w, b, dinv)


def _combine_body(s_ref, y_ref, dinv_ref, p_ref):
    p_ref[...] = dinv_ref[...] * (s_ref[0] + s_ref[1] + 2.0 * y_ref[...])


def _combine(s, y, dinv):
    return pl.pallas_call(
        _combine_body,
        grid=(GRID,),
        in_specs=[_rows_spec(HD, rank3=True), _rows_spec(HD), _rows_spec(1)],
        out_specs=_rows_spec(HD),
        out_shape=jax.ShapeDtypeStruct((N, HD), jnp.float32),
    )(s, y, dinv)


def _prop(y, row3, col3, zero_tile, nch, dinv):
    return _combine(_sc_scatter(y, row3, col3, zero_tile, nch), y, dinv)


def _enc_body(pa_ref, ph_ref, w1_ref, w2_ref, dinv_ref, y_ref):
    e = jnp.maximum(_dot(pa_ref[...], w1_ref[...])
                    + _dot(ph_ref[...], w2_ref[...]), 0.0)
    y_ref[...] = dinv_ref[...] * e


def _enc(p_phix, p_h, w1, w2, dinv):
    return pl.pallas_call(
        _enc_body,
        grid=(GRID,),
        in_specs=[_rows_spec(HD), _rows_spec(HD), _full_spec(HD, HD),
                  _full_spec(HD, HD), _rows_spec(1)],
        out_specs=_rows_spec(HD),
        out_shape=jax.ShapeDtypeStruct((N, HD), jnp.float32),
    )(p_phix, p_h, w1, w2, dinv)


def _stagec_body(pe_ref, h0_ref, noise_ref, wm_ref, ws_ref, wpr_ref, bpr_ref,
                 wpm_ref, bpm_ref, wps_ref, bps_ref, wpz_ref, bpz_ref,
                 dinv_ref, z_ref, ypz_ref, kld_ref):
    pe = pe_ref[...]
    em = _dot(pe, wm_ref[...])
    es = _softplus(_dot(pe, ws_ref[...]))
    pr = jnp.maximum(_dot(h0_ref[...], wpr_ref[...]) + bpr_ref[...], 0.0)
    pm = _dot(pr, wpm_ref[...]) + bpm_ref[...]
    ps = _softplus(_dot(pr, wps_ref[...]) + bps_ref[...])
    z = em + es * noise_ref[...]
    z_ref[...] = jnp.concatenate([z, jnp.zeros_like(z)], axis=1)
    pz = jnp.maximum(_dot(z, wpz_ref[...]) + bpz_ref[...], 0.0)
    ypz_ref[...] = dinv_ref[...] * pz
    t = (2.0 * (jnp.log(ps + EPS) - jnp.log(es + EPS))
         + ((es + EPS) ** 2 + (em - pm) ** 2) / (ps + EPS) ** 2 - 1.0)
    kld_ref[...] = jnp.sum(t).reshape(1, 1, 1)


def _stagec(p_enc, h0, noise, wm, ws, wpr, bpr, wpm, bpm, wps, bps, wpz, bpz,
            dinv):
    return pl.pallas_call(
        _stagec_body,
        grid=(GRID,),
        in_specs=[_rows_spec(HD), _rows_spec(HD), _rows_spec(ZD),
                  _full_spec(HD, ZD), _full_spec(HD, ZD),
                  _full_spec(HD, HD), _full_spec(1, HD),
                  _full_spec(HD, ZD), _full_spec(1, ZD),
                  _full_spec(HD, ZD), _full_spec(1, ZD),
                  _full_spec(ZD, HD), _full_spec(1, HD),
                  _rows_spec(1)],
        out_specs=[_rows_spec(HD), _rows_spec(HD),
                   pl.BlockSpec((1, 1, 1), lambda i: (i, 0, 0))],
        out_shape=[jax.ShapeDtypeStruct((N, HD), jnp.float32),
                   jax.ShapeDtypeStruct((N, HD), jnp.float32),
                   jax.ShapeDtypeStruct((GRID, 1, 1), jnp.float32)],
    )(p_enc, h0, noise, wm, ws, wpr, bpr, wpm, bpm, wps, bps, wpz, bpz, dinv)


def _gates_body(px_ref, pz_ref, ph_ref, h0_ref, wxza_ref, wxzb_ref, whz_ref,
                wxra_ref, wxrb_ref, whr_ref, dinv_ref, zg_ref, yrh_ref):
    a, b, c = px_ref[...], pz_ref[...], ph_ref[...]
    zg = _sigmoid(_dot(a, wxza_ref[...]) + _dot(b, wxzb_ref[...])
                  + _dot(c, whz_ref[...]))
    rg = _sigmoid(_dot(a, wxra_ref[...]) + _dot(b, wxrb_ref[...])
                  + _dot(c, whr_ref[...]))
    zg_ref[...] = zg
    yrh_ref[...] = dinv_ref[...] * (rg * h0_ref[...])


def _gates(px, pz, ph, h0, wxza, wxzb, whz, wxra, wxrb, whr, dinv):
    return pl.pallas_call(
        _gates_body,
        grid=(GRID,),
        in_specs=[_rows_spec(HD)] * 4 + [_full_spec(HD, HD)] * 6
        + [_rows_spec(1)],
        out_specs=[_rows_spec(HD), _rows_spec(HD)],
        out_shape=[jax.ShapeDtypeStruct((N, HD), jnp.float32),
                   jax.ShapeDtypeStruct((N, HD), jnp.float32)],
    )(px, pz, ph, h0, wxza, wxzb, whz, wxra, wxrb, whr, dinv)


def _final_body(px_ref, pz_ref, prh_ref, wxha_ref, wxhb_ref, whh_ref,
                zg_ref, h0_ref, h_ref):
    ht = jnp.tanh(_dot(px_ref[...], wxha_ref[...])
                  + _dot(pz_ref[...], wxhb_ref[...])
                  + _dot(prh_ref[...], whh_ref[...]))
    zg = zg_ref[...]
    h_ref[...] = zg * h0_ref[...] + (1.0 - zg) * ht


def _final(px, pz, prh, wxha, wxhb, whh, zg, h0):
    return pl.pallas_call(
        _final_body,
        grid=(GRID,),
        in_specs=[_rows_spec(HD)] * 3 + [_full_spec(HD, HD)] * 3
        + [_rows_spec(HD)] * 2,
        out_specs=_rows_spec(HD),
        out_shape=jax.ShapeDtypeStruct((N, HD), jnp.float32),
    )(px, pz, prh, wxha, wxhb, whh, zg, h0)


def _nll_body(zb_ref, zf_ref, out_ref):
    zb = zb_ref[...]
    acc = jnp.zeros((), jnp.float32)
    for j in range(N // CC):
        zc = zf_ref[j * CC:(j + 1) * CC, :]
        l = lax.dot_general(zb, zc, (((1,), (1,)), ((), ())),
                            preferred_element_type=jnp.float32)
        acc = acc + jnp.sum(_softplus(l))
    out_ref[...] = acc.reshape(1, 1, 1)


def _nll_allsum(zpad):
    parts = pl.pallas_call(
        _nll_body,
        grid=(GRID,),
        in_specs=[_rows_spec(HD), _full_spec(N, HD)],
        out_specs=pl.BlockSpec((1, 1, 1), lambda i: (i, 0, 0)),
        out_shape=jax.ShapeDtypeStruct((GRID, 1, 1), jnp.float32),
    )(zpad, zpad)
    return jnp.sum(parts)


def _efin_body(p_ref, m_ref, out_ref):
    l = jnp.sum(p_ref[...], axis=1, keepdims=True)
    m = m_ref[...]
    sp = jnp.sum(m * _softplus(l)).reshape(1, 1, 1)
    sn = jnp.sum(m * _softplus(-l)).reshape(1, 1, 1)
    out_ref[...] = jnp.concatenate([sp, sn], axis=2)


def _edge_sums(partials, mask):
    eb = partials.shape[0] // NW
    parts = pl.pallas_call(
        _efin_body,
        grid=(NW,),
        in_specs=[pl.BlockSpec((eb, 16), lambda i: (i, 0)),
                  pl.BlockSpec((eb, 1), lambda i: (i, 0))],
        out_specs=pl.BlockSpec((1, 1, 2), lambda i: (i, 0, 0)),
        out_shape=jax.ShapeDtypeStruct((NW, 1, 2), jnp.float32),
    )(partials, mask)
    return jnp.sum(parts[:, 0, 0]), jnp.sum(parts[:, 0, 1])



def kernel(x, edge_index, hidden_in, W_phix, b_phix, W_phiz, b_phiz, W_enc,
           W_enc_mean, W_enc_std, W_prior, b_prior, W_prior_mean, b_prior_mean,
           W_prior_std, b_prior_std, W_xz, W_hz, W_xr, W_hr, W_xh, W_hh):
    T = x.shape[0]
    E = edge_index.shape[1]
    row = edge_index[0]
    col = edge_index[1]

    ept = E // NW
    nch = -(-ept // CHUNK)
    nch = -(-nch // NBUF) * NBUF
    pad = nch * CHUNK - ept
    row3 = jnp.pad(row.reshape(NW, ept), ((0, 0), (0, pad)),
                   constant_values=N).reshape(NW, nch, CHUNK)
    col3 = jnp.pad(col.reshape(NW, ept), ((0, 0), (0, pad)),
                   constant_values=0).reshape(NW, nch, CHUNK)
    zero_tile = jnp.zeros((NP // NS, HD), jnp.float32)

    ones = jnp.ones((N, HD), jnp.float32)
    cnt = _sc_scatter(ones, row3, col3, zero_tile, nch)
    deg = cnt[0, :N, :1] + cnt[1, :N, :1] + 2.0
    dinv = deg ** -0.5

    key = row * N + col
    skey = jnp.sort(key)
    uniq = jnp.concatenate([jnp.ones((1,), jnp.bool_),
                            skey[1:] != skey[:-1]])
    u_cnt = jnp.sum(uniq.astype(jnp.float32))
    r_u = skey // N
    c_u = skey % N
    nchE = -(-ept // CHUNK)
    padE = nchE * CHUNK - ept
    ru3 = jnp.pad(r_u.reshape(NW, ept), ((0, 0), (0, padE)),
                  constant_values=0).reshape(NW, nchE, CHUNK)
    cu3 = jnp.pad(c_u.reshape(NW, ept), ((0, 0), (0, padE)),
                  constant_values=0).reshape(NW, nchE, CHUNK)
    umask = jnp.pad(uniq.astype(jnp.float32).reshape(NW, ept),
                    ((0, 0), (0, padE))).reshape(NW * nchE * CHUNK, 1)

    nn = float(N) * float(N)
    posw = (nn - u_cnt) / u_cnt
    bnorm = nn / (2.0 * (nn - u_cnt))

    we1, we2 = W_enc[:HD], W_enc[HD:]
    wxza, wxzb = W_xz[:HD], W_xz[HD:]
    wxra, wxrb = W_xr[:HD], W_xr[HD:]
    wxha, wxhb = W_xh[:HD], W_xh[HD:]
    b_phix2 = b_phix[None, :]
    b_phiz2 = b_phiz[None, :]
    b_prior2 = b_prior[None, :]
    b_pm2 = b_prior_mean[None, :]
    b_ps2 = b_prior_std[None, :]

    h0 = hidden_in[0]
    base = jax.random.key(1)
    kld = jnp.zeros((), jnp.float32)
    nll = jnp.zeros((), jnp.float32)

    for t in range(T):
        y_phix = _phix(x[t], W_phix, b_phix2, dinv)
        y_h = dinv * h0
        p_phix = _prop(y_phix, row3, col3, zero_tile, nch, dinv)
        p_h = _prop(y_h, row3, col3, zero_tile, nch, dinv)

        y_enc = _enc(p_phix, p_h, we1, we2, dinv)
        p_enc = _prop(y_enc, row3, col3, zero_tile, nch, dinv)

        noise = jax.random.normal(jax.random.fold_in(base, t), (N, ZD),
                                  dtype=jnp.float32)
        z_t, y_phiz, kldp = _stagec(p_enc, h0, noise, W_enc_mean, W_enc_std,
                                    W_prior, b_prior2, W_prior_mean, b_pm2,
                                    W_prior_std, b_ps2, W_phiz, b_phiz2, dinv)
        kld = kld + 0.5 / N * jnp.sum(kldp)

        p_phiz = _prop(y_phiz, row3, col3, zero_tile, nch, dinv)
        zg, y_rh = _gates(p_phix, p_phiz, p_h, h0, wxza, wxzb, W_hz,
                          wxra, wxrb, W_hr, dinv)
        p_rh = _prop(y_rh, row3, col3, zero_tile, nch, dinv)
        h0 = _final(p_phix, p_phiz, p_rh, wxha, wxhb, W_hh, zg, h0)

        s_all = _nll_allsum(z_t)
        pd = _make_edge(nchE)(z_t, ru3, cu3)
        s_pos, s_neg = _edge_sums(pd.reshape(NW * nchE * CHUNK, 16), umask)
        nll = nll + bnorm / nn * (s_all - s_pos + posw * s_neg)

    return kld, nll, h0[None]

# --- scband reference (transcript-rebuilt; emitter-appended) ---
"""Pipeline reference for scband-vgrnn-19645180412756 (READ-ONLY COPY).

The authoritative reference and input builder live on the scoring server;
editing this copy changes nothing except your own understanding.
"""

import jax, jax.numpy as jnp
import numpy as np

N = 10000
E = 320000
T = 2
XD = 128
HD = 128
ZD = 64
EPS = 1e-10


def _glorot(key, shape):
    return jax.random.normal(key, shape, dtype=jnp.float32) * jnp.sqrt(2.0 / (shape[0] + shape[1]))


def setup_inputs(seed: int = 0):
    key = jax.random.key(seed)
    ks = jax.random.split(key, 32)
    inp = {}
    inp['x'] = jax.random.normal(ks[0], (T, N, XD), dtype=jnp.float32)
    inp['edge_index'] = jax.random.randint(ks[1], (2, E), 0, N, dtype=jnp.int32)
    inp['hidden_in'] = jnp.zeros((1, N, HD), dtype=jnp.float32)
    inp['W_phix'] = _glorot(ks[2], (XD, HD)); inp['b_phix'] = jnp.zeros((HD,), jnp.float32)
    inp['W_phiz'] = _glorot(ks[3], (ZD, HD)); inp['b_phiz'] = jnp.zeros((HD,), jnp.float32)
    inp['W_enc'] = _glorot(ks[4], (2 * HD, HD))
    inp['W_enc_mean'] = _glorot(ks[5], (HD, ZD))
    inp['W_enc_std'] = _glorot(ks[6], (HD, ZD))
    inp['W_prior'] = _glorot(ks[7], (HD, HD)); inp['b_prior'] = jnp.zeros((HD,), jnp.float32)
    inp['W_prior_mean'] = _glorot(ks[8], (HD, ZD)); inp['b_prior_mean'] = jnp.zeros((ZD,), jnp.float32)
    inp['W_prior_std'] = _glorot(ks[9], (HD, ZD)); inp['b_prior_std'] = jnp.zeros((ZD,), jnp.float32)
    inp['W_xz'] = _glorot(ks[10], (2 * HD, HD)); inp['W_hz'] = _glorot(ks[11], (HD, HD))
    inp['W_xr'] = _glorot(ks[12], (2 * HD, HD)); inp['W_hr'] = _glorot(ks[13], (HD, HD))
    inp['W_xh'] = _glorot(ks[14], (2 * HD, HD)); inp['W_hh'] = _glorot(ks[15], (HD, HD))
    return inp


def _gcn(x, row, col, W, n):
    # GCNConv with improved=True (self-loop weight 2), bias=False, identity act
    xw = x @ W
    loop = jnp.arange(n, dtype=row.dtype)
    r = jnp.concatenate([row, loop])
    c = jnp.concatenate([col, loop])
    w = jnp.concatenate([jnp.ones((row.shape[0],), xw.dtype), 2.0 * jnp.ones((n,), xw.dtype)])
    deg = jax.ops.segment_sum(w, r, num_segments=n)
    dinv = jnp.where(deg > 0, deg ** -0.5, 0.0)
    norm = dinv[r] * w * dinv[c]
    return jax.ops.segment_sum(norm[:, None] * xw[c], r, num_segments=n)


def _kld_gauss(m1, s1, m2, s2):
    num_nodes = m1.shape[0]
    return 0.5 / num_nodes * jnp.sum(2.0 * jnp.log(s2 + EPS) - 2.0 * jnp.log(s1 + EPS) + ((s1 + EPS) ** 2 + (m1 - m2) ** 2) / (s2 + EPS) ** 2 - 1.0)


def _nll_bernoulli(logits, adj):
    temp_size = adj.size
    temp_sum = jnp.sum(adj)
    posw = (temp_size - temp_sum) / temp_sum
    norm = temp_size / (2.0 * (temp_size - temp_sum))
    bce = -(posw * adj * jax.nn.log_sigmoid(logits) + (1.0 - adj) * jax.nn.log_sigmoid(-logits))
    return norm * jnp.mean(bce)


def _vgrnn_forward(x, row, col, hidden_in, params):
    (W_phix, b_phix, W_phiz, b_phiz, W_enc, W_enc_mean, W_enc_std, W_prior, b_prior,
     W_prior_mean, b_prior_mean, W_prior_std, b_prior_std,
     W_xz, W_hz, W_xr, W_hr, W_xh, W_hh) = params
    n = x.shape[1]
    adj = jnp.zeros((n, n), x.dtype).at[row, col].set(1.0)
    h = hidden_in
    kld = jnp.zeros((), x.dtype)
    nll = jnp.zeros((), x.dtype)
    base = jax.random.key(1)
    for t in range(x.shape[0]):
        phi_x_t = jax.nn.relu(x[t] @ W_phix + b_phix)
        enc_t = jax.nn.relu(_gcn(jnp.concatenate([phi_x_t, h[-1]], axis=1), row, col, W_enc, n))
        enc_mean_t = _gcn(enc_t, row, col, W_enc_mean, n)
        enc_std_t = jax.nn.softplus(_gcn(enc_t, row, col, W_enc_std, n))
        prior_t = jax.nn.relu(h[-1] @ W_prior + b_prior)
        prior_mean_t = prior_t @ W_prior_mean + b_prior_mean
        prior_std_t = jax.nn.softplus(prior_t @ W_prior_std + b_prior_std)
        noise = jax.random.normal(jax.random.fold_in(base, t), enc_mean_t.shape, dtype=x.dtype)
        z_t = enc_mean_t + enc_std_t * noise
        phi_z_t = jax.nn.relu(z_t @ W_phiz + b_phiz)
        rnn_in = jnp.concatenate([phi_x_t, phi_z_t], axis=1)
        h0 = h[0]
        z_g = jax.nn.sigmoid(_gcn(rnn_in, row, col, W_xz, n) + _gcn(h0, row, col, W_hz, n))
        r_g = jax.nn.sigmoid(_gcn(rnn_in, row, col, W_xr, n) + _gcn(h0, row, col, W_hr, n))
        h_tilde = jnp.tanh(_gcn(rnn_in, row, col, W_xh, n) + _gcn(r_g * h0, row, col, W_hh, n))
        h = (z_g * h0 + (1.0 - z_g) * h_tilde)[None]
        kld = kld + _kld_gauss(enc_mean_t, enc_std_t, prior_mean_t, prior_std_t)
        nll = nll + _nll_bernoulli(z_t @ z_t.T, adj)
    return kld, nll, h


def reference(x, edge_index, hidden_in, W_phix, b_phix, W_phiz, b_phiz, W_enc, W_enc_mean, W_enc_std, W_prior, b_prior, W_prior_mean, b_prior_mean, W_prior_std, b_prior_std, W_xz, W_hz, W_xr, W_hr, W_xh, W_hh):
    row, col = edge_index[0], edge_index[1]
    params = (W_phix, b_phix, W_phiz, b_phiz, W_enc, W_enc_mean, W_enc_std, W_prior, b_prior,
              W_prior_mean, b_prior_mean, W_prior_std, b_prior_std,
              W_xz, W_hz, W_xr, W_hr, W_xh, W_hh)
    return _vgrnn_forward(x, row, col, hidden_in, params)

if __name__ == "__main__":
    import jax
    _d = setup_inputs()
    print(jax.jit(kernel)(*tuple(_d.values())))

</pallas_src>

<mosaic_0001>
#map = affine_map<(d0, d1) -> (0, 0)>
#map1 = affine_map<(d0, d1) -> (0, 0, 0)>
module attributes {stable_mosaic.version = 14 : i64} {
  func.func @_sc_prop_body(%arg0: i32, %arg1: i32, %arg2: memref<10000x128xf32, #tpu.memory_space<hbm>>, %arg3: memref<32x80x128xi32, #tpu.memory_space<hbm>>, %arg4: memref<32x80x128xi32, #tpu.memory_space<hbm>>, %arg5: memref<640x128xf32, #tpu.memory_space<hbm>>, %arg6: memref<2x10240x128xf32, #tpu.memory_space<hbm>>, %arg7: memref<10240x128xf32, #tpu.memory_space<vmem_shared>>, %arg8: memref<128xi32, #tpu.memory_space<vmem>>, %arg9: memref<128xi32, #tpu.memory_space<vmem>>, %arg10: memref<128x128xf32, #tpu.memory_space<vmem>>, %arg11: memref<!tpu.dma_semaphore, #tpu.memory_space<semaphore_mem>>, %arg12: memref<!tpu.dma_semaphore, #tpu.memory_space<semaphore_mem>>) attributes {dimension_semantics = [#tpu.dimension_semantics<core_parallel>, #tpu.dimension_semantics<subcore_parallel>], iteration_bounds = array<i64: 2, 16>, scalar_prefetch = 0 : i64, scratch_operands = 6 : i64, tpu.core_type = #tpu.core_type<sc_vector_subcore>, window_params = [{transform_indices = #map}, {transform_indices = #map1}, {transform_indices = #map1}, {transform_indices = #map}, {transform_indices = #map1}]} {
    %mul3A = arith.constant 2 : i32
    %mul3A_0 = arith.muli %arg1, %mul3A : i32
    %add3A = arith.addi %mul3A_0, %arg0 : i32
    %mul3A_1 = arith.constant 640 : i32
    %mul3A_2 = arith.muli %arg1, %mul3A_1 : i32
    "tpu.region"() ({
      %run_scoped3A = tpu.sem_alloc : memref<!tpu.dma_semaphore, #tpu.memory_space<semaphore_mem>>
      %dma_start3A = arith.constant 0 : i32
      %dma_start3A_11 = tpu.memref_slice %arg7[%mul3A_2, %dma_start3A] : memref<10240x128xf32, #tpu.memory_space<vmem_shared>> -> memref<640x128xf32, #tpu.memory_space<vmem_shared>>
      tpu.enqueue_dma source(%arg5 : memref<640x128xf32, #tpu.memory_space<hbm>>) target(%dma_start3A_11 : memref<640x128xf32, #tpu.memory_space<vmem_shared>>) target_semaphore(%run_scoped3A : memref<!tpu.dma_semaphore, #tpu.memory_space<semaphore_mem>>)
      %dma_wait3A = arith.constant 0 : i32
      %dma_wait3A_12 = tpu.memref_slice %arg7[%mul3A_2, %dma_wait3A] : memref<10240x128xf32, #tpu.memory_space<vmem_shared>> -> memref<640x128xf32, #tpu.memory_space<vmem_shared>>
      tpu.wait_dma2 semaphore(%run_scoped3A : memref<!tpu.dma_semaphore, #tpu.memory_space<semaphore_mem>>) src(%arg5 : memref<640x128xf32, #tpu.memory_space<hbm>>) dst(%dma_wait3A_12 : memref<640x128xf32, #tpu.memory_space<vmem_shared>>)
      tpu.yield
    }) : () -> ()
    %barrier3A = arith.constant 0 : index
    tpu.barrier barrier_id(%barrier3A)
    %scan3A = arith.constant 0 : i32
    %scan3A_3 = arith.constant 0 : i32
    %scan3A_4 = arith.constant 80 : i32
    %scan3A_5 = arith.addi %scan3A_3, %scan3A_4 : i32
    %scan3A_6 = arith.constant 1 : i32
    scf.for %scan3A_11 = %scan3A_3 to %scan3A_5 step %scan3A_6  : i32 {
      "tpu.region"() ({
        %run_scoped3A = tpu.sem_alloc : memref<!tpu.dma_semaphore, #tpu.memory_space<semaphore_mem>>
        %dma_start3A_22 = arith.constant 0 : i32
        %dma_start3A_23 = tpu.memref_slice %arg4[%add3A, %scan3A_11, %dma_start3A_22] : memref<32x80x128xi32, #tpu.memory_space<hbm>> -> memref<1x1x128xi32, #tpu.memory_space<hbm>>
        %dma_start3A_24 = tpu.memref_squeeze %dma_start3A_23 : memref<1x1x128xi32, #tpu.memory_space<hbm>> -> memref<128xi32, #tpu.memory_space<hbm>>
        %dma_start3A_25 = arith.constant 0 : i32
        %dma_start3A_26 = tpu.memref_slice %arg4[%add3A, %scan3A_11, %dma_start3A_25] : memref<32x80x128xi32, #tpu.memory_space<hbm>> -> memref<1x1x128xi32, #tpu.memory_space<hbm>>
        %dma_start3A_27 = tpu.memref_squeeze %dma_start3A_26 : memref<1x1x128xi32, #tpu.memory_space<hbm>> -> memref<128xi32, #tpu.memory_space<hbm>>
        tpu.enqueue_dma source(%dma_start3A_27 : memref<128xi32, #tpu.memory_space<hbm>>) target(%arg9 : memref<128xi32, #tpu.memory_space<vmem>>) target_semaphore(%run_scoped3A : memref<!tpu.dma_semaphore, #tpu.memory_space<semaphore_mem>>)
        %dma_wait3A_28 = arith.constant 0 : i32
        %dma_wait3A_29 = tpu.memref_slice %arg4[%add3A, %scan3A_11, %dma_wait3A_28] : memref<32x80x128xi32, #tpu.memory_space<hbm>> -> memref<1x1x128xi32, #tpu.memory_space<hbm>>
        %dma_wait3A_30 = tpu.memref_squeeze %dma_wait3A_29 : memref<1x1x128xi32, #tpu.memory_space<hbm>> -> memref<128xi32, #tpu.memory_space<hbm>>
        %dma_wait3A_31 = arith.constant 0 : i32
        %dma_wait3A_32 = tpu.memref_slice %arg4[%add3A, %scan3A_11, %dma_wait3A_31] : memref<32x80x128xi32, #tpu.memory_space<hbm>> -> memref<1x1x128xi32, #tpu.memory_space<hbm>>
        %dma_wait3A_33 = tpu.memref_squeeze %dma_wait3A_32 : memref<1x1x128xi32, #tpu.memory_space<hbm>> -> memref<128xi32, #tpu.memory_space<hbm>>
        tpu.wait_dma2 semaphore(%run_scoped3A : memref<!tpu.dma_semaphore, #tpu.memory_space<semaphore_mem>>) src(%dma_wait3A_33 : memref<128xi32, #tpu.memory_space<hbm>>) dst(%arg9 : memref<128xi32, #tpu.memory_space<vmem>>)
        tpu.yield
      }) : () -> ()
      "tpu.region"() ({
        %run_scoped3A = tpu.sem_alloc : memref<!tpu.dma_semaphore, #tpu.memory_space<semaphore_mem>>
        %dma_start3A_22 = arith.constant 0 : i32
        %dma_start3A_23 = tpu.memref_slice %arg3[%add3A, %scan3A_11, %dma_start3A_22] : memref<32x80x128xi32, #tpu.memory_space<hbm>> -> memref<1x1x128xi32, #tpu.memory_space<hbm>>
        %dma_start3A_24 = tpu.memref_squeeze %dma_start3A_23 : memref<1x1x128xi32, #tpu.memory_space<hbm>> -> memref<128xi32, #tpu.memory_space<hbm>>
        %dma_start3A_25 = arith.constant 0 : i32
        %dma_start3A_26 = tpu.memref_slice %arg3[%add3A, %scan3A_11, %dma_start3A_25] : memref<32x80x128xi32, #tpu.memory_space<hbm>> -> memref<1x1x128xi32, #tpu.memory_space<hbm>>
        %dma_start3A_27 = tpu.memref_squeeze %dma_start3A_26 : memref<1x1x128xi32, #tpu.memory_space<hbm>> -> memref<128xi32, #tpu.memory_space<hbm>>
        tpu.enqueue_dma source(%dma_start3A_27 : memref<128xi32, #tpu.memory_space<hbm>>) target(%arg8 : memref<128xi32, #tpu.memory_space<vmem>>) target_semaphore(%run_scoped3A : memref<!tpu.dma_semaphore, #tpu.memory_space<semaphore_mem>>)
        %dma_wait3A_28 = arith.constant 0 : i32
        %dma_wait3A_29 = tpu.memref_slice %arg3[%add3A, %scan3A_11, %dma_wait3A_28] : memref<32x80x128xi32, #tpu.memory_space<hbm>> -> memref<1x1x128xi32, #tpu.memory_space<hbm>>
        %dma_wait3A_30 = tpu.memref_squeeze %dma_wait3A_29 : memref<1x1x128xi32, #tpu.memory_space<hbm>> -> memref<128xi32, #tpu.memory_space<hbm>>
        %dma_wait3A_31 = arith.constant 0 : i32
        %dma_wait3A_32 = tpu.memref_slice %arg3[%add3A, %scan3A_11, %dma_wait3A_31] : memref<32x80x128xi32, #tpu.memory_space<hbm>> -> memref<1x1x128xi32, #tpu.memory_space<hbm>>
        %dma_wait3A_33 = tpu.memref_squeeze %dma_wait3A_32 : memref<1x1x128xi32, #tpu.memory_space<hbm>> -> memref<128xi32, #tpu.memory_space<hbm>>
        tpu.wait_dma2 semaphore(%run_scoped3A : memref<!tpu.dma_semaphore, #tpu.memory_space<semaphore_mem>>) src(%dma_wait3A_33 : memref<128xi32, #tpu.memory_space<hbm>>) dst(%arg8 : memref<128xi32, #tpu.memory_space<vmem>>)
        tpu.yield
      }) : () -> ()
      %dma_start3A = arith.constant 0 : i32
      %dma_start3A_12 = arith.constant 0 : i32
      %dma_start3A_13 = tpu.memref_slice %arg2[%dma_start3A, %dma_start3A_12] : memref<10000x128xf32, #tpu.memory_space<hbm>> -> memref<10000x128xf32, #tpu.memory_space<hbm>>
      tpu.enqueue_indirect_dma source(%dma_start3A_13 : memref<10000x128xf32, #tpu.memory_space<hbm>>) target(%arg10 : memref<128x128xf32, #tpu.memory_space<vmem>>) offsets(%arg9 : memref<128xi32, #tpu.memory_space<vmem>>) semaphore(%arg11 : memref<!tpu.dma_semaphore, #tpu.memory_space<semaphore_mem>>)
      %dma_wait3A = arith.constant 0 : i32
      %dma_wait3A_14 = arith.constant 0 : i32
      %dma_wait3A_15 = tpu.memref_slice %arg2[%dma_wait3A, %dma_wait3A_14] : memref<10000x128xf32, #tpu.memory_space<hbm>> -> memref<10000x128xf32, #tpu.memory_space<hbm>>
      tpu.wait_indirect_dma semaphore(%arg11 : memref<!tpu.dma_semaphore, #tpu.memory_space<semaphore_mem>>) src(%dma_wait3A_15 : memref<10000x128xf32, #tpu.memory_space<hbm>>) dst(%arg10 : memref<128x128xf32, #tpu.memory_space<vmem>>)
      %dma_start3A_16 = arith.constant 0 : i32
      %dma_start3A_17 = arith.constant 0 : i32
      %dma_start3A_18 = tpu.memref_slice %arg7[%dma_start3A_16, %dma_start3A_17] : memref<10240x128xf32, #tpu.memory_space<vmem_shared>> -> memref<10240x128xf32, #tpu.memory_space<vmem_shared>>
      tpu.enqueue_indirect_dma source(%arg10 : memref<128x128xf32, #tpu.memory_space<vmem>>) target(%dma_start3A_18 : memref<10240x128xf32, #tpu.memory_space<vmem_shared>>) offsets(%arg8 : memref<128xi32, #tpu.memory_space<vmem>>) semaphore(%arg12 : memref<!tpu.dma_semaphore, #tpu.memory_space<semaphore_mem>>) {add = true}
      %dma_wait3A_19 = arith.constant 0 : i32
      %dma_wait3A_20 = arith.constant 0 : i32
      %dma_wait3A_21 = tpu.memref_slice %arg7[%dma_wait3A_19, %dma_wait3A_20] : memref<10240x128xf32, #tpu.memory_space<vmem_shared>> -> memref<10240x128xf32, #tpu.memory_space<vmem_shared>>
      tpu.wait_indirect_dma semaphore(%arg12 : memref<!tpu.dma_semaphore, #tpu.memory_space<semaphore_mem>>) src(%arg10 : memref<128x128xf32, #tpu.memory_space<vmem>>) dst(%dma_wait3A_21 : memref<10240x128xf32, #tpu.memory_space<vmem_shared>>)
    }
    %scan3A_7 = arith.constant 80 : i32
    %barrier3A_8 = arith.constant 0 : index
    tpu.barrier barrier_id(%barrier3A_8)
    %mul3A_9 = arith.constant 640 : i32
    %mul3A_10 = arith.muli %arg1, %mul3A_9 : i32
    "tpu.region"() ({
      %run_scoped3A = tpu.sem_alloc : memref<!tpu.dma_semaphore, #tpu.memory_space<semaphore_mem>>
      %dma_start3A = arith.constant 0 : i32
      %dma_start3A_11 = tpu.memref_slice %arg6[%arg0, %mul3A_10, %dma_start3A] : memref<2x10240x128xf32, #tpu.memory_space<hbm>> -> memref<1x640x128xf32, #tpu.memory_space<hbm>>
      %dma_start3A_12 = tpu.memref_squeeze %dma_start3A_11 : memref<1x640x128xf32, #tpu.memory_space<hbm>> -> memref<640x128xf32, #tpu.memory_space<hbm>>
      %dma_start3A_13 = arith.constant 0 : i32
      %dma_start3A_14 = tpu.memref_slice %arg7[%mul3A_10, %dma_start3A_13] : memref<10240x128xf32, #tpu.memory_space<vmem_shared>> -> memref<640x128xf32, #tpu.memory_space<vmem_shared>>
      tpu.enqueue_dma source(%dma_start3A_14 : memref<640x128xf32, #tpu.memory_space<vmem_shared>>) target(%dma_start3A_12 : memref<640x128xf32, #tpu.memory_space<hbm>>) target_semaphore(%run_scoped3A : memref<!tpu.dma_semaphore, #tpu.memory_space<semaphore_mem>>)
      %dma_wait3A = arith.constant 0 : i32
      %dma_wait3A_15 = tpu.memref_slice %arg6[%arg0, %mul3A_10, %dma_wait3A] : memref<2x10240x128xf32, #tpu.memory_space<hbm>> -> memref<1x640x128xf32, #tpu.memory_space<hbm>>
      %dma_wait3A_16 = tpu.memref_squeeze %dma_wait3A_15 : memref<1x640x128xf32, #tpu.memory_space<hbm>> -> memref<640x128xf32, #tpu.memory_space<hbm>>
      %dma_wait3A_17 = arith.constant 0 : i32
      %dma_wait3A_18 = tpu.memref_slice %arg7[%mul3A_10, %dma_wait3A_17] : memref<10240x128xf32, #tpu.memory_space<vmem_shared>> -> memref<640x128xf32, #tpu.memory_space<vmem_shared>>
      tpu.wait_dma2 semaphore(%run_scoped3A : memref<!tpu.dma_semaphore, #tpu.memory_space<semaphore_mem>>) src(%dma_wait3A_18 : memref<640x128xf32, #tpu.memory_space<vmem_shared>>) dst(%dma_wait3A_16 : memref<640x128xf32, #tpu.memory_space<hbm>>)
      tpu.yield
    }) : () -> ()
    return
  }
}

#map = affine_map<(d0, d1) -> (0, 0)>
#map1 = affine_map<(d0, d1) -> (0, 0, 0)>
module attributes {stable_mosaic.version = 14 : i64} {
  func.func @_sc_prop_body(%arg0: i32, %arg1: i32, %arg2: memref<10000x128xf32, #tpu.memory_space<hbm>>, %arg3: memref<32x80x128xi32, #tpu.memory_space<hbm>>, %arg4: memref<32x80x128xi32, #tpu.memory_space<hbm>>, %arg5: memref<640x128xf32, #tpu.memory_space<hbm>>, %arg6: memref<2x10240x128xf32, #tpu.memory_space<hbm>>, %arg7: memref<10240x128xf32, #tpu.memory_space<vmem_shared>>, %arg8: memref<128xi32, #tpu.memory_space<vmem>>, %arg9: memref<128xi32, #tpu.memory_space<vmem>>, %arg10: memref<128x128xf32, #tpu.memory_space<vmem>>, %arg11: memref<!tpu.dma_semaphore, #tpu.memory_space<semaphore_mem>>, %arg12: memref<!tpu.dma_semaphore, #tpu.memory_space<semaphore_mem>>) attributes {dimension_semantics = [#tpu.dimension_semantics<core_parallel>, #tpu.dimension_semantics<subcore_parallel>], iteration_bounds = array<i64: 2, 16>, scalar_prefetch = 0 : i64, scratch_operands = 6 : i64, tpu.core_type = #tpu.core_type<sc_vector_subcore>, window_params = [{transform_indices = #map}, {transform_indices = #map1}, {transform_indices = #map1}, {transform_indices = #map}, {transform_indices = #map1}]} {
    %mul3A = arith.constant 2 : i32
    %mul3A_0 = arith.muli %arg1, %mul3A : i32
    %add3A = arith.addi %mul3A_0, %arg0 : i32
    %mul3A_1 = arith.constant 640 : i32
    %mul3A_2 = arith.muli %arg1, %mul3A_1 : i32
    "tpu.region"() ({
      %run_scoped3A = tpu.sem_alloc : memref<!tpu.dma_semaphore, #tpu.memory_space<semaphore_mem>>
      %dma_start3A = arith.constant 0 : i32
      %dma_start3A_11 = tpu.memref_slice %arg7[%mul3A_2, %dma_start3A] : memref<10240x128xf32, #tpu.memory_space<vmem_shared>> -> memref<640x128xf32, #tpu.memory_space<vmem_shared>>
      tpu.enqueue_dma source(%arg5 : memref<640x128xf32, #tpu.memory_space<hbm>>) target(%dma_start3A_11 : memref<640x128xf32, #tpu.memory_space<vmem_shared>>) target_semaphore(%run_scoped3A : memref<!tpu.dma_semaphore, #tpu.memory_space<semaphore_mem>>)
      %dma_wait3A = arith.constant 0 : i32
      %dma_wait3A_12 = tpu.memref_slice %arg7[%mul3A_2, %dma_wait3A] : memref<10240x128xf32, #tpu.memory_space<vmem_shared>> -> memref<640x128xf32, #tpu.memory_space<vmem_shared>>
      tpu.wait_dma2 semaphore(%run_scoped3A : memref<!tpu.dma_semaphore, #tpu.memory_space<semaphore_mem>>) src(%arg5 : memref<640x128xf32, #tpu.memory_space<hbm>>) dst(%dma_wait3A_12 : memref<640x128xf32, #tpu.memory_space<vmem_shared>>)
      tpu.yield
    }) : () -> ()
    %barrier3A = arith.constant 0 : index
    tpu.barrier barrier_id(%barrier3A)
    %scan3A = arith.constant 0 : i32
    %scan3A_3 = arith.constant 0 : i32
    %scan3A_4 = arith.constant 80 : i32
    %scan3A_5 = arith.addi %scan3A_3, %scan3A_4 : i32
    %scan3A_6 = arith.constant 1 : i32
    scf.for %scan3A_11 = %scan3A_3 to %scan3A_5 step %scan3A_6  : i32 {
      "tpu.region"() ({
        %run_scoped3A = tpu.sem_alloc : memref<!tpu.dma_semaphore, #tpu.memory_space<semaphore_mem>>
        %dma_start3A_22 = arith.constant 0 : i32
        %dma_start3A_23 = tpu.memref_slice %arg4[%add3A, %scan3A_11, %dma_start3A_22] : memref<32x80x128xi32, #tpu.memory_space<hbm>> -> memref<1x1x128xi32, #tpu.memory_space<hbm>>
        %dma_start3A_24 = tpu.memref_squeeze %dma_start3A_23 : memref<1x1x128xi32, #tpu.memory_space<hbm>> -> memref<128xi32, #tpu.memory_space<hbm>>
        %dma_start3A_25 = arith.constant 0 : i32
        %dma_start3A_26 = tpu.memref_slice %arg4[%add3A, %scan3A_11, %dma_start3A_25] : memref<32x80x128xi32, #tpu.memory_space<hbm>> -> memref<1x1x128xi32, #tpu.memory_space<hbm>>
        %dma_start3A_27 = tpu.memref_squeeze %dma_start3A_26 : memref<1x1x128xi32, #tpu.memory_space<hbm>> -> memref<128xi32, #tpu.memory_space<hbm>>
        tpu.enqueue_dma source(%dma_start3A_27 : memref<128xi32, #tpu.memory_space<hbm>>) target(%arg9 : memref<128xi32, #tpu.memory_space<vmem>>) target_semaphore(%run_scoped3A : memref<!tpu.dma_semaphore, #tpu.memory_space<semaphore_mem>>)
        %dma_wait3A_28 = arith.constant 0 : i32
        %dma_wait3A_29 = tpu.memref_slice %arg4[%add3A, %scan3A_11, %dma_wait3A_28] : memref<32x80x128xi32, #tpu.memory_space<hbm>> -> memref<1x1x128xi32, #tpu.memory_space<hbm>>
        %dma_wait3A_30 = tpu.memref_squeeze %dma_wait3A_29 : memref<1x1x128xi32, #tpu.memory_space<hbm>> -> memref<128xi32, #tpu.memory_space<hbm>>
        %dma_wait3A_31 = arith.constant 0 : i32
        %dma_wait3A_32 = tpu.memref_slice %arg4[%add3A, %scan3A_11, %dma_wait3A_31] : memref<32x80x128xi32, #tpu.memory_space<hbm>> -> memref<1x1x128xi32, #tpu.memory_space<hbm>>
        %dma_wait3A_33 = tpu.memref_squeeze %dma_wait3A_32 : memref<1x1x128xi32, #tpu.memory_space<hbm>> -> memref<128xi32, #tpu.memory_space<hbm>>
        tpu.wait_dma2 semaphore(%run_scoped3A : memref<!tpu.dma_semaphore, #tpu.memory_space<semaphore_mem>>) src(%dma_wait3A_33 : memref<128xi32, #tpu.memory_space<hbm>>) dst(%arg9 : memref<128xi32, #tpu.memory_space<vmem>>)
        tpu.yield
      }) : () -> ()
      "tpu.region"() ({
        %run_scoped3A = tpu.sem_alloc : memref<!tpu.dma_semaphore, #tpu.memory_space<semaphore_mem>>
        %dma_start3A_22 = arith.constant 0 : i32
        %dma_start3A_23 = tpu.memref_slice %arg3[%add3A, %scan3A_11, %dma_start3A_22] : memref<32x80x128xi32, #tpu.memory_space<hbm>> -> memref<1x1x128xi32, #tpu.memory_space<hbm>>
        %dma_start3A_24 = tpu.memref_squeeze %dma_start3A_23 : memref<1x1x128xi32, #tpu.memory_space<hbm>> -> memref<128xi32, #tpu.memory_space<hbm>>
        %dma_start3A_25 = arith.constant 0 : i32
        %dma_start3A_26 = tpu.memref_slice %arg3[%add3A, %scan3A_11, %dma_start3A_25] : memref<32x80x128xi32, #tpu.memory_space<hbm>> -> memref<1x1x128xi32, #tpu.memory_space<hbm>>
        %dma_start3A_27 = tpu.memref_squeeze %dma_start3A_26 : memref<1x1x128xi32, #tpu.memory_space<hbm>> -> memref<128xi32, #tpu.memory_space<hbm>>
        tpu.enqueue_dma source(%dma_start3A_27 : memref<128xi32, #tpu.memory_space<hbm>>) target(%arg8 : memref<128xi32, #tpu.memory_space<vmem>>) target_semaphore(%run_scoped3A : memref<!tpu.dma_semaphore, #tpu.memory_space<semaphore_mem>>)
        %dma_wait3A_28 = arith.constant 0 : i32
        %dma_wait3A_29 = tpu.memref_slice %arg3[%add3A, %scan3A_11, %dma_wait3A_28] : memref<32x80x128xi32, #tpu.memory_space<hbm>> -> memref<1x1x128xi32, #tpu.memory_space<hbm>>
        %dma_wait3A_30 = tpu.memref_squeeze %dma_wait3A_29 : memref<1x1x128xi32, #tpu.memory_space<hbm>> -> memref<128xi32, #tpu.memory_space<hbm>>
        %dma_wait3A_31 = arith.constant 0 : i32
        %dma_wait3A_32 = tpu.memref_slice %arg3[%add3A, %scan3A_11, %dma_wait3A_31] : memref<32x80x128xi32, #tpu.memory_space<hbm>> -> memref<1x1x128xi32, #tpu.memory_space<hbm>>
        %dma_wait3A_33 = tpu.memref_squeeze %dma_wait3A_32 : memref<1x1x128xi32, #tpu.memory_space<hbm>> -> memref<128xi32, #tpu.memory_space<hbm>>
        tpu.wait_dma2 semaphore(%run_scoped3A : memref<!tpu.dma_semaphore, #tpu.memory_space<semaphore_mem>>) src(%dma_wait3A_33 : memref<128xi32, #tpu.memory_space<hbm>>) dst(%arg8 : memref<128xi32, #tpu.memory_space<vmem>>)
        tpu.yield
      }) : () -> ()
      %dma_start3A = arith.constant 0 : i32
      %dma_start3A_12 = arith.constant 0 : i32
      %dma_start3A_13 = tpu.memref_slice %arg2[%dma_start3A, %dma_start3A_12] : memref<10000x128xf32, #tpu.memory_space<hbm>> -> memref<10000x128xf32, #tpu.memory_space<hbm>>
      tpu.enqueue_indirect_dma source(%dma_start3A_13 : memref<10000x128xf32, #tpu.memory_space<hbm>>) target(%arg10 : memref<128x128xf32, #tpu.memory_space<vmem>>) offsets(%arg9 : memref<128xi32, #tpu.memory_space<vmem>>) semaphore(%arg11 : memref<!tpu.dma_semaphore, #tpu.memory_space<semaphore_mem>>)
      %dma_wait3A = arith.constant 0 : i32
      %dma_wait3A_14 = arith.constant 0 : i32
      %dma_wait3A_15 = tpu.memref_slice %arg2[%dma_wait3A, %dma_wait3A_14] : memref<10000x128xf32, #tpu.memory_space<hbm>> -> memref<10000x128xf32, #tpu.memory_space<hbm>>
      tpu.wait_indirect_dma semaphore(%arg11 : memref<!tpu.dma_semaphore, #tpu.memory_space<semaphore_mem>>) src(%dma_wait3A_15 : memref<10000x128xf32, #tpu.memory_space<hbm>>) dst(%arg10 : memref<128x128xf32, #tpu.memory_space<vmem>>)
      %dma_start3A_16 = arith.constant 0 : i32
      %dma_start3A_17 = arith.constant 0 : i32
      %dma_start3A_18 = tpu.memref_slice %arg7[%dma_start3A_16, %dma_start3A_17] : memref<10240x128xf32, #tpu.memory_space<vmem_shared>> -> memref<10240x128xf32, #tpu.memory_space<vmem_shared>>
      tpu.enqueue_indirect_dma source(%arg10 : memref<128x128xf32, #tpu.memory_space<vmem>>) target(%dma_start3A_18 : memref<10240x128xf32, #tpu.memory_space<vmem_shared>>) offsets(%arg8 : memref<128xi32, #tpu.memory_space<vmem>>) semaphore(%arg12 : memref<!tpu.dma_semaphore, #tpu.memory_space<semaphore_mem>>) {add = true}
      %dma_wait3A_19 = arith.constant 0 : i32
      %dma_wait3A_20 = arith.constant 0 : i32
      %dma_wait3A_21 = tpu.memref_slice %arg7[%dma_wait3A_19, %dma_wait3A_20] : memref<10240x128xf32, #tpu.memory_space<vmem_shared>> -> memref<10240x128xf32, #tpu.memory_space<vmem_shared>>
      tpu.wait_indirect_dma semaphore(%arg12 : memref<!tpu.dma_semaphore, #tpu.memory_space<semaphore_mem>>) src(%arg10 : memref<128x128xf32, #tpu.memory_space<vmem>>) dst(%dma_wait3A_21 : memref<10240x128xf32, #tpu.memory_space<vmem_shared>>)
    }
    %scan3A_7 = arith.constant 80 : i32
    %barrier3A_8 = arith.constant 0 : index
    tpu.barrier barrier_id(%barrier3A_8)
    %mul3A_9 = arith.constant 640 : i32
    %mul3A_10 = arith.muli %arg1, %mul3A_9 : i32
    "tpu.region"() ({
      %run_scoped3A = tpu.sem_alloc : memref<!tpu.dma_semaphore, #tpu.memory_space<semaphore_mem>>
      %dma_start3A = arith.constant 0 : i32
      %dma_start3A_11 = tpu.memref_slice %arg6[%arg0, %mul3A_10, %dma_start3A] : memref<2x10240x128xf32, #tpu.memory_space<hbm>> -> memref<1x640x128xf32, #tpu.memory_space<hbm>>
      %dma_start3A_12 = tpu.memref_squeeze %dma_start3A_11 : memref<1x640x128xf32, #tpu.memory_space<hbm>> -> memref<640x128xf32, #tpu.memory_space<hbm>>
      %dma_start3A_13 = arith.constant 0 : i32
      %dma_start3A_14 = tpu.memref_slice %arg7[%mul3A_10, %dma_start3A_13] : memref<10240x128xf32, #tpu.memory_space<vmem_shared>> -> memref<640x128xf32, #tpu.memory_space<vmem_shared>>
      tpu.enqueue_dma source(%dma_start3A_14 : memref<640x128xf32, #tpu.memory_space<vmem_shared>>) target(%dma_start3A_12 : memref<640x128xf32, #tpu.memory_space<hbm>>) target_semaphore(%run_scoped3A : memref<!tpu.dma_semaphore, #tpu.memory_space<semaphore_mem>>)
      %dma_wait3A = arith.constant 0 : i32
      %dma_wait3A_15 = tpu.memref_slice %arg6[%arg0, %mul3A_10, %dma_wait3A] : memref<2x10240x128xf32, #tpu.memory_space<hbm>> -> memref<1x640x128xf32, #tpu.memory_space<hbm>>
      %dma_wait3A_16 = tpu.memref_squeeze %dma_wait3A_15 : memref<1x640x128xf32, #tpu.memory_space<hbm>> -> memref<640x128xf32, #tpu.memory_space<hbm>>
      %dma_wait3A_17 = arith.constant 0 : i32
      %dma_wait3A_18 = tpu.memref_slice %arg7[%mul3A_10, %dma_wait3A_17] : memref<10240x128xf32, #tpu.memory_space<vmem_shared>> -> memref<640x128xf32, #tpu.memory_space<vmem_shared>>
      tpu.wait_dma2 semaphore(%run_scoped3A : memref<!tpu.dma_semaphore, #tpu.memory_space<semaphore_mem>>) src(%dma_wait3A_18 : memref<640x128xf32, #tpu.memory_space<vmem_shared>>) dst(%dma_wait3A_16 : memref<640x128xf32, #tpu.memory_space<hbm>>)
      tpu.yield
    }) : () -> ()
    return
  }
}

#map = affine_map<(d0, d1) -> (0, 0)>
#map1 = affine_map<(d0, d1) -> (0, 0, 0)>
module attributes {stable_mosaic.version = 14 : i64} {
  func.func @_sc_prop_body(%arg0: i32, %arg1: i32, %arg2: memref<10000x128xf32, #tpu.memory_space<hbm>>, %arg3: memref<32x80x128xi32, #tpu.memory_space<hbm>>, %arg4: memref<32x80x128xi32, #tpu.memory_space<hbm>>, %arg5: memref<640x128xf32, #tpu.memory_space<hbm>>, %arg6: memref<2x10240x128xf32, #tpu.memory_space<hbm>>, %arg7: memref<10240x128xf32, #tpu.memory_space<vmem_shared>>, %arg8: memref<128xi32, #tpu.memory_space<vmem>>, %arg9: memref<128xi32, #tpu.memory_space<vmem>>, %arg10: memref<128x128xf32, #tpu.memory_space<vmem>>, %arg11: memref<!tpu.dma_semaphore, #tpu.memory_space<semaphore_mem>>, %arg12: memref<!tpu.dma_semaphore, #tpu.memory_space<semaphore_mem>>) attributes {dimension_semantics = [#tpu.dimension_semantics<core_parallel>, #tpu.dimension_semantics<subcore_parallel>], iteration_bounds = array<i64: 2, 16>, scalar_prefetch = 0 : i64, scratch_operands = 6 : i64, tpu.core_type = #tpu.core_type<sc_vector_subcore>, window_params = [{transform_indices = #map}, {transform_indices = #map1}, {transform_indices = #map1}, {transform_indices = #map}, {transform_indices = #map1}]} {
    %mul3A = arith.constant 2 : i32
    %mul3A_0 = arith.muli %arg1, %mul3A : i32
    %add3A = arith.addi %mul3A_0, %arg0 : i32
    %mul3A_1 = arith.constant 640 : i32
    %mul3A_2 = arith.muli %arg1, %mul3A_1 : i32
    "tpu.region"() ({
      %run_scoped3A = tpu.sem_alloc : memref<!tpu.dma_semaphore, #tpu.memory_space<semaphore_mem>>
      %dma_start3A = arith.constant 0 : i32
      %dma_start3A_11 = tpu.memref_slice %arg7[%mul3A_2, %dma_start3A] : memref<10240x128xf32, #tpu.memory_space<vmem_shared>> -> memref<640x128xf32, #tpu.memory_space<vmem_shared>>
      tpu.enqueue_dma source(%arg5 : memref<640x128xf32, #tpu.memory_space<hbm>>) target(%dma_start3A_11 : memref<640x128xf32, #tpu.memory_space<vmem_shared>>) target_semaphore(%run_scoped3A : memref<!tpu.dma_semaphore, #tpu.memory_space<semaphore_mem>>)
      %dma_wait3A = arith.constant 0 : i32
      %dma_wait3A_12 = tpu.memref_slice %arg7[%mul3A_2, %dma_wait3A] : memref<10240x128xf32, #tpu.memory_space<vmem_shared>> -> memref<640x128xf32, #tpu.memory_space<vmem_shared>>
      tpu.wait_dma2 semaphore(%run_scoped3A : memref<!tpu.dma_semaphore, #tpu.memory_space<semaphore_mem>>) src(%arg5 : memref<640x128xf32, #tpu.memory_space<hbm>>) dst(%dma_wait3A_12 : memref<640x128xf32, #tpu.memory_space<vmem_shared>>)
      tpu.yield
    }) : () -> ()
    %barrier3A = arith.constant 0 : index
    tpu.barrier barrier_id(%barrier3A)
    %scan3A = arith.constant 0 : i32
    %scan3A_3 = arith.constant 0 : i32
    %scan3A_4 = arith.constant 80 : i32
    %scan3A_5 = arith.addi %scan3A_3, %scan3A_4 : i32
    %scan3A_6 = arith.constant 1 : i32
    scf.for %scan3A_11 = %scan3A_3 to %scan3A_5 step %scan3A_6  : i32 {
      "tpu.region"() ({
        %run_scoped3A = tpu.sem_alloc : memref<!tpu.dma_semaphore, #tpu.memory_space<semaphore_mem>>
        %dma_start3A_22 = arith.constant 0 : i32
        %dma_start3A_23 = tpu.memref_slice %arg4[%add3A, %scan3A_11, %dma_start3A_22] : memref<32x80x128xi32, #tpu.memory_space<hbm>> -> memref<1x1x128xi32, #tpu.memory_space<hbm>>
        %dma_start3A_24 = tpu.memref_squeeze %dma_start3A_23 : memref<1x1x128xi32, #tpu.memory_space<hbm>> -> memref<128xi32, #tpu.memory_space<hbm>>
        %dma_start3A_25 = arith.constant 0 : i32
        %dma_start3A_26 = tpu.memref_slice %arg4[%add3A, %scan3A_11, %dma_start3A_25] : memref<32x80x128xi32, #tpu.memory_space<hbm>> -> memref<1x1x128xi32, #tpu.memory_space<hbm>>
        %dma_start3A_27 = tpu.memref_squeeze %dma_start3A_26 : memref<1x1x128xi32, #tpu.memory_space<hbm>> -> memref<128xi32, #tpu.memory_space<hbm>>
        tpu.enqueue_dma source(%dma_start3A_27 : memref<128xi32, #tpu.memory_space<hbm>>) target(%arg9 : memref<128xi32, #tpu.memory_space<vmem>>) target_semaphore(%run_scoped3A : memref<!tpu.dma_semaphore, #tpu.memory_space<semaphore_mem>>)
        %dma_wait3A_28 = arith.constant 0 : i32
        %dma_wait3A_29 = tpu.memref_slice %arg4[%add3A, %scan3A_11, %dma_wait3A_28] : memref<32x80x128xi32, #tpu.memory_space<hbm>> -> memref<1x1x128xi32, #tpu.memory_space<hbm>>
        %dma_wait3A_30 = tpu.memref_squeeze %dma_wait3A_29 : memref<1x1x128xi32, #tpu.memory_space<hbm>> -> memref<128xi32, #tpu.memory_space<hbm>>
        %dma_wait3A_31 = arith.constant 0 : i32
        %dma_wait3A_32 = tpu.memref_slice %arg4[%add3A, %scan3A_11, %dma_wait3A_31] : memref<32x80x128xi32, #tpu.memory_space<hbm>> -> memref<1x1x128xi32, #tpu.memory_space<hbm>>
        %dma_wait3A_33 = tpu.memref_squeeze %dma_wait3A_32 : memref<1x1x128xi32, #tpu.memory_space<hbm>> -> memref<128xi32, #tpu.memory_space<hbm>>
        tpu.wait_dma2 semaphore(%run_scoped3A : memref<!tpu.dma_semaphore, #tpu.memory_space<semaphore_mem>>) src(%dma_wait3A_33 : memref<128xi32, #tpu.memory_space<hbm>>) dst(%arg9 : memref<128xi32, #tpu.memory_space<vmem>>)
        tpu.yield
      }) : () -> ()
      "tpu.region"() ({
        %run_scoped3A = tpu.sem_alloc : memref<!tpu.dma_semaphore, #tpu.memory_space<semaphore_mem>>
        %dma_start3A_22 = arith.constant 0 : i32
        %dma_start3A_23 = tpu.memref_slice %arg3[%add3A, %scan3A_11, %dma_start3A_22] : memref<32x80x128xi32, #tpu.memory_space<hbm>> -> memref<1x1x128xi32, #tpu.memory_space<hbm>>
        %dma_start3A_24 = tpu.memref_squeeze %dma_start3A_23 : memref<1x1x128xi32, #tpu.memory_space<hbm>> -> memref<128xi32, #tpu.memory_space<hbm>>
        %dma_start3A_25 = arith.constant 0 : i32
        %dma_start3A_26 = tpu.memref_slice %arg3[%add3A, %scan3A_11, %dma_start3A_25] : memref<32x80x128xi32, #tpu.memory_space<hbm>> -> memref<1x1x128xi32, #tpu.memory_space<hbm>>
        %dma_start3A_27 = tpu.memref_squeeze %dma_start3A_26 : memref<1x1x128xi32, #tpu.memory_space<hbm>> -> memref<128xi32, #tpu.memory_space<hbm>>
        tpu.enqueue_dma source(%dma_start3A_27 : memref<128xi32, #tpu.memory_space<hbm>>) target(%arg8 : memref<128xi32, #tpu.memory_space<vmem>>) target_semaphore(%run_scoped3A : memref<!tpu.dma_semaphore, #tpu.memory_space<semaphore_mem>>)
        %dma_wait3A_28 = arith.constant 0 : i32
        %dma_wait3A_29 = tpu.memref_slice %arg3[%add3A, %scan3A_11, %dma_wait3A_28] : memref<32x80x128xi32, #tpu.memory_space<hbm>> -> memref<1x1x128xi32, #tpu.memory_space<hbm>>
        %dma_wait3A_30 = tpu.memref_squeeze %dma_wait3A_29 : memref<1x1x128xi32, #tpu.memory_space<hbm>> -> memref<128xi32, #tpu.memory_space<hbm>>
        %dma_wait3A_31 = arith.constant 0 : i32
        %dma_wait3A_32 = tpu.memref_slice %arg3[%add3A, %scan3A_11, %dma_wait3A_31] : memref<32x80x128xi32, #tpu.memory_space<hbm>> -> memref<1x1x128xi32, #tpu.memory_space<hbm>>
        %dma_wait3A_33 = tpu.memref_squeeze %dma_wait3A_32 : memref<1x1x128xi32, #tpu.memory_space<hbm>> -> memref<128xi32, #tpu.memory_space<hbm>>
        tpu.wait_dma2 semaphore(%run_scoped3A : memref<!tpu.dma_semaphore, #tpu.memory_space<semaphore_mem>>) src(%dma_wait3A_33 : memref<128xi32, #tpu.memory_space<hbm>>) dst(%arg8 : memref<128xi32, #tpu.memory_space<vmem>>)
        tpu.yield
      }) : () -> ()
      %dma_start3A = arith.constant 0 : i32
      %dma_start3A_12 = arith.constant 0 : i32
      %dma_start3A_13 = tpu.memref_slice %arg2[%dma_start3A, %dma_start3A_12] : memref<10000x128xf32, #tpu.memory_space<hbm>> -> memref<10000x128xf32, #tpu.memory_space<hbm>>
      tpu.enqueue_indirect_dma source(%dma_start3A_13 : memref<10000x128xf32, #tpu.memory_space<hbm>>) target(%arg10 : memref<128x128xf32, #tpu.memory_space<vmem>>) offsets(%arg9 : memref<128xi32, #tpu.memory_space<vmem>>) semaphore(%arg11 : memref<!tpu.dma_semaphore, #tpu.memory_space<semaphore_mem>>)
      %dma_wait3A = arith.constant 0 : i32
      %dma_wait3A_14 = arith.constant 0 : i32
      %dma_wait3A_15 = tpu.memref_slice %arg2[%dma_wait3A, %dma_wait3A_14] : memref<10000x128xf32, #tpu.memory_space<hbm>> -> memref<10000x128xf32, #tpu.memory_space<hbm>>
      tpu.wait_indirect_dma semaphore(%arg11 : memref<!tpu.dma_semaphore, #tpu.memory_space<semaphore_mem>>) src(%dma_wait3A_15 : memref<10000x128xf32, #tpu.memory_space<hbm>>) dst(%arg10 : memref<128x128xf32, #tpu.memory_space<vmem>>)
      %dma_start3A_16 = arith.constant 0 : i32
      %dma_start3A_17 = arith.constant 0 : i32
      %dma_start3A_18 = tpu.memref_slice %arg7[%dma_start3A_16, %dma_start3A_17] : memref<10240x128xf32, #tpu.memory_space<vmem_shared>> -> memref<10240x128xf32, #tpu.memory_space<vmem_shared>>
      tpu.enqueue_indirect_dma source(%arg10 : memref<128x128xf32, #tpu.memory_space<vmem>>) target(%dma_start3A_18 : memref<10240x128xf32, #tpu.memory_space<vmem_shared>>) offsets(%arg8 : memref<128xi32, #tpu.memory_space<vmem>>) semaphore(%arg12 : memref<!tpu.dma_semaphore, #tpu.memory_space<semaphore_mem>>) {add = true}
      %dma_wait3A_19 = arith.constant 0 : i32
      %dma_wait3A_20 = arith.constant 0 : i32
      %dma_wait3A_21 = tpu.memref_slice %arg7[%dma_wait3A_19, %dma_wait3A_20] : memref<10240x128xf32, #tpu.memory_space<vmem_shared>> -> memref<10240x128xf32, #tpu.memory_space<vmem_shared>>
      tpu.wait_indirect_dma semaphore(%arg12 : memref<!tpu.dma_semaphore, #tpu.memory_space<semaphore_mem>>) src(%arg10 : memref<128x128xf32, #tpu.memory_space<vmem>>) dst(%dma_wait3A_21 : memref<10240x128xf32, #tpu.memory_space<vmem_shared>>)
    }
    %scan3A_7 = arith.constant 80 : i32
    %barrier3A_8 = arith.constant 0 : index
    tpu.barrier barrier_id(%barrier3A_8)
    %mul3A_9 = arith.constant 640 : i32
    %mul3A_10 = arith.muli %arg1, %mul3A_9 : i32
    "tpu.region"() ({
      %run_scoped3A = tpu.sem_alloc : memref<!tpu.dma_semaphore, #tpu.memory_space<semaphore_mem>>
      %dma_start3A = arith.constant 0 : i32
      %dma_start3A_11 = tpu.memref_slice %arg6[%arg0, %mul3A_10, %dma_start3A] : memref<2x10240x128xf32, #tpu.memory_space<hbm>> -> memref<1x640x128xf32, #tpu.memory_space<hbm>>
      %dma_start3A_12 = tpu.memref_squeeze %dma_start3A_11 : memref<1x640x128xf32, #tpu.memory_space<hbm>> -> memref<640x128xf32, #tpu.memory_space<hbm>>
      %dma_start3A_13 = arith.constant 0 : i32
      %dma_start3A_14 = tpu.memref_slice %arg7[%mul3A_10, %dma_start3A_13] : memref<10240x128xf32, #tpu.memory_space<vmem_shared>> -> memref<640x128xf32, #tpu.memory_space<vmem_shared>>
      tpu.enqueue_dma source(%dma_start3A_14 : memref<640x128xf32, #tpu.memory_space<vmem_shared>>) target(%dma_start3A_12 : memref<640x128xf32, #tpu.memory_space<hbm>>) target_semaphore(%run_scoped3A : memref<!tpu.dma_semaphore, #tpu.memory_space<semaphore_mem>>)
      %dma_wait3A = arith.constant 0 : i32
      %dma_wait3A_15 = tpu.memref_slice %arg6[%arg0, %mul3A_10, %dma_wait3A] : memref<2x10240x128xf32, #tpu.memory_space<hbm>> -> memref<1x640x128xf32, #tpu.memory_space<hbm>>
      %dma_wait3A_16 = tpu.memref_squeeze %dma_wait3A_15 : memref<1x640x128xf32, #tpu.memory_space<hbm>> -> memref<640x128xf32, #tpu.memory_space<hbm>>
      %dma_wait3A_17 = arith.constant 0 : i32
      %dma_wait3A_18 = tpu.memref_slice %arg7[%mul3A_10, %dma_wait3A_17] : memref<10240x128xf32, #tpu.memory_space<vmem_shared>> -> memref<640x128xf32, #tpu.memory_space<vmem_shared>>
      tpu.wait_dma2 semaphore(%run_scoped3A : memref<!tpu.dma_semaphore, #tpu.memory_space<semaphore_mem>>) src(%dma_wait3A_18 : memref<640x128xf32, #tpu.memory_space<vmem_shared>>) dst(%dma_wait3A_16 : memref<640x128xf32, #tpu.memory_space<hbm>>)
      tpu.yield
    }) : () -> ()
    return
  }
}

#map = affine_map<(d0, d1) -> (0, 0)>
#map1 = affine_map<(d0, d1) -> (0, 0, 0)>
module attributes {stable_mosaic.version = 14 : i64} {
  func.func @_sc_prop_body(%arg0: i32, %arg1: i32, %arg2: memref<10000x128xf32, #tpu.memory_space<hbm>>, %arg3: memref<32x80x128xi32, #tpu.memory_space<hbm>>, %arg4: memref<32x80x128xi32, #tpu.memory_space<hbm>>, %arg5: memref<640x128xf32, #tpu.memory_space<hbm>>, %arg6: memref<2x10240x128xf32, #tpu.memory_space<hbm>>, %arg7: memref<10240x128xf32, #tpu.memory_space<vmem_shared>>, %arg8: memref<128xi32, #tpu.memory_space<vmem>>, %arg9: memref<128xi32, #tpu.memory_space<vmem>>, %arg10: memref<128x128xf32, #tpu.memory_space<vmem>>, %arg11: memref<!tpu.dma_semaphore, #tpu.memory_space<semaphore_mem>>, %arg12: memref<!tpu.dma_semaphore, #tpu.memory_space<semaphore_mem>>) attributes {dimension_semantics = [#tpu.dimension_semantics<core_parallel>, #tpu.dimension_semantics<subcore_parallel>], iteration_bounds = array<i64: 2, 16>, scalar_prefetch = 0 : i64, scratch_operands = 6 : i64, tpu.core_type = #tpu.core_type<sc_vector_subcore>, window_params = [{transform_indices = #map}, {transform_indices = #map1}, {transform_indices = #map1}, {transform_indices = #map}, {transform_indices = #map1}]} {
    %mul3A = arith.constant 2 : i32
    %mul3A_0 = arith.muli %arg1, %mul3A : i32
    %add3A = arith.addi %mul3A_0, %arg0 : i32
    %mul3A_1 = arith.constant 640 : i32
    %mul3A_2 = arith.muli %arg1, %mul3A_1 : i32
    "tpu.region"() ({
      %run_scoped3A = tpu.sem_alloc : memref<!tpu.dma_semaphore, #tpu.memory_space<semaphore_mem>>
      %dma_start3A = arith.constant 0 : i32
      %dma_start3A_11 = tpu.memref_slice %arg7[%mul3A_2, %dma_start3A] : memref<10240x128xf32, #tpu.memory_space<vmem_shared>> -> memref<640x128xf32, #tpu.memory_space<vmem_shared>>
      tpu.enqueue_dma source(%arg5 : memref<640x128xf32, #tpu.memory_space<hbm>>) target(%dma_start3A_11 : memref<640x128xf32, #tpu.memory_space<vmem_shared>>) target_semaphore(%run_scoped3A : memref<!tpu.dma_semaphore, #tpu.memory_space<semaphore_mem>>)
      %dma_wait3A = arith.constant 0 : i32
      %dma_wait3A_12 = tpu.memref_slice %arg7[%mul3A_2, %dma_wait3A] : memref<10240x128xf32, #tpu.memory_space<vmem_shared>> -> memref<640x128xf32, #tpu.memory_space<vmem_shared>>
      tpu.wait_dma2 semaphore(%run_scoped3A : memref<!tpu.dma_semaphore, #tpu.memory_space<semaphore_mem>>) src(%arg5 : memref<640x128xf32, #tpu.memory_space<hbm>>) dst(%dma_wait3A_12 : memref<640x128xf32, #tpu.memory_space<vmem_shared>>)
      tpu.yield
    }) : () -> ()
    %barrier3A = arith.constant 0 : index
    tpu.barrier barrier_id(%barrier3A)
    %scan3A = arith.constant 0 : i32
    %scan3A_3 = arith.constant 0 : i32
    %scan3A_4 = arith.constant 80 : i32
    %scan3A_5 = arith.addi %scan3A_3, %scan3A_4 : i32
    %scan3A_6 = arith.constant 1 : i32
    scf.for %scan3A_11 = %scan3A_3 to %scan3A_5 step %scan3A_6  : i32 {
      "tpu.region"() ({
        %run_scoped3A = tpu.sem_alloc : memref<!tpu.dma_semaphore, #tpu.memory_space<semaphore_mem>>
        %dma_start3A_22 = arith.constant 0 : i32
        %dma_start3A_23 = tpu.memref_slice %arg4[%add3A, %scan3A_11, %dma_start3A_22] : memref<32x80x128xi32, #tpu.memory_space<hbm>> -> memref<1x1x128xi32, #tpu.memory_space<hbm>>
        %dma_start3A_24 = tpu.memref_squeeze %dma_start3A_23 : memref<1x1x128xi32, #tpu.memory_space<hbm>> -> memref<128xi32, #tpu.memory_space<hbm>>
        %dma_start3A_25 = arith.constant 0 : i32
        %dma_start3A_26 = tpu.memref_slice %arg4[%add3A, %scan3A_11, %dma_start3A_25] : memref<32x80x128xi32, #tpu.memory_space<hbm>> -> memref<1x1x128xi32, #tpu.memory_space<hbm>>
        %dma_start3A_27 = tpu.memref_squeeze %dma_start3A_26 : memref<1x1x128xi32, #tpu.memory_space<hbm>> -> memref<128xi32, #tpu.memory_space<hbm>>
        tpu.enqueue_dma source(%dma_start3A_27 : memref<128xi32, #tpu.memory_space<hbm>>) target(%arg9 : memref<128xi32, #tpu.memory_space<vmem>>) target_semaphore(%run_scoped3A : memref<!tpu.dma_semaphore, #tpu.memory_space<semaphore_mem>>)
        %dma_wait3A_28 = arith.constant 0 : i32
        %dma_wait3A_29 = tpu.memref_slice %arg4[%add3A, %scan3A_11, %dma_wait3A_28] : memref<32x80x128xi32, #tpu.memory_space<hbm>> -> memref<1x1x128xi32, #tpu.memory_space<hbm>>
        %dma_wait3A_30 = tpu.memref_squeeze %dma_wait3A_29 : memref<1x1x128xi32, #tpu.memory_space<hbm>> -> memref<128xi32, #tpu.memory_space<hbm>>
        %dma_wait3A_31 = arith.constant 0 : i32
        %dma_wait3A_32 = tpu.memref_slice %arg4[%add3A, %scan3A_11, %dma_wait3A_31] : memref<32x80x128xi32, #tpu.memory_space<hbm>> -> memref<1x1x128xi32, #tpu.memory_space<hbm>>
        %dma_wait3A_33 = tpu.memref_squeeze %dma_wait3A_32 : memref<1x1x128xi32, #tpu.memory_space<hbm>> -> memref<128xi32, #tpu.memory_space<hbm>>
        tpu.wait_dma2 semaphore(%run_scoped3A : memref<!tpu.dma_semaphore, #tpu.memory_space<semaphore_mem>>) src(%dma_wait3A_33 : memref<128xi32, #tpu.memory_space<hbm>>) dst(%arg9 : memref<128xi32, #tpu.memory_space<vmem>>)
        tpu.yield
      }) : () -> ()
      "tpu.region"() ({
        %run_scoped3A = tpu.sem_alloc : memref<!tpu.dma_semaphore, #tpu.memory_space<semaphore_mem>>
        %dma_start3A_22 = arith.constant 0 : i32
        %dma_start3A_23 = tpu.memref_slice %arg3[%add3A, %scan3A_11, %dma_start3A_22] : memref<32x80x128xi32, #tpu.memory_space<hbm>> -> memref<1x1x128xi32, #tpu.memory_space<hbm>>
        %dma_start3A_24 = tpu.memref_squeeze %dma_start3A_23 : memref<1x1x128xi32, #tpu.memory_space<hbm>> -> memref<128xi32, #tpu.memory_space<hbm>>
        %dma_start3A_25 = arith.constant 0 : i32
        %dma_start3A_26 = tpu.memref_slice %arg3[%add3A, %scan3A_11, %dma_start3A_25] : memref<32x80x128xi32, #tpu.memory_space<hbm>> -> memref<1x1x128xi32, #tpu.memory_space<hbm>>
        %dma_start3A_27 = tpu.memref_squeeze %dma_start3A_26 : memref<1x1x128xi32, #tpu.memory_space<hbm>> -> memref<128xi32, #tpu.memory_space<hbm>>
        tpu.enqueue_dma source(%dma_start3A_27 : memref<128xi32, #tpu.memory_space<hbm>>) target(%arg8 : memref<128xi32, #tpu.memory_space<vmem>>) target_semaphore(%run_scoped3A : memref<!tpu.dma_semaphore, #tpu.memory_space<semaphore_mem>>)
        %dma_wait3A_28 = arith.constant 0 : i32
        %dma_wait3A_29 = tpu.memref_slice %arg3[%add3A, %scan3A_11, %dma_wait3A_28] : memref<32x80x128xi32, #tpu.memory_space<hbm>> -> memref<1x1x128xi32, #tpu.memory_space<hbm>>
        %dma_wait3A_30 = tpu.memref_squeeze %dma_wait3A_29 : memref<1x1x128xi32, #tpu.memory_space<hbm>> -> memref<128xi32, #tpu.memory_space<hbm>>
        %dma_wait3A_31 = arith.constant 0 : i32
        %dma_wait3A_32 = tpu.memref_slice %arg3[%add3A, %scan3A_11, %dma_wait3A_31] : memref<32x80x128xi32, #tpu.memory_space<hbm>> -> memref<1x1x128xi32, #tpu.memory_space<hbm>>
        %dma_wait3A_33 = tpu.memref_squeeze %dma_wait3A_32 : memref<1x1x128xi32, #tpu.memory_space<hbm>> -> memref<128xi32, #tpu.memory_space<hbm>>
        tpu.wait_dma2 semaphore(%run_scoped3A : memref<!tpu.dma_semaphore, #tpu.memory_space<semaphore_mem>>) src(%dma_wait3A_33 : memref<128xi32, #tpu.memory_space<hbm>>) dst(%arg8 : memref<128xi32, #tpu.memory_space<vmem>>)
        tpu.yield
      }) : () -> ()
      %dma_start3A = arith.constant 0 : i32
      %dma_start3A_12 = arith.constant 0 : i32
      %dma_start3A_13 = tpu.memref_slice %arg2[%dma_start3A, %dma_start3A_12] : memref<10000x128xf32, #tpu.memory_space<hbm>> -> memref<10000x128xf32, #tpu.memory_space<hbm>>
      tpu.enqueue_indirect_dma source(%dma_start3A_13 : memref<10000x128xf32, #tpu.memory_space<hbm>>) target(%arg10 : memref<128x128xf32, #tpu.memory_space<vmem>>) offsets(%arg9 : memref<128xi32, #tpu.memory_space<vmem>>) semaphore(%arg11 : memref<!tpu.dma_semaphore, #tpu.memory_space<semaphore_mem>>)
      %dma_wait3A = arith.constant 0 : i32
      %dma_wait3A_14 = arith.constant 0 : i32
      %dma_wait3A_15 = tpu.memref_slice %arg2[%dma_wait3A, %dma_wait3A_14] : memref<10000x128xf32, #tpu.memory_space<hbm>> -> memref<10000x128xf32, #tpu.memory_space<hbm>>
      tpu.wait_indirect_dma semaphore(%arg11 : memref<!tpu.dma_semaphore, #tpu.memory_space<semaphore_mem>>) src(%dma_wait3A_15 : memref<10000x128xf32, #tpu.memory_space<hbm>>) dst(%arg10 : memref<128x128xf32, #tpu.memory_space<vmem>>)
      %dma_start3A_16 = arith.constant 0 : i32
      %dma_start3A_17 = arith.constant 0 : i32
      %dma_start3A_18 = tpu.memref_slice %arg7[%dma_start3A_16, %dma_start3A_17] : memref<10240x128xf32, #tpu.memory_space<vmem_shared>> -> memref<10240x128xf32, #tpu.memory_space<vmem_shared>>
      tpu.enqueue_indirect_dma source(%arg10 : memref<128x128xf32, #tpu.memory_space<vmem>>) target(%dma_start3A_18 : memref<10240x128xf32, #tpu.memory_space<vmem_shared>>) offsets(%arg8 : memref<128xi32, #tpu.memory_space<vmem>>) semaphore(%arg12 : memref<!tpu.dma_semaphore, #tpu.memory_space<semaphore_mem>>) {add = true}
      %dma_wait3A_19 = arith.constant 0 : i32
      %dma_wait3A_20 = arith.constant 0 : i32
      %dma_wait3A_21 = tpu.memref_slice %arg7[%dma_wait3A_19, %dma_wait3A_20] : memref<10240x128xf32, #tpu.memory_space<vmem_shared>> -> memref<10240x128xf32, #tpu.memory_space<vmem_shared>>
      tpu.wait_indirect_dma semaphore(%arg12 : memref<!tpu.dma_semaphore, #tpu.memory_space<semaphore_mem>>) src(%arg10 : memref<128x128xf32, #tpu.memory_space<vmem>>) dst(%dma_wait3A_21 : memref<10240x128xf32, #tpu.memory_space<vmem_shared>>)
    }
    %scan3A_7 = arith.constant 80 : i32
    %barrier3A_8 = arith.constant 0 : index
    tpu.barrier barrier_id(%barrier3A_8)
    %mul3A_9 = arith.constant 640 : i32
    %mul3A_10 = arith.muli %arg1, %mul3A_9 : i32
    "tpu.region"() ({
      %run_scoped3A = tpu.sem_alloc : memref<!tpu.dma_semaphore, #tpu.memory_space<semaphore_mem>>
      %dma_start3A = arith.constant 0 : i32
      %dma_start3A_11 = tpu.memref_slice %arg6[%arg0, %mul3A_10, %dma_start3A] : memref<2x10240x128xf32, #tpu.memory_space<hbm>> -> memref<1x640x128xf32, #tpu.memory_space<hbm>>
      %dma_start3A_12 = tpu.memref_squeeze %dma_start3A_11 : memref<1x640x128xf32, #tpu.memory_space<hbm>> -> memref<640x128xf32, #tpu.memory_space<hbm>>
      %dma_start3A_13 = arith.constant 0 : i32
      %dma_start3A_14 = tpu.memref_slice %arg7[%mul3A_10, %dma_start3A_13] : memref<10240x128xf32, #tpu.memory_space<vmem_shared>> -> memref<640x128xf32, #tpu.memory_space<vmem_shared>>
      tpu.enqueue_dma source(%dma_start3A_14 : memref<640x128xf32, #tpu.memory_space<vmem_shared>>) target(%dma_start3A_12 : memref<640x128xf32, #tpu.memory_space<hbm>>) target_semaphore(%run_scoped3A : memref<!tpu.dma_semaphore, #tpu.memory_space<semaphore_mem>>)
      %dma_wait3A = arith.constant 0 : i32
      %dma_wait3A_15 = tpu.memref_slice %arg6[%arg0, %mul3A_10, %dma_wait3A] : memref<2x10240x128xf32, #tpu.memory_space<hbm>> -> memref<1x640x128xf32, #tpu.memory_space<hbm>>
      %dma_wait3A_16 = tpu.memref_squeeze %dma_wait3A_15 : memref<1x640x128xf32, #tpu.memory_space<hbm>> -> memref<640x128xf32, #tpu.memory_space<hbm>>
      %dma_wait3A_17 = arith.constant 0 : i32
      %dma_wait3A_18 = tpu.memref_slice %arg7[%mul3A_10, %dma_wait3A_17] : memref<10240x128xf32, #tpu.memory_space<vmem_shared>> -> memref<640x128xf32, #tpu.memory_space<vmem_shared>>
      tpu.wait_dma2 semaphore(%run_scoped3A : memref<!tpu.dma_semaphore, #tpu.memory_space<semaphore_mem>>) src(%dma_wait3A_18 : memref<640x128xf32, #tpu.memory_space<vmem_shared>>) dst(%dma_wait3A_16 : memref<640x128xf32, #tpu.memory_space<hbm>>)
      tpu.yield
    }) : () -> ()
    return
  }
}

#map = affine_map<(d0, d1) -> (0, 0)>
#map1 = affine_map<(d0, d1) -> (0, 0, 0)>
module attributes {stable_mosaic.version = 14 : i64} {
  func.func @_sc_prop_body(%arg0: i32, %arg1: i32, %arg2: memref<10000x128xf32, #tpu.memory_space<hbm>>, %arg3: memref<32x80x128xi32, #tpu.memory_space<hbm>>, %arg4: memref<32x80x128xi32, #tpu.memory_space<hbm>>, %arg5: memref<640x128xf32, #tpu.memory_space<hbm>>, %arg6: memref<2x10240x128xf32, #tpu.memory_space<hbm>>, %arg7: memref<10240x128xf32, #tpu.memory_space<vmem_shared>>, %arg8: memref<128xi32, #tpu.memory_space<vmem>>, %arg9: memref<128xi32, #tpu.memory_space<vmem>>, %arg10: memref<128x128xf32, #tpu.memory_space<vmem>>, %arg11: memref<!tpu.dma_semaphore, #tpu.memory_space<semaphore_mem>>, %arg12: memref<!tpu.dma_semaphore, #tpu.memory_space<semaphore_mem>>) attributes {dimension_semantics = [#tpu.dimension_semantics<core_parallel>, #tpu.dimension_semantics<subcore_parallel>], iteration_bounds = array<i64: 2, 16>, scalar_prefetch = 0 : i64, scratch_operands = 6 : i64, tpu.core_type = #tpu.core_type<sc_vector_subcore>, window_params = [{transform_indices = #map}, {transform_indices = #map1}, {transform_indices = #map1}, {transform_indices = #map}, {transform_indices = #map1}]} {
    %mul3A = arith.constant 2 : i32
    %mul3A_0 = arith.muli %arg1, %mul3A : i32
    %add3A = arith.addi %mul3A_0, %arg0 : i32
    %mul3A_1 = arith.constant 640 : i32
    %mul3A_2 = arith.muli %arg1, %mul3A_1 : i32
    "tpu.region"() ({
      %run_scoped3A = tpu.sem_alloc : memref<!tpu.dma_semaphore, #tpu.memory_space<semaphore_mem>>
      %dma_start3A = arith.constant 0 : i32
      %dma_start3A_11 = tpu.memref_slice %arg7[%mul3A_2, %dma_start3A] : memref<10240x128xf32, #tpu.memory_space<vmem_shared>> -> memref<640x128xf32, #tpu.memory_space<vmem_shared>>
      tpu.enqueue_dma source(%arg5 : memref<640x128xf32, #tpu.memory_space<hbm>>) target(%dma_start3A_11 : memref<640x128xf32, #tpu.memory_space<vmem_shared>>) target_semaphore(%run_scoped3A : memref<!tpu.dma_semaphore, #tpu.memory_space<semaphore_mem>>)
      %dma_wait3A = arith.constant 0 : i32
      %dma_wait3A_12 = tpu.memref_slice %arg7[%mul3A_2, %dma_wait3A] : memref<10240x128xf32, #tpu.memory_space<vmem_shared>> -> memref<640x128xf32, #tpu.memory_space<vmem_shared>>
      tpu.wait_dma2 semaphore(%run_scoped3A : memref<!tpu.dma_semaphore, #tpu.memory_space<semaphore_mem>>) src(%arg5 : memref<640x128xf32, #tpu.memory_space<hbm>>) dst(%dma_wait3A_12 : memref<640x128xf32, #tpu.memory_space<vmem_shared>>)
      tpu.yield
    }) : () -> ()
    %barrier3A = arith.constant 0 : index
    tpu.barrier barrier_id(%barrier3A)
    %scan3A = arith.constant 0 : i32
    %scan3A_3 = arith.constant 0 : i32
    %scan3A_4 = arith.constant 80 : i32
    %scan3A_5 = arith.addi %scan3A_3, %scan3A_4 : i32
    %scan3A_6 = arith.constant 1 : i32
    scf.for %scan3A_11 = %scan3A_3 to %scan3A_5 step %scan3A_6  : i32 {
      "tpu.region"() ({
        %run_scoped3A = tpu.sem_alloc : memref<!tpu.dma_semaphore, #tpu.memory_space<semaphore_mem>>
        %dma_start3A_22 = arith.constant 0 : i32
        %dma_start3A_23 = tpu.memref_slice %arg4[%add3A, %scan3A_11, %dma_start3A_22] : memref<32x80x128xi32, #tpu.memory_space<hbm>> -> memref<1x1x128xi32, #tpu.memory_space<hbm>>
        %dma_start3A_24 = tpu.memref_squeeze %dma_start3A_23 : memref<1x1x128xi32, #tpu.memory_space<hbm>> -> memref<128xi32, #tpu.memory_space<hbm>>
        %dma_start3A_25 = arith.constant 0 : i32
        %dma_start3A_26 = tpu.memref_slice %arg4[%add3A, %scan3A_11, %dma_start3A_25] : memref<32x80x128xi32, #tpu.memory_space<hbm>> -> memref<1x1x128xi32, #tpu.memory_space<hbm>>
        %dma_start3A_27 = tpu.memref_squeeze %dma_start3A_26 : memref<1x1x128xi32, #tpu.memory_space<hbm>> -> memref<128xi32, #tpu.memory_space<hbm>>
        tpu.enqueue_dma source(%dma_start3A_27 : memref<128xi32, #tpu.memory_space<hbm>>) target(%arg9 : memref<128xi32, #tpu.memory_space<vmem>>) target_semaphore(%run_scoped3A : memref<!tpu.dma_semaphore, #tpu.memory_space<semaphore_mem>>)
        %dma_wait3A_28 = arith.constant 0 : i32
        %dma_wait3A_29 = tpu.memref_slice %arg4[%add3A, %scan3A_11, %dma_wait3A_28] : memref<32x80x128xi32, #tpu.memory_space<hbm>> -> memref<1x1x128xi32, #tpu.memory_space<hbm>>
        %dma_wait3A_30 = tpu.memref_squeeze %dma_wait3A_29 : memref<1x1x128xi32, #tpu.memory_space<hbm>> -> memref<128xi32, #tpu.memory_space<hbm>>
        %dma_wait3A_31 = arith.constant 0 : i32
        %dma_wait3A_32 = tpu.memref_slice %arg4[%add3A, %scan3A_11, %dma_wait3A_31] : memref<32x80x128xi32, #tpu.memory_space<hbm>> -> memref<1x1x128xi32, #tpu.memory_space<hbm>>
        %dma_wait3A_33 = tpu.memref_squeeze %dma_wait3A_32 : memref<1x1x128xi32, #tpu.memory_space<hbm>> -> memref<128xi32, #tpu.memory_space<hbm>>
        tpu.wait_dma2 semaphore(%run_scoped3A : memref<!tpu.dma_semaphore, #tpu.memory_space<semaphore_mem>>) src(%dma_wait3A_33 : memref<128xi32, #tpu.memory_space<hbm>>) dst(%arg9 : memref<128xi32, #tpu.memory_space<vmem>>)
        tpu.yield
      }) : () -> ()
      "tpu.region"() ({
        %run_scoped3A = tpu.sem_alloc : memref<!tpu.dma_semaphore, #tpu.memory_space<semaphore_mem>>
        %dma_start3A_22 = arith.constant 0 : i32
        %dma_start3A_23 = tpu.memref_slice %arg3[%add3A, %scan3A_11, %dma_start3A_22] : memref<32x80x128xi32, #tpu.memory_space<hbm>> -> memref<1x1x128xi32, #tpu.memory_space<hbm>>
        %dma_start3A_24 = tpu.memref_squeeze %dma_start3A_23 : memref<1x1x128xi32, #tpu.memory_space<hbm>> -> memref<128xi32, #tpu.memory_space<hbm>>
        %dma_start3A_25 = arith.constant 0 : i32
        %dma_start3A_26 = tpu.memref_slice %arg3[%add3A, %scan3A_11, %dma_start3A_25] : memref<32x80x128xi32, #tpu.memory_space<hbm>> -> memref<1x1x128xi32, #tpu.memory_space<hbm>>
        %dma_start3A_27 = tpu.memref_squeeze %dma_start3A_26 : memref<1x1x128xi32, #tpu.memory_space<hbm>> -> memref<128xi32, #tpu.memory_space<hbm>>
        tpu.enqueue_dma source(%dma_start3A_27 : memref<128xi32, #tpu.memory_space<hbm>>) target(%arg8 : memref<128xi32, #tpu.memory_space<vmem>>) target_semaphore(%run_scoped3A : memref<!tpu.dma_semaphore, #tpu.memory_space<semaphore_mem>>)
        %dma_wait3A_28 = arith.constant 0 : i32
        %dma_wait3A_29 = tpu.memref_slice %arg3[%add3A, %scan3A_11, %dma_wait3A_28] : memref<32x80x128xi32, #tpu.memory_space<hbm>> -> memref<1x1x128xi32, #tpu.memory_space<hbm>>
        %dma_wait3A_30 = tpu.memref_squeeze %dma_wait3A_29 : memref<1x1x128xi32, #tpu.memory_space<hbm>> -> memref<128xi32, #tpu.memory_space<hbm>>
        %dma_wait3A_31 = arith.constant 0 : i32
        %dma_wait3A_32 = tpu.memref_slice %arg3[%add3A, %scan3A_11, %dma_wait3A_31] : memref<32x80x128xi32, #tpu.memory_space<hbm>> -> memref<1x1x128xi32, #tpu.memory_space<hbm>>
        %dma_wait3A_33 = tpu.memref_squeeze %dma_wait3A_32 : memref<1x1x128xi32, #tpu.memory_space<hbm>> -> memref<128xi32, #tpu.memory_space<hbm>>
        tpu.wait_dma2 semaphore(%run_scoped3A : memref<!tpu.dma_semaphore, #tpu.memory_space<semaphore_mem>>) src(%dma_wait3A_33 : memref<128xi32, #tpu.memory_space<hbm>>) dst(%arg8 : memref<128xi32, #tpu.memory_space<vmem>>)
        tpu.yield
      }) : () -> ()
      %dma_start3A = arith.constant 0 : i32
      %dma_start3A_12 = arith.constant 0 : i32
      %dma_start3A_13 = tpu.memref_slice %arg2[%dma_start3A, %dma_start3A_12] : memref<10000x128xf32, #tpu.memory_space<hbm>> -> memref<10000x128xf32, #tpu.memory_space<hbm>>
      tpu.enqueue_indirect_dma source(%dma_start3A_13 : memref<10000x128xf32, #tpu.memory_space<hbm>>) target(%arg10 : memref<128x128xf32, #tpu.memory_space<vmem>>) offsets(%arg9 : memref<128xi32, #tpu.memory_space<vmem>>) semaphore(%arg11 : memref<!tpu.dma_semaphore, #tpu.memory_space<semaphore_mem>>)
      %dma_wait3A = arith.constant 0 : i32
      %dma_wait3A_14 = arith.constant 0 : i32
      %dma_wait3A_15 = tpu.memref_slice %arg2[%dma_wait3A, %dma_wait3A_14] : memref<10000x128xf32, #tpu.memory_space<hbm>> -> memref<10000x128xf32, #tpu.memory_space<hbm>>
      tpu.wait_indirect_dma semaphore(%arg11 : memref<!tpu.dma_semaphore, #tpu.memory_space<semaphore_mem>>) src(%dma_wait3A_15 : memref<10000x128xf32, #tpu.memory_space<hbm>>) dst(%arg10 : memref<128x128xf32, #tpu.memory_space<vmem>>)
      %dma_start3A_16 = arith.constant 0 : i32
      %dma_start3A_17 = arith.constant 0 : i32
      %dma_start3A_18 = tpu.memref_slice %arg7[%dma_start3A_16, %dma_start3A_17] : memref<10240x128xf32, #tpu.memory_space<vmem_shared>> -> memref<10240x128xf32, #tpu.memory_space<vmem_shared>>
      tpu.enqueue_indirect_dma source(%arg10 : memref<128x128xf32, #tpu.memory_space<vmem>>) target(%dma_start3A_18 : memref<10240x128xf32, #tpu.memory_space<vmem_shared>>) offsets(%arg8 : memref<128xi32, #tpu.memory_space<vmem>>) semaphore(%arg12 : memref<!tpu.dma_semaphore, #tpu.memory_space<semaphore_mem>>) {add = true}
      %dma_wait3A_19 = arith.constant 0 : i32
      %dma_wait3A_20 = arith.constant 0 : i32
      %dma_wait3A_21 = tpu.memref_slice %arg7[%dma_wait3A_19, %dma_wait3A_20] : memref<10240x128xf32, #tpu.memory_space<vmem_shared>> -> memref<10240x128xf32, #tpu.memory_space<vmem_shared>>
      tpu.wait_indirect_dma semaphore(%arg12 : memref<!tpu.dma_semaphore, #tpu.memory_space<semaphore_mem>>) src(%arg10 : memref<128x128xf32, #tpu.memory_space<vmem>>) dst(%dma_wait3A_21 : memref<10240x128xf32, #tpu.memory_space<vmem_shared>>)
    }
    %scan3A_7 = arith.constant 80 : i32
    %barrier3A_8 = arith.constant 0 : index
    tpu.barrier barrier_id(%barrier3A_8)
    %mul3A_9 = arith.constant 640 : i32
    %mul3A_10 = arith.muli %arg1, %mul3A_9 : i32
    "tpu.region"() ({
      %run_scoped3A = tpu.sem_alloc : memref<!tpu.dma_semaphore, #tpu.memory_space<semaphore_mem>>
      %dma_start3A = arith.constant 0 : i32
      %dma_start3A_11 = tpu.memref_slice %arg6[%arg0, %mul3A_10, %dma_start3A] : memref<2x10240x128xf32, #tpu.memory_space<hbm>> -> memref<1x640x128xf32, #tpu.memory_space<hbm>>
      %dma_start3A_12 = tpu.memref_squeeze %dma_start3A_11 : memref<1x640x128xf32, #tpu.memory_space<hbm>> -> memref<640x128xf32, #tpu.memory_space<hbm>>
      %dma_start3A_13 = arith.constant 0 : i32
      %dma_start3A_14 = tpu.memref_slice %arg7[%mul3A_10, %dma_start3A_13] : memref<10240x128xf32, #tpu.memory_space<vmem_shared>> -> memref<640x128xf32, #tpu.memory_space<vmem_shared>>
      tpu.enqueue_dma source(%dma_start3A_14 : memref<640x128xf32, #tpu.memory_space<vmem_shared>>) target(%dma_start3A_12 : memref<640x128xf32, #tpu.memory_space<hbm>>) target_semaphore(%run_scoped3A : memref<!tpu.dma_semaphore, #tpu.memory_space<semaphore_mem>>)
      %dma_wait3A = arith.constant 0 : i32
      %dma_wait3A_15 = tpu.memref_slice %arg6[%arg0, %mul3A_10, %dma_wait3A] : memref<2x10240x128xf32, #tpu.memory_space<hbm>> -> memref<1x640x128xf32, #tpu.memory_space<hbm>>
      %dma_wait3A_16 = tpu.memref_squeeze %dma_wait3A_15 : memref<1x640x128xf32, #tpu.memory_space<hbm>> -> memref<640x128xf32, #tpu.memory_space<hbm>>
      %dma_wait3A_17 = arith.constant 0 : i32
      %dma_wait3A_18 = tpu.memref_slice %arg7[%mul3A_10, %dma_wait3A_17] : memref<10240x128xf32, #tpu.memory_space<vmem_shared>> -> memref<640x128xf32, #tpu.memory_space<vmem_shared>>
      tpu.wait_dma2 semaphore(%run_scoped3A : memref<!tpu.dma_semaphore, #tpu.memory_space<semaphore_mem>>) src(%dma_wait3A_18 : memref<640x128xf32, #tpu.memory_space<vmem_shared>>) dst(%dma_wait3A_16 : memref<640x128xf32, #tpu.memory_space<hbm>>)
      tpu.yield
    }) : () -> ()
    return
  }
}

#map = affine_map<(d0, d1) -> (0, 0)>
#map1 = affine_map<(d0, d1) -> (0, 0, 0)>
module attributes {stable_mosaic.version = 14 : i64} {
  func.func @_sc_prop_body(%arg0: i32, %arg1: i32, %arg2: memref<10000x128xf32, #tpu.memory_space<hbm>>, %arg3: memref<32x80x128xi32, #tpu.memory_space<hbm>>, %arg4: memref<32x80x128xi32, #tpu.memory_space<hbm>>, %arg5: memref<640x128xf32, #tpu.memory_space<hbm>>, %arg6: memref<2x10240x128xf32, #tpu.memory_space<hbm>>, %arg7: memref<10240x128xf32, #tpu.memory_space<vmem_shared>>, %arg8: memref<128xi32, #tpu.memory_space<vmem>>, %arg9: memref<128xi32, #tpu.memory_space<vmem>>, %arg10: memref<128x128xf32, #tpu.memory_space<vmem>>, %arg11: memref<!tpu.dma_semaphore, #tpu.memory_space<semaphore_mem>>, %arg12: memref<!tpu.dma_semaphore, #tpu.memory_space<semaphore_mem>>) attributes {dimension_semantics = [#tpu.dimension_semantics<core_parallel>, #tpu.dimension_semantics<subcore_parallel>], iteration_bounds = array<i64: 2, 16>, scalar_prefetch = 0 : i64, scratch_operands = 6 : i64, tpu.core_type = #tpu.core_type<sc_vector_subcore>, window_params = [{transform_indices = #map}, {transform_indices = #map1}, {transform_indices = #map1}, {transform_indices = #map}, {transform_indices = #map1}]} {
    %mul3A = arith.constant 2 : i32
    %mul3A_0 = arith.muli %arg1, %mul3A : i32
    %add3A = arith.addi %mul3A_0, %arg0 : i32
    %mul3A_1 = arith.constant 640 : i32
    %mul3A_2 = arith.muli %arg1, %mul3A_1 : i32
    "tpu.region"() ({
      %run_scoped3A = tpu.sem_alloc : memref<!tpu.dma_semaphore, #tpu.memory_space<semaphore_mem>>
      %dma_start3A = arith.constant 0 : i32
      %dma_start3A_11 = tpu.memref_slice %arg7[%mul3A_2, %dma_start3A] : memref<10240x128xf32, #tpu.memory_space<vmem_shared>> -> memref<640x128xf32, #tpu.memory_space<vmem_shared>>
      tpu.enqueue_dma source(%arg5 : memref<640x128xf32, #tpu.memory_space<hbm>>) target(%dma_start3A_11 : memref<640x128xf32, #tpu.memory_space<vmem_shared>>) target_semaphore(%run_scoped3A : memref<!tpu.dma_semaphore, #tpu.memory_space<semaphore_mem>>)
      %dma_wait3A = arith.constant 0 : i32
      %dma_wait3A_12 = tpu.memref_slice %arg7[%mul3A_2, %dma_wait3A] : memref<10240x128xf32, #tpu.memory_space<vmem_shared>> -> memref<640x128xf32, #tpu.memory_space<vmem_shared>>
      tpu.wait_dma2 semaphore(%run_scoped3A : memref<!tpu.dma_semaphore, #tpu.memory_space<semaphore_mem>>) src(%arg5 : memref<640x128xf32, #tpu.memory_space<hbm>>) dst(%dma_wait3A_12 : memref<640x128xf32, #tpu.memory_space<vmem_shared>>)
      tpu.yield
    }) : () -> ()
    %barrier3A = arith.constant 0 : index
    tpu.barrier barrier_id(%barrier3A)
    %scan3A = arith.constant 0 : i32
    %scan3A_3 = arith.constant 0 : i32
    %scan3A_4 = arith.constant 80 : i32
    %scan3A_5 = arith.addi %scan3A_3, %scan3A_4 : i32
    %scan3A_6 = arith.constant 1 : i32
    scf.for %scan3A_11 = %scan3A_3 to %scan3A_5 step %scan3A_6  : i32 {
      "tpu.region"() ({
        %run_scoped3A = tpu.sem_alloc : memref<!tpu.dma_semaphore, #tpu.memory_space<semaphore_mem>>
        %dma_start3A_22 = arith.constant 0 : i32
        %dma_start3A_23 = tpu.memref_slice %arg4[%add3A, %scan3A_11, %dma_start3A_22] : memref<32x80x128xi32, #tpu.memory_space<hbm>> -> memref<1x1x128xi32, #tpu.memory_space<hbm>>
        %dma_start3A_24 = tpu.memref_squeeze %dma_start3A_23 : memref<1x1x128xi32, #tpu.memory_space<hbm>> -> memref<128xi32, #tpu.memory_space<hbm>>
        %dma_start3A_25 = arith.constant 0 : i32
        %dma_start3A_26 = tpu.memref_slice %arg4[%add3A, %scan3A_11, %dma_start3A_25] : memref<32x80x128xi32, #tpu.memory_space<hbm>> -> memref<1x1x128xi32, #tpu.memory_space<hbm>>
        %dma_start3A_27 = tpu.memref_squeeze %dma_start3A_26 : memref<1x1x128xi32, #tpu.memory_space<hbm>> -> memref<128xi32, #tpu.memory_space<hbm>>
        tpu.enqueue_dma source(%dma_start3A_27 : memref<128xi32, #tpu.memory_space<hbm>>) target(%arg9 : memref<128xi32, #tpu.memory_space<vmem>>) target_semaphore(%run_scoped3A : memref<!tpu.dma_semaphore, #tpu.memory_space<semaphore_mem>>)
        %dma_wait3A_28 = arith.constant 0 : i32
        %dma_wait3A_29 = tpu.memref_slice %arg4[%add3A, %scan3A_11, %dma_wait3A_28] : memref<32x80x128xi32, #tpu.memory_space<hbm>> -> memref<1x1x128xi32, #tpu.memory_space<hbm>>
        %dma_wait3A_30 = tpu.memref_squeeze %dma_wait3A_29 : memref<1x1x128xi32, #tpu.memory_space<hbm>> -> memref<128xi32, #tpu.memory_space<hbm>>
        %dma_wait3A_31 = arith.constant 0 : i32
        %dma_wait3A_32 = tpu.memref_slice %arg4[%add3A, %scan3A_11, %dma_wait3A_31] : memref<32x80x128xi32, #tpu.memory_space<hbm>> -> memref<1x1x128xi32, #tpu.memory_space<hbm>>
        %dma_wait3A_33 = tpu.memref_squeeze %dma_wait3A_32 : memref<1x1x128xi32, #tpu.memory_space<hbm>> -> memref<128xi32, #tpu.memory_space<hbm>>
        tpu.wait_dma2 semaphore(%run_scoped3A : memref<!tpu.dma_semaphore, #tpu.memory_space<semaphore_mem>>) src(%dma_wait3A_33 : memref<128xi32, #tpu.memory_space<hbm>>) dst(%arg9 : memref<128xi32, #tpu.memory_space<vmem>>)
        tpu.yield
      }) : () -> ()
      "tpu.region"() ({
        %run_scoped3A = tpu.sem_alloc : memref<!tpu.dma_semaphore, #tpu.memory_space<semaphore_mem>>
        %dma_start3A_22 = arith.constant 0 : i32
        %dma_start3A_23 = tpu.memref_slice %arg3[%add3A, %scan3A_11, %dma_start3A_22] : memref<32x80x128xi32, #tpu.memory_space<hbm>> -> memref<1x1x128xi32, #tpu.memory_space<hbm>>
        %dma_start3A_24 = tpu.memref_squeeze %dma_start3A_23 : memref<1x1x128xi32, #tpu.memory_space<hbm>> -> memref<128xi32, #tpu.memory_space<hbm>>
        %dma_start3A_25 = arith.constant 0 : i32
        %dma_start3A_26 = tpu.memref_slice %arg3[%add3A, %scan3A_11, %dma_start3A_25] : memref<32x80x128xi32, #tpu.memory_space<hbm>> -> memref<1x1x128xi32, #tpu.memory_space<hbm>>
        %dma_start3A_27 = tpu.memref_squeeze %dma_start3A_26 : memref<1x1x128xi32, #tpu.memory_space<hbm>> -> memref<128xi32, #tpu.memory_space<hbm>>
        tpu.enqueue_dma source(%dma_start3A_27 : memref<128xi32, #tpu.memory_space<hbm>>) target(%arg8 : memref<128xi32, #tpu.memory_space<vmem>>) target_semaphore(%run_scoped3A : memref<!tpu.dma_semaphore, #tpu.memory_space<semaphore_mem>>)
        %dma_wait3A_28 = arith.constant 0 : i32
        %dma_wait3A_29 = tpu.memref_slice %arg3[%add3A, %scan3A_11, %dma_wait3A_28] : memref<32x80x128xi32, #tpu.memory_space<hbm>> -> memref<1x1x128xi32, #tpu.memory_space<hbm>>
        %dma_wait3A_30 = tpu.memref_squeeze %dma_wait3A_29 : memref<1x1x128xi32, #tpu.memory_space<hbm>> -> memref<128xi32, #tpu.memory_space<hbm>>
        %dma_wait3A_31 = arith.constant 0 : i32
        %dma_wait3A_32 = tpu.memref_slice %arg3[%add3A, %scan3A_11, %dma_wait3A_31] : memref<32x80x128xi32, #tpu.memory_space<hbm>> -> memref<1x1x128xi32, #tpu.memory_space<hbm>>
        %dma_wait3A_33 = tpu.memref_squeeze %dma_wait3A_32 : memref<1x1x128xi32, #tpu.memory_space<hbm>> -> memref<128xi32, #tpu.memory_space<hbm>>
        tpu.wait_dma2 semaphore(%run_scoped3A : memref<!tpu.dma_semaphore, #tpu.memory_space<semaphore_mem>>) src(%dma_wait3A_33 : memref<128xi32, #tpu.memory_space<hbm>>) dst(%arg8 : memref<128xi32, #tpu.memory_space<vmem>>)
        tpu.yield
      }) : () -> ()
      %dma_start3A = arith.constant 0 : i32
      %dma_start3A_12 = arith.constant 0 : i32
      %dma_start3A_13 = tpu.memref_slice %arg2[%dma_start3A, %dma_start3A_12] : memref<10000x128xf32, #tpu.memory_space<hbm>> -> memref<10000x128xf32, #tpu.memory_space<hbm>>
      tpu.enqueue_indirect_dma source(%dma_start3A_13 : memref<10000x128xf32, #tpu.memory_space<hbm>>) target(%arg10 : memref<128x128xf32, #tpu.memory_space<vmem>>) offsets(%arg9 : memref<128xi32, #tpu.memory_space<vmem>>) semaphore(%arg11 : memref<!tpu.dma_semaphore, #tpu.memory_space<semaphore_mem>>)
      %dma_wait3A = arith.constant 0 : i32
      %dma_wait3A_14 = arith.constant 0 : i32
      %dma_wait3A_15 = tpu.memref_slice %arg2[%dma_wait3A, %dma_wait3A_14] : memref<10000x128xf32, #tpu.memory_space<hbm>> -> memref<10000x128xf32, #tpu.memory_space<hbm>>
      tpu.wait_indirect_dma semaphore(%arg11 : memref<!tpu.dma_semaphore, #tpu.memory_space<semaphore_mem>>) src(%dma_wait3A_15 : memref<10000x128xf32, #tpu.memory_space<hbm>>) dst(%arg10 : memref<128x128xf32, #tpu.memory_space<vmem>>)
      %dma_start3A_16 = arith.constant 0 : i32
      %dma_start3A_17 = arith.constant 0 : i32
      %dma_start3A_18 = tpu.memref_slice %arg7[%dma_start3A_16, %dma_start3A_17] : memref<10240x128xf32, #tpu.memory_space<vmem_shared>> -> memref<10240x128xf32, #tpu.memory_space<vmem_shared>>
      tpu.enqueue_indirect_dma source(%arg10 : memref<128x128xf32, #tpu.memory_space<vmem>>) target(%dma_start3A_18 : memref<10240x128xf32, #tpu.memory_space<vmem_shared>>) offsets(%arg8 : memref<128xi32, #tpu.memory_space<vmem>>) semaphore(%arg12 : memref<!tpu.dma_semaphore, #tpu.memory_space<semaphore_mem>>) {add = true}
      %dma_wait3A_19 = arith.constant 0 : i32
      %dma_wait3A_20 = arith.constant 0 : i32
      %dma_wait3A_21 = tpu.memref_slice %arg7[%dma_wait3A_19, %dma_wait3A_20] : memref<10240x128xf32, #tpu.memory_space<vmem_shared>> -> memref<10240x128xf32, #tpu.memory_space<vmem_shared>>
      tpu.wait_indirect_dma semaphore(%arg12 : memref<!tpu.dma_semaphore, #tpu.memory_space<semaphore_mem>>) src(%arg10 : memref<128x128xf32, #tpu.memory_space<vmem>>) dst(%dma_wait3A_21 : memref<10240x128xf32, #tpu.memory_space<vmem_shared>>)
    }
    %scan3A_7 = arith.constant 80 : i32
    %barrier3A_8 = arith.constant 0 : index
    tpu.barrier barrier_id(%barrier3A_8)
    %mul3A_9 = arith.constant 640 : i32
    %mul3A_10 = arith.muli %arg1, %mul3A_9 : i32
    "tpu.region"() ({
      %run_scoped3A = tpu.sem_alloc : memref<!tpu.dma_semaphore, #tpu.memory_space<semaphore_mem>>
      %dma_start3A = arith.constant 0 : i32
      %dma_start3A_11 = tpu.memref_slice %arg6[%arg0, %mul3A_10, %dma_start3A] : memref<2x10240x128xf32, #tpu.memory_space<hbm>> -> memref<1x640x128xf32, #tpu.memory_space<hbm>>
      %dma_start3A_12 = tpu.memref_squeeze %dma_start3A_11 : memref<1x640x128xf32, #tpu.memory_space<hbm>> -> memref<640x128xf32, #tpu.memory_space<hbm>>
      %dma_start3A_13 = arith.constant 0 : i32
      %dma_start3A_14 = tpu.memref_slice %arg7[%mul3A_10, %dma_start3A_13] : memref<10240x128xf32, #tpu.memory_space<vmem_shared>> -> memref<640x128xf32, #tpu.memory_space<vmem_shared>>
      tpu.enqueue_dma source(%dma_start3A_14 : memref<640x128xf32, #tpu.memory_space<vmem_shared>>) target(%dma_start3A_12 : memref<640x128xf32, #tpu.memory_space<hbm>>) target_semaphore(%run_scoped3A : memref<!tpu.dma_semaphore, #tpu.memory_space<semaphore_mem>>)
      %dma_wait3A = arith.constant 0 : i32
      %dma_wait3A_15 = tpu.memref_slice %arg6[%arg0, %mul3A_10, %dma_wait3A] : memref<2x10240x128xf32, #tpu.memory_space<hbm>> -> memref<1x640x128xf32, #tpu.memory_space<hbm>>
      %dma_wait3A_16 = tpu.memref_squeeze %dma_wait3A_15 : memref<1x640x128xf32, #tpu.memory_space<hbm>> -> memref<640x128xf32, #tpu.memory_space<hbm>>
      %dma_wait3A_17 = arith.constant 0 : i32
      %dma_wait3A_18 = tpu.memref_slice %arg7[%mul3A_10, %dma_wait3A_17] : memref<10240x128xf32, #tpu.memory_space<vmem_shared>> -> memref<640x128xf32, #tpu.memory_space<vmem_shared>>
      tpu.wait_dma2 semaphore(%run_scoped3A : memref<!tpu.dma_semaphore, #tpu.memory_space<semaphore_mem>>) src(%dma_wait3A_18 : memref<640x128xf32, #tpu.memory_space<vmem_shared>>) dst(%dma_wait3A_16 : memref<640x128xf32, #tpu.memory_space<hbm>>)
      tpu.yield
    }) : () -> ()
    return
  }
}

#map = affine_map<(d0, d1) -> (0, 0)>
#map1 = affine_map<(d0, d1) -> (0, 0, 0)>
module attributes {stable_mosaic.version = 14 : i64} {
  func.func @_sc_prop_body(%arg0: i32, %arg1: i32, %arg2: memref<10000x128xf32, #tpu.memory_space<hbm>>, %arg3: memref<32x80x128xi32, #tpu.memory_space<hbm>>, %arg4: memref<32x80x128xi32, #tpu.memory_space<hbm>>, %arg5: memref<640x128xf32, #tpu.memory_space<hbm>>, %arg6: memref<2x10240x128xf32, #tpu.memory_space<hbm>>, %arg7: memref<10240x128xf32, #tpu.memory_space<vmem_shared>>, %arg8: memref<128xi32, #tpu.memory_space<vmem>>, %arg9: memref<128xi32, #tpu.memory_space<vmem>>, %arg10: memref<128x128xf32, #tpu.memory_space<vmem>>, %arg11: memref<!tpu.dma_semaphore, #tpu.memory_space<semaphore_mem>>, %arg12: memref<!tpu.dma_semaphore, #tpu.memory_space<semaphore_mem>>) attributes {dimension_semantics = [#tpu.dimension_semantics<core_parallel>, #tpu.dimension_semantics<subcore_parallel>], iteration_bounds = array<i64: 2, 16>, scalar_prefetch = 0 : i64, scratch_operands = 6 : i64, tpu.core_type = #tpu.core_type<sc_vector_subcore>, window_params = [{transform_indices = #map}, {transform_indices = #map1}, {transform_indices = #map1}, {transform_indices = #map}, {transform_indices = #map1}]} {
    %mul3A = arith.constant 2 : i32
    %mul3A_0 = arith.muli %arg1, %mul3A : i32
    %add3A = arith.addi %mul3A_0, %arg0 : i32
    %mul3A_1 = arith.constant 640 : i32
    %mul3A_2 = arith.muli %arg1, %mul3A_1 : i32
    "tpu.region"() ({
      %run_scoped3A = tpu.sem_alloc : memref<!tpu.dma_semaphore, #tpu.memory_space<semaphore_mem>>
      %dma_start3A = arith.constant 0 : i32
      %dma_start3A_11 = tpu.memref_slice %arg7[%mul3A_2, %dma_start3A] : memref<10240x128xf32, #tpu.memory_space<vmem_shared>> -> memref<640x128xf32, #tpu.memory_space<vmem_shared>>
      tpu.enqueue_dma source(%arg5 : memref<640x128xf32, #tpu.memory_space<hbm>>) target(%dma_start3A_11 : memref<640x128xf32, #tpu.memory_space<vmem_shared>>) target_semaphore(%run_scoped3A : memref<!tpu.dma_semaphore, #tpu.memory_space<semaphore_mem>>)
      %dma_wait3A = arith.constant 0 : i32
      %dma_wait3A_12 = tpu.memref_slice %arg7[%mul3A_2, %dma_wait3A] : memref<10240x128xf32, #tpu.memory_space<vmem_shared>> -> memref<640x128xf32, #tpu.memory_space<vmem_shared>>
      tpu.wait_dma2 semaphore(%run_scoped3A : memref<!tpu.dma_semaphore, #tpu.memory_space<semaphore_mem>>) src(%arg5 : memref<640x128xf32, #tpu.memory_space<hbm>>) dst(%dma_wait3A_12 : memref<640x128xf32, #tpu.memory_space<vmem_shared>>)
      tpu.yield
    }) : () -> ()
    %barrier3A = arith.constant 0 : index
    tpu.barrier barrier_id(%barrier3A)
    %scan3A = arith.constant 0 : i32
    %scan3A_3 = arith.constant 0 : i32
    %scan3A_4 = arith.constant 80 : i32
    %scan3A_5 = arith.addi %scan3A_3, %scan3A_4 : i32
    %scan3A_6 = arith.constant 1 : i32
    scf.for %scan3A_11 = %scan3A_3 to %scan3A_5 step %scan3A_6  : i32 {
      "tpu.region"() ({
        %run_scoped3A = tpu.sem_alloc : memref<!tpu.dma_semaphore, #tpu.memory_space<semaphore_mem>>
        %dma_start3A_22 = arith.constant 0 : i32
        %dma_start3A_23 = tpu.memref_slice %arg4[%add3A, %scan3A_11, %dma_start3A_22] : memref<32x80x128xi32, #tpu.memory_space<hbm>> -> memref<1x1x128xi32, #tpu.memory_space<hbm>>
        %dma_start3A_24 = tpu.memref_squeeze %dma_start3A_23 : memref<1x1x128xi32, #tpu.memory_space<hbm>> -> memref<128xi32, #tpu.memory_space<hbm>>
        %dma_start3A_25 = arith.constant 0 : i32
        %dma_start3A_26 = tpu.memref_slice %arg4[%add3A, %scan3A_11, %dma_start3A_25] : memref<32x80x128xi32, #tpu.memory_space<hbm>> -> memref<1x1x128xi32, #tpu.memory_space<hbm>>
        %dma_start3A_27 = tpu.memref_squeeze %dma_start3A_26 : memref<1x1x128xi32, #tpu.memory_space<hbm>> -> memref<128xi32, #tpu.memory_space<hbm>>
        tpu.enqueue_dma source(%dma_start3A_27 : memref<128xi32, #tpu.memory_space<hbm>>) target(%arg9 : memref<128xi32, #tpu.memory_space<vmem>>) target_semaphore(%run_scoped3A : memref<!tpu.dma_semaphore, #tpu.memory_space<semaphore_mem>>)
        %dma_wait3A_28 = arith.constant 0 : i32
        %dma_wait3A_29 = tpu.memref_slice %arg4[%add3A, %scan3A_11, %dma_wait3A_28] : memref<32x80x128xi32, #tpu.memory_space<hbm>> -> memref<1x1x128xi32, #tpu.memory_space<hbm>>
        %dma_wait3A_30 = tpu.memref_squeeze %dma_wait3A_29 : memref<1x1x128xi32, #tpu.memory_space<hbm>> -> memref<128xi32, #tpu.memory_space<hbm>>
        %dma_wait3A_31 = arith.constant 0 : i32
        %dma_wait3A_32 = tpu.memref_slice %arg4[%add3A, %scan3A_11, %dma_wait3A_31] : memref<32x80x128xi32, #tpu.memory_space<hbm>> -> memref<1x1x128xi32, #tpu.memory_space<hbm>>
        %dma_wait3A_33 = tpu.memref_squeeze %dma_wait3A_32 : memref<1x1x128xi32, #tpu.memory_space<hbm>> -> memref<128xi32, #tpu.memory_space<hbm>>
        tpu.wait_dma2 semaphore(%run_scoped3A : memref<!tpu.dma_semaphore, #tpu.memory_space<semaphore_mem>>) src(%dma_wait3A_33 : memref<128xi32, #tpu.memory_space<hbm>>) dst(%arg9 : memref<128xi32, #tpu.memory_space<vmem>>)
        tpu.yield
      }) : () -> ()
      "tpu.region"() ({
        %run_scoped3A = tpu.sem_alloc : memref<!tpu.dma_semaphore, #tpu.memory_space<semaphore_mem>>
        %dma_start3A_22 = arith.constant 0 : i32
        %dma_start3A_23 = tpu.memref_slice %arg3[%add3A, %scan3A_11, %dma_start3A_22] : memref<32x80x128xi32, #tpu.memory_space<hbm>> -> memref<1x1x128xi32, #tpu.memory_space<hbm>>
        %dma_start3A_24 = tpu.memref_squeeze %dma_start3A_23 : memref<1x1x128xi32, #tpu.memory_space<hbm>> -> memref<128xi32, #tpu.memory_space<hbm>>
        %dma_start3A_25 = arith.constant 0 : i32
        %dma_start3A_26 = tpu.memref_slice %arg3[%add3A, %scan3A_11, %dma_start3A_25] : memref<32x80x128xi32, #tpu.memory_space<hbm>> -> memref<1x1x128xi32, #tpu.memory_space<hbm>>
        %dma_start3A_27 = tpu.memref_squeeze %dma_start3A_26 : memref<1x1x128xi32, #tpu.memory_space<hbm>> -> memref<128xi32, #tpu.memory_space<hbm>>
        tpu.enqueue_dma source(%dma_start3A_27 : memref<128xi32, #tpu.memory_space<hbm>>) target(%arg8 : memref<128xi32, #tpu.memory_space<vmem>>) target_semaphore(%run_scoped3A : memref<!tpu.dma_semaphore, #tpu.memory_space<semaphore_mem>>)
        %dma_wait3A_28 = arith.constant 0 : i32
        %dma_wait3A_29 = tpu.memref_slice %arg3[%add3A, %scan3A_11, %dma_wait3A_28] : memref<32x80x128xi32, #tpu.memory_space<hbm>> -> memref<1x1x128xi32, #tpu.memory_space<hbm>>
        %dma_wait3A_30 = tpu.memref_squeeze %dma_wait3A_29 : memref<1x1x128xi32, #tpu.memory_space<hbm>> -> memref<128xi32, #tpu.memory_space<hbm>>
        %dma_wait3A_31 = arith.constant 0 : i32
        %dma_wait3A_32 = tpu.memref_slice %arg3[%add3A, %scan3A_11, %dma_wait3A_31] : memref<32x80x128xi32, #tpu.memory_space<hbm>> -> memref<1x1x128xi32, #tpu.memory_space<hbm>>
        %dma_wait3A_33 = tpu.memref_squeeze %dma_wait3A_32 : memref<1x1x128xi32, #tpu.memory_space<hbm>> -> memref<128xi32, #tpu.memory_space<hbm>>
        tpu.wait_dma2 semaphore(%run_scoped3A : memref<!tpu.dma_semaphore, #tpu.memory_space<semaphore_mem>>) src(%dma_wait3A_33 : memref<128xi32, #tpu.memory_space<hbm>>) dst(%arg8 : memref<128xi32, #tpu.memory_space<vmem>>)
        tpu.yield
      }) : () -> ()
      %dma_start3A = arith.constant 0 : i32
      %dma_start3A_12 = arith.constant 0 : i32
      %dma_start3A_13 = tpu.memref_slice %arg2[%dma_start3A, %dma_start3A_12] : memref<10000x128xf32, #tpu.memory_space<hbm>> -> memref<10000x128xf32, #tpu.memory_space<hbm>>
      tpu.enqueue_indirect_dma source(%dma_start3A_13 : memref<10000x128xf32, #tpu.memory_space<hbm>>) target(%arg10 : memref<128x128xf32, #tpu.memory_space<vmem>>) offsets(%arg9 : memref<128xi32, #tpu.memory_space<vmem>>) semaphore(%arg11 : memref<!tpu.dma_semaphore, #tpu.memory_space<semaphore_mem>>)
      %dma_wait3A = arith.constant 0 : i32
      %dma_wait3A_14 = arith.constant 0 : i32
      %dma_wait3A_15 = tpu.memref_slice %arg2[%dma_wait3A, %dma_wait3A_14] : memref<10000x128xf32, #tpu.memory_space<hbm>> -> memref<10000x128xf32, #tpu.memory_space<hbm>>
      tpu.wait_indirect_dma semaphore(%arg11 : memref<!tpu.dma_semaphore, #tpu.memory_space<semaphore_mem>>) src(%dma_wait3A_15 : memref<10000x128xf32, #tpu.memory_space<hbm>>) dst(%arg10 : memref<128x128xf32, #tpu.memory_space<vmem>>)
      %dma_start3A_16 = arith.constant 0 : i32
      %dma_start3A_17 = arith.constant 0 : i32
      %dma_start3A_18 = tpu.memref_slice %arg7[%dma_start3A_16, %dma_start3A_17] : memref<10240x128xf32, #tpu.memory_space<vmem_shared>> -> memref<10240x128xf32, #tpu.memory_space<vmem_shared>>
      tpu.enqueue_indirect_dma source(%arg10 : memref<128x128xf32, #tpu.memory_space<vmem>>) target(%dma_start3A_18 : memref<10240x128xf32, #tpu.memory_space<vmem_shared>>) offsets(%arg8 : memref<128xi32, #tpu.memory_space<vmem>>) semaphore(%arg12 : memref<!tpu.dma_semaphore, #tpu.memory_space<semaphore_mem>>) {add = true}
      %dma_wait3A_19 = arith.constant 0 : i32
      %dma_wait3A_20 = arith.constant 0 : i32
      %dma_wait3A_21 = tpu.memref_slice %arg7[%dma_wait3A_19, %dma_wait3A_20] : memref<10240x128xf32, #tpu.memory_space<vmem_shared>> -> memref<10240x128xf32, #tpu.memory_space<vmem_shared>>
      tpu.wait_indirect_dma semaphore(%arg12 : memref<!tpu.dma_semaphore, #tpu.memory_space<semaphore_mem>>) src(%arg10 : memref<128x128xf32, #tpu.memory_space<vmem>>) dst(%dma_wait3A_21 : memref<10240x128xf32, #tpu.memory_space<vmem_shared>>)
    }
    %scan3A_7 = arith.constant 80 : i32
    %barrier3A_8 = arith.constant 0 : index
    tpu.barrier barrier_id(%barrier3A_8)
    %mul3A_9 = arith.constant 640 : i32
    %mul3A_10 = arith.muli %arg1, %mul3A_9 : i32
    "tpu.region"() ({
      %run_scoped3A = tpu.sem_alloc : memref<!tpu.dma_semaphore, #tpu.memory_space<semaphore_mem>>
      %dma_start3A = arith.constant 0 : i32
      %dma_start3A_11 = tpu.memref_slice %arg6[%arg0, %mul3A_10, %dma_start3A] : memref<2x10240x128xf32, #tpu.memory_space<hbm>> -> memref<1x640x128xf32, #tpu.memory_space<hbm>>
      %dma_start3A_12 = tpu.memref_squeeze %dma_start3A_11 : memref<1x640x128xf32, #tpu.memory_space<hbm>> -> memref<640x128xf32, #tpu.memory_space<hbm>>
      %dma_start3A_13 = arith.constant 0 : i32
      %dma_start3A_14 = tpu.memref_slice %arg7[%mul3A_10, %dma_start3A_13] : memref<10240x128xf32, #tpu.memory_space<vmem_shared>> -> memref<640x128xf32, #tpu.memory_space<vmem_shared>>
      tpu.enqueue_dma source(%dma_start3A_14 : memref<640x128xf32, #tpu.memory_space<vmem_shared>>) target(%dma_start3A_12 : memref<640x128xf32, #tpu.memory_space<hbm>>) target_semaphore(%run_scoped3A : memref<!tpu.dma_semaphore, #tpu.memory_space<semaphore_mem>>)
      %dma_wait3A = arith.constant 0 : i32
      %dma_wait3A_15 = tpu.memref_slice %arg6[%arg0, %mul3A_10, %dma_wait3A] : memref<2x10240x128xf32, #tpu.memory_space<hbm>> -> memref<1x640x128xf32, #tpu.memory_space<hbm>>
      %dma_wait3A_16 = tpu.memref_squeeze %dma_wait3A_15 : memref<1x640x128xf32, #tpu.memory_space<hbm>> -> memref<640x128xf32, #tpu.memory_space<hbm>>
      %dma_wait3A_17 = arith.constant 0 : i32
      %dma_wait3A_18 = tpu.memref_slice %arg7[%mul3A_10, %dma_wait3A_17] : memref<10240x128xf32, #tpu.memory_space<vmem_shared>> -> memref<640x128xf32, #tpu.memory_space<vmem_shared>>
      tpu.wait_dma2 semaphore(%run_scoped3A : memref<!tpu.dma_semaphore, #tpu.memory_space<semaphore_mem>>) src(%dma_wait3A_18 : memref<640x128xf32, #tpu.memory_space<vmem_shared>>) dst(%dma_wait3A_16 : memref<640x128xf32, #tpu.memory_space<hbm>>)
      tpu.yield
    }) : () -> ()
    return
  }
}

#map = affine_map<(d0, d1) -> (0, 0)>
#map1 = affine_map<(d0, d1) -> (0, 0, 0)>
module attributes {stable_mosaic.version = 14 : i64} {
  func.func @_sc_prop_body(%arg0: i32, %arg1: i32, %arg2: memref<10000x128xf32, #tpu.memory_space<hbm>>, %arg3: memref<32x80x128xi32, #tpu.memory_space<hbm>>, %arg4: memref<32x80x128xi32, #tpu.memory_space<hbm>>, %arg5: memref<640x128xf32, #tpu.memory_space<hbm>>, %arg6: memref<2x10240x128xf32, #tpu.memory_space<hbm>>, %arg7: memref<10240x128xf32, #tpu.memory_space<vmem_shared>>, %arg8: memref<128xi32, #tpu.memory_space<vmem>>, %arg9: memref<128xi32, #tpu.memory_space<vmem>>, %arg10: memref<128x128xf32, #tpu.memory_space<vmem>>, %arg11: memref<!tpu.dma_semaphore, #tpu.memory_space<semaphore_mem>>, %arg12: memref<!tpu.dma_semaphore, #tpu.memory_space<semaphore_mem>>) attributes {dimension_semantics = [#tpu.dimension_semantics<core_parallel>, #tpu.dimension_semantics<subcore_parallel>], iteration_bounds = array<i64: 2, 16>, scalar_prefetch = 0 : i64, scratch_operands = 6 : i64, tpu.core_type = #tpu.core_type<sc_vector_subcore>, window_params = [{transform_indices = #map}, {transform_indices = #map1}, {transform_indices = #map1}, {transform_indices = #map}, {transform_indices = #map1}]} {
    %mul3A = arith.constant 2 : i32
    %mul3A_0 = arith.muli %arg1, %mul3A : i32
    %add3A = arith.addi %mul3A_0, %arg0 : i32
    %mul3A_1 = arith.constant 640 : i32
    %mul3A_2 = arith.muli %arg1, %mul3A_1 : i32
    "tpu.region"() ({
      %run_scoped3A = tpu.sem_alloc : memref<!tpu.dma_semaphore, #tpu.memory_space<semaphore_mem>>
      %dma_start3A = arith.constant 0 : i32
      %dma_start3A_11 = tpu.memref_slice %arg7[%mul3A_2, %dma_start3A] : memref<10240x128xf32, #tpu.memory_space<vmem_shared>> -> memref<640x128xf32, #tpu.memory_space<vmem_shared>>
      tpu.enqueue_dma source(%arg5 : memref<640x128xf32, #tpu.memory_space<hbm>>) target(%dma_start3A_11 : memref<640x128xf32, #tpu.memory_space<vmem_shared>>) target_semaphore(%run_scoped3A : memref<!tpu.dma_semaphore, #tpu.memory_space<semaphore_mem>>)
      %dma_wait3A = arith.constant 0 : i32
      %dma_wait3A_12 = tpu.memref_slice %arg7[%mul3A_2, %dma_wait3A] : memref<10240x128xf32, #tpu.memory_space<vmem_shared>> -> memref<640x128xf32, #tpu.memory_space<vmem_shared>>
      tpu.wait_dma2 semaphore(%run_scoped3A : memref<!tpu.dma_semaphore, #tpu.memory_space<semaphore_mem>>) src(%arg5 : memref<640x128xf32, #tpu.memory_space<hbm>>) dst(%dma_wait3A_12 : memref<640x128xf32, #tpu.memory_space<vmem_shared>>)
      tpu.yield
    }) : () -> ()
    %barrier3A = arith.constant 0 : index
    tpu.barrier barrier_id(%barrier3A)
    %scan3A = arith.constant 0 : i32
    %scan3A_3 = arith.constant 0 : i32
    %scan3A_4 = arith.constant 80 : i32
    %scan3A_5 = arith.addi %scan3A_3, %scan3A_4 : i32
    %scan3A_6 = arith.constant 1 : i32
    scf.for %scan3A_11 = %scan3A_3 to %scan3A_5 step %scan3A_6  : i32 {
      "tpu.region"() ({
        %run_scoped3A = tpu.sem_alloc : memref<!tpu.dma_semaphore, #tpu.memory_space<semaphore_mem>>
        %dma_start3A_22 = arith.constant 0 : i32
        %dma_start3A_23 = tpu.memref_slice %arg4[%add3A, %scan3A_11, %dma_start3A_22] : memref<32x80x128xi32, #tpu.memory_space<hbm>> -> memref<1x1x128xi32, #tpu.memory_space<hbm>>
        %dma_start3A_24 = tpu.memref_squeeze %dma_start3A_23 : memref<1x1x128xi32, #tpu.memory_space<hbm>> -> memref<128xi32, #tpu.memory_space<hbm>>
        %dma_start3A_25 = arith.constant 0 : i32
        %dma_start3A_26 = tpu.memref_slice %arg4[%add3A, %scan3A_11, %dma_start3A_25] : memref<32x80x128xi32, #tpu.memory_space<hbm>> -> memref<1x1x128xi32, #tpu.memory_space<hbm>>
        %dma_start3A_27 = tpu.memref_squeeze %dma_start3A_26 : memref<1x1x128xi32, #tpu.memory_space<hbm>> -> memref<128xi32, #tpu.memory_space<hbm>>
        tpu.enqueue_dma source(%dma_start3A_27 : memref<128xi32, #tpu.memory_space<hbm>>) target(%arg9 : memref<128xi32, #tpu.memory_space<vmem>>) target_semaphore(%run_scoped3A : memref<!tpu.dma_semaphore, #tpu.memory_space<semaphore_mem>>)
        %dma_wait3A_28 = arith.constant 0 : i32
        %dma_wait3A_29 = tpu.memref_slice %arg4[%add3A, %scan3A_11, %dma_wait3A_28] : memref<32x80x128xi32, #tpu.memory_space<hbm>> -> memref<1x1x128xi32, #tpu.memory_space<hbm>>
        %dma_wait3A_30 = tpu.memref_squeeze %dma_wait3A_29 : memref<1x1x128xi32, #tpu.memory_space<hbm>> -> memref<128xi32, #tpu.memory_space<hbm>>
        %dma_wait3A_31 = arith.constant 0 : i32
        %dma_wait3A_32 = tpu.memref_slice %arg4[%add3A, %scan3A_11, %dma_wait3A_31] : memref<32x80x128xi32, #tpu.memory_space<hbm>> -> memref<1x1x128xi32, #tpu.memory_space<hbm>>
        %dma_wait3A_33 = tpu.memref_squeeze %dma_wait3A_32 : memref<1x1x128xi32, #tpu.memory_space<hbm>> -> memref<128xi32, #tpu.memory_space<hbm>>
        tpu.wait_dma2 semaphore(%run_scoped3A : memref<!tpu.dma_semaphore, #tpu.memory_space<semaphore_mem>>) src(%dma_wait3A_33 : memref<128xi32, #tpu.memory_space<hbm>>) dst(%arg9 : memref<128xi32, #tpu.memory_space<vmem>>)
        tpu.yield
      }) : () -> ()
      "tpu.region"() ({
        %run_scoped3A = tpu.sem_alloc : memref<!tpu.dma_semaphore, #tpu.memory_space<semaphore_mem>>
        %dma_start3A_22 = arith.constant 0 : i32
        %dma_start3A_23 = tpu.memref_slice %arg3[%add3A, %scan3A_11, %dma_start3A_22] : memref<32x80x128xi32, #tpu.memory_space<hbm>> -> memref<1x1x128xi32, #tpu.memory_space<hbm>>
        %dma_start3A_24 = tpu.memref_squeeze %dma_start3A_23 : memref<1x1x128xi32, #tpu.memory_space<hbm>> -> memref<128xi32, #tpu.memory_space<hbm>>
        %dma_start3A_25 = arith.constant 0 : i32
        %dma_start3A_26 = tpu.memref_slice %arg3[%add3A, %scan3A_11, %dma_start3A_25] : memref<32x80x128xi32, #tpu.memory_space<hbm>> -> memref<1x1x128xi32, #tpu.memory_space<hbm>>
        %dma_start3A_27 = tpu.memref_squeeze %dma_start3A_26 : memref<1x1x128xi32, #tpu.memory_space<hbm>> -> memref<128xi32, #tpu.memory_space<hbm>>
        tpu.enqueue_dma source(%dma_start3A_27 : memref<128xi32, #tpu.memory_space<hbm>>) target(%arg8 : memref<128xi32, #tpu.memory_space<vmem>>) target_semaphore(%run_scoped3A : memref<!tpu.dma_semaphore, #tpu.memory_space<semaphore_mem>>)
        %dma_wait3A_28 = arith.constant 0 : i32
        %dma_wait3A_29 = tpu.memref_slice %arg3[%add3A, %scan3A_11, %dma_wait3A_28] : memref<32x80x128xi32, #tpu.memory_space<hbm>> -> memref<1x1x128xi32, #tpu.memory_space<hbm>>
        %dma_wait3A_30 = tpu.memref_squeeze %dma_wait3A_29 : memref<1x1x128xi32, #tpu.memory_space<hbm>> -> memref<128xi32, #tpu.memory_space<hbm>>
        %dma_wait3A_31 = arith.constant 0 : i32
        %dma_wait3A_32 = tpu.memref_slice %arg3[%add3A, %scan3A_11, %dma_wait3A_31] : memref<32x80x128xi32, #tpu.memory_space<hbm>> -> memref<1x1x128xi32, #tpu.memory_space<hbm>>
        %dma_wait3A_33 = tpu.memref_squeeze %dma_wait3A_32 : memref<1x1x128xi32, #tpu.memory_space<hbm>> -> memref<128xi32, #tpu.memory_space<hbm>>
        tpu.wait_dma2 semaphore(%run_scoped3A : memref<!tpu.dma_semaphore, #tpu.memory_space<semaphore_mem>>) src(%dma_wait3A_33 : memref<128xi32, #tpu.memory_space<hbm>>) dst(%arg8 : memref<128xi32, #tpu.memory_space<vmem>>)
        tpu.yield
      }) : () -> ()
      %dma_start3A = arith.constant 0 : i32
      %dma_start3A_12 = arith.constant 0 : i32
      %dma_start3A_13 = tpu.memref_slice %arg2[%dma_start3A, %dma_start3A_12] : memref<10000x128xf32, #tpu.memory_space<hbm>> -> memref<10000x128xf32, #tpu.memory_space<hbm>>
      tpu.enqueue_indirect_dma source(%dma_start3A_13 : memref<10000x128xf32, #tpu.memory_space<hbm>>) target(%arg10 : memref<128x128xf32, #tpu.memory_space<vmem>>) offsets(%arg9 : memref<128xi32, #tpu.memory_space<vmem>>) semaphore(%arg11 : memref<!tpu.dma_semaphore, #tpu.memory_space<semaphore_mem>>)
      %dma_wait3A = arith.constant 0 : i32
      %dma_wait3A_14 = arith.constant 0 : i32
      %dma_wait3A_15 = tpu.memref_slice %arg2[%dma_wait3A, %dma_wait3A_14] : memref<10000x128xf32, #tpu.memory_space<hbm>> -> memref<10000x128xf32, #tpu.memory_space<hbm>>
      tpu.wait_indirect_dma semaphore(%arg11 : memref<!tpu.dma_semaphore, #tpu.memory_space<semaphore_mem>>) src(%dma_wait3A_15 : memref<10000x128xf32, #tpu.memory_space<hbm>>) dst(%arg10 : memref<128x128xf32, #tpu.memory_space<vmem>>)
      %dma_start3A_16 = arith.constant 0 : i32
      %dma_start3A_17 = arith.constant 0 : i32
      %dma_start3A_18 = tpu.memref_slice %arg7[%dma_start3A_16, %dma_start3A_17] : memref<10240x128xf32, #tpu.memory_space<vmem_shared>> -> memref<10240x128xf32, #tpu.memory_space<vmem_shared>>
      tpu.enqueue_indirect_dma source(%arg10 : memref<128x128xf32, #tpu.memory_space<vmem>>) target(%dma_start3A_18 : memref<10240x128xf32, #tpu.memory_space<vmem_shared>>) offsets(%arg8 : memref<128xi32, #tpu.memory_space<vmem>>) semaphore(%arg12 : memref<!tpu.dma_semaphore, #tpu.memory_space<semaphore_mem>>) {add = true}
      %dma_wait3A_19 = arith.constant 0 : i32
      %dma_wait3A_20 = arith.constant 0 : i32
      %dma_wait3A_21 = tpu.memref_slice %arg7[%dma_wait3A_19, %dma_wait3A_20] : memref<10240x128xf32, #tpu.memory_space<vmem_shared>> -> memref<10240x128xf32, #tpu.memory_space<vmem_shared>>
      tpu.wait_indirect_dma semaphore(%arg12 : memref<!tpu.dma_semaphore, #tpu.memory_space<semaphore_mem>>) src(%arg10 : memref<128x128xf32, #tpu.memory_space<vmem>>) dst(%dma_wait3A_21 : memref<10240x128xf32, #tpu.memory_space<vmem_shared>>)
    }
    %scan3A_7 = arith.constant 80 : i32
    %barrier3A_8 = arith.constant 0 : index
    tpu.barrier barrier_id(%barrier3A_8)
    %mul3A_9 = arith.constant 640 : i32
    %mul3A_10 = arith.muli %arg1, %mul3A_9 : i32
    "tpu.region"() ({
      %run_scoped3A = tpu.sem_alloc : memref<!tpu.dma_semaphore, #tpu.memory_space<semaphore_mem>>
      %dma_start3A = arith.constant 0 : i32
      %dma_start3A_11 = tpu.memref_slice %arg6[%arg0, %mul3A_10, %dma_start3A] : memref<2x10240x128xf32, #tpu.memory_space<hbm>> -> memref<1x640x128xf32, #tpu.memory_space<hbm>>
      %dma_start3A_12 = tpu.memref_squeeze %dma_start3A_11 : memref<1x640x128xf32, #tpu.memory_space<hbm>> -> memref<640x128xf32, #tpu.memory_space<hbm>>
      %dma_start3A_13 = arith.constant 0 : i32
      %dma_start3A_14 = tpu.memref_slice %arg7[%mul3A_10, %dma_start3A_13] : memref<10240x128xf32, #tpu.memory_space<vmem_shared>> -> memref<640x128xf32, #tpu.memory_space<vmem_shared>>
      tpu.enqueue_dma source(%dma_start3A_14 : memref<640x128xf32, #tpu.memory_space<vmem_shared>>) target(%dma_start3A_12 : memref<640x128xf32, #tpu.memory_space<hbm>>) target_semaphore(%run_scoped3A : memref<!tpu.dma_semaphore, #tpu.memory_space<semaphore_mem>>)
      %dma_wait3A = arith.constant 0 : i32
      %dma_wait3A_15 = tpu.memref_slice %arg6[%arg0, %mul3A_10, %dma_wait3A] : memref<2x10240x128xf32, #tpu.memory_space<hbm>> -> memref<1x640x128xf32, #tpu.memory_space<hbm>>
      %dma_wait3A_16 = tpu.memref_squeeze %dma_wait3A_15 : memref<1x640x128xf32, #tpu.memory_space<hbm>> -> memref<640x128xf32, #tpu.memory_space<hbm>>
      %dma_wait3A_17 = arith.constant 0 : i32
      %dma_wait3A_18 = tpu.memref_slice %arg7[%mul3A_10, %dma_wait3A_17] : memref<10240x128xf32, #tpu.memory_space<vmem_shared>> -> memref<640x128xf32, #tpu.memory_space<vmem_shared>>
      tpu.wait_dma2 semaphore(%run_scoped3A : memref<!tpu.dma_semaphore, #tpu.memory_space<semaphore_mem>>) src(%dma_wait3A_18 : memref<640x128xf32, #tpu.memory_space<vmem_shared>>) dst(%dma_wait3A_16 : memref<640x128xf32, #tpu.memory_space<hbm>>)
      tpu.yield
    }) : () -> ()
    return
  }
}

#map = affine_map<(d0, d1) -> (0, 0)>
#map1 = affine_map<(d0, d1) -> (0, 0, 0)>
module attributes {stable_mosaic.version = 14 : i64} {
  func.func @_sc_prop_body(%arg0: i32, %arg1: i32, %arg2: memref<10000x128xf32, #tpu.memory_space<hbm>>, %arg3: memref<32x80x128xi32, #tpu.memory_space<hbm>>, %arg4: memref<32x80x128xi32, #tpu.memory_space<hbm>>, %arg5: memref<640x128xf32, #tpu.memory_space<hbm>>, %arg6: memref<2x10240x128xf32, #tpu.memory_space<hbm>>, %arg7: memref<10240x128xf32, #tpu.memory_space<vmem_shared>>, %arg8: memref<128xi32, #tpu.memory_space<vmem>>, %arg9: memref<128xi32, #tpu.memory_space<vmem>>, %arg10: memref<128x128xf32, #tpu.memory_space<vmem>>, %arg11: memref<!tpu.dma_semaphore, #tpu.memory_space<semaphore_mem>>, %arg12: memref<!tpu.dma_semaphore, #tpu.memory_space<semaphore_mem>>) attributes {dimension_semantics = [#tpu.dimension_semantics<core_parallel>, #tpu.dimension_semantics<subcore_parallel>], iteration_bounds = array<i64: 2, 16>, scalar_prefetch = 0 : i64, scratch_operands = 6 : i64, tpu.core_type = #tpu.core_type<sc_vector_subcore>, window_params = [{transform_indices = #map}, {transform_indices = #map1}, {transform_indices = #map1}, {transform_indices = #map}, {transform_indices = #map1}]} {
    %mul3A = arith.constant 2 : i32
    %mul3A_0 = arith.muli %arg1, %mul3A : i32
    %add3A = arith.addi %mul3A_0, %arg0 : i32
    %mul3A_1 = arith.constant 640 : i32
    %mul3A_2 = arith.muli %arg1, %mul3A_1 : i32
    "tpu.region"() ({
      %run_scoped3A = tpu.sem_alloc : memref<!tpu.dma_semaphore, #tpu.memory_space<semaphore_mem>>
      %dma_start3A = arith.constant 0 : i32
      %dma_start3A_11 = tpu.memref_slice %arg7[%mul3A_2, %dma_start3A] : memref<10240x128xf32, #tpu.memory_space<vmem_shared>> -> memref<640x128xf32, #tpu.memory_space<vmem_shared>>
      tpu.enqueue_dma source(%arg5 : memref<640x128xf32, #tpu.memory_space<hbm>>) target(%dma_start3A_11 : memref<640x128xf32, #tpu.memory_space<vmem_shared>>) target_semaphore(%run_scoped3A : memref<!tpu.dma_semaphore, #tpu.memory_space<semaphore_mem>>)
      %dma_wait3A = arith.constant 0 : i32
      %dma_wait3A_12 = tpu.memref_slice %arg7[%mul3A_2, %dma_wait3A] : memref<10240x128xf32, #tpu.memory_space<vmem_shared>> -> memref<640x128xf32, #tpu.memory_space<vmem_shared>>
      tpu.wait_dma2 semaphore(%run_scoped3A : memref<!tpu.dma_semaphore, #tpu.memory_space<semaphore_mem>>) src(%arg5 : memref<640x128xf32, #tpu.memory_space<hbm>>) dst(%dma_wait3A_12 : memref<640x128xf32, #tpu.memory_space<vmem_shared>>)
      tpu.yield
    }) : () -> ()
    %barrier3A = arith.constant 0 : index
    tpu.barrier barrier_id(%barrier3A)
    %scan3A = arith.constant 0 : i32
    %scan3A_3 = arith.constant 0 : i32
    %scan3A_4 = arith.constant 80 : i32
    %scan3A_5 = arith.addi %scan3A_3, %scan3A_4 : i32
    %scan3A_6 = arith.constant 1 : i32
    scf.for %scan3A_11 = %scan3A_3 to %scan3A_5 step %scan3A_6  : i32 {
      "tpu.region"() ({
        %run_scoped3A = tpu.sem_alloc : memref<!tpu.dma_semaphore, #tpu.memory_space<semaphore_mem>>
        %dma_start3A_22 = arith.constant 0 : i32
        %dma_start3A_23 = tpu.memref_slice %arg4[%add3A, %scan3A_11, %dma_start3A_22] : memref<32x80x128xi32, #tpu.memory_space<hbm>> -> memref<1x1x128xi32, #tpu.memory_space<hbm>>
        %dma_start3A_24 = tpu.memref_squeeze %dma_start3A_23 : memref<1x1x128xi32, #tpu.memory_space<hbm>> -> memref<128xi32, #tpu.memory_space<hbm>>
        %dma_start3A_25 = arith.constant 0 : i32
        %dma_start3A_26 = tpu.memref_slice %arg4[%add3A, %scan3A_11, %dma_start3A_25] : memref<32x80x128xi32, #tpu.memory_space<hbm>> -> memref<1x1x128xi32, #tpu.memory_space<hbm>>
        %dma_start3A_27 = tpu.memref_squeeze %dma_start3A_26 : memref<1x1x128xi32, #tpu.memory_space<hbm>> -> memref<128xi32, #tpu.memory_space<hbm>>
        tpu.enqueue_dma source(%dma_start3A_27 : memref<128xi32, #tpu.memory_space<hbm>>) target(%arg9 : memref<128xi32, #tpu.memory_space<vmem>>) target_semaphore(%run_scoped3A : memref<!tpu.dma_semaphore, #tpu.memory_space<semaphore_mem>>)
        %dma_wait3A_28 = arith.constant 0 : i32
        %dma_wait3A_29 = tpu.memref_slice %arg4[%add3A, %scan3A_11, %dma_wait3A_28] : memref<32x80x128xi32, #tpu.memory_space<hbm>> -> memref<1x1x128xi32, #tpu.memory_space<hbm>>
        %dma_wait3A_30 = tpu.memref_squeeze %dma_wait3A_29 : memref<1x1x128xi32, #tpu.memory_space<hbm>> -> memref<128xi32, #tpu.memory_space<hbm>>
        %dma_wait3A_31 = arith.constant 0 : i32
        %dma_wait3A_32 = tpu.memref_slice %arg4[%add3A, %scan3A_11, %dma_wait3A_31] : memref<32x80x128xi32, #tpu.memory_space<hbm>> -> memref<1x1x128xi32, #tpu.memory_space<hbm>>
        %dma_wait3A_33 = tpu.memref_squeeze %dma_wait3A_32 : memref<1x1x128xi32, #tpu.memory_space<hbm>> -> memref<128xi32, #tpu.memory_space<hbm>>
        tpu.wait_dma2 semaphore(%run_scoped3A : memref<!tpu.dma_semaphore, #tpu.memory_space<semaphore_mem>>) src(%dma_wait3A_33 : memref<128xi32, #tpu.memory_space<hbm>>) dst(%arg9 : memref<128xi32, #tpu.memory_space<vmem>>)
        tpu.yield
      }) : () -> ()
      "tpu.region"() ({
        %run_scoped3A = tpu.sem_alloc : memref<!tpu.dma_semaphore, #tpu.memory_space<semaphore_mem>>
        %dma_start3A_22 = arith.constant 0 : i32
        %dma_start3A_23 = tpu.memref_slice %arg3[%add3A, %scan3A_11, %dma_start3A_22] : memref<32x80x128xi32, #tpu.memory_space<hbm>> -> memref<1x1x128xi32, #tpu.memory_space<hbm>>
        %dma_start3A_24 = tpu.memref_squeeze %dma_start3A_23 : memref<1x1x128xi32, #tpu.memory_space<hbm>> -> memref<128xi32, #tpu.memory_space<hbm>>
        %dma_start3A_25 = arith.constant 0 : i32
        %dma_start3A_26 = tpu.memref_slice %arg3[%add3A, %scan3A_11, %dma_start3A_25] : memref<32x80x128xi32, #tpu.memory_space<hbm>> -> memref<1x1x128xi32, #tpu.memory_space<hbm>>
        %dma_start3A_27 = tpu.memref_squeeze %dma_start3A_26 : memref<1x1x128xi32, #tpu.memory_space<hbm>> -> memref<128xi32, #tpu.memory_space<hbm>>
        tpu.enqueue_dma source(%dma_start3A_27 : memref<128xi32, #tpu.memory_space<hbm>>) target(%arg8 : memref<128xi32, #tpu.memory_space<vmem>>) target_semaphore(%run_scoped3A : memref<!tpu.dma_semaphore, #tpu.memory_space<semaphore_mem>>)
        %dma_wait3A_28 = arith.constant 0 : i32
        %dma_wait3A_29 = tpu.memref_slice %arg3[%add3A, %scan3A_11, %dma_wait3A_28] : memref<32x80x128xi32, #tpu.memory_space<hbm>> -> memref<1x1x128xi32, #tpu.memory_space<hbm>>
        %dma_wait3A_30 = tpu.memref_squeeze %dma_wait3A_29 : memref<1x1x128xi32, #tpu.memory_space<hbm>> -> memref<128xi32, #tpu.memory_space<hbm>>
        %dma_wait3A_31 = arith.constant 0 : i32
        %dma_wait3A_32 = tpu.memref_slice %arg3[%add3A, %scan3A_11, %dma_wait3A_31] : memref<32x80x128xi32, #tpu.memory_space<hbm>> -> memref<1x1x128xi32, #tpu.memory_space<hbm>>
        %dma_wait3A_33 = tpu.memref_squeeze %dma_wait3A_32 : memref<1x1x128xi32, #tpu.memory_space<hbm>> -> memref<128xi32, #tpu.memory_space<hbm>>
        tpu.wait_dma2 semaphore(%run_scoped3A : memref<!tpu.dma_semaphore, #tpu.memory_space<semaphore_mem>>) src(%dma_wait3A_33 : memref<128xi32, #tpu.memory_space<hbm>>) dst(%arg8 : memref<128xi32, #tpu.memory_space<vmem>>)
        tpu.yield
      }) : () -> ()
      %dma_start3A = arith.constant 0 : i32
      %dma_start3A_12 = arith.constant 0 : i32
      %dma_start3A_13 = tpu.memref_slice %arg2[%dma_start3A, %dma_start3A_12] : memref<10000x128xf32, #tpu.memory_space<hbm>> -> memref<10000x128xf32, #tpu.memory_space<hbm>>
      tpu.enqueue_indirect_dma source(%dma_start3A_13 : memref<10000x128xf32, #tpu.memory_space<hbm>>) target(%arg10 : memref<128x128xf32, #tpu.memory_space<vmem>>) offsets(%arg9 : memref<128xi32, #tpu.memory_space<vmem>>) semaphore(%arg11 : memref<!tpu.dma_semaphore, #tpu.memory_space<semaphore_mem>>)
      %dma_wait3A = arith.constant 0 : i32
      %dma_wait3A_14 = arith.constant 0 : i32
      %dma_wait3A_15 = tpu.memref_slice %arg2[%dma_wait3A, %dma_wait3A_14] : memref<10000x128xf32, #tpu.memory_space<hbm>> -> memref<10000x128xf32, #tpu.memory_space<hbm>>
      tpu.wait_indirect_dma semaphore(%arg11 : memref<!tpu.dma_semaphore, #tpu.memory_space<semaphore_mem>>) src(%dma_wait3A_15 : memref<10000x128xf32, #tpu.memory_space<hbm>>) dst(%arg10 : memref<128x128xf32, #tpu.memory_space<vmem>>)
      %dma_start3A_16 = arith.constant 0 : i32
      %dma_start3A_17 = arith.constant 0 : i32
      %dma_start3A_18 = tpu.memref_slice %arg7[%dma_start3A_16, %dma_start3A_17] : memref<10240x128xf32, #tpu.memory_space<vmem_shared>> -> memref<10240x128xf32, #tpu.memory_space<vmem_shared>>
      tpu.enqueue_indirect_dma source(%arg10 : memref<128x128xf32, #tpu.memory_space<vmem>>) target(%dma_start3A_18 : memref<10240x128xf32, #tpu.memory_space<vmem_shared>>) offsets(%arg8 : memref<128xi32, #tpu.memory_space<vmem>>) semaphore(%arg12 : memref<!tpu.dma_semaphore, #tpu.memory_space<semaphore_mem>>) {add = true}
      %dma_wait3A_19 = arith.constant 0 : i32
      %dma_wait3A_20 = arith.constant 0 : i32
      %dma_wait3A_21 = tpu.memref_slice %arg7[%dma_wait3A_19, %dma_wait3A_20] : memref<10240x128xf32, #tpu.memory_space<vmem_shared>> -> memref<10240x128xf32, #tpu.memory_space<vmem_shared>>
      tpu.wait_indirect_dma semaphore(%arg12 : memref<!tpu.dma_semaphore, #tpu.memory_space<semaphore_mem>>) src(%arg10 : memref<128x128xf32, #tpu.memory_space<vmem>>) dst(%dma_wait3A_21 : memref<10240x128xf32, #tpu.memory_space<vmem_shared>>)
    }
    %scan3A_7 = arith.constant 80 : i32
    %barrier3A_8 = arith.constant 0 : index
    tpu.barrier barrier_id(%barrier3A_8)
    %mul3A_9 = arith.constant 640 : i32
    %mul3A_10 = arith.muli %arg1, %mul3A_9 : i32
    "tpu.region"() ({
      %run_scoped3A = tpu.sem_alloc : memref<!tpu.dma_semaphore, #tpu.memory_space<semaphore_mem>>
      %dma_start3A = arith.constant 0 : i32
      %dma_start3A_11 = tpu.memref_slice %arg6[%arg0, %mul3A_10, %dma_start3A] : memref<2x10240x128xf32, #tpu.memory_space<hbm>> -> memref<1x640x128xf32, #tpu.memory_space<hbm>>
      %dma_start3A_12 = tpu.memref_squeeze %dma_start3A_11 : memref<1x640x128xf32, #tpu.memory_space<hbm>> -> memref<640x128xf32, #tpu.memory_space<hbm>>
      %dma_start3A_13 = arith.constant 0 : i32
      %dma_start3A_14 = tpu.memref_slice %arg7[%mul3A_10, %dma_start3A_13] : memref<10240x128xf32, #tpu.memory_space<vmem_shared>> -> memref<640x128xf32, #tpu.memory_space<vmem_shared>>
      tpu.enqueue_dma source(%dma_start3A_14 : memref<640x128xf32, #tpu.memory_space<vmem_shared>>) target(%dma_start3A_12 : memref<640x128xf32, #tpu.memory_space<hbm>>) target_semaphore(%run_scoped3A : memref<!tpu.dma_semaphore, #tpu.memory_space<semaphore_mem>>)
      %dma_wait3A = arith.constant 0 : i32
      %dma_wait3A_15 = tpu.memref_slice %arg6[%arg0, %mul3A_10, %dma_wait3A] : memref<2x10240x128xf32, #tpu.memory_space<hbm>> -> memref<1x640x128xf32, #tpu.memory_space<hbm>>
      %dma_wait3A_16 = tpu.memref_squeeze %dma_wait3A_15 : memref<1x640x128xf32, #tpu.memory_space<hbm>> -> memref<640x128xf32, #tpu.memory_space<hbm>>
      %dma_wait3A_17 = arith.constant 0 : i32
      %dma_wait3A_18 = tpu.memref_slice %arg7[%mul3A_10, %dma_wait3A_17] : memref<10240x128xf32, #tpu.memory_space<vmem_shared>> -> memref<640x128xf32, #tpu.memory_space<vmem_shared>>
      tpu.wait_dma2 semaphore(%run_scoped3A : memref<!tpu.dma_semaphore, #tpu.memory_space<semaphore_mem>>) src(%dma_wait3A_18 : memref<640x128xf32, #tpu.memory_space<vmem_shared>>) dst(%dma_wait3A_16 : memref<640x128xf32, #tpu.memory_space<hbm>>)
      tpu.yield
    }) : () -> ()
    return
  }
}

#map = affine_map<(d0, d1) -> (0, 0)>
#map1 = affine_map<(d0, d1) -> (0, 0, 0)>
module attributes {stable_mosaic.version = 14 : i64} {
  func.func @_sc_prop_body(%arg0: i32, %arg1: i32, %arg2: memref<10000x128xf32, #tpu.memory_space<hbm>>, %arg3: memref<32x80x128xi32, #tpu.memory_space<hbm>>, %arg4: memref<32x80x128xi32, #tpu.memory_space<hbm>>, %arg5: memref<640x128xf32, #tpu.memory_space<hbm>>, %arg6: memref<2x10240x128xf32, #tpu.memory_space<hbm>>, %arg7: memref<10240x128xf32, #tpu.memory_space<vmem_shared>>, %arg8: memref<128xi32, #tpu.memory_space<vmem>>, %arg9: memref<128xi32, #tpu.memory_space<vmem>>, %arg10: memref<128x128xf32, #tpu.memory_space<vmem>>, %arg11: memref<!tpu.dma_semaphore, #tpu.memory_space<semaphore_mem>>, %arg12: memref<!tpu.dma_semaphore, #tpu.memory_space<semaphore_mem>>) attributes {dimension_semantics = [#tpu.dimension_semantics<core_parallel>, #tpu.dimension_semantics<subcore_parallel>], iteration_bounds = array<i64: 2, 16>, scalar_prefetch = 0 : i64, scratch_operands = 6 : i64, tpu.core_type = #tpu.core_type<sc_vector_subcore>, window_params = [{transform_indices = #map}, {transform_indices = #map1}, {transform_indices = #map1}, {transform_indices = #map}, {transform_indices = #map1}]} {
    %mul3A = arith.constant 2 : i32
    %mul3A_0 = arith.muli %arg1, %mul3A : i32
    %add3A = arith.addi %mul3A_0, %arg0 : i32
    %mul3A_1 = arith.constant 640 : i32
    %mul3A_2 = arith.muli %arg1, %mul3A_1 : i32
    "tpu.region"() ({
      %run_scoped3A = tpu.sem_alloc : memref<!tpu.dma_semaphore, #tpu.memory_space<semaphore_mem>>
      %dma_start3A = arith.constant 0 : i32
      %dma_start3A_11 = tpu.memref_slice %arg7[%mul3A_2, %dma_start3A] : memref<10240x128xf32, #tpu.memory_space<vmem_shared>> -> memref<640x128xf32, #tpu.memory_space<vmem_shared>>
      tpu.enqueue_dma source(%arg5 : memref<640x128xf32, #tpu.memory_space<hbm>>) target(%dma_start3A_11 : memref<640x128xf32, #tpu.memory_space<vmem_shared>>) target_semaphore(%run_scoped3A : memref<!tpu.dma_semaphore, #tpu.memory_space<semaphore_mem>>)
      %dma_wait3A = arith.constant 0 : i32
      %dma_wait3A_12 = tpu.memref_slice %arg7[%mul3A_2, %dma_wait3A] : memref<10240x128xf32, #tpu.memory_space<vmem_shared>> -> memref<640x128xf32, #tpu.memory_space<vmem_shared>>
      tpu.wait_dma2 semaphore(%run_scoped3A : memref<!tpu.dma_semaphore, #tpu.memory_space<semaphore_mem>>) src(%arg5 : memref<640x128xf32, #tpu.memory_space<hbm>>) dst(%dma_wait3A_12 : memref<640x128xf32, #tpu.memory_space<vmem_shared>>)
      tpu.yield
    }) : () -> ()
    %barrier3A = arith.constant 0 : index
    tpu.barrier barrier_id(%barrier3A)
    %scan3A = arith.constant 0 : i32
    %scan3A_3 = arith.constant 0 : i32
    %scan3A_4 = arith.constant 80 : i32
    %scan3A_5 = arith.addi %scan3A_3, %scan3A_4 : i32
    %scan3A_6 = arith.constant 1 : i32
    scf.for %scan3A_11 = %scan3A_3 to %scan3A_5 step %scan3A_6  : i32 {
      "tpu.region"() ({
        %run_scoped3A = tpu.sem_alloc : memref<!tpu.dma_semaphore, #tpu.memory_space<semaphore_mem>>
        %dma_start3A_22 = arith.constant 0 : i32
        %dma_start3A_23 = tpu.memref_slice %arg4[%add3A, %scan3A_11, %dma_start3A_22] : memref<32x80x128xi32, #tpu.memory_space<hbm>> -> memref<1x1x128xi32, #tpu.memory_space<hbm>>
        %dma_start3A_24 = tpu.memref_squeeze %dma_start3A_23 : memref<1x1x128xi32, #tpu.memory_space<hbm>> -> memref<128xi32, #tpu.memory_space<hbm>>
        %dma_start3A_25 = arith.constant 0 : i32
        %dma_start3A_26 = tpu.memref_slice %arg4[%add3A, %scan3A_11, %dma_start3A_25] : memref<32x80x128xi32, #tpu.memory_space<hbm>> -> memref<1x1x128xi32, #tpu.memory_space<hbm>>
        %dma_start3A_27 = tpu.memref_squeeze %dma_start3A_26 : memref<1x1x128xi32, #tpu.memory_space<hbm>> -> memref<128xi32, #tpu.memory_space<hbm>>
        tpu.enqueue_dma source(%dma_start3A_27 : memref<128xi32, #tpu.memory_space<hbm>>) target(%arg9 : memref<128xi32, #tpu.memory_space<vmem>>) target_semaphore(%run_scoped3A : memref<!tpu.dma_semaphore, #tpu.memory_space<semaphore_mem>>)
        %dma_wait3A_28 = arith.constant 0 : i32
        %dma_wait3A_29 = tpu.memref_slice %arg4[%add3A, %scan3A_11, %dma_wait3A_28] : memref<32x80x128xi32, #tpu.memory_space<hbm>> -> memref<1x1x128xi32, #tpu.memory_space<hbm>>
        %dma_wait3A_30 = tpu.memref_squeeze %dma_wait3A_29 : memref<1x1x128xi32, #tpu.memory_space<hbm>> -> memref<128xi32, #tpu.memory_space<hbm>>
        %dma_wait3A_31 = arith.constant 0 : i32
        %dma_wait3A_32 = tpu.memref_slice %arg4[%add3A, %scan3A_11, %dma_wait3A_31] : memref<32x80x128xi32, #tpu.memory_space<hbm>> -> memref<1x1x128xi32, #tpu.memory_space<hbm>>
        %dma_wait3A_33 = tpu.memref_squeeze %dma_wait3A_32 : memref<1x1x128xi32, #tpu.memory_space<hbm>> -> memref<128xi32, #tpu.memory_space<hbm>>
        tpu.wait_dma2 semaphore(%run_scoped3A : memref<!tpu.dma_semaphore, #tpu.memory_space<semaphore_mem>>) src(%dma_wait3A_33 : memref<128xi32, #tpu.memory_space<hbm>>) dst(%arg9 : memref<128xi32, #tpu.memory_space<vmem>>)
        tpu.yield
      }) : () -> ()
      "tpu.region"() ({
        %run_scoped3A = tpu.sem_alloc : memref<!tpu.dma_semaphore, #tpu.memory_space<semaphore_mem>>
        %dma_start3A_22 = arith.constant 0 : i32
        %dma_start3A_23 = tpu.memref_slice %arg3[%add3A, %scan3A_11, %dma_start3A_22] : memref<32x80x128xi32, #tpu.memory_space<hbm>> -> memref<1x1x128xi32, #tpu.memory_space<hbm>>
        %dma_start3A_24 = tpu.memref_squeeze %dma_start3A_23 : memref<1x1x128xi32, #tpu.memory_space<hbm>> -> memref<128xi32, #tpu.memory_space<hbm>>
        %dma_start3A_25 = arith.constant 0 : i32
        %dma_start3A_26 = tpu.memref_slice %arg3[%add3A, %scan3A_11, %dma_start3A_25] : memref<32x80x128xi32, #tpu.memory_space<hbm>> -> memref<1x1x128xi32, #tpu.memory_space<hbm>>
        %dma_start3A_27 = tpu.memref_squeeze %dma_start3A_26 : memref<1x1x128xi32, #tpu.memory_space<hbm>> -> memref<128xi32, #tpu.memory_space<hbm>>
        tpu.enqueue_dma source(%dma_start3A_27 : memref<128xi32, #tpu.memory_space<hbm>>) target(%arg8 : memref<128xi32, #tpu.memory_space<vmem>>) target_semaphore(%run_scoped3A : memref<!tpu.dma_semaphore, #tpu.memory_space<semaphore_mem>>)
        %dma_wait3A_28 = arith.constant 0 : i32
        %dma_wait3A_29 = tpu.memref_slice %arg3[%add3A, %scan3A_11, %dma_wait3A_28] : memref<32x80x128xi32, #tpu.memory_space<hbm>> -> memref<1x1x128xi32, #tpu.memory_space<hbm>>
        %dma_wait3A_30 = tpu.memref_squeeze %dma_wait3A_29 : memref<1x1x128xi32, #tpu.memory_space<hbm>> -> memref<128xi32, #tpu.memory_space<hbm>>
        %dma_wait3A_31 = arith.constant 0 : i32
        %dma_wait3A_32 = tpu.memref_slice %arg3[%add3A, %scan3A_11, %dma_wait3A_31] : memref<32x80x128xi32, #tpu.memory_space<hbm>> -> memref<1x1x128xi32, #tpu.memory_space<hbm>>
        %dma_wait3A_33 = tpu.memref_squeeze %dma_wait3A_32 : memref<1x1x128xi32, #tpu.memory_space<hbm>> -> memref<128xi32, #tpu.memory_space<hbm>>
        tpu.wait_dma2 semaphore(%run_scoped3A : memref<!tpu.dma_semaphore, #tpu.memory_space<semaphore_mem>>) src(%dma_wait3A_33 : memref<128xi32, #tpu.memory_space<hbm>>) dst(%arg8 : memref<128xi32, #tpu.memory_space<vmem>>)
        tpu.yield
      }) : () -> ()
      %dma_start3A = arith.constant 0 : i32
      %dma_start3A_12 = arith.constant 0 : i32
      %dma_start3A_13 = tpu.memref_slice %arg2[%dma_start3A, %dma_start3A_12] : memref<10000x128xf32, #tpu.memory_space<hbm>> -> memref<10000x128xf32, #tpu.memory_space<hbm>>
      tpu.enqueue_indirect_dma source(%dma_start3A_13 : memref<10000x128xf32, #tpu.memory_space<hbm>>) target(%arg10 : memref<128x128xf32, #tpu.memory_space<vmem>>) offsets(%arg9 : memref<128xi32, #tpu.memory_space<vmem>>) semaphore(%arg11 : memref<!tpu.dma_semaphore, #tpu.memory_space<semaphore_mem>>)
      %dma_wait3A = arith.constant 0 : i32
      %dma_wait3A_14 = arith.constant 0 : i32
      %dma_wait3A_15 = tpu.memref_slice %arg2[%dma_wait3A, %dma_wait3A_14] : memref<10000x128xf32, #tpu.memory_space<hbm>> -> memref<10000x128xf32, #tpu.memory_space<hbm>>
      tpu.wait_indirect_dma semaphore(%arg11 : memref<!tpu.dma_semaphore, #tpu.memory_space<semaphore_mem>>) src(%dma_wait3A_15 : memref<10000x128xf32, #tpu.memory_space<hbm>>) dst(%arg10 : memref<128x128xf32, #tpu.memory_space<vmem>>)
      %dma_start3A_16 = arith.constant 0 : i32
      %dma_start3A_17 = arith.constant 0 : i32
      %dma_start3A_18 = tpu.memref_slice %arg7[%dma_start3A_16, %dma_start3A_17] : memref<10240x128xf32, #tpu.memory_space<vmem_shared>> -> memref<10240x128xf32, #tpu.memory_space<vmem_shared>>
      tpu.enqueue_indirect_dma source(%arg10 : memref<128x128xf32, #tpu.memory_space<vmem>>) target(%dma_start3A_18 : memref<10240x128xf32, #tpu.memory_space<vmem_shared>>) offsets(%arg8 : memref<128xi32, #tpu.memory_space<vmem>>) semaphore(%arg12 : memref<!tpu.dma_semaphore, #tpu.memory_space<semaphore_mem>>) {add = true}
      %dma_wait3A_19 = arith.constant 0 : i32
      %dma_wait3A_20 = arith.constant 0 : i32
      %dma_wait3A_21 = tpu.memref_slice %arg7[%dma_wait3A_19, %dma_wait3A_20] : memref<10240x128xf32, #tpu.memory_space<vmem_shared>> -> memref<10240x128xf32, #tpu.memory_space<vmem_shared>>
      tpu.wait_indirect_dma semaphore(%arg12 : memref<!tpu.dma_semaphore, #tpu.memory_space<semaphore_mem>>) src(%arg10 : memref<128x128xf32, #tpu.memory_space<vmem>>) dst(%dma_wait3A_21 : memref<10240x128xf32, #tpu.memory_space<vmem_shared>>)
    }
    %scan3A_7 = arith.constant 80 : i32
    %barrier3A_8 = arith.constant 0 : index
    tpu.barrier barrier_id(%barrier3A_8)
    %mul3A_9 = arith.constant 640 : i32
    %mul3A_10 = arith.muli %arg1, %mul3A_9 : i32
    "tpu.region"() ({
      %run_scoped3A = tpu.sem_alloc : memref<!tpu.dma_semaphore, #tpu.memory_space<semaphore_mem>>
      %dma_start3A = arith.constant 0 : i32
      %dma_start3A_11 = tpu.memref_slice %arg6[%arg0, %mul3A_10, %dma_start3A] : memref<2x10240x128xf32, #tpu.memory_space<hbm>> -> memref<1x640x128xf32, #tpu.memory_space<hbm>>
      %dma_start3A_12 = tpu.memref_squeeze %dma_start3A_11 : memref<1x640x128xf32, #tpu.memory_space<hbm>> -> memref<640x128xf32, #tpu.memory_space<hbm>>
      %dma_start3A_13 = arith.constant 0 : i32
      %dma_start3A_14 = tpu.memref_slice %arg7[%mul3A_10, %dma_start3A_13] : memref<10240x128xf32, #tpu.memory_space<vmem_shared>> -> memref<640x128xf32, #tpu.memory_space<vmem_shared>>
      tpu.enqueue_dma source(%dma_start3A_14 : memref<640x128xf32, #tpu.memory_space<vmem_shared>>) target(%dma_start3A_12 : memref<640x128xf32, #tpu.memory_space<hbm>>) target_semaphore(%run_scoped3A : memref<!tpu.dma_semaphore, #tpu.memory_space<semaphore_mem>>)
      %dma_wait3A = arith.constant 0 : i32
      %dma_wait3A_15 = tpu.memref_slice %arg6[%arg0, %mul3A_10, %dma_wait3A] : memref<2x10240x128xf32, #tpu.memory_space<hbm>> -> memref<1x640x128xf32, #tpu.memory_space<hbm>>
      %dma_wait3A_16 = tpu.memref_squeeze %dma_wait3A_15 : memref<1x640x128xf32, #tpu.memory_space<hbm>> -> memref<640x128xf32, #tpu.memory_space<hbm>>
      %dma_wait3A_17 = arith.constant 0 : i32
      %dma_wait3A_18 = tpu.memref_slice %arg7[%mul3A_10, %dma_wait3A_17] : memref<10240x128xf32, #tpu.memory_space<vmem_shared>> -> memref<640x128xf32, #tpu.memory_space<vmem_shared>>
      tpu.wait_dma2 semaphore(%run_scoped3A : memref<!tpu.dma_semaphore, #tpu.memory_space<semaphore_mem>>) src(%dma_wait3A_18 : memref<640x128xf32, #tpu.memory_space<vmem_shared>>) dst(%dma_wait3A_16 : memref<640x128xf32, #tpu.memory_space<hbm>>)
      tpu.yield
    }) : () -> ()
    return
  }
}

#map = affine_map<(d0, d1) -> (0, 0)>
#map1 = affine_map<(d0, d1) -> (0, 0, 0)>
#map2 = affine_map<(d0, d1) -> (0, 0, 0, 0)>
module attributes {stable_mosaic.version = 14 : i64} {
  func.func @_sc_edge_body(%arg0: i32, %arg1: i32, %arg2: memref<10000x128xf32, #tpu.memory_space<hbm>>, %arg3: memref<32x79x128xi32, #tpu.memory_space<hbm>>, %arg4: memref<32x79x128xi32, #tpu.memory_space<hbm>>, %arg5: memref<32x79x128x16xf32, #tpu.memory_space<hbm>>, %arg6: memref<128xi32, #tpu.memory_space<vmem>>, %arg7: memref<128xi32, #tpu.memory_space<vmem>>, %arg8: memref<128x128xf32, #tpu.memory_space<vmem>>, %arg9: memref<128x128xf32, #tpu.memory_space<vmem>>, %arg10: memref<128x16xf32, #tpu.memory_space<vmem>>, %arg11: memref<!tpu.dma_semaphore, #tpu.memory_space<semaphore_mem>>) attributes {dimension_semantics = [#tpu.dimension_semantics<core_parallel>, #tpu.dimension_semantics<subcore_parallel>], iteration_bounds = array<i64: 2, 16>, scalar_prefetch = 0 : i64, scratch_operands = 6 : i64, tpu.core_type = #tpu.core_type<sc_vector_subcore>, window_params = [{transform_indices = #map}, {transform_indices = #map1}, {transform_indices = #map1}, {transform_indices = #map2}]} {
    %mul3A = arith.constant 2 : i32
    %mul3A_0 = arith.muli %arg1, %mul3A : i32
    %add3A = arith.addi %mul3A_0, %arg0 : i32
    %scan3A = arith.constant 0 : i32
    %scan3A_1 = arith.constant 0 : i32
    %scan3A_2 = arith.constant 79 : i32
    %scan3A_3 = arith.addi %scan3A_1, %scan3A_2 : i32
    %scan3A_4 = arith.constant 1 : i32
    scf.for %scan3A_6 = %scan3A_1 to %scan3A_3 step %scan3A_4  : i32 {
      "tpu.region"() ({
        %run_scoped3A = tpu.sem_alloc : memref<!tpu.dma_semaphore, #tpu.memory_space<semaphore_mem>>
        %dma_start3A_23 = arith.constant 0 : i32
        %dma_start3A_24 = tpu.memref_slice %arg3[%add3A, %scan3A_6, %dma_start3A_23] : memref<32x79x128xi32, #tpu.memory_space<hbm>> -> memref<1x1x128xi32, #tpu.memory_space<hbm>>
        %dma_start3A_25 = tpu.memref_squeeze %dma_start3A_24 : memref<1x1x128xi32, #tpu.memory_space<hbm>> -> memref<128xi32, #tpu.memory_space<hbm>>
        %dma_start3A_26 = arith.constant 0 : i32
        %dma_start3A_27 = tpu.memref_slice %arg3[%add3A, %scan3A_6, %dma_start3A_26] : memref<32x79x128xi32, #tpu.memory_space<hbm>> -> memref<1x1x128xi32, #tpu.memory_space<hbm>>
        %dma_start3A_28 = tpu.memref_squeeze %dma_start3A_27 : memref<1x1x128xi32, #tpu.memory_space<hbm>> -> memref<128xi32, #tpu.memory_space<hbm>>
        tpu.enqueue_dma source(%dma_start3A_28 : memref<128xi32, #tpu.memory_space<hbm>>) target(%arg6 : memref<128xi32, #tpu.memory_space<vmem>>) target_semaphore(%run_scoped3A : memref<!tpu.dma_semaphore, #tpu.memory_space<semaphore_mem>>)
        %dma_wait3A_29 = arith.constant 0 : i32
        %dma_wait3A_30 = tpu.memref_slice %arg3[%add3A, %scan3A_6, %dma_wait3A_29] : memref<32x79x128xi32, #tpu.memory_space<hbm>> -> memref<1x1x128xi32, #tpu.memory_space<hbm>>
        %dma_wait3A_31 = tpu.memref_squeeze %dma_wait3A_30 : memref<1x1x128xi32, #tpu.memory_space<hbm>> -> memref<128xi32, #tpu.memory_space<hbm>>
        %dma_wait3A_32 = arith.constant 0 : i32
        %dma_wait3A_33 = tpu.memref_slice %arg3[%add3A, %scan3A_6, %dma_wait3A_32] : memref<32x79x128xi32, #tpu.memory_space<hbm>> -> memref<1x1x128xi32, #tpu.memory_space<hbm>>
        %dma_wait3A_34 = tpu.memref_squeeze %dma_wait3A_33 : memref<1x1x128xi32, #tpu.memory_space<hbm>> -> memref<128xi32, #tpu.memory_space<hbm>>
        tpu.wait_dma2 semaphore(%run_scoped3A : memref<!tpu.dma_semaphore, #tpu.memory_space<semaphore_mem>>) src(%dma_wait3A_34 : memref<128xi32, #tpu.memory_space<hbm>>) dst(%arg6 : memref<128xi32, #tpu.memory_space<vmem>>)
        tpu.yield
      }) : () -> ()
      "tpu.region"() ({
        %run_scoped3A = tpu.sem_alloc : memref<!tpu.dma_semaphore, #tpu.memory_space<semaphore_mem>>
        %dma_start3A_23 = arith.constant 0 : i32
        %dma_start3A_24 = tpu.memref_slice %arg4[%add3A, %scan3A_6, %dma_start3A_23] : memref<32x79x128xi32, #tpu.memory_space<hbm>> -> memref<1x1x128xi32, #tpu.memory_space<hbm>>
        %dma_start3A_25 = tpu.memref_squeeze %dma_start3A_24 : memref<1x1x128xi32, #tpu.memory_space<hbm>> -> memref<128xi32, #tpu.memory_space<hbm>>
        %dma_start3A_26 = arith.constant 0 : i32
        %dma_start3A_27 = tpu.memref_slice %arg4[%add3A, %scan3A_6, %dma_start3A_26] : memref<32x79x128xi32, #tpu.memory_space<hbm>> -> memref<1x1x128xi32, #tpu.memory_space<hbm>>
        %dma_start3A_28 = tpu.memref_squeeze %dma_start3A_27 : memref<1x1x128xi32, #tpu.memory_space<hbm>> -> memref<128xi32, #tpu.memory_space<hbm>>
        tpu.enqueue_dma source(%dma_start3A_28 : memref<128xi32, #tpu.memory_space<hbm>>) target(%arg7 : memref<128xi32, #tpu.memory_space<vmem>>) target_semaphore(%run_scoped3A : memref<!tpu.dma_semaphore, #tpu.memory_space<semaphore_mem>>)
        %dma_wait3A_29 = arith.constant 0 : i32
        %dma_wait3A_30 = tpu.memref_slice %arg4[%add3A, %scan3A_6, %dma_wait3A_29] : memref<32x79x128xi32, #tpu.memory_space<hbm>> -> memref<1x1x128xi32, #tpu.memory_space<hbm>>
        %dma_wait3A_31 = tpu.memref_squeeze %dma_wait3A_30 : memref<1x1x128xi32, #tpu.memory_space<hbm>> -> memref<128xi32, #tpu.memory_space<hbm>>
        %dma_wait3A_32 = arith.constant 0 : i32
        %dma_wait3A_33 = tpu.memref_slice %arg4[%add3A, %scan3A_6, %dma_wait3A_32] : memref<32x79x128xi32, #tpu.memory_space<hbm>> -> memref<1x1x128xi32, #tpu.memory_space<hbm>>
        %dma_wait3A_34 = tpu.memref_squeeze %dma_wait3A_33 : memref<1x1x128xi32, #tpu.memory_space<hbm>> -> memref<128xi32, #tpu.memory_space<hbm>>
        tpu.wait_dma2 semaphore(%run_scoped3A : memref<!tpu.dma_semaphore, #tpu.memory_space<semaphore_mem>>) src(%dma_wait3A_34 : memref<128xi32, #tpu.memory_space<hbm>>) dst(%arg7 : memref<128xi32, #tpu.memory_space<vmem>>)
        tpu.yield
      }) : () -> ()
      %dma_start3A = arith.constant 0 : i32
      %dma_start3A_7 = arith.constant 0 : i32
      %dma_start3A_8 = tpu.memref_slice %arg2[%dma_start3A, %dma_start3A_7] : memref<10000x128xf32, #tpu.memory_space<hbm>> -> memref<10000x128xf32, #tpu.memory_space<hbm>>
      tpu.enqueue_indirect_dma source(%dma_start3A_8 : memref<10000x128xf32, #tpu.memory_space<hbm>>) target(%arg8 : memref<128x128xf32, #tpu.memory_space<vmem>>) offsets(%arg6 : memref<128xi32, #tpu.memory_space<vmem>>) semaphore(%arg11 : memref<!tpu.dma_semaphore, #tpu.memory_space<semaphore_mem>>)
      %dma_start3A_9 = arith.constant 0 : i32
      %dma_start3A_10 = arith.constant 0 : i32
      %dma_start3A_11 = tpu.memref_slice %arg2[%dma_start3A_9, %dma_start3A_10] : memref<10000x128xf32, #tpu.memory_space<hbm>> -> memref<10000x128xf32, #tpu.memory_space<hbm>>
      tpu.enqueue_indirect_dma source(%dma_start3A_11 : memref<10000x128xf32, #tpu.memory_space<hbm>>) target(%arg9 : memref<128x128xf32, #tpu.memory_space<vmem>>) offsets(%arg7 : memref<128xi32, #tpu.memory_space<vmem>>) semaphore(%arg11 : memref<!tpu.dma_semaphore, #tpu.memory_space<semaphore_mem>>)
      %dma_wait3A = arith.constant 0 : i32
      %dma_wait3A_12 = arith.constant 0 : i32
      %dma_wait3A_13 = tpu.memref_slice %arg2[%dma_wait3A, %dma_wait3A_12] : memref<10000x128xf32, #tpu.memory_space<hbm>> -> memref<10000x128xf32, #tpu.memory_space<hbm>>
      tpu.wait_indirect_dma semaphore(%arg11 : memref<!tpu.dma_semaphore, #tpu.memory_space<semaphore_mem>>) src(%dma_wait3A_13 : memref<10000x128xf32, #tpu.memory_space<hbm>>) dst(%arg8 : memref<128x128xf32, #tpu.memory_space<vmem>>)
      %dma_wait3A_14 = arith.constant 0 : i32
      %dma_wait3A_15 = arith.constant 0 : i32
      %dma_wait3A_16 = tpu.memref_slice %arg2[%dma_wait3A_14, %dma_wait3A_15] : memref<10000x128xf32, #tpu.memory_space<hbm>> -> memref<10000x128xf32, #tpu.memory_space<hbm>>
      tpu.wait_indirect_dma semaphore(%arg11 : memref<!tpu.dma_semaphore, #tpu.memory_space<semaphore_mem>>) src(%dma_wait3A_16 : memref<10000x128xf32, #tpu.memory_space<hbm>>) dst(%arg9 : memref<128x128xf32, #tpu.memory_space<vmem>>)
      %scan3A_17 = arith.constant 0 : i32
      %scan3A_18 = arith.constant 0 : i32
      %scan3A_19 = arith.constant 128 : i32
      %scan3A_20 = arith.addi %scan3A_18, %scan3A_19 : i32
      %scan3A_21 = arith.constant 1 : i32
      scf.for %scan3A_23 = %scan3A_18 to %scan3A_20 step %scan3A_21  : i32 {
        %get3A = arith.index_cast %scan3A_23 : i32 to index
        %get3A_24 = arith.constant 0 : index
        %get3A_25 = tpu.vector_load %arg8[%get3A, %get3A_24] {strides = array<i32>} : memref<128x128xf32, #tpu.memory_space<vmem>>, vector<1x16xf32>,
        %get3A_26 = vector.shape_cast %get3A_25 : vector<1x16xf32> to vector<16xf32>
        %get3A_27 = arith.index_cast %scan3A_23 : i32 to index
        %get3A_28 = arith.constant 0 : index
        %get3A_29 = tpu.vector_load %arg9[%get3A_27, %get3A_28] {strides = array<i32>} : memref<128x128xf32, #tpu.memory_space<vmem>>, vector<1x16xf32>,
        %get3A_30 = vector.shape_cast %get3A_29 : vector<1x16xf32> to vector<16xf32>
        %mul3A_31 = arith.mulf %get3A_26, %get3A_30 : vector<16xf32>
        %get3A_32 = arith.index_cast %scan3A_23 : i32 to index
        %get3A_33 = arith.constant 16 : index
        %get3A_34 = tpu.vector_load %arg8[%get3A_32, %get3A_33] {strides = array<i32>} : memref<128x128xf32, #tpu.memory_space<vmem>>, vector<1x16xf32>,
        %get3A_35 = vector.shape_cast %get3A_34 : vector<1x16xf32> to vector<16xf32>
        %get3A_36 = arith.index_cast %scan3A_23 : i32 to index
        %get3A_37 = arith.constant 16 : index
        %get3A_38 = tpu.vector_load %arg9[%get3A_36, %get3A_37] {strides = array<i32>} : memref<128x128xf32, #tpu.memory_space<vmem>>, vector<1x16xf32>,
        %get3A_39 = vector.shape_cast %get3A_38 : vector<1x16xf32> to vector<16xf32>
        %mul3A_40 = arith.mulf %get3A_35, %get3A_39 : vector<16xf32>
        %add3A_41 = arith.addf %mul3A_31, %mul3A_40 : vector<16xf32>
        %get3A_42 = arith.index_cast %scan3A_23 : i32 to index
        %get3A_43 = arith.constant 32 : index
        %get3A_44 = tpu.vector_load %arg8[%get3A_42, %get3A_43] {strides = array<i32>} : memref<128x128xf32, #tpu.memory_space<vmem>>, vector<1x16xf32>,
        %get3A_45 = vector.shape_cast %get3A_44 : vector<1x16xf32> to vector<16xf32>
        %get3A_46 = arith.index_cast %scan3A_23 : i32 to index
        %get3A_47 = arith.constant 32 : index
        %get3A_48 = tpu.vector_load %arg9[%get3A_46, %get3A_47] {strides = array<i32>} : memref<128x128xf32, #tpu.memory_space<vmem>>, vector<1x16xf32>,
        %get3A_49 = vector.shape_cast %get3A_48 : vector<1x16xf32> to vector<16xf32>
        %mul3A_50 = arith.mulf %get3A_45, %get3A_49 : vector<16xf32>
        %add3A_51 = arith.addf %add3A_41, %mul3A_50 : vector<16xf32>
        %get3A_52 = arith.index_cast %scan3A_23 : i32 to index
        %get3A_53 = arith.constant 48 : index
        %get3A_54 = tpu.vector_load %arg8[%get3A_52, %get3A_53] {strides = array<i32>} : memref<128x128xf32, #tpu.memory_space<vmem>>, vector<1x16xf32>,
        %get3A_55 = vector.shape_cast %get3A_54 : vector<1x16xf32> to vector<16xf32>
        %get3A_56 = arith.index_cast %scan3A_23 : i32 to index
        %get3A_57 = arith.constant 48 : index
        %get3A_58 = tpu.vector_load %arg9[%get3A_56, %get3A_57] {strides = array<i32>} : memref<128x128xf32, #tpu.memory_space<vmem>>, vector<1x16xf32>,
        %get3A_59 = vector.shape_cast %get3A_58 : vector<1x16xf32> to vector<16xf32>
        %mul3A_60 = arith.mulf %get3A_55, %get3A_59 : vector<16xf32>
        %add3A_61 = arith.addf %add3A_51, %mul3A_60 : vector<16xf32>
        %swap3A = arith.index_cast %scan3A_23 : i32 to index
        %swap3A_62 = arith.constant 0 : index
        %swap3A_63 = tpu.vector_load %arg10[%swap3A, %swap3A_62] {strides = array<i32>} : memref<128x16xf32, #tpu.memory_space<vmem>>, vector<1x16xf32>,
        %swap3A_64 = vector.shape_cast %swap3A_63 : vector<1x16xf32> to vector<16xf32>
        %swap3A_65 = vector.shape_cast %add3A_61 : vector<16xf32> to vector<1x16xf32>
        tpu.vector_store %arg10[%swap3A, %swap3A_62], %swap3A_65 {strides = array<i32>} : memref<128x16xf32, #tpu.memory_space<vmem>>, vector<1x16xf32>,
      }
      %scan3A_22 = arith.constant 128 : i32
      "tpu.region"() ({
        %run_scoped3A = tpu.sem_alloc : memref<!tpu.dma_semaphore, #tpu.memory_space<semaphore_mem>>
        %dma_start3A_23 = arith.constant 0 : i32
        %dma_start3A_24 = arith.constant 0 : i32
        %dma_start3A_25 = tpu.memref_slice %arg5[%add3A, %scan3A_6, %dma_start3A_23, %dma_start3A_24] : memref<32x79x128x16xf32, #tpu.memory_space<hbm>> -> memref<1x1x128x16xf32, #tpu.memory_space<hbm>>
        %dma_start3A_26 = tpu.memref_squeeze %dma_start3A_25 : memref<1x1x128x16xf32, #tpu.memory_space<hbm>> -> memref<128x16xf32, #tpu.memory_space<hbm>>
        %dma_start3A_27 = arith.constant 0 : i32
        %dma_start3A_28 = arith.constant 0 : i32
        %dma_start3A_29 = tpu.memref_slice %arg5[%add3A, %scan3A_6, %dma_start3A_27, %dma_start3A_28] : memref<32x79x128x16xf32, #tpu.memory_space<hbm>> -> memref<1x1x128x16xf32, #tpu.memory_space<hbm>>
        %dma_start3A_30 = tpu.memref_squeeze %dma_start3A_29 : memref<1x1x128x16xf32, #tpu.memory_space<hbm>> -> memref<128x16xf32, #tpu.memory_space<hbm>>
        tpu.enqueue_dma source(%arg10 : memref<128x16xf32, #tpu.memory_space<vmem>>) target(%dma_start3A_30 : memref<128x16xf32, #tpu.memory_space<hbm>>) target_semaphore(%run_scoped3A : memref<!tpu.dma_semaphore, #tpu.memory_space<semaphore_mem>>)
        %dma_wait3A_31 = arith.constant 0 : i32
        %dma_wait3A_32 = arith.constant 0 : i32
        %dma_wait3A_33 = tpu.memref_slice %arg5[%add3A, %scan3A_6, %dma_wait3A_31, %dma_wait3A_32] : memref<32x79x128x16xf32, #tpu.memory_space<hbm>> -> memref<1x1x128x16xf32, #tpu.memory_space<hbm>>
        %dma_wait3A_34 = tpu.memref_squeeze %dma_wait3A_33 : memref<1x1x128x16xf32, #tpu.memory_space<hbm>> -> memref<128x16xf32, #tpu.memory_space<hbm>>
        %dma_wait3A_35 = arith.constant 0 : i32
        %dma_wait3A_36 = arith.constant 0 : i32
        %dma_wait3A_37 = tpu.memref_slice %arg5[%add3A, %scan3A_6, %dma_wait3A_35, %dma_wait3A_36] : memref<32x79x128x16xf32, #tpu.memory_space<hbm>> -> memref<1x1x128x16xf32, #tpu.memory_space<hbm>>
        %dma_wait3A_38 = tpu.memref_squeeze %dma_wait3A_37 : memref<1x1x128x16xf32, #tpu.memory_space<hbm>> -> memref<128x16xf32, #tpu.memory_space<hbm>>
        tpu.wait_dma2 semaphore(%run_scoped3A : memref<!tpu.dma_semaphore, #tpu.memory_space<semaphore_mem>>) src(%arg10 : memref<128x16xf32, #tpu.memory_space<vmem>>) dst(%dma_wait3A_38 : memref<128x16xf32, #tpu.memory_space<hbm>>)
        tpu.yield
      }) : () -> ()
    }
    %scan3A_5 = arith.constant 79 : i32
    return
  }
}

#map = affine_map<(d0, d1) -> (0, 0)>
#map1 = affine_map<(d0, d1) -> (0, 0, 0)>
#map2 = affine_map<(d0, d1) -> (0, 0, 0, 0)>
module attributes {stable_mosaic.version = 14 : i64} {
  func.func @_sc_edge_body(%arg0: i32, %arg1: i32, %arg2: memref<10000x128xf32, #tpu.memory_space<hbm>>, %arg3: memref<32x79x128xi32, #tpu.memory_space<hbm>>, %arg4: memref<32x79x128xi32, #tpu.memory_space<hbm>>, %arg5: memref<32x79x128x16xf32, #tpu.memory_space<hbm>>, %arg6: memref<128xi32, #tpu.memory_space<vmem>>, %arg7: memref<128xi32, #tpu.memory_space<vmem>>, %arg8: memref<128x128xf32, #tpu.memory_space<vmem>>, %arg9: memref<128x128xf32, #tpu.memory_space<vmem>>, %arg10: memref<128x16xf32, #tpu.memory_space<vmem>>, %arg11: memref<!tpu.dma_semaphore, #tpu.memory_space<semaphore_mem>>) attributes {dimension_semantics = [#tpu.dimension_semantics<core_parallel>, #tpu.dimension_semantics<subcore_parallel>], iteration_bounds = array<i64: 2, 16>, scalar_prefetch = 0 : i64, scratch_operands = 6 : i64, tpu.core_type = #tpu.core_type<sc_vector_subcore>, window_params = [{transform_indices = #map}, {transform_indices = #map1}, {transform_indices = #map1}, {transform_indices = #map2}]} {
    %mul3A = arith.constant 2 : i32
    %mul3A_0 = arith.muli %arg1, %mul3A : i32
    %add3A = arith.addi %mul3A_0, %arg0 : i32
    %scan3A = arith.constant 0 : i32
    %scan3A_1 = arith.constant 0 : i32
    %scan3A_2 = arith.constant 79 : i32
    %scan3A_3 = arith.addi %scan3A_1, %scan3A_2 : i32
    %scan3A_4 = arith.constant 1 : i32
    scf.for %scan3A_6 = %scan3A_1 to %scan3A_3 step %scan3A_4  : i32 {
      "tpu.region"() ({
        %run_scoped3A = tpu.sem_alloc : memref<!tpu.dma_semaphore, #tpu.memory_space<semaphore_mem>>
        %dma_start3A_23 = arith.constant 0 : i32
        %dma_start3A_24 = tpu.memref_slice %arg3[%add3A, %scan3A_6, %dma_start3A_23] : memref<32x79x128xi32, #tpu.memory_space<hbm>> -> memref<1x1x128xi32, #tpu.memory_space<hbm>>
        %dma_start3A_25 = tpu.memref_squeeze %dma_start3A_24 : memref<1x1x128xi32, #tpu.memory_space<hbm>> -> memref<128xi32, #tpu.memory_space<hbm>>
        %dma_start3A_26 = arith.constant 0 : i32
        %dma_start3A_27 = tpu.memref_slice %arg3[%add3A, %scan3A_6, %dma_start3A_26] : memref<32x79x128xi32, #tpu.memory_space<hbm>> -> memref<1x1x128xi32, #tpu.memory_space<hbm>>
        %dma_start3A_28 = tpu.memref_squeeze %dma_start3A_27 : memref<1x1x128xi32, #tpu.memory_space<hbm>> -> memref<128xi32, #tpu.memory_space<hbm>>
        tpu.enqueue_dma source(%dma_start3A_28 : memref<128xi32, #tpu.memory_space<hbm>>) target(%arg6 : memref<128xi32, #tpu.memory_space<vmem>>) target_semaphore(%run_scoped3A : memref<!tpu.dma_semaphore, #tpu.memory_space<semaphore_mem>>)
        %dma_wait3A_29 = arith.constant 0 : i32
        %dma_wait3A_30 = tpu.memref_slice %arg3[%add3A, %scan3A_6, %dma_wait3A_29] : memref<32x79x128xi32, #tpu.memory_space<hbm>> -> memref<1x1x128xi32, #tpu.memory_space<hbm>>
        %dma_wait3A_31 = tpu.memref_squeeze %dma_wait3A_30 : memref<1x1x128xi32, #tpu.memory_space<hbm>> -> memref<128xi32, #tpu.memory_space<hbm>>
        %dma_wait3A_32 = arith.constant 0 : i32
        %dma_wait3A_33 = tpu.memref_slice %arg3[%add3A, %scan3A_6, %dma_wait3A_32] : memref<32x79x128xi32, #tpu.memory_space<hbm>> -> memref<1x1x128xi32, #tpu.memory_space<hbm>>
        %dma_wait3A_34 = tpu.memref_squeeze %dma_wait3A_33 : memref<1x1x128xi32, #tpu.memory_space<hbm>> -> memref<128xi32, #tpu.memory_space<hbm>>
        tpu.wait_dma2 semaphore(%run_scoped3A : memref<!tpu.dma_semaphore, #tpu.memory_space<semaphore_mem>>) src(%dma_wait3A_34 : memref<128xi32, #tpu.memory_space<hbm>>) dst(%arg6 : memref<128xi32, #tpu.memory_space<vmem>>)
        tpu.yield
      }) : () -> ()
      "tpu.region"() ({
        %run_scoped3A = tpu.sem_alloc : memref<!tpu.dma_semaphore, #tpu.memory_space<semaphore_mem>>
        %dma_start3A_23 = arith.constant 0 : i32
        %dma_start3A_24 = tpu.memref_slice %arg4[%add3A, %scan3A_6, %dma_start3A_23] : memref<32x79x128xi32, #tpu.memory_space<hbm>> -> memref<1x1x128xi32, #tpu.memory_space<hbm>>
        %dma_start3A_25 = tpu.memref_squeeze %dma_start3A_24 : memref<1x1x128xi32, #tpu.memory_space<hbm>> -> memref<128xi32, #tpu.memory_space<hbm>>
        %dma_start3A_26 = arith.constant 0 : i32
        %dma_start3A_27 = tpu.memref_slice %arg4[%add3A, %scan3A_6, %dma_start3A_26] : memref<32x79x128xi32, #tpu.memory_space<hbm>> -> memref<1x1x128xi32, #tpu.memory_space<hbm>>
        %dma_start3A_28 = tpu.memref_squeeze %dma_start3A_27 : memref<1x1x128xi32, #tpu.memory_space<hbm>> -> memref<128xi32, #tpu.memory_space<hbm>>
        tpu.enqueue_dma source(%dma_start3A_28 : memref<128xi32, #tpu.memory_space<hbm>>) target(%arg7 : memref<128xi32, #tpu.memory_space<vmem>>) target_semaphore(%run_scoped3A : memref<!tpu.dma_semaphore, #tpu.memory_space<semaphore_mem>>)
        %dma_wait3A_29 = arith.constant 0 : i32
        %dma_wait3A_30 = tpu.memref_slice %arg4[%add3A, %scan3A_6, %dma_wait3A_29] : memref<32x79x128xi32, #tpu.memory_space<hbm>> -> memref<1x1x128xi32, #tpu.memory_space<hbm>>
        %dma_wait3A_31 = tpu.memref_squeeze %dma_wait3A_30 : memref<1x1x128xi32, #tpu.memory_space<hbm>> -> memref<128xi32, #tpu.memory_space<hbm>>
        %dma_wait3A_32 = arith.constant 0 : i32
        %dma_wait3A_33 = tpu.memref_slice %arg4[%add3A, %scan3A_6, %dma_wait3A_32] : memref<32x79x128xi32, #tpu.memory_space<hbm>> -> memref<1x1x128xi32, #tpu.memory_space<hbm>>
        %dma_wait3A_34 = tpu.memref_squeeze %dma_wait3A_33 : memref<1x1x128xi32, #tpu.memory_space<hbm>> -> memref<128xi32, #tpu.memory_space<hbm>>
        tpu.wait_dma2 semaphore(%run_scoped3A : memref<!tpu.dma_semaphore, #tpu.memory_space<semaphore_mem>>) src(%dma_wait3A_34 : memref<128xi32, #tpu.memory_space<hbm>>) dst(%arg7 : memref<128xi32, #tpu.memory_space<vmem>>)
        tpu.yield
      }) : () -> ()
      %dma_start3A = arith.constant 0 : i32
      %dma_start3A_7 = arith.constant 0 : i32
      %dma_start3A_8 = tpu.memref_slice %arg2[%dma_start3A, %dma_start3A_7] : memref<10000x128xf32, #tpu.memory_space<hbm>> -> memref<10000x128xf32, #tpu.memory_space<hbm>>
      tpu.enqueue_indirect_dma source(%dma_start3A_8 : memref<10000x128xf32, #tpu.memory_space<hbm>>) target(%arg8 : memref<128x128xf32, #tpu.memory_space<vmem>>) offsets(%arg6 : memref<128xi32, #tpu.memory_space<vmem>>) semaphore(%arg11 : memref<!tpu.dma_semaphore, #tpu.memory_space<semaphore_mem>>)
      %dma_start3A_9 = arith.constant 0 : i32
      %dma_start3A_10 = arith.constant 0 : i32
      %dma_start3A_11 = tpu.memref_slice %arg2[%dma_start3A_9, %dma_start3A_10] : memref<10000x128xf32, #tpu.memory_space<hbm>> -> memref<10000x128xf32, #tpu.memory_space<hbm>>
      tpu.enqueue_indirect_dma source(%dma_start3A_11 : memref<10000x128xf32, #tpu.memory_space<hbm>>) target(%arg9 : memref<128x128xf32, #tpu.memory_space<vmem>>) offsets(%arg7 : memref<128xi32, #tpu.memory_space<vmem>>) semaphore(%arg11 : memref<!tpu.dma_semaphore, #tpu.memory_space<semaphore_mem>>)
      %dma_wait3A = arith.constant 0 : i32
      %dma_wait3A_12 = arith.constant 0 : i32
      %dma_wait3A_13 = tpu.memref_slice %arg2[%dma_wait3A, %dma_wait3A_12] : memref<10000x128xf32, #tpu.memory_space<hbm>> -> memref<10000x128xf32, #tpu.memory_space<hbm>>
      tpu.wait_indirect_dma semaphore(%arg11 : memref<!tpu.dma_semaphore, #tpu.memory_space<semaphore_mem>>) src(%dma_wait3A_13 : memref<10000x128xf32, #tpu.memory_space<hbm>>) dst(%arg8 : memref<128x128xf32, #tpu.memory_space<vmem>>)
      %dma_wait3A_14 = arith.constant 0 : i32
      %dma_wait3A_15 = arith.constant 0 : i32
      %dma_wait3A_16 = tpu.memref_slice %arg2[%dma_wait3A_14, %dma_wait3A_15] : memref<10000x128xf32, #tpu.memory_space<hbm>> -> memref<10000x128xf32, #tpu.memory_space<hbm>>
      tpu.wait_indirect_dma semaphore(%arg11 : memref<!tpu.dma_semaphore, #tpu.memory_space<semaphore_mem>>) src(%dma_wait3A_16 : memref<10000x128xf32, #tpu.memory_space<hbm>>) dst(%arg9 : memref<128x128xf32, #tpu.memory_space<vmem>>)
      %scan3A_17 = arith.constant 0 : i32
      %scan3A_18 = arith.constant 0 : i32
      %scan3A_19 = arith.constant 128 : i32
      %scan3A_20 = arith.addi %scan3A_18, %scan3A_19 : i32
      %scan3A_21 = arith.constant 1 : i32
      scf.for %scan3A_23 = %scan3A_18 to %scan3A_20 step %scan3A_21  : i32 {
        %get3A = arith.index_cast %scan3A_23 : i32 to index
        %get3A_24 = arith.constant 0 : index
        %get3A_25 = tpu.vector_load %arg8[%get3A, %get3A_24] {strides = array<i32>} : memref<128x128xf32, #tpu.memory_space<vmem>>, vector<1x16xf32>,
        %get3A_26 = vector.shape_cast %get3A_25 : vector<1x16xf32> to vector<16xf32>
        %get3A_27 = arith.index_cast %scan3A_23 : i32 to index
        %get3A_28 = arith.constant 0 : index
        %get3A_29 = tpu.vector_load %arg9[%get3A_27, %get3A_28] {strides = array<i32>} : memref<128x128xf32, #tpu.memory_space<vmem>>, vector<1x16xf32>,
        %get3A_30 = vector.shape_cast %get3A_29 : vector<1x16xf32> to vector<16xf32>
        %mul3A_31 = arith.mulf %get3A_26, %get3A_30 : vector<16xf32>
        %get3A_32 = arith.index_cast %scan3A_23 : i32 to index
        %get3A_33 = arith.constant 16 : index
        %get3A_34 = tpu.vector_load %arg8[%get3A_32, %get3A_33] {strides = array<i32>} : memref<128x128xf32, #tpu.memory_space<vmem>>, vector<1x16xf32>,
        %get3A_35 = vector.shape_cast %get3A_34 : vector<1x16xf32> to vector<16xf32>
        %get3A_36 = arith.index_cast %scan3A_23 : i32 to index
        %get3A_37 = arith.constant 16 : index
        %get3A_38 = tpu.vector_load %arg9[%get3A_36, %get3A_37] {strides = array<i32>} : memref<128x128xf32, #tpu.memory_space<vmem>>, vector<1x16xf32>,
        %get3A_39 = vector.shape_cast %get3A_38 : vector<1x16xf32> to vector<16xf32>
        %mul3A_40 = arith.mulf %get3A_35, %get3A_39 : vector<16xf32>
        %add3A_41 = arith.addf %mul3A_31, %mul3A_40 : vector<16xf32>
        %get3A_42 = arith.index_cast %scan3A_23 : i32 to index
        %get3A_43 = arith.constant 32 : index
        %get3A_44 = tpu.vector_load %arg8[%get3A_42, %get3A_43] {strides = array<i32>} : memref<128x128xf32, #tpu.memory_space<vmem>>, vector<1x16xf32>,
        %get3A_45 = vector.shape_cast %get3A_44 : vector<1x16xf32> to vector<16xf32>
        %get3A_46 = arith.index_cast %scan3A_23 : i32 to index
        %get3A_47 = arith.constant 32 : index
        %get3A_48 = tpu.vector_load %arg9[%get3A_46, %get3A_47] {strides = array<i32>} : memref<128x128xf32, #tpu.memory_space<vmem>>, vector<1x16xf32>,
        %get3A_49 = vector.shape_cast %get3A_48 : vector<1x16xf32> to vector<16xf32>
        %mul3A_50 = arith.mulf %get3A_45, %get3A_49 : vector<16xf32>
        %add3A_51 = arith.addf %add3A_41, %mul3A_50 : vector<16xf32>
        %get3A_52 = arith.index_cast %scan3A_23 : i32 to index
        %get3A_53 = arith.constant 48 : index
        %get3A_54 = tpu.vector_load %arg8[%get3A_52, %get3A_53] {strides = array<i32>} : memref<128x128xf32, #tpu.memory_space<vmem>>, vector<1x16xf32>,
        %get3A_55 = vector.shape_cast %get3A_54 : vector<1x16xf32> to vector<16xf32>
        %get3A_56 = arith.index_cast %scan3A_23 : i32 to index
        %get3A_57 = arith.constant 48 : index
        %get3A_58 = tpu.vector_load %arg9[%get3A_56, %get3A_57] {strides = array<i32>} : memref<128x128xf32, #tpu.memory_space<vmem>>, vector<1x16xf32>,
        %get3A_59 = vector.shape_cast %get3A_58 : vector<1x16xf32> to vector<16xf32>
        %mul3A_60 = arith.mulf %get3A_55, %get3A_59 : vector<16xf32>
        %add3A_61 = arith.addf %add3A_51, %mul3A_60 : vector<16xf32>
        %swap3A = arith.index_cast %scan3A_23 : i32 to index
        %swap3A_62 = arith.constant 0 : index
        %swap3A_63 = tpu.vector_load %arg10[%swap3A, %swap3A_62] {strides = array<i32>} : memref<128x16xf32, #tpu.memory_space<vmem>>, vector<1x16xf32>,
        %swap3A_64 = vector.shape_cast %swap3A_63 : vector<1x16xf32> to vector<16xf32>
        %swap3A_65 = vector.shape_cast %add3A_61 : vector<16xf32> to vector<1x16xf32>
        tpu.vector_store %arg10[%swap3A, %swap3A_62], %swap3A_65 {strides = array<i32>} : memref<128x16xf32, #tpu.memory_space<vmem>>, vector<1x16xf32>,
      }
      %scan3A_22 = arith.constant 128 : i32
      "tpu.region"() ({
        %run_scoped3A = tpu.sem_alloc : memref<!tpu.dma_semaphore, #tpu.memory_space<semaphore_mem>>
        %dma_start3A_23 = arith.constant 0 : i32
        %dma_start3A_24 = arith.constant 0 : i32
        %dma_start3A_25 = tpu.memref_slice %arg5[%add3A, %scan3A_6, %dma_start3A_23, %dma_start3A_24] : memref<32x79x128x16xf32, #tpu.memory_space<hbm>> -> memref<1x1x128x16xf32, #tpu.memory_space<hbm>>
        %dma_start3A_26 = tpu.memref_squeeze %dma_start3A_25 : memref<1x1x128x16xf32, #tpu.memory_space<hbm>> -> memref<128x16xf32, #tpu.memory_space<hbm>>
        %dma_start3A_27 = arith.constant 0 : i32
        %dma_start3A_28 = arith.constant 0 : i32
        %dma_start3A_29 = tpu.memref_slice %arg5[%add3A, %scan3A_6, %dma_start3A_27, %dma_start3A_28] : memref<32x79x128x16xf32, #tpu.memory_space<hbm>> -> memref<1x1x128x16xf32, #tpu.memory_space<hbm>>
        %dma_start3A_30 = tpu.memref_squeeze %dma_start3A_29 : memref<1x1x128x16xf32, #tpu.memory_space<hbm>> -> memref<128x16xf32, #tpu.memory_space<hbm>>
        tpu.enqueue_dma source(%arg10 : memref<128x16xf32, #tpu.memory_space<vmem>>) target(%dma_start3A_30 : memref<128x16xf32, #tpu.memory_space<hbm>>) target_semaphore(%run_scoped3A : memref<!tpu.dma_semaphore, #tpu.memory_space<semaphore_mem>>)
        %dma_wait3A_31 = arith.constant 0 : i32
        %dma_wait3A_32 = arith.constant 0 : i32
        %dma_wait3A_33 = tpu.memref_slice %arg5[%add3A, %scan3A_6, %dma_wait3A_31, %dma_wait3A_32] : memref<32x79x128x16xf32, #tpu.memory_space<hbm>> -> memref<1x1x128x16xf32, #tpu.memory_space<hbm>>
        %dma_wait3A_34 = tpu.memref_squeeze %dma_wait3A_33 : memref<1x1x128x16xf32, #tpu.memory_space<hbm>> -> memref<128x16xf32, #tpu.memory_space<hbm>>
        %dma_wait3A_35 = arith.constant 0 : i32
        %dma_wait3A_36 = arith.constant 0 : i32
        %dma_wait3A_37 = tpu.memref_slice %arg5[%add3A, %scan3A_6, %dma_wait3A_35, %dma_wait3A_36] : memref<32x79x128x16xf32, #tpu.memory_space<hbm>> -> memref<1x1x128x16xf32, #tpu.memory_space<hbm>>
        %dma_wait3A_38 = tpu.memref_squeeze %dma_wait3A_37 : memref<1x1x128x16xf32, #tpu.memory_space<hbm>> -> memref<128x16xf32, #tpu.memory_space<hbm>>
        tpu.wait_dma2 semaphore(%run_scoped3A : memref<!tpu.dma_semaphore, #tpu.memory_space<semaphore_mem>>) src(%arg10 : memref<128x16xf32, #tpu.memory_space<vmem>>) dst(%dma_wait3A_38 : memref<128x16xf32, #tpu.memory_space<hbm>>)
        tpu.yield
      }) : () -> ()
    }
    %scan3A_5 = arith.constant 79 : i32
    return
  }
}

#map = affine_map<(d0, d1) -> (0, 0)>
#map1 = affine_map<(d0, d1) -> (0, 0, 0)>
module attributes {stable_mosaic.version = 14 : i64} {
  func.func @_sc_prop_body(%arg0: i32, %arg1: i32, %arg2: memref<10000x128xf32, #tpu.memory_space<hbm>>, %arg3: memref<32x80x128xi32, #tpu.memory_space<hbm>>, %arg4: memref<32x80x128xi32, #tpu.memory_space<hbm>>, %arg5: memref<640x128xf32, #tpu.memory_space<hbm>>, %arg6: memref<2x10240x128xf32, #tpu.memory_space<hbm>>, %arg7: memref<10240x128xf32, #tpu.memory_space<vmem_shared>>, %arg8: memref<128xi32, #tpu.memory_space<vmem>>, %arg9: memref<128xi32, #tpu.memory_space<vmem>>, %arg10: memref<128x128xf32, #tpu.memory_space<vmem>>, %arg11: memref<!tpu.dma_semaphore, #tpu.memory_space<semaphore_mem>>, %arg12: memref<!tpu.dma_semaphore, #tpu.memory_space<semaphore_mem>>) attributes {dimension_semantics = [#tpu.dimension_semantics<core_parallel>, #tpu.dimension_semantics<subcore_parallel>], iteration_bounds = array<i64: 2, 16>, scalar_prefetch = 0 : i64, scratch_operands = 6 : i64, tpu.core_type = #tpu.core_type<sc_vector_subcore>, window_params = [{transform_indices = #map}, {transform_indices = #map1}, {transform_indices = #map1}, {transform_indices = #map}, {transform_indices = #map1}]} {
    %mul3A = arith.constant 2 : i32
    %mul3A_0 = arith.muli %arg1, %mul3A : i32
    %add3A = arith.addi %mul3A_0, %arg0 : i32
    %mul3A_1 = arith.constant 640 : i32
    %mul3A_2 = arith.muli %arg1, %mul3A_1 : i32
    "tpu.region"() ({
      %run_scoped3A = tpu.sem_alloc : memref<!tpu.dma_semaphore, #tpu.memory_space<semaphore_mem>>
      %dma_start3A = arith.constant 0 : i32
      %dma_start3A_11 = tpu.memref_slice %arg7[%mul3A_2, %dma_start3A] : memref<10240x128xf32, #tpu.memory_space<vmem_shared>> -> memref<640x128xf32, #tpu.memory_space<vmem_shared>>
      tpu.enqueue_dma source(%arg5 : memref<640x128xf32, #tpu.memory_space<hbm>>) target(%dma_start3A_11 : memref<640x128xf32, #tpu.memory_space<vmem_shared>>) target_semaphore(%run_scoped3A : memref<!tpu.dma_semaphore, #tpu.memory_space<semaphore_mem>>)
      %dma_wait3A = arith.constant 0 : i32
      %dma_wait3A_12 = tpu.memref_slice %arg7[%mul3A_2, %dma_wait3A] : memref<10240x128xf32, #tpu.memory_space<vmem_shared>> -> memref<640x128xf32, #tpu.memory_space<vmem_shared>>
      tpu.wait_dma2 semaphore(%run_scoped3A : memref<!tpu.dma_semaphore, #tpu.memory_space<semaphore_mem>>) src(%arg5 : memref<640x128xf32, #tpu.memory_space<hbm>>) dst(%dma_wait3A_12 : memref<640x128xf32, #tpu.memory_space<vmem_shared>>)
      tpu.yield
    }) : () -> ()
    %barrier3A = arith.constant 0 : index
    tpu.barrier barrier_id(%barrier3A)
    %scan3A = arith.constant 0 : i32
    %scan3A_3 = arith.constant 0 : i32
    %scan3A_4 = arith.constant 80 : i32
    %scan3A_5 = arith.addi %scan3A_3, %scan3A_4 : i32
    %scan3A_6 = arith.constant 1 : i32
    scf.for %scan3A_11 = %scan3A_3 to %scan3A_5 step %scan3A_6  : i32 {
      "tpu.region"() ({
        %run_scoped3A = tpu.sem_alloc : memref<!tpu.dma_semaphore, #tpu.memory_space<semaphore_mem>>
        %dma_start3A_22 = arith.constant 0 : i32
        %dma_start3A_23 = tpu.memref_slice %arg4[%add3A, %scan3A_11, %dma_start3A_22] : memref<32x80x128xi32, #tpu.memory_space<hbm>> -> memref<1x1x128xi32, #tpu.memory_space<hbm>>
        %dma_start3A_24 = tpu.memref_squeeze %dma_start3A_23 : memref<1x1x128xi32, #tpu.memory_space<hbm>> -> memref<128xi32, #tpu.memory_space<hbm>>
        %dma_start3A_25 = arith.constant 0 : i32
        %dma_start3A_26 = tpu.memref_slice %arg4[%add3A, %scan3A_11, %dma_start3A_25] : memref<32x80x128xi32, #tpu.memory_space<hbm>> -> memref<1x1x128xi32, #tpu.memory_space<hbm>>
        %dma_start3A_27 = tpu.memref_squeeze %dma_start3A_26 : memref<1x1x128xi32, #tpu.memory_space<hbm>> -> memref<128xi32, #tpu.memory_space<hbm>>
        tpu.enqueue_dma source(%dma_start3A_27 : memref<128xi32, #tpu.memory_space<hbm>>) target(%arg9 : memref<128xi32, #tpu.memory_space<vmem>>) target_semaphore(%run_scoped3A : memref<!tpu.dma_semaphore, #tpu.memory_space<semaphore_mem>>)
        %dma_wait3A_28 = arith.constant 0 : i32
        %dma_wait3A_29 = tpu.memref_slice %arg4[%add3A, %scan3A_11, %dma_wait3A_28] : memref<32x80x128xi32, #tpu.memory_space<hbm>> -> memref<1x1x128xi32, #tpu.memory_space<hbm>>
        %dma_wait3A_30 = tpu.memref_squeeze %dma_wait3A_29 : memref<1x1x128xi32, #tpu.memory_space<hbm>> -> memref<128xi32, #tpu.memory_space<hbm>>
        %dma_wait3A_31 = arith.constant 0 : i32
        %dma_wait3A_32 = tpu.memref_slice %arg4[%add3A, %scan3A_11, %dma_wait3A_31] : memref<32x80x128xi32, #tpu.memory_space<hbm>> -> memref<1x1x128xi32, #tpu.memory_space<hbm>>
        %dma_wait3A_33 = tpu.memref_squeeze %dma_wait3A_32 : memref<1x1x128xi32, #tpu.memory_space<hbm>> -> memref<128xi32, #tpu.memory_space<hbm>>
        tpu.wait_dma2 semaphore(%run_scoped3A : memref<!tpu.dma_semaphore, #tpu.memory_space<semaphore_mem>>) src(%dma_wait3A_33 : memref<128xi32, #tpu.memory_space<hbm>>) dst(%arg9 : memref<128xi32, #tpu.memory_space<vmem>>)
        tpu.yield
      }) : () -> ()
      "tpu.region"() ({
        %run_scoped3A = tpu.sem_alloc : memref<!tpu.dma_semaphore, #tpu.memory_space<semaphore_mem>>
        %dma_start3A_22 = arith.constant 0 : i32
        %dma_start3A_23 = tpu.memref_slice %arg3[%add3A, %scan3A_11, %dma_start3A_22] : memref<32x80x128xi32, #tpu.memory_space<hbm>> -> memref<1x1x128xi32, #tpu.memory_space<hbm>>
        %dma_start3A_24 = tpu.memref_squeeze %dma_start3A_23 : memref<1x1x128xi32, #tpu.memory_space<hbm>> -> memref<128xi32, #tpu.memory_space<hbm>>
        %dma_start3A_25 = arith.constant 0 : i32
        %dma_start3A_26 = tpu.memref_slice %arg3[%add3A, %scan3A_11, %dma_start3A_25] : memref<32x80x128xi32, #tpu.memory_space<hbm>> -> memref<1x1x128xi32, #tpu.memory_space<hbm>>
        %dma_start3A_27 = tpu.memref_squeeze %dma_start3A_26 : memref<1x1x128xi32, #tpu.memory_space<hbm>> -> memref<128xi32, #tpu.memory_space<hbm>>
        tpu.enqueue_dma source(%dma_start3A_27 : memref<128xi32, #tpu.memory_space<hbm>>) target(%arg8 : memref<128xi32, #tpu.memory_space<vmem>>) target_semaphore(%run_scoped3A : memref<!tpu.dma_semaphore, #tpu.memory_space<semaphore_mem>>)
        %dma_wait3A_28 = arith.constant 0 : i32
        %dma_wait3A_29 = tpu.memref_slice %arg3[%add3A, %scan3A_11, %dma_wait3A_28] : memref<32x80x128xi32, #tpu.memory_space<hbm>> -> memref<1x1x128xi32, #tpu.memory_space<hbm>>
        %dma_wait3A_30 = tpu.memref_squeeze %dma_wait3A_29 : memref<1x1x128xi32, #tpu.memory_space<hbm>> -> memref<128xi32, #tpu.memory_space<hbm>>
        %dma_wait3A_31 = arith.constant 0 : i32
        %dma_wait3A_32 = tpu.memref_slice %arg3[%add3A, %scan3A_11, %dma_wait3A_31] : memref<32x80x128xi32, #tpu.memory_space<hbm>> -> memref<1x1x128xi32, #tpu.memory_space<hbm>>
        %dma_wait3A_33 = tpu.memref_squeeze %dma_wait3A_32 : memref<1x1x128xi32, #tpu.memory_space<hbm>> -> memref<128xi32, #tpu.memory_space<hbm>>
        tpu.wait_dma2 semaphore(%run_scoped3A : memref<!tpu.dma_semaphore, #tpu.memory_space<semaphore_mem>>) src(%dma_wait3A_33 : memref<128xi32, #tpu.memory_space<hbm>>) dst(%arg8 : memref<128xi32, #tpu.memory_space<vmem>>)
        tpu.yield
      }) : () -> ()
      %dma_start3A = arith.constant 0 : i32
      %dma_start3A_12 = arith.constant 0 : i32
      %dma_start3A_13 = tpu.memref_slice %arg2[%dma_start3A, %dma_start3A_12] : memref<10000x128xf32, #tpu.memory_space<hbm>> -> memref<10000x128xf32, #tpu.memory_space<hbm>>
      tpu.enqueue_indirect_dma source(%dma_start3A_13 : memref<10000x128xf32, #tpu.memory_space<hbm>>) target(%arg10 : memref<128x128xf32, #tpu.memory_space<vmem>>) offsets(%arg9 : memref<128xi32, #tpu.memory_space<vmem>>) semaphore(%arg11 : memref<!tpu.dma_semaphore, #tpu.memory_space<semaphore_mem>>)
      %dma_wait3A = arith.constant 0 : i32
      %dma_wait3A_14 = arith.constant 0 : i32
      %dma_wait3A_15 = tpu.memref_slice %arg2[%dma_wait3A, %dma_wait3A_14] : memref<10000x128xf32, #tpu.memory_space<hbm>> -> memref<10000x128xf32, #tpu.memory_space<hbm>>
      tpu.wait_indirect_dma semaphore(%arg11 : memref<!tpu.dma_semaphore, #tpu.memory_space<semaphore_mem>>) src(%dma_wait3A_15 : memref<10000x128xf32, #tpu.memory_space<hbm>>) dst(%arg10 : memref<128x128xf32, #tpu.memory_space<vmem>>)
      %dma_start3A_16 = arith.constant 0 : i32
      %dma_start3A_17 = arith.constant 0 : i32
      %dma_start3A_18 = tpu.memref_slice %arg7[%dma_start3A_16, %dma_start3A_17] : memref<10240x128xf32, #tpu.memory_space<vmem_shared>> -> memref<10240x128xf32, #tpu.memory_space<vmem_shared>>
      tpu.enqueue_indirect_dma source(%arg10 : memref<128x128xf32, #tpu.memory_space<vmem>>) target(%dma_start3A_18 : memref<10240x128xf32, #tpu.memory_space<vmem_shared>>) offsets(%arg8 : memref<128xi32, #tpu.memory_space<vmem>>) semaphore(%arg12 : memref<!tpu.dma_semaphore, #tpu.memory_space<semaphore_mem>>) {add = true}
      %dma_wait3A_19 = arith.constant 0 : i32
      %dma_wait3A_20 = arith.constant 0 : i32
      %dma_wait3A_21 = tpu.memref_slice %arg7[%dma_wait3A_19, %dma_wait3A_20] : memref<10240x128xf32, #tpu.memory_space<vmem_shared>> -> memref<10240x128xf32, #tpu.memory_space<vmem_shared>>
      tpu.wait_indirect_dma semaphore(%arg12 : memref<!tpu.dma_semaphore, #tpu.memory_space<semaphore_mem>>) src(%arg10 : memref<128x128xf32, #tpu.memory_space<vmem>>) dst(%dma_wait3A_21 : memref<10240x128xf32, #tpu.memory_space<vmem_shared>>)
    }
    %scan3A_7 = arith.constant 80 : i32
    %barrier3A_8 = arith.constant 0 : index
    tpu.barrier barrier_id(%barrier3A_8)
    %mul3A_9 = arith.constant 640 : i32
    %mul3A_10 = arith.muli %arg1, %mul3A_9 : i32
    "tpu.region"() ({
      %run_scoped3A = tpu.sem_alloc : memref<!tpu.dma_semaphore, #tpu.memory_space<semaphore_mem>>
      %dma_start3A = arith.constant 0 : i32
      %dma_start3A_11 = tpu.memref_slice %arg6[%arg0, %mul3A_10, %dma_start3A] : memref<2x10240x128xf32, #tpu.memory_space<hbm>> -> memref<1x640x128xf32, #tpu.memory_space<hbm>>
      %dma_start3A_12 = tpu.memref_squeeze %dma_start3A_11 : memref<1x640x128xf32, #tpu.memory_space<hbm>> -> memref<640x128xf32, #tpu.memory_space<hbm>>
      %dma_start3A_13 = arith.constant 0 : i32
      %dma_start3A_14 = tpu.memref_slice %arg7[%mul3A_10, %dma_start3A_13] : memref<10240x128xf32, #tpu.memory_space<vmem_shared>> -> memref<640x128xf32, #tpu.memory_space<vmem_shared>>
      tpu.enqueue_dma source(%dma_start3A_14 : memref<640x128xf32, #tpu.memory_space<vmem_shared>>) target(%dma_start3A_12 : memref<640x128xf32, #tpu.memory_space<hbm>>) target_semaphore(%run_scoped3A : memref<!tpu.dma_semaphore, #tpu.memory_space<semaphore_mem>>)
      %dma_wait3A = arith.constant 0 : i32
      %dma_wait3A_15 = tpu.memref_slice %arg6[%arg0, %mul3A_10, %dma_wait3A] : memref<2x10240x128xf32, #tpu.memory_space<hbm>> -> memref<1x640x128xf32, #tpu.memory_space<hbm>>
      %dma_wait3A_16 = tpu.memref_squeeze %dma_wait3A_15 : memref<1x640x128xf32, #tpu.memory_space<hbm>> -> memref<640x128xf32, #tpu.memory_space<hbm>>
      %dma_wait3A_17 = arith.constant 0 : i32
      %dma_wait3A_18 = tpu.memref_slice %arg7[%mul3A_10, %dma_wait3A_17] : memref<10240x128xf32, #tpu.memory_space<vmem_shared>> -> memref<640x128xf32, #tpu.memory_space<vmem_shared>>
      tpu.wait_dma2 semaphore(%run_scoped3A : memref<!tpu.dma_semaphore, #tpu.memory_space<semaphore_mem>>) src(%dma_wait3A_18 : memref<640x128xf32, #tpu.memory_space<vmem_shared>>) dst(%dma_wait3A_16 : memref<640x128xf32, #tpu.memory_space<hbm>>)
      tpu.yield
    }) : () -> ()
    return
  }
}

module attributes {stable_mosaic.version = 14 : i64} {
  func.func @_phix_body(%arg0: i32, %arg1: memref<2000x128xf32, #tpu.memory_space<vmem>>, %arg2: memref<128x128xf32, #tpu.memory_space<vmem>>, %arg3: memref<1x128xf32, #tpu.memory_space<vmem>>, %arg4: memref<2000x1xf32, #tpu.memory_space<vmem>>, %arg5: memref<2000x128xf32, #tpu.memory_space<vmem>>) attributes {dimension_semantics = [#tpu.dimension_semantics<arbitrary>], iteration_bounds = array<i64: 5>, scalar_prefetch = 0 : i64, scratch_operands = 0 : i64, tpu.core_type = #tpu.core_type<tc>, window_params = [{transform_indices = @transform_0, window_bounds = array<i64: 2000, 128>}, {pipeline_mode = #tpu.pipeline_mode<synchronous>, transform_indices = @transform_1, window_bounds = array<i64: 128, 128>}, {pipeline_mode = #tpu.pipeline_mode<synchronous>, transform_indices = @transform_2, window_bounds = array<i64: 1, 128>}, {transform_indices = @transform_3, window_bounds = array<i64: 2000, 1>}, {transform_indices = @transform_4, window_bounds = array<i64: 2000, 128>}]} {
    %get3A = arith.constant 0 : index
    %get3A_0 = arith.constant 0 : index
    %get3A_1 = vector.load %arg1[%get3A, %get3A_0] : memref<2000x128xf32, #tpu.memory_space<vmem>>, vector<2000x128xf32>
    %get3A_2 = arith.constant 0 : index
    %get3A_3 = arith.constant 0 : index
    %get3A_4 = vector.load %arg2[%get3A_2, %get3A_3] : memref<128x128xf32, #tpu.memory_space<vmem>>, vector<128x128xf32>
    %dot_general3A = arith.constant dense<0.000000e+00> : vector<2000x128xf32>
    %dot_general3A_5 = tpu.matmul %get3A_1, %get3A_4, %dot_general3A {dimension_numbers = #tpu.dot_dimension_numbers<[1], [0], [0], [1], [0, 0, 1, 1], [], []>, transpose_lhs_hint = false} : vector<2000x128xf32>, vector<128x128xf32>, vector<2000x128xf32> -> vector<2000x128xf32>
    %get3A_6 = arith.constant 0 : index
    %get3A_7 = arith.constant 0 : index
    %get3A_8 = vector.load %arg3[%get3A_6, %get3A_7] : memref<1x128xf32, #tpu.memory_space<vmem>>, vector<1x128xf32>
    %add3A = vector.broadcast %get3A_8 : vector<1x128xf32> to vector<2000x128xf32>
    %add3A_9 = arith.addf %dot_general3A_5, %add3A : vector<2000x128xf32>
    %max3A = arith.constant 0.000000e+00 : f32
    %max3A_10 = vector.broadcast %max3A : f32 to vector<2000x128xf32>
    %max3A_11 = arith.maximumf %add3A_9, %max3A_10 : vector<2000x128xf32>
    %get3A_12 = arith.constant 0 : index
    %get3A_13 = arith.constant 0 : index
    %get3A_14 = vector.load %arg4[%get3A_12, %get3A_13] : memref<2000x1xf32, #tpu.memory_space<vmem>>, vector<2000x1xf32>
    %mul3A = vector.broadcast %get3A_14 : vector<2000x1xf32> to vector<2000x128xf32>
    %mul3A_15 = arith.mulf %mul3A, %max3A_11 : vector<2000x128xf32>
    %swap3A = arith.constant 0 : index
    %swap3A_16 = arith.constant 0 : index
    %swap3A_17 = vector.load %arg5[%swap3A, %swap3A_16] : memref<2000x128xf32, #tpu.memory_space<vmem>>, vector<2000x128xf32>
    tpu.vector_store %arg5[%swap3A, %swap3A_16], %mul3A_15 {strides = array<i32>} : memref<2000x128xf32, #tpu.memory_space<vmem>>, vector<2000x128xf32>,
    return
  }
  func.func @transform_0(%arg0: i32) -> (i32, i32) {
    %c0_i32 = arith.constant 0 : i32
    %c0_i32_0 = arith.constant 0 : i32
    return %arg0, %c0_i32 : i32, i32
  }
  func.func @transform_1(%arg0: i32) -> (i32, i32) {
    %c0_i32 = arith.constant 0 : i32
    %c0_i32_0 = arith.constant 0 : i32
    %c0_i32_1 = arith.constant 0 : i32
    return %c0_i32, %c0_i32_0 : i32, i32
  }
  func.func @transform_2(%arg0: i32) -> (i32, i32) {
    %c0_i32 = arith.constant 0 : i32
    %c0_i32_0 = arith.constant 0 : i32
    %c0_i32_1 = arith.constant 0 : i32
    return %c0_i32, %c0_i32_0 : i32, i32
  }
  func.func @transform_3(%arg0: i32) -> (i32, i32) {
    %c0_i32 = arith.constant 0 : i32
    %c0_i32_0 = arith.constant 0 : i32
    return %arg0, %c0_i32 : i32, i32
  }
  func.func @transform_4(%arg0: i32) -> (i32, i32) {
    %c0_i32 = arith.constant 0 : i32
    %c0_i32_0 = arith.constant 0 : i32
    return %arg0, %c0_i32 : i32, i32
  }
}

module attributes {stable_mosaic.version = 14 : i64} {
  func.func @_combine_body(%arg0: i32, %arg1: memref<2x2000x128xf32, #tpu.memory_space<vmem>>, %arg2: memref<2000x128xf32, #tpu.memory_space<vmem>>, %arg3: memref<2000x1xf32, #tpu.memory_space<vmem>>, %arg4: memref<2000x128xf32, #tpu.memory_space<vmem>>) attributes {dimension_semantics = [#tpu.dimension_semantics<arbitrary>], iteration_bounds = array<i64: 5>, scalar_prefetch = 0 : i64, scratch_operands = 0 : i64, tpu.core_type = #tpu.core_type<tc>, window_params = [{transform_indices = @transform_0, window_bounds = array<i64: 2, 2000, 128>}, {transform_indices = @transform_1, window_bounds = array<i64: 2000, 128>}, {transform_indices = @transform_2, window_bounds = array<i64: 2000, 1>}, {transform_indices = @transform_3, window_bounds = array<i64: 2000, 128>}]} {
    %get3A = arith.constant 0 : index
    %get3A_0 = arith.constant 0 : index
    %get3A_1 = vector.load %arg3[%get3A, %get3A_0] : memref<2000x1xf32, #tpu.memory_space<vmem>>, vector<2000x1xf32>
    %get3A_2 = arith.constant 0 : index
    %get3A_3 = arith.constant 0 : index
    %get3A_4 = arith.constant 0 : index
    %get3A_5 = vector.load %arg1[%get3A_2, %get3A_3, %get3A_4] : memref<2x2000x128xf32, #tpu.memory_space<vmem>>, vector<1x2000x128xf32>
    %get3A_6 = vector.shape_cast %get3A_5 : vector<1x2000x128xf32> to vector<2000x128xf32>
    %get3A_7 = arith.constant 1 : index
    %get3A_8 = arith.constant 0 : index
    %get3A_9 = arith.constant 0 : index
    %get3A_10 = vector.load %arg1[%get3A_7, %get3A_8, %get3A_9] : memref<2x2000x128xf32, #tpu.memory_space<vmem>>, vector<1x2000x128xf32>
    %get3A_11 = vector.shape_cast %get3A_10 : vector<1x2000x128xf32> to vector<2000x128xf32>
    %add3A = arith.addf %get3A_6, %get3A_11 : vector<2000x128xf32>
    %get3A_12 = arith.constant 0 : index
    %get3A_13 = arith.constant 0 : index
    %get3A_14 = vector.load %arg2[%get3A_12, %get3A_13] : memref<2000x128xf32, #tpu.memory_space<vmem>>, vector<2000x128xf32>
    %mul3A = arith.constant 2.000000e+00 : f32
    %mul3A_15 = vector.broadcast %mul3A : f32 to vector<2000x128xf32>
    %mul3A_16 = arith.mulf %mul3A_15, %get3A_14 : vector<2000x128xf32>
    %add3A_17 = arith.addf %add3A, %mul3A_16 : vector<2000x128xf32>
    %mul3A_18 = vector.broadcast %get3A_1 : vector<2000x1xf32> to vector<2000x128xf32>
    %mul3A_19 = arith.mulf %mul3A_18, %add3A_17 : vector<2000x128xf32>
    %swap3A = arith.constant 0 : index
    %swap3A_20 = arith.constant 0 : index
    %swap3A_21 = vector.load %arg4[%swap3A, %swap3A_20] : memref<2000x128xf32, #tpu.memory_space<vmem>>, vector<2000x128xf32>
    tpu.vector_store %arg4[%swap3A, %swap3A_20], %mul3A_19 {strides = array<i32>} : memref<2000x128xf32, #tpu.memory_space<vmem>>, vector<2000x128xf32>,
    return
  }
  func.func @transform_0(%arg0: i32) -> (i32, i32, i32) {
    %c0_i32 = arith.constant 0 : i32
    %c0_i32_0 = arith.constant 0 : i32
    %c0_i32_1 = arith.constant 0 : i32
    return %c0_i32, %arg0, %c0_i32_0 : i32, i32, i32
  }
  func.func @transform_1(%arg0: i32) -> (i32, i32) {
    %c0_i32 = arith.constant 0 : i32
    %c0_i32_0 = arith.constant 0 : i32
    return %arg0, %c0_i32 : i32, i32
  }
  func.func @transform_2(%arg0: i32) -> (i32, i32) {
    %c0_i32 = arith.constant 0 : i32
    %c0_i32_0 = arith.constant 0 : i32
    return %arg0, %c0_i32 : i32, i32
  }
  func.func @transform_3(%arg0: i32) -> (i32, i32) {
    %c0_i32 = arith.constant 0 : i32
    %c0_i32_0 = arith.constant 0 : i32
    return %arg0, %c0_i32 : i32, i32
  }
}

module attributes {stable_mosaic.version = 14 : i64} {
  func.func @_enc_body(%arg0: i32, %arg1: memref<2000x128xf32, #tpu.memory_space<vmem>>, %arg2: memref<2000x128xf32, #tpu.memory_space<vmem>>, %arg3: memref<128x128xf32, #tpu.memory_space<vmem>>, %arg4: memref<128x128xf32, #tpu.memory_space<vmem>>, %arg5: memref<2000x1xf32, #tpu.memory_space<vmem>>, %arg6: memref<2000x128xf32, #tpu.memory_space<vmem>>) attributes {dimension_semantics = [#tpu.dimension_semantics<arbitrary>], iteration_bounds = array<i64: 5>, scalar_prefetch = 0 : i64, scratch_operands = 0 : i64, tpu.core_type = #tpu.core_type<tc>, window_params = [{transform_indices = @transform_0, window_bounds = array<i64: 2000, 128>}, {transform_indices = @transform_1, window_bounds = array<i64: 2000, 128>}, {pipeline_mode = #tpu.pipeline_mode<synchronous>, transform_indices = @transform_2, window_bounds = array<i64: 128, 128>}, {pipeline_mode = #tpu.pipeline_mode<synchronous>, transform_indices = @transform_3, window_bounds = array<i64: 128, 128>}, {transform_indices = @transform_4, window_bounds = array<i64: 2000, 1>}, {transform_indices = @transform_5, window_bounds = array<i64: 2000, 128>}]} {
    %get3A = arith.constant 0 : index
    %get3A_0 = arith.constant 0 : index
    %get3A_1 = vector.load %arg1[%get3A, %get3A_0] : memref<2000x128xf32, #tpu.memory_space<vmem>>, vector<2000x128xf32>
    %get3A_2 = arith.constant 0 : index
    %get3A_3 = arith.constant 0 : index
    %get3A_4 = vector.load %arg3[%get3A_2, %get3A_3] : memref<128x128xf32, #tpu.memory_space<vmem>>, vector<128x128xf32>
    %dot_general3A = arith.constant dense<0.000000e+00> : vector<2000x128xf32>
    %dot_general3A_5 = tpu.matmul %get3A_1, %get3A_4, %dot_general3A {dimension_numbers = #tpu.dot_dimension_numbers<[1], [0], [0], [1], [0, 0, 1, 1], [], []>, transpose_lhs_hint = false} : vector<2000x128xf32>, vector<128x128xf32>, vector<2000x128xf32> -> vector<2000x128xf32>
    %get3A_6 = arith.constant 0 : index
    %get3A_7 = arith.constant 0 : index
    %get3A_8 = vector.load %arg2[%get3A_6, %get3A_7] : memref<2000x128xf32, #tpu.memory_space<vmem>>, vector<2000x128xf32>
    %get3A_9 = arith.constant 0 : index
    %get3A_10 = arith.constant 0 : index
    %get3A_11 = vector.load %arg4[%get3A_9, %get3A_10] : memref<128x128xf32, #tpu.memory_space<vmem>>, vector<128x128xf32>
    %dot_general3A_12 = arith.constant dense<0.000000e+00> : vector<2000x128xf32>
    %dot_general3A_13 = tpu.matmul %get3A_8, %get3A_11, %dot_general3A_12 {dimension_numbers = #tpu.dot_dimension_numbers<[1], [0], [0], [1], [0, 0, 1, 1], [], []>, transpose_lhs_hint = false} : vector<2000x128xf32>, vector<128x128xf32>, vector<2000x128xf32> -> vector<2000x128xf32>
    %add3A = arith.addf %dot_general3A_5, %dot_general3A_13 : vector<2000x128xf32>
    %max3A = arith.constant 0.000000e+00 : f32
    %max3A_14 = vector.broadcast %max3A : f32 to vector<2000x128xf32>
    %max3A_15 = arith.maximumf %add3A, %max3A_14 : vector<2000x128xf32>
    %get3A_16 = arith.constant 0 : index
    %get3A_17 = arith.constant 0 : index
    %get3A_18 = vector.load %arg5[%get3A_16, %get3A_17] : memref<2000x1xf32, #tpu.memory_space<vmem>>, vector<2000x1xf32>
    %mul3A = vector.broadcast %get3A_18 : vector<2000x1xf32> to vector<2000x128xf32>
    %mul3A_19 = arith.mulf %mul3A, %max3A_15 : vector<2000x128xf32>
    %swap3A = arith.constant 0 : index
    %swap3A_20 = arith.constant 0 : index
    %swap3A_21 = vector.load %arg6[%swap3A, %swap3A_20] : memref<2000x128xf32, #tpu.memory_space<vmem>>, vector<2000x128xf32>
    tpu.vector_store %arg6[%swap3A, %swap3A_20], %mul3A_19 {strides = array<i32>} : memref<2000x128xf32, #tpu.memory_space<vmem>>, vector<2000x128xf32>,
    return
  }
  func.func @transform_0(%arg0: i32) -> (i32, i32) {
    %c0_i32 = arith.constant 0 : i32
    %c0_i32_0 = arith.constant 0 : i32
    return %arg0, %c0_i32 : i32, i32
  }
  func.func @transform_1(%arg0: i32) -> (i32, i32) {
    %c0_i32 = arith.constant 0 : i32
    %c0_i32_0 = arith.constant 0 : i32
    return %arg0, %c0_i32 : i32, i32
  }
  func.func @transform_2(%arg0: i32) -> (i32, i32) {
    %c0_i32 = arith.constant 0 : i32
    %c0_i32_0 = arith.constant 0 : i32
    %c0_i32_1 = arith.constant 0 : i32
    return %c0_i32, %c0_i32_0 : i32, i32
  }
  func.func @transform_3(%arg0: i32) -> (i32, i32) {
    %c0_i32 = arith.constant 0 : i32
    %c0_i32_0 = arith.constant 0 : i32
    %c0_i32_1 = arith.constant 0 : i32
    return %c0_i32, %c0_i32_0 : i32, i32
  }
  func.func @transform_4(%arg0: i32) -> (i32, i32) {
    %c0_i32 = arith.constant 0 : i32
    %c0_i32_0 = arith.constant 0 : i32
    return %arg0, %c0_i32 : i32, i32
  }
  func.func @transform_5(%arg0: i32) -> (i32, i32) {
    %c0_i32 = arith.constant 0 : i32
    %c0_i32_0 = arith.constant 0 : i32
    return %arg0, %c0_i32 : i32, i32
  }
}

module attributes {stable_mosaic.version = 14 : i64} {
  func.func @_stagec_body(%arg0: i32, %arg1: memref<2000x128xf32, #tpu.memory_space<vmem>>, %arg2: memref<2000x128xf32, #tpu.memory_space<vmem>>, %arg3: memref<2000x64xf32, #tpu.memory_space<vmem>>, %arg4: memref<128x64xf32, #tpu.memory_space<vmem>>, %arg5: memref<128x64xf32, #tpu.memory_space<vmem>>, %arg6: memref<128x128xf32, #tpu.memory_space<vmem>>, %arg7: memref<1x128xf32, #tpu.memory_space<vmem>>, %arg8: memref<128x64xf32, #tpu.memory_space<vmem>>, %arg9: memref<1x64xf32, #tpu.memory_space<vmem>>, %arg10: memref<128x64xf32, #tpu.memory_space<vmem>>, %arg11: memref<1x64xf32, #tpu.memory_space<vmem>>, %arg12: memref<64x128xf32, #tpu.memory_space<vmem>>, %arg13: memref<1x128xf32, #tpu.memory_space<vmem>>, %arg14: memref<2000x1xf32, #tpu.memory_space<vmem>>, %arg15: memref<2000x128xf32, #tpu.memory_space<vmem>>, %arg16: memref<2000x128xf32, #tpu.memory_space<vmem>>, %arg17: memref<1x1x1xf32, #tpu.memory_space<vmem>>) attributes {dimension_semantics = [#tpu.dimension_semantics<arbitrary>], iteration_bounds = array<i64: 5>, scalar_prefetch = 0 : i64, scratch_operands = 0 : i64, tpu.core_type = #tpu.core_type<tc>, window_params = [{transform_indices = @transform_0, window_bounds = array<i64: 2000, 128>}, {transform_indices = @transform_1, window_bounds = array<i64: 2000, 128>}, {transform_indices = @transform_2, window_bounds = array<i64: 2000, 64>}, {pipeline_mode = #tpu.pipeline_mode<synchronous>, transform_indices = @transform_3, window_bounds = array<i64: 128, 64>}, {pipeline_mode = #tpu.pipeline_mode<synchronous>, transform_indices = @transform_4, window_bounds = array<i64: 128, 64>}, {pipeline_mode = #tpu.pipeline_mode<synchronous>, transform_indices = @transform_5, window_bounds = array<i64: 128, 128>}, {pipeline_mode = #tpu.pipeline_mode<synchronous>, transform_indices = @transform_6, window_bounds = array<i64: 1, 128>}, {pipeline_mode = #tpu.pipeline_mode<synchronous>, transform_indices = @transform_7, window_bounds = array<i64: 128, 64>}, {pipeline_mode = #tpu.pipeline_mode<synchronous>, transform_indices = @transform_8, window_bounds = array<i64: 1, 64>}, {pipeline_mode = #tpu.pipeline_mode<synchronous>, transform_indices = @transform_9, window_bounds = array<i64: 128, 64>}, {pipeline_mode = #tpu.pipeline_mode<synchronous>, transform_indices = @transform_10, window_bounds = array<i64: 1, 64>}, {pipeline_mode = #tpu.pipeline_mode<synchronous>, transform_indices = @transform_11, window_bounds = array<i64: 64, 128>}, {pipeline_mode = #tpu.pipeline_mode<synchronous>, transform_indices = @transform_12, window_bounds = array<i64: 1, 128>}, {transform_indices = @transform_13, window_bounds = array<i64: 2000, 1>}, {transform_indices = @transform_14, window_bounds = array<i64: 2000, 128>}, {transform_indices = @transform_15, window_bounds = array<i64: 2000, 128>}, {transform_indices = @transform_16, window_bounds = array<i64: 1, 1, 1>}]} {
    %get3A = arith.constant 0 : index
    %get3A_0 = arith.constant 0 : index
    %get3A_1 = vector.load %arg1[%get3A, %get3A_0] : memref<2000x128xf32, #tpu.memory_space<vmem>>, vector<2000x128xf32>
    %get3A_2 = arith.constant 0 : index
    %get3A_3 = arith.constant 0 : index
    %get3A_4 = vector.load %arg4[%get3A_2, %get3A_3] : memref<128x64xf32, #tpu.memory_space<vmem>>, vector<128x64xf32>
    %dot_general3A = arith.constant dense<0.000000e+00> : vector<2000x64xf32>
    %dot_general3A_5 = tpu.matmul %get3A_1, %get3A_4, %dot_general3A {dimension_numbers = #tpu.dot_dimension_numbers<[1], [0], [0], [1], [0, 0, 1, 1], [], []>, transpose_lhs_hint = false} : vector<2000x128xf32>, vector<128x64xf32>, vector<2000x64xf32> -> vector<2000x64xf32>
    %get3A_6 = arith.constant 0 : index
    %get3A_7 = arith.constant 0 : index
    %get3A_8 = vector.load %arg5[%get3A_6, %get3A_7] : memref<128x64xf32, #tpu.memory_space<vmem>>, vector<128x64xf32>
    %dot_general3A_9 = arith.constant dense<0.000000e+00> : vector<2000x64xf32>
    %dot_general3A_10 = tpu.matmul %get3A_1, %get3A_8, %dot_general3A_9 {dimension_numbers = #tpu.dot_dimension_numbers<[1], [0], [0], [1], [0, 0, 1, 1], [], []>, transpose_lhs_hint = false} : vector<2000x128xf32>, vector<128x64xf32>, vector<2000x64xf32> -> vector<2000x64xf32>
    %max3A = arith.constant 0.000000e+00 : f32
    %max3A_11 = vector.broadcast %max3A : f32 to vector<2000x64xf32>
    %max3A_12 = arith.maximumf %dot_general3A_10, %max3A_11 : vector<2000x64xf32>
    %sub3A = arith.subf %dot_general3A_10, %max3A_12 : vector<2000x64xf32>
    %exp3A = math.exp %sub3A : vector<2000x64xf32>
    %neg3A = arith.constant 0.000000e+00 : f32
    %neg3A_13 = vector.broadcast %neg3A : f32 to vector<2000x64xf32>
    %neg3A_14 = arith.subf %neg3A_13, %max3A_12 : vector<2000x64xf32>
    %exp3A_15 = math.exp %neg3A_14 : vector<2000x64xf32>
    %add3A = arith.addf %exp3A, %exp3A_15 : vector<2000x64xf32>
    %log3A = math.log %add3A : vector<2000x64xf32>
    %add3A_16 = arith.addf %max3A_12, %log3A : vector<2000x64xf32>
    %get3A_17 = arith.constant 0 : index
    %get3A_18 = arith.constant 0 : index
    %get3A_19 = vector.load %arg2[%get3A_17, %get3A_18] : memref<2000x128xf32, #tpu.memory_space<vmem>>, vector<2000x128xf32>
    %get3A_20 = arith.constant 0 : index
    %get3A_21 = arith.constant 0 : index
    %get3A_22 = vector.load %arg6[%get3A_20, %get3A_21] : memref<128x128xf32, #tpu.memory_space<vmem>>, vector<128x128xf32>
    %dot_general3A_23 = arith.constant dense<0.000000e+00> : vector<2000x128xf32>
    %dot_general3A_24 = tpu.matmul %get3A_19, %get3A_22, %dot_general3A_23 {dimension_numbers = #tpu.dot_dimension_numbers<[1], [0], [0], [1], [0, 0, 1, 1], [], []>, transpose_lhs_hint = false} : vector<2000x128xf32>, vector<128x128xf32>, vector<2000x128xf32> -> vector<2000x128xf32>
    %get3A_25 = arith.constant 0 : index
    %get3A_26 = arith.constant 0 : index
    %get3A_27 = vector.load %arg7[%get3A_25, %get3A_26] : memref<1x128xf32, #tpu.memory_space<vmem>>, vector<1x128xf32>
    %add3A_28 = vector.broadcast %get3A_27 : vector<1x128xf32> to vector<2000x128xf32>
    %add3A_29 = arith.addf %dot_general3A_24, %add3A_28 : vector<2000x128xf32>
    %max3A_30 = arith.constant 0.000000e+00 : f32
    %max3A_31 = vector.broadcast %max3A_30 : f32 to vector<2000x128xf32>
    %max3A_32 = arith.maximumf %add3A_29, %max3A_31 : vector<2000x128xf32>
    %get3A_33 = arith.constant 0 : index
    %get3A_34 = arith.constant 0 : index
    %get3A_35 = vector.load %arg8[%get3A_33, %get3A_34] : memref<128x64xf32, #tpu.memory_space<vmem>>, vector<128x64xf32>
    %dot_general3A_36 = arith.constant dense<0.000000e+00> : vector<2000x64xf32>
    %dot_general3A_37 = tpu.matmul %max3A_32, %get3A_35, %dot_general3A_36 {dimension_numbers = #tpu.dot_dimension_numbers<[1], [0], [0], [1], [0, 0, 1, 1], [], []>, transpose_lhs_hint = false} : vector<2000x128xf32>, vector<128x64xf32>, vector<2000x64xf32> -> vector<2000x64xf32>
    %get3A_38 = arith.constant 0 : index
    %get3A_39 = arith.constant 0 : index
    %get3A_40 = vector.load %arg9[%get3A_38, %get3A_39] : memref<1x64xf32, #tpu.memory_space<vmem>>, vector<1x64xf32>
    %add3A_41 = vector.broadcast %get3A_40 : vector<1x64xf32> to vector<2000x64xf32>
    %add3A_42 = arith.addf %dot_general3A_37, %add3A_41 : vector<2000x64xf32>
    %get3A_43 = arith.constant 0 : index
    %get3A_44 = arith.constant 0 : index
    %get3A_45 = vector.load %arg10[%get3A_43, %get3A_44] : memref<128x64xf32, #tpu.memory_space<vmem>>, vector<128x64xf32>
    %dot_general3A_46 = arith.constant dense<0.000000e+00> : vector<2000x64xf32>
    %dot_general3A_47 = tpu.matmul %max3A_32, %get3A_45, %dot_general3A_46 {dimension_numbers = #tpu.dot_dimension_numbers<[1], [0], [0], [1], [0, 0, 1, 1], [], []>, transpose_lhs_hint = false} : vector<2000x128xf32>, vector<128x64xf32>, vector<2000x64xf32> -> vector<2000x64xf32>
    %get3A_48 = arith.constant 0 : index
    %get3A_49 = arith.constant 0 : index
    %get3A_50 = vector.load %arg11[%get3A_48, %get3A_49] : memref<1x64xf32, #tpu.memory_space<vmem>>, vector<1x64xf32>
    %add3A_51 = vector.broadcast %get3A_50 : vector<1x64xf32> to vector<2000x64xf32>
    %add3A_52 = arith.addf %dot_general3A_47, %add3A_51 : vector<2000x64xf32>
    %max3A_53 = arith.constant 0.000000e+00 : f32
    %max3A_54 = vector.broadcast %max3A_53 : f32 to vector<2000x64xf32>
    %max3A_55 = arith.maximumf %add3A_52, %max3A_54 : vector<2000x64xf32>
    %sub3A_56 = arith.subf %add3A_52, %max3A_55 : vector<2000x64xf32>
    %exp3A_57 = math.exp %sub3A_56 : vector<2000x64xf32>
    %neg3A_58 = arith.constant 0.000000e+00 : f32
    %neg3A_59 = vector.broadcast %neg3A_58 : f32 to vector<2000x64xf32>
    %neg3A_60 = arith.subf %neg3A_59, %max3A_55 : vector<2000x64xf32>
    %exp3A_61 = math.exp %neg3A_60 : vector<2000x64xf32>
    %add3A_62 = arith.addf %exp3A_57, %exp3A_61 : vector<2000x64xf32>
    %log3A_63 = math.log %add3A_62 : vector<2000x64xf32>
    %add3A_64 = arith.addf %max3A_55, %log3A_63 : vector<2000x64xf32>
    %get3A_65 = arith.constant 0 : index
    %get3A_66 = arith.constant 0 : index
    %get3A_67 = vector.load %arg3[%get3A_65, %get3A_66] : memref<2000x64xf32, #tpu.memory_space<vmem>>, vector<2000x64xf32>
    %mul3A = arith.mulf %add3A_16, %get3A_67 : vector<2000x64xf32>
    %add3A_68 = arith.addf %dot_general3A_5, %mul3A : vector<2000x64xf32>
    %broadcast_in_dim3A = arith.constant 0.000000e+00 : f32
    %broadcast_in_dim3A_69 = vector.broadcast %broadcast_in_dim3A : f32 to vector<2000x64xf32>
    %concatenate3A = tpu.concatenate %add3A_68, %broadcast_in_dim3A_69 in 1 : vector<2000x64xf32>, vector<2000x64xf32> -> vector<2000x128xf32>
    %swap3A = arith.constant 0 : index
    %swap3A_70 = arith.constant 0 : index
    %swap3A_71 = vector.load %arg15[%swap3A, %swap3A_70] : memref<2000x128xf32, #tpu.memory_space<vmem>>, vector<2000x128xf32>
    tpu.vector_store %arg15[%swap3A, %swap3A_70], %concatenate3A {strides = array<i32>} : memref<2000x128xf32, #tpu.memory_space<vmem>>, vector<2000x128xf32>,
    %get3A_72 = arith.constant 0 : index
    %get3A_73 = arith.constant 0 : index
    %get3A_74 = vector.load %arg12[%get3A_72, %get3A_73] : memref<64x128xf32, #tpu.memory_space<vmem>>, vector<64x128xf32>
    %dot_general3A_75 = arith.constant dense<0.000000e+00> : vector<2000x128xf32>
    %dot_general3A_76 = tpu.matmul %add3A_68, %get3A_74, %dot_general3A_75 {dimension_numbers = #tpu.dot_dimension_numbers<[1], [0], [0], [1], [0, 0, 1, 1], [], []>, transpose_lhs_hint = false} : vector<2000x64xf32>, vector<64x128xf32>, vector<2000x128xf32> -> vector<2000x128xf32>
    %get3A_77 = arith.constant 0 : index
    %get3A_78 = arith.constant 0 : index
    %get3A_79 = vector.load %arg13[%get3A_77, %get3A_78] : memref<1x128xf32, #tpu.memory_space<vmem>>, vector<1x128xf32>
    %add3A_80 = vector.broadcast %get3A_79 : vector<1x128xf32> to vector<2000x128xf32>
    %add3A_81 = arith.addf %dot_general3A_76, %add3A_80 : vector<2000x128xf32>
    %max3A_82 = arith.constant 0.000000e+00 : f32
    %max3A_83 = vector.broadcast %max3A_82 : f32 to vector<2000x128xf32>
    %max3A_84 = arith.maximumf %add3A_81, %max3A_83 : vector<2000x128xf32>
    %get3A_85 = arith.constant 0 : index
    %get3A_86 = arith.constant 0 : index
    %get3A_87 = vector.load %arg14[%get3A_85, %get3A_86] : memref<2000x1xf32, #tpu.memory_space<vmem>>, vector<2000x1xf32>
    %mul3A_88 = vector.broadcast %get3A_87 : vector<2000x1xf32> to vector<2000x128xf32>
    %mul3A_89 = arith.mulf %mul3A_88, %max3A_84 : vector<2000x128xf32>
    %swap3A_90 = arith.constant 0 : index
    %swap3A_91 = arith.constant 0 : index
    %swap3A_92 = vector.load %arg16[%swap3A_90, %swap3A_91] : memref<2000x128xf32, #tpu.memory_space<vmem>>, vector<2000x128xf32>
    tpu.vector_store %arg16[%swap3A_90, %swap3A_91], %mul3A_89 {strides = array<i32>} : memref<2000x128xf32, #tpu.memory_space<vmem>>, vector<2000x128xf32>,
    %add3A_93 = arith.constant 1.000000e-10 : f32
    %add3A_94 = vector.broadcast %add3A_93 : f32 to vector<2000x64xf32>
    %add3A_95 = arith.addf %add3A_64, %add3A_94 : vector<2000x64xf32>
    %log3A_96 = math.log %add3A_95 : vector<2000x64xf32>
    %add3A_97 = arith.constant 1.000000e-10 : f32
    %add3A_98 = vector.broadcast %add3A_97 : f32 to vector<2000x64xf32>
    %add3A_99 = arith.addf %add3A_16, %add3A_98 : vector<2000x64xf32>
    %log3A_100 = math.log %add3A_99 : vector<2000x64xf32>
    %sub3A_101 = arith.subf %log3A_96, %log3A_100 : vector<2000x64xf32>
    %mul3A_102 = arith.constant 2.000000e+00 : f32
    %mul3A_103 = vector.broadcast %mul3A_102 : f32 to vector<2000x64xf32>
    %mul3A_104 = arith.mulf %mul3A_103, %sub3A_101 : vector<2000x64xf32>
    %add3A_105 = arith.constant 1.000000e-10 : f32
    %add3A_106 = vector.broadcast %add3A_105 : f32 to vector<2000x64xf32>
    %add3A_107 = arith.addf %add3A_16, %add3A_106 : vector<2000x64xf32>
    %integer_pow3A = arith.mulf %add3A_107, %add3A_107 : vector<2000x64xf32>
    %sub3A_108 = arith.subf %dot_general3A_5, %add3A_42 : vector<2000x64xf32>
    %integer_pow3A_109 = arith.mulf %sub3A_108, %sub3A_108 : vector<2000x64xf32>
    %add3A_110 = arith.addf %integer_pow3A, %integer_pow3A_109 : vector<2000x64xf32>
    %add3A_111 = arith.constant 1.000000e-10 : f32
    %add3A_112 = vector.broadcast %add3A_111 : f32 to vector<2000x64xf32>
    %add3A_113 = arith.addf %add3A_64, %add3A_112 : vector<2000x64xf32>
    %integer_pow3A_114 = arith.mulf %add3A_113, %add3A_113 : vector<2000x64xf32>
    %div3A = arith.divf %add3A_110, %integer_pow3A_114 : vector<2000x64xf32>
    %add3A_115 = arith.addf %mul3A_104, %div3A : vector<2000x64xf32>
    %sub3A_116 = arith.constant 1.000000e+00 : f32
    %sub3A_117 = vector.broadcast %sub3A_116 : f32 to vector<2000x64xf32>
    %sub3A_118 = arith.subf %add3A_115, %sub3A_117 : vector<2000x64xf32>
    %reduce_sum3A = vector.shape_cast %sub3A_118 : vector<2000x64xf32> to vector<1x2000x64xf32>
    %reduce_sum3A_119 = arith.constant dense<0.000000e+00> : vector<1xf32>
    %reduce_sum3A_120 = vector.multi_reduction <add>, %reduce_sum3A, %reduce_sum3A_119 [1, 2] : vector<1x2000x64xf32> to vector<1xf32>
    %reduce_sum3A_121 = vector.shape_cast %reduce_sum3A_120 : vector<1xf32> to vector<1x1x1xf32>
    %reduce_sum3A_122 = vector.extract %reduce_sum3A_121[0, 0, 0] : f32 from vector<1x1x1xf32>
    %reshape3A = vector.broadcast %reduce_sum3A_122 : f32 to vector<1x1x1xf32>
    %swap3A_123 = arith.constant 0 : index
    %swap3A_124 = arith.constant 0 : index
    %swap3A_125 = arith.constant 0 : index
    %swap3A_126 = vector.load %arg17[%swap3A_123, %swap3A_124, %swap3A_125] : memref<1x1x1xf32, #tpu.memory_space<vmem>>, vector<1x1x1xf32>
    tpu.vector_store %arg17[%swap3A_123, %swap3A_124, %swap3A_125], %reshape3A {strides = array<i32>} : memref<1x1x1xf32, #tpu.memory_space<vmem>>, vector<1x1x1xf32>,
    return
  }
  func.func @transform_0(%arg0: i32) -> (i32, i32) {
    %c0_i32 = arith.constant 0 : i32
    %c0_i32_0 = arith.constant 0 : i32
    return %arg0, %c0_i32 : i32, i32
  }
  func.func @transform_1(%arg0: i32) -> (i32, i32) {
    %c0_i32 = arith.constant 0 : i32
    %c0_i32_0 = arith.constant 0 : i32
    return %arg0, %c0_i32 : i32, i32
  }
  func.func @transform_2(%arg0: i32) -> (i32, i32) {
    %c0_i32 = arith.constant 0 : i32
    %c0_i32_0 = arith.constant 0 : i32
    return %arg0, %c0_i32 : i32, i32
  }
  func.func @transform_3(%arg0: i32) -> (i32, i32) {
    %c0_i32 = arith.constant 0 : i32
    %c0_i32_0 = arith.constant 0 : i32
    %c0_i32_1 = arith.constant 0 : i32
    return %c0_i32, %c0_i32_0 : i32, i32
  }
  func.func @transform_4(%arg0: i32) -> (i32, i32) {
    %c0_i32 = arith.constant 0 : i32
    %c0_i32_0 = arith.constant 0 : i32
    %c0_i32_1 = arith.constant 0 : i32
    return %c0_i32, %c0_i32_0 : i32, i32
  }
  func.func @transform_5(%arg0: i32) -> (i32, i32) {
    %c0_i32 = arith.constant 0 : i32
    %c0_i32_0 = arith.constant 0 : i32
    %c0_i32_1 = arith.constant 0 : i32
    return %c0_i32, %c0_i32_0 : i32, i32
  }
  func.func @transform_6(%arg0: i32) -> (i32, i32) {
    %c0_i32 = arith.constant 0 : i32
    %c0_i32_0 = arith.constant 0 : i32
    %c0_i32_1 = arith.constant 0 : i32
    return %c0_i32, %c0_i32_0 : i32, i32
  }
  func.func @transform_7(%arg0: i32) -> (i32, i32) {
    %c0_i32 = arith.constant 0 : i32
    %c0_i32_0 = arith.constant 0 : i32
    %c0_i32_1 = arith.constant 0 : i32
    return %c0_i32, %c0_i32_0 : i32, i32
  }
  func.func @transform_8(%arg0: i32) -> (i32, i32) {
    %c0_i32 = arith.constant 0 : i32
    %c0_i32_0 = arith.constant 0 : i32
    %c0_i32_1 = arith.constant 0 : i32
    return %c0_i32, %c0_i32_0 : i32, i32
  }
  func.func @transform_9(%arg0: i32) -> (i32, i32) {
    %c0_i32 = arith.constant 0 : i32
    %c0_i32_0 = arith.constant 0 : i32
    %c0_i32_1 = arith.constant 0 : i32
    return %c0_i32, %c0_i32_0 : i32, i32
  }
  func.func @transform_10(%arg0: i32) -> (i32, i32) {
    %c0_i32 = arith.constant 0 : i32
    %c0_i32_0 = arith.constant 0 : i32
    %c0_i32_1 = arith.constant 0 : i32
    return %c0_i32, %c0_i32_0 : i32, i32
  }
  func.func @transform_11(%arg0: i32) -> (i32, i32) {
    %c0_i32 = arith.constant 0 : i32
    %c0_i32_0 = arith.constant 0 : i32
    %c0_i32_1 = arith.constant 0 : i32
    return %c0_i32, %c0_i32_0 : i32, i32
  }
  func.func @transform_12(%arg0: i32) -> (i32, i32) {
    %c0_i32 = arith.constant 0 : i32
    %c0_i32_0 = arith.constant 0 : i32
    %c0_i32_1 = arith.constant 0 : i32
    return %c0_i32, %c0_i32_0 : i32, i32
  }
  func.func @transform_13(%arg0: i32) -> (i32, i32) {
    %c0_i32 = arith.constant 0 : i32
    %c0_i32_0 = arith.constant 0 : i32
    return %arg0, %c0_i32 : i32, i32
  }
  func.func @transform_14(%arg0: i32) -> (i32, i32) {
    %c0_i32 = arith.constant 0 : i32
    %c0_i32_0 = arith.constant 0 : i32
    return %arg0, %c0_i32 : i32, i32
  }
  func.func @transform_15(%arg0: i32) -> (i32, i32) {
    %c0_i32 = arith.constant 0 : i32
    %c0_i32_0 = arith.constant 0 : i32
    return %arg0, %c0_i32 : i32, i32
  }
  func.func @transform_16(%arg0: i32) -> (i32, i32, i32) {
    %c0_i32 = arith.constant 0 : i32
    %c0_i32_0 = arith.constant 0 : i32
    %c0_i32_1 = arith.constant 0 : i32
    return %arg0, %c0_i32, %c0_i32_0 : i32, i32, i32
  }
}

module attributes {stable_mosaic.version = 14 : i64} {
  func.func @_gates_body(%arg0: i32, %arg1: memref<2000x128xf32, #tpu.memory_space<vmem>>, %arg2: memref<2000x128xf32, #tpu.memory_space<vmem>>, %arg3: memref<2000x128xf32, #tpu.memory_space<vmem>>, %arg4: memref<2000x128xf32, #tpu.memory_space<vmem>>, %arg5: memref<128x128xf32, #tpu.memory_space<vmem>>, %arg6: memref<128x128xf32, #tpu.memory_space<vmem>>, %arg7: memref<128x128xf32, #tpu.memory_space<vmem>>, %arg8: memref<128x128xf32, #tpu.memory_space<vmem>>, %arg9: memref<128x128xf32, #tpu.memory_space<vmem>>, %arg10: memref<128x128xf32, #tpu.memory_space<vmem>>, %arg11: memref<2000x1xf32, #tpu.memory_space<vmem>>, %arg12: memref<2000x128xf32, #tpu.memory_space<vmem>>, %arg13: memref<2000x128xf32, #tpu.memory_space<vmem>>) attributes {dimension_semantics = [#tpu.dimension_semantics<arbitrary>], iteration_bounds = array<i64: 5>, scalar_prefetch = 0 : i64, scratch_operands = 0 : i64, tpu.core_type = #tpu.core_type<tc>, window_params = [{transform_indices = @transform_0, window_bounds = array<i64: 2000, 128>}, {transform_indices = @transform_1, window_bounds = array<i64: 2000, 128>}, {transform_indices = @transform_2, window_bounds = array<i64: 2000, 128>}, {transform_indices = @transform_3, window_bounds = array<i64: 2000, 128>}, {pipeline_mode = #tpu.pipeline_mode<synchronous>, transform_indices = @transform_4, window_bounds = array<i64: 128, 128>}, {pipeline_mode = #tpu.pipeline_mode<synchronous>, transform_indices = @transform_5, window_bounds = array<i64: 128, 128>}, {pipeline_mode = #tpu.pipeline_mode<synchronous>, transform_indices = @transform_6, window_bounds = array<i64: 128, 128>}, {pipeline_mode = #tpu.pipeline_mode<synchronous>, transform_indices = @transform_7, window_bounds = array<i64: 128, 128>}, {pipeline_mode = #tpu.pipeline_mode<synchronous>, transform_indices = @transform_8, window_bounds = array<i64: 128, 128>}, {pipeline_mode = #tpu.pipeline_mode<synchronous>, transform_indices = @transform_9, window_bounds = array<i64: 128, 128>}, {transform_indices = @transform_10, window_bounds = array<i64: 2000, 1>}, {transform_indices = @transform_11, window_bounds = array<i64: 2000, 128>}, {transform_indices = @transform_12, window_bounds = array<i64: 2000, 128>}]} {
    %get3A = arith.constant 0 : index
    %get3A_0 = arith.constant 0 : index
    %get3A_1 = vector.load %arg1[%get3A, %get3A_0] : memref<2000x128xf32, #tpu.memory_space<vmem>>, vector<2000x128xf32>
    %get3A_2 = arith.constant 0 : index
    %get3A_3 = arith.constant 0 : index
    %get3A_4 = vector.load %arg2[%get3A_2, %get3A_3] : memref<2000x128xf32, #tpu.memory_space<vmem>>, vector<2000x128xf32>
    %get3A_5 = arith.constant 0 : index
    %get3A_6 = arith.constant 0 : index
    %get3A_7 = vector.load %arg3[%get3A_5, %get3A_6] : memref<2000x128xf32, #tpu.memory_space<vmem>>, vector<2000x128xf32>
    %get3A_8 = arith.constant 0 : index
    %get3A_9 = arith.constant 0 : index
    %get3A_10 = vector.load %arg5[%get3A_8, %get3A_9] : memref<128x128xf32, #tpu.memory_space<vmem>>, vector<128x128xf32>
    %dot_general3A = arith.constant dense<0.000000e+00> : vector<2000x128xf32>
    %dot_general3A_11 = tpu.matmul %get3A_1, %get3A_10, %dot_general3A {dimension_numbers = #tpu.dot_dimension_numbers<[1], [0], [0], [1], [0, 0, 1, 1], [], []>, transpose_lhs_hint = false} : vector<2000x128xf32>, vector<128x128xf32>, vector<2000x128xf32> -> vector<2000x128xf32>
    %get3A_12 = arith.constant 0 : index
    %get3A_13 = arith.constant 0 : index
    %get3A_14 = vector.load %arg6[%get3A_12, %get3A_13] : memref<128x128xf32, #tpu.memory_space<vmem>>, vector<128x128xf32>
    %dot_general3A_15 = arith.constant dense<0.000000e+00> : vector<2000x128xf32>
    %dot_general3A_16 = tpu.matmul %get3A_4, %get3A_14, %dot_general3A_15 {dimension_numbers = #tpu.dot_dimension_numbers<[1], [0], [0], [1], [0, 0, 1, 1], [], []>, transpose_lhs_hint = false} : vector<2000x128xf32>, vector<128x128xf32>, vector<2000x128xf32> -> vector<2000x128xf32>
    %add3A = arith.addf %dot_general3A_11, %dot_general3A_16 : vector<2000x128xf32>
    %get3A_17 = arith.constant 0 : index
    %get3A_18 = arith.constant 0 : index
    %get3A_19 = vector.load %arg7[%get3A_17, %get3A_18] : memref<128x128xf32, #tpu.memory_space<vmem>>, vector<128x128xf32>
    %dot_general3A_20 = arith.constant dense<0.000000e+00> : vector<2000x128xf32>
    %dot_general3A_21 = tpu.matmul %get3A_7, %get3A_19, %dot_general3A_20 {dimension_numbers = #tpu.dot_dimension_numbers<[1], [0], [0], [1], [0, 0, 1, 1], [], []>, transpose_lhs_hint = false} : vector<2000x128xf32>, vector<128x128xf32>, vector<2000x128xf32> -> vector<2000x128xf32>
    %add3A_22 = arith.addf %add3A, %dot_general3A_21 : vector<2000x128xf32>
    %neg3A = arith.constant 0.000000e+00 : f32
    %neg3A_23 = vector.broadcast %neg3A : f32 to vector<2000x128xf32>
    %neg3A_24 = arith.subf %neg3A_23, %add3A_22 : vector<2000x128xf32>
    %exp3A = math.exp %neg3A_24 : vector<2000x128xf32>
    %add3A_25 = arith.constant 1.000000e+00 : f32
    %add3A_26 = vector.broadcast %add3A_25 : f32 to vector<2000x128xf32>
    %add3A_27 = arith.addf %add3A_26, %exp3A : vector<2000x128xf32>
    %div3A = arith.constant 1.000000e+00 : f32
    %div3A_28 = vector.broadcast %div3A : f32 to vector<2000x128xf32>
    %div3A_29 = arith.divf %div3A_28, %add3A_27 : vector<2000x128xf32>
    %get3A_30 = arith.constant 0 : index
    %get3A_31 = arith.constant 0 : index
    %get3A_32 = vector.load %arg8[%get3A_30, %get3A_31] : memref<128x128xf32, #tpu.memory_space<vmem>>, vector<128x128xf32>
    %dot_general3A_33 = arith.constant dense<0.000000e+00> : vector<2000x128xf32>
    %dot_general3A_34 = tpu.matmul %get3A_1, %get3A_32, %dot_general3A_33 {dimension_numbers = #tpu.dot_dimension_numbers<[1], [0], [0], [1], [0, 0, 1, 1], [], []>, transpose_lhs_hint = false} : vector<2000x128xf32>, vector<128x128xf32>, vector<2000x128xf32> -> vector<2000x128xf32>
    %get3A_35 = arith.constant 0 : index
    %get3A_36 = arith.constant 0 : index
    %get3A_37 = vector.load %arg9[%get3A_35, %get3A_36] : memref<128x128xf32, #tpu.memory_space<vmem>>, vector<128x128xf32>
    %dot_general3A_38 = arith.constant dense<0.000000e+00> : vector<2000x128xf32>
    %dot_general3A_39 = tpu.matmul %get3A_4, %get3A_37, %dot_general3A_38 {dimension_numbers = #tpu.dot_dimension_numbers<[1], [0], [0], [1], [0, 0, 1, 1], [], []>, transpose_lhs_hint = false} : vector<2000x128xf32>, vector<128x128xf32>, vector<2000x128xf32> -> vector<2000x128xf32>
    %add3A_40 = arith.addf %dot_general3A_34, %dot_general3A_39 : vector<2000x128xf32>
    %get3A_41 = arith.constant 0 : index
    %get3A_42 = arith.constant 0 : index
    %get3A_43 = vector.load %arg10[%get3A_41, %get3A_42] : memref<128x128xf32, #tpu.memory_space<vmem>>, vector<128x128xf32>
    %dot_general3A_44 = arith.constant dense<0.000000e+00> : vector<2000x128xf32>
    %dot_general3A_45 = tpu.matmul %get3A_7, %get3A_43, %dot_general3A_44 {dimension_numbers = #tpu.dot_dimension_numbers<[1], [0], [0], [1], [0, 0, 1, 1], [], []>, transpose_lhs_hint = false} : vector<2000x128xf32>, vector<128x128xf32>, vector<2000x128xf32> -> vector<2000x128xf32>
    %add3A_46 = arith.addf %add3A_40, %dot_general3A_45 : vector<2000x128xf32>
    %neg3A_47 = arith.constant 0.000000e+00 : f32
    %neg3A_48 = vector.broadcast %neg3A_47 : f32 to vector<2000x128xf32>
    %neg3A_49 = arith.subf %neg3A_48, %add3A_46 : vector<2000x128xf32>
    %exp3A_50 = math.exp %neg3A_49 : vector<2000x128xf32>
    %add3A_51 = arith.constant 1.000000e+00 : f32
    %add3A_52 = vector.broadcast %add3A_51 : f32 to vector<2000x128xf32>
    %add3A_53 = arith.addf %add3A_52, %exp3A_50 : vector<2000x128xf32>
    %div3A_54 = arith.constant 1.000000e+00 : f32
    %div3A_55 = vector.broadcast %div3A_54 : f32 to vector<2000x128xf32>
    %div3A_56 = arith.divf %div3A_55, %add3A_53 : vector<2000x128xf32>
    %swap3A = arith.constant 0 : index
    %swap3A_57 = arith.constant 0 : index
    %swap3A_58 = vector.load %arg12[%swap3A, %swap3A_57] : memref<2000x128xf32, #tpu.memory_space<vmem>>, vector<2000x128xf32>
    tpu.vector_store %arg12[%swap3A, %swap3A_57], %div3A_29 {strides = array<i32>} : memref<2000x128xf32, #tpu.memory_space<vmem>>, vector<2000x128xf32>,
    %get3A_59 = arith.constant 0 : index
    %get3A_60 = arith.constant 0 : index
    %get3A_61 = vector.load %arg11[%get3A_59, %get3A_60] : memref<2000x1xf32, #tpu.memory_space<vmem>>, vector<2000x1xf32>
    %get3A_62 = arith.constant 0 : index
    %get3A_63 = arith.constant 0 : index
    %get3A_64 = vector.load %arg4[%get3A_62, %get3A_63] : memref<2000x128xf32, #tpu.memory_space<vmem>>, vector<2000x128xf32>
    %mul3A = arith.mulf %div3A_56, %get3A_64 : vector<2000x128xf32>
    %mul3A_65 = vector.broadcast %get3A_61 : vector<2000x1xf32> to vector<2000x128xf32>
    %mul3A_66 = arith.mulf %mul3A_65, %mul3A : vector<2000x128xf32>
    %swap3A_67 = arith.constant 0 : index
    %swap3A_68 = arith.constant 0 : index
    %swap3A_69 = vector.load %arg13[%swap3A_67, %swap3A_68] : memref<2000x128xf32, #tpu.memory_space<vmem>>, vector<2000x128xf32>
    tpu.vector_store %arg13[%swap3A_67, %swap3A_68], %mul3A_66 {strides = array<i32>} : memref<2000x128xf32, #tpu.memory_space<vmem>>, vector<2000x128xf32>,
    return
  }
  func.func @transform_0(%arg0: i32) -> (i32, i32) {
    %c0_i32 = arith.constant 0 : i32
    %c0_i32_0 = arith.constant 0 : i32
    return %arg0, %c0_i32 : i32, i32
  }
  func.func @transform_1(%arg0: i32) -> (i32, i32) {
    %c0_i32 = arith.constant 0 : i32
    %c0_i32_0 = arith.constant 0 : i32
    return %arg0, %c0_i32 : i32, i32
  }
  func.func @transform_2(%arg0: i32) -> (i32, i32) {
    %c0_i32 = arith.constant 0 : i32
    %c0_i32_0 = arith.constant 0 : i32
    return %arg0, %c0_i32 : i32, i32
  }
  func.func @transform_3(%arg0: i32) -> (i32, i32) {
    %c0_i32 = arith.constant 0 : i32
    %c0_i32_0 = arith.constant 0 : i32
    return %arg0, %c0_i32 : i32, i32
  }
  func.func @transform_4(%arg0: i32) -> (i32, i32) {
    %c0_i32 = arith.constant 0 : i32
    %c0_i32_0 = arith.constant 0 : i32
    %c0_i32_1 = arith.constant 0 : i32
    return %c0_i32, %c0_i32_0 : i32, i32
  }
  func.func @transform_5(%arg0: i32) -> (i32, i32) {
    %c0_i32 = arith.constant 0 : i32
    %c0_i32_0 = arith.constant 0 : i32
    %c0_i32_1 = arith.constant 0 : i32
    return %c0_i32, %c0_i32_0 : i32, i32
  }
  func.func @transform_6(%arg0: i32) -> (i32, i32) {
    %c0_i32 = arith.constant 0 : i32
    %c0_i32_0 = arith.constant 0 : i32
    %c0_i32_1 = arith.constant 0 : i32
    return %c0_i32, %c0_i32_0 : i32, i32
  }
  func.func @transform_7(%arg0: i32) -> (i32, i32) {
    %c0_i32 = arith.constant 0 : i32
    %c0_i32_0 = arith.constant 0 : i32
    %c0_i32_1 = arith.constant 0 : i32
    return %c0_i32, %c0_i32_0 : i32, i32
  }
  func.func @transform_8(%arg0: i32) -> (i32, i32) {
    %c0_i32 = arith.constant 0 : i32
    %c0_i32_0 = arith.constant 0 : i32
    %c0_i32_1 = arith.constant 0 : i32
    return %c0_i32, %c0_i32_0 : i32, i32
  }
  func.func @transform_9(%arg0: i32) -> (i32, i32) {
    %c0_i32 = arith.constant 0 : i32
    %c0_i32_0 = arith.constant 0 : i32
    %c0_i32_1 = arith.constant 0 : i32
    return %c0_i32, %c0_i32_0 : i32, i32
  }
  func.func @transform_10(%arg0: i32) -> (i32, i32) {
    %c0_i32 = arith.constant 0 : i32
    %c0_i32_0 = arith.constant 0 : i32
    return %arg0, %c0_i32 : i32, i32
  }
  func.func @transform_11(%arg0: i32) -> (i32, i32) {
    %c0_i32 = arith.constant 0 : i32
    %c0_i32_0 = arith.constant 0 : i32
    return %arg0, %c0_i32 : i32, i32
  }
  func.func @transform_12(%arg0: i32) -> (i32, i32) {
    %c0_i32 = arith.constant 0 : i32
    %c0_i32_0 = arith.constant 0 : i32
    return %arg0, %c0_i32 : i32, i32
  }
}

module attributes {stable_mosaic.version = 14 : i64} {
  func.func @_final_body(%arg0: i32, %arg1: memref<2000x128xf32, #tpu.memory_space<vmem>>, %arg2: memref<2000x128xf32, #tpu.memory_space<vmem>>, %arg3: memref<2000x128xf32, #tpu.memory_space<vmem>>, %arg4: memref<128x128xf32, #tpu.memory_space<vmem>>, %arg5: memref<128x128xf32, #tpu.memory_space<vmem>>, %arg6: memref<128x128xf32, #tpu.memory_space<vmem>>, %arg7: memref<2000x128xf32, #tpu.memory_space<vmem>>, %arg8: memref<2000x128xf32, #tpu.memory_space<vmem>>, %arg9: memref<2000x128xf32, #tpu.memory_space<vmem>>) attributes {dimension_semantics = [#tpu.dimension_semantics<arbitrary>], iteration_bounds = array<i64: 5>, scalar_prefetch = 0 : i64, scratch_operands = 0 : i64, tpu.core_type = #tpu.core_type<tc>, window_params = [{transform_indices = @transform_0, window_bounds = array<i64: 2000, 128>}, {transform_indices = @transform_1, window_bounds = array<i64: 2000, 128>}, {transform_indices = @transform_2, window_bounds = array<i64: 2000, 128>}, {pipeline_mode = #tpu.pipeline_mode<synchronous>, transform_indices = @transform_3, window_bounds = array<i64: 128, 128>}, {pipeline_mode = #tpu.pipeline_mode<synchronous>, transform_indices = @transform_4, window_bounds = array<i64: 128, 128>}, {pipeline_mode = #tpu.pipeline_mode<synchronous>, transform_indices = @transform_5, window_bounds = array<i64: 128, 128>}, {transform_indices = @transform_6, window_bounds = array<i64: 2000, 128>}, {transform_indices = @transform_7, window_bounds = array<i64: 2000, 128>}, {transform_indices = @transform_8, window_bounds = array<i64: 2000, 128>}]} {
    %get3A = arith.constant 0 : index
    %get3A_0 = arith.constant 0 : index
    %get3A_1 = vector.load %arg1[%get3A, %get3A_0] : memref<2000x128xf32, #tpu.memory_space<vmem>>, vector<2000x128xf32>
    %get3A_2 = arith.constant 0 : index
    %get3A_3 = arith.constant 0 : index
    %get3A_4 = vector.load %arg4[%get3A_2, %get3A_3] : memref<128x128xf32, #tpu.memory_space<vmem>>, vector<128x128xf32>
    %dot_general3A = arith.constant dense<0.000000e+00> : vector<2000x128xf32>
    %dot_general3A_5 = tpu.matmul %get3A_1, %get3A_4, %dot_general3A {dimension_numbers = #tpu.dot_dimension_numbers<[1], [0], [0], [1], [0, 0, 1, 1], [], []>, transpose_lhs_hint = false} : vector<2000x128xf32>, vector<128x128xf32>, vector<2000x128xf32> -> vector<2000x128xf32>
    %get3A_6 = arith.constant 0 : index
    %get3A_7 = arith.constant 0 : index
    %get3A_8 = vector.load %arg2[%get3A_6, %get3A_7] : memref<2000x128xf32, #tpu.memory_space<vmem>>, vector<2000x128xf32>
    %get3A_9 = arith.constant 0 : index
    %get3A_10 = arith.constant 0 : index
    %get3A_11 = vector.load %arg5[%get3A_9, %get3A_10] : memref<128x128xf32, #tpu.memory_space<vmem>>, vector<128x128xf32>
    %dot_general3A_12 = arith.constant dense<0.000000e+00> : vector<2000x128xf32>
    %dot_general3A_13 = tpu.matmul %get3A_8, %get3A_11, %dot_general3A_12 {dimension_numbers = #tpu.dot_dimension_numbers<[1], [0], [0], [1], [0, 0, 1, 1], [], []>, transpose_lhs_hint = false} : vector<2000x128xf32>, vector<128x128xf32>, vector<2000x128xf32> -> vector<2000x128xf32>
    %add3A = arith.addf %dot_general3A_5, %dot_general3A_13 : vector<2000x128xf32>
    %get3A_14 = arith.constant 0 : index
    %get3A_15 = arith.constant 0 : index
    %get3A_16 = vector.load %arg3[%get3A_14, %get3A_15] : memref<2000x128xf32, #tpu.memory_space<vmem>>, vector<2000x128xf32>
    %get3A_17 = arith.constant 0 : index
    %get3A_18 = arith.constant 0 : index
    %get3A_19 = vector.load %arg6[%get3A_17, %get3A_18] : memref<128x128xf32, #tpu.memory_space<vmem>>, vector<128x128xf32>
    %dot_general3A_20 = arith.constant dense<0.000000e+00> : vector<2000x128xf32>
    %dot_general3A_21 = tpu.matmul %get3A_16, %get3A_19, %dot_general3A_20 {dimension_numbers = #tpu.dot_dimension_numbers<[1], [0], [0], [1], [0, 0, 1, 1], [], []>, transpose_lhs_hint = false} : vector<2000x128xf32>, vector<128x128xf32>, vector<2000x128xf32> -> vector<2000x128xf32>
    %add3A_22 = arith.addf %add3A, %dot_general3A_21 : vector<2000x128xf32>
    %tanh3A = math.tanh %add3A_22 : vector<2000x128xf32>
    %get3A_23 = arith.constant 0 : index
    %get3A_24 = arith.constant 0 : index
    %get3A_25 = vector.load %arg7[%get3A_23, %get3A_24] : memref<2000x128xf32, #tpu.memory_space<vmem>>, vector<2000x128xf32>
    %get3A_26 = arith.constant 0 : index
    %get3A_27 = arith.constant 0 : index
    %get3A_28 = vector.load %arg8[%get3A_26, %get3A_27] : memref<2000x128xf32, #tpu.memory_space<vmem>>, vector<2000x128xf32>
    %mul3A = arith.mulf %get3A_25, %get3A_28 : vector<2000x128xf32>
    %sub3A = arith.constant 1.000000e+00 : f32
    %sub3A_29 = vector.broadcast %sub3A : f32 to vector<2000x128xf32>
    %sub3A_30 = arith.subf %sub3A_29, %get3A_25 : vector<2000x128xf32>
    %mul3A_31 = arith.mulf %sub3A_30, %tanh3A : vector<2000x128xf32>
    %add3A_32 = arith.addf %mul3A, %mul3A_31 : vector<2000x128xf32>
    %swap3A = arith.constant 0 : index
    %swap3A_33 = arith.constant 0 : index
    %swap3A_34 = vector.load %arg9[%swap3A, %swap3A_33] : memref<2000x128xf32, #tpu.memory_space<vmem>>, vector<2000x128xf32>
    tpu.vector_store %arg9[%swap3A, %swap3A_33], %add3A_32 {strides = array<i32>} : memref<2000x128xf32, #tpu.memory_space<vmem>>, vector<2000x128xf32>,
    return
  }
  func.func @transform_0(%arg0: i32) -> (i32, i32) {
    %c0_i32 = arith.constant 0 : i32
    %c0_i32_0 = arith.constant 0 : i32
    return %arg0, %c0_i32 : i32, i32
  }
  func.func @transform_1(%arg0: i32) -> (i32, i32) {
    %c0_i32 = arith.constant 0 : i32
    %c0_i32_0 = arith.constant 0 : i32
    return %arg0, %c0_i32 : i32, i32
  }
  func.func @transform_2(%arg0: i32) -> (i32, i32) {
    %c0_i32 = arith.constant 0 : i32
    %c0_i32_0 = arith.constant 0 : i32
    return %arg0, %c0_i32 : i32, i32
  }
  func.func @transform_3(%arg0: i32) -> (i32, i32) {
    %c0_i32 = arith.constant 0 : i32
    %c0_i32_0 = arith.constant 0 : i32
    %c0_i32_1 = arith.constant 0 : i32
    return %c0_i32, %c0_i32_0 : i32, i32
  }
  func.func @transform_4(%arg0: i32) -> (i32, i32) {
    %c0_i32 = arith.constant 0 : i32
    %c0_i32_0 = arith.constant 0 : i32
    %c0_i32_1 = arith.constant 0 : i32
    return %c0_i32, %c0_i32_0 : i32, i32
  }
  func.func @transform_5(%arg0: i32) -> (i32, i32) {
    %c0_i32 = arith.constant 0 : i32
    %c0_i32_0 = arith.constant 0 : i32
    %c0_i32_1 = arith.constant 0 : i32
    return %c0_i32, %c0_i32_0 : i32, i32
  }
  func.func @transform_6(%arg0: i32) -> (i32, i32) {
    %c0_i32 = arith.constant 0 : i32
    %c0_i32_0 = arith.constant 0 : i32
    return %arg0, %c0_i32 : i32, i32
  }
  func.func @transform_7(%arg0: i32) -> (i32, i32) {
    %c0_i32 = arith.constant 0 : i32
    %c0_i32_0 = arith.constant 0 : i32
    return %arg0, %c0_i32 : i32, i32
  }
  func.func @transform_8(%arg0: i32) -> (i32, i32) {
    %c0_i32 = arith.constant 0 : i32
    %c0_i32_0 = arith.constant 0 : i32
    return %arg0, %c0_i32 : i32, i32
  }
}

module attributes {stable_mosaic.version = 14 : i64} {
  func.func @_nll_body(%arg0: i32, %arg1: memref<2000x128xf32, #tpu.memory_space<vmem>>, %arg2: memref<10000x128xf32, #tpu.memory_space<vmem>>, %arg3: memref<1x1x1xf32, #tpu.memory_space<vmem>>) attributes {dimension_semantics = [#tpu.dimension_semantics<arbitrary>], iteration_bounds = array<i64: 5>, scalar_prefetch = 0 : i64, scratch_operands = 0 : i64, tpu.core_type = #tpu.core_type<tc>, window_params = [{transform_indices = @transform_0, window_bounds = array<i64: 2000, 128>}, {pipeline_mode = #tpu.pipeline_mode<synchronous>, transform_indices = @transform_1, window_bounds = array<i64: 10000, 128>}, {transform_indices = @transform_2, window_bounds = array<i64: 1, 1, 1>}]} {
    %get3A = arith.constant 0 : index
    %get3A_0 = arith.constant 0 : index
    %get3A_1 = vector.load %arg1[%get3A, %get3A_0] : memref<2000x128xf32, #tpu.memory_space<vmem>>, vector<2000x128xf32>
    %get3A_2 = arith.constant 0 : index
    %get3A_3 = arith.constant 0 : index
    %get3A_4 = vector.load %arg2[%get3A_2, %get3A_3] : memref<10000x128xf32, #tpu.memory_space<vmem>>, vector<1000x128xf32>
    %dot_general3A = arith.constant dense<0.000000e+00> : vector<2000x1000xf32>
    %dot_general3A_5 = tpu.matmul %get3A_1, %get3A_4, %dot_general3A {dimension_numbers = #tpu.dot_dimension_numbers<[1], [1], [0], [0], [0, 0, 1, 0], [], []>, transpose_lhs_hint = false} : vector<2000x128xf32>, vector<1000x128xf32>, vector<2000x1000xf32> -> vector<2000x1000xf32>
    %max3A = arith.constant 0.000000e+00 : f32
    %max3A_6 = vector.broadcast %max3A : f32 to vector<2000x1000xf32>
    %max3A_7 = arith.maximumf %dot_general3A_5, %max3A_6 : vector<2000x1000xf32>
    %sub3A = arith.subf %dot_general3A_5, %max3A_7 : vector<2000x1000xf32>
    %exp3A = math.exp %sub3A : vector<2000x1000xf32>
    %neg3A = arith.constant 0.000000e+00 : f32
    %neg3A_8 = vector.broadcast %neg3A : f32 to vector<2000x1000xf32>
    %neg3A_9 = arith.subf %neg3A_8, %max3A_7 : vector<2000x1000xf32>
    %exp3A_10 = math.exp %neg3A_9 : vector<2000x1000xf32>
    %add3A = arith.addf %exp3A, %exp3A_10 : vector<2000x1000xf32>
    %log3A = math.log %add3A : vector<2000x1000xf32>
    %add3A_11 = arith.addf %max3A_7, %log3A : vector<2000x1000xf32>
    %reduce_sum3A = vector.shape_cast %add3A_11 : vector<2000x1000xf32> to vector<1x2000x1000xf32>
    %reduce_sum3A_12 = arith.constant dense<0.000000e+00> : vector<1xf32>
    %reduce_sum3A_13 = vector.multi_reduction <add>, %reduce_sum3A, %reduce_sum3A_12 [1, 2] : vector<1x2000x1000xf32> to vector<1xf32>
    %reduce_sum3A_14 = vector.shape_cast %reduce_sum3A_13 : vector<1xf32> to vector<1x1x1xf32>
    %reduce_sum3A_15 = vector.extract %reduce_sum3A_14[0, 0, 0] : f32 from vector<1x1x1xf32>
    %add3A_16 = arith.constant 0.000000e+00 : f32
    %add3A_17 = arith.addf %add3A_16, %reduce_sum3A_15 : f32
    %get3A_18 = arith.constant 1000 : index
    %get3A_19 = arith.constant 0 : index
    %get3A_20 = vector.load %arg2[%get3A_18, %get3A_19] : memref<10000x128xf32, #tpu.memory_space<vmem>>, vector<1000x128xf32>
    %dot_general3A_21 = arith.constant dense<0.000000e+00> : vector<2000x1000xf32>
    %dot_general3A_22 = tpu.matmul %get3A_1, %get3A_20, %dot_general3A_21 {dimension_numbers = #tpu.dot_dimension_numbers<[1], [1], [0], [0], [0, 0, 1, 0], [], []>, transpose_lhs_hint = false} : vector<2000x128xf32>, vector<1000x128xf32>, vector<2000x1000xf32> -> vector<2000x1000xf32>
    %max3A_23 = arith.constant 0.000000e+00 : f32
    %max3A_24 = vector.broadcast %max3A_23 : f32 to vector<2000x1000xf32>
    %max3A_25 = arith.maximumf %dot_general3A_22, %max3A_24 : vector<2000x1000xf32>
    %sub3A_26 = arith.subf %dot_general3A_22, %max3A_25 : vector<2000x1000xf32>
    %exp3A_27 = math.exp %sub3A_26 : vector<2000x1000xf32>
    %neg3A_28 = arith.constant 0.000000e+00 : f32
    %neg3A_29 = vector.broadcast %neg3A_28 : f32 to vector<2000x1000xf32>
    %neg3A_30 = arith.subf %neg3A_29, %max3A_25 : vector<2000x1000xf32>
    %exp3A_31 = math.exp %neg3A_30 : vector<2000x1000xf32>
    %add3A_32 = arith.addf %exp3A_27, %exp3A_31 : vector<2000x1000xf32>
    %log3A_33 = math.log %add3A_32 : vector<2000x1000xf32>
    %add3A_34 = arith.addf %max3A_25, %log3A_33 : vector<2000x1000xf32>
    %reduce_sum3A_35 = vector.shape_cast %add3A_34 : vector<2000x1000xf32> to vector<1x2000x1000xf32>
    %reduce_sum3A_36 = arith.constant dense<0.000000e+00> : vector<1xf32>
    %reduce_sum3A_37 = vector.multi_reduction <add>, %reduce_sum3A_35, %reduce_sum3A_36 [1, 2] : vector<1x2000x1000xf32> to vector<1xf32>
    %reduce_sum3A_38 = vector.shape_cast %reduce_sum3A_37 : vector<1xf32> to vector<1x1x1xf32>
    %reduce_sum3A_39 = vector.extract %reduce_sum3A_38[0, 0, 0] : f32 from vector<1x1x1xf32>
    %add3A_40 = arith.addf %add3A_17, %reduce_sum3A_39 : f32
    %get3A_41 = arith.constant 2000 : index
    %get3A_42 = arith.constant 0 : index
    %get3A_43 = vector.load %arg2[%get3A_41, %get3A_42] : memref<10000x128xf32, #tpu.memory_space<vmem>>, vector<1000x128xf32>
    %dot_general3A_44 = arith.constant dense<0.000000e+00> : vector<2000x1000xf32>
    %dot_general3A_45 = tpu.matmul %get3A_1, %get3A_43, %dot_general3A_44 {dimension_numbers = #tpu.dot_dimension_numbers<[1], [1], [0], [0], [0, 0, 1, 0], [], []>, transpose_lhs_hint = false} : vector<2000x128xf32>, vector<1000x128xf32>, vector<2000x1000xf32> -> vector<2000x1000xf32>
    %max3A_46 = arith.constant 0.000000e+00 : f32
    %max3A_47 = vector.broadcast %max3A_46 : f32 to vector<2000x1000xf32>
    %max3A_48 = arith.maximumf %dot_general3A_45, %max3A_47 : vector<2000x1000xf32>
    %sub3A_49 = arith.subf %dot_general3A_45, %max3A_48 : vector<2000x1000xf32>
    %exp3A_50 = math.exp %sub3A_49 : vector<2000x1000xf32>
    %neg3A_51 = arith.constant 0.000000e+00 : f32
    %neg3A_52 = vector.broadcast %neg3A_51 : f32 to vector<2000x1000xf32>
    %neg3A_53 = arith.subf %neg3A_52, %max3A_48 : vector<2000x1000xf32>
    %exp3A_54 = math.exp %neg3A_53 : vector<2000x1000xf32>
    %add3A_55 = arith.addf %exp3A_50, %exp3A_54 : vector<2000x1000xf32>
    %log3A_56 = math.log %add3A_55 : vector<2000x1000xf32>
    %add3A_57 = arith.addf %max3A_48, %log3A_56 : vector<2000x1000xf32>
    %reduce_sum3A_58 = vector.shape_cast %add3A_57 : vector<2000x1000xf32> to vector<1x2000x1000xf32>
    %reduce_sum3A_59 = arith.constant dense<0.000000e+00> : vector<1xf32>
    %reduce_sum3A_60 = vector.multi_reduction <add>, %reduce_sum3A_58, %reduce_sum3A_59 [1, 2] : vector<1x2000x1000xf32> to vector<1xf32>
    %reduce_sum3A_61 = vector.shape_cast %reduce_sum3A_60 : vector<1xf32> to vector<1x1x1xf32>
    %reduce_sum3A_62 = vector.extract %reduce_sum3A_61[0, 0, 0] : f32 from vector<1x1x1xf32>
    %add3A_63 = arith.addf %add3A_40, %reduce_sum3A_62 : f32
    %get3A_64 = arith.constant 3000 : index
    %get3A_65 = arith.constant 0 : index
    %get3A_66 = vector.load %arg2[%get3A_64, %get3A_65] : memref<10000x128xf32, #tpu.memory_space<vmem>>, vector<1000x128xf32>
    %dot_general3A_67 = arith.constant dense<0.000000e+00> : vector<2000x1000xf32>
    %dot_general3A_68 = tpu.matmul %get3A_1, %get3A_66, %dot_general3A_67 {dimension_numbers = #tpu.dot_dimension_numbers<[1], [1], [0], [0], [0, 0, 1, 0], [], []>, transpose_lhs_hint = false} : vector<2000x128xf32>, vector<1000x128xf32>, vector<2000x1000xf32> -> vector<2000x1000xf32>
    %max3A_69 = arith.constant 0.000000e+00 : f32
    %max3A_70 = vector.broadcast %max3A_69 : f32 to vector<2000x1000xf32>
    %max3A_71 = arith.maximumf %dot_general3A_68, %max3A_70 : vector<2000x1000xf32>
    %sub3A_72 = arith.subf %dot_general3A_68, %max3A_71 : vector<2000x1000xf32>
    %exp3A_73 = math.exp %sub3A_72 : vector<2000x1000xf32>
    %neg3A_74 = arith.constant 0.000000e+00 : f32
    %neg3A_75 = vector.broadcast %neg3A_74 : f32 to vector<2000x1000xf32>
    %neg3A_76 = arith.subf %neg3A_75, %max3A_71 : vector<2000x1000xf32>
    %exp3A_77 = math.exp %neg3A_76 : vector<2000x1000xf32>
    %add3A_78 = arith.addf %exp3A_73, %exp3A_77 : vector<2000x1000xf32>
    %log3A_79 = math.log %add3A_78 : vector<2000x1000xf32>
    %add3A_80 = arith.addf %max3A_71, %log3A_79 : vector<2000x1000xf32>
    %reduce_sum3A_81 = vector.shape_cast %add3A_80 : vector<2000x1000xf32> to vector<1x2000x1000xf32>
    %reduce_sum3A_82 = arith.constant dense<0.000000e+00> : vector<1xf32>
    %reduce_sum3A_83 = vector.multi_reduction <add>, %reduce_sum3A_81, %reduce_sum3A_82 [1, 2] : vector<1x2000x1000xf32> to vector<1xf32>
    %reduce_sum3A_84 = vector.shape_cast %reduce_sum3A_83 : vector<1xf32> to vector<1x1x1xf32>
    %reduce_sum3A_85 = vector.extract %reduce_sum3A_84[0, 0, 0] : f32 from vector<1x1x1xf32>
    %add3A_86 = arith.addf %add3A_63, %reduce_sum3A_85 : f32
    %get3A_87 = arith.constant 4000 : index
    %get3A_88 = arith.constant 0 : index
    %get3A_89 = vector.load %arg2[%get3A_87, %get3A_88] : memref<10000x128xf32, #tpu.memory_space<vmem>>, vector<1000x128xf32>
    %dot_general3A_90 = arith.constant dense<0.000000e+00> : vector<2000x1000xf32>
    %dot_general3A_91 = tpu.matmul %get3A_1, %get3A_89, %dot_general3A_90 {dimension_numbers = #tpu.dot_dimension_numbers<[1], [1], [0], [0], [0, 0, 1, 0], [], []>, transpose_lhs_hint = false} : vector<2000x128xf32>, vector<1000x128xf32>, vector<2000x1000xf32> -> vector<2000x1000xf32>
    %max3A_92 = arith.constant 0.000000e+00 : f32
    %max3A_93 = vector.broadcast %max3A_92 : f32 to vector<2000x1000xf32>
    %max3A_94 = arith.maximumf %dot_general3A_91, %max3A_93 : vector<2000x1000xf32>
    %sub3A_95 = arith.subf %dot_general3A_91, %max3A_94 : vector<2000x1000xf32>
    %exp3A_96 = math.exp %sub3A_95 : vector<2000x1000xf32>
    %neg3A_97 = arith.constant 0.000000e+00 : f32
    %neg3A_98 = vector.broadcast %neg3A_97 : f32 to vector<2000x1000xf32>
    %neg3A_99 = arith.subf %neg3A_98, %max3A_94 : vector<2000x1000xf32>
    %exp3A_100 = math.exp %neg3A_99 : vector<2000x1000xf32>
    %add3A_101 = arith.addf %exp3A_96, %exp3A_100 : vector<2000x1000xf32>
    %log3A_102 = math.log %add3A_101 : vector<2000x1000xf32>
    %add3A_103 = arith.addf %max3A_94, %log3A_102 : vector<2000x1000xf32>
    %reduce_sum3A_104 = vector.shape_cast %add3A_103 : vector<2000x1000xf32> to vector<1x2000x1000xf32>
    %reduce_sum3A_105 = arith.constant dense<0.000000e+00> : vector<1xf32>
    %reduce_sum3A_106 = vector.multi_reduction <add>, %reduce_sum3A_104, %reduce_sum3A_105 [1, 2] : vector<1x2000x1000xf32> to vector<1xf32>
    %reduce_sum3A_107 = vector.shape_cast %reduce_sum3A_106 : vector<1xf32> to vector<1x1x1xf32>
    %reduce_sum3A_108 = vector.extract %reduce_sum3A_107[0, 0, 0] : f32 from vector<1x1x1xf32>
    %add3A_109 = arith.addf %add3A_86, %reduce_sum3A_108 : f32
    %get3A_110 = arith.constant 5000 : index
    %get3A_111 = arith.constant 0 : index
    %get3A_112 = vector.load %arg2[%get3A_110, %get3A_111] : memref<10000x128xf32, #tpu.memory_space<vmem>>, vector<1000x128xf32>
    %dot_general3A_113 = arith.constant dense<0.000000e+00> : vector<2000x1000xf32>
    %dot_general3A_114 = tpu.matmul %get3A_1, %get3A_112, %dot_general3A_113 {dimension_numbers = #tpu.dot_dimension_numbers<[1], [1], [0], [0], [0, 0, 1, 0], [], []>, transpose_lhs_hint = false} : vector<2000x128xf32>, vector<1000x128xf32>, vector<2000x1000xf32> -> vector<2000x1000xf32>
    %max3A_115 = arith.constant 0.000000e+00 : f32
    %max3A_116 = vector.broadcast %max3A_115 : f32 to vector<2000x1000xf32>
    %max3A_117 = arith.maximumf %dot_general3A_114, %max3A_116 : vector<2000x1000xf32>
    %sub3A_118 = arith.subf %dot_general3A_114, %max3A_117 : vector<2000x1000xf32>
    %exp3A_119 = math.exp %sub3A_118 : vector<2000x1000xf32>
    %neg3A_120 = arith.constant 0.000000e+00 : f32
    %neg3A_121 = vector.broadcast %neg3A_120 : f32 to vector<2000x1000xf32>
    %neg3A_122 = arith.subf %neg3A_121, %max3A_117 : vector<2000x1000xf32>
    %exp3A_123 = math.exp %neg3A_122 : vector<2000x1000xf32>
    %add3A_124 = arith.addf %exp3A_119, %exp3A_123 : vector<2000x1000xf32>
    %log3A_125 = math.log %add3A_124 : vector<2000x1000xf32>
    %add3A_126 = arith.addf %max3A_117, %log3A_125 : vector<2000x1000xf32>
    %reduce_sum3A_127 = vector.shape_cast %add3A_126 : vector<2000x1000xf32> to vector<1x2000x1000xf32>
    %reduce_sum3A_128 = arith.constant dense<0.000000e+00> : vector<1xf32>
    %reduce_sum3A_129 = vector.multi_reduction <add>, %reduce_sum3A_127, %reduce_sum3A_128 [1, 2] : vector<1x2000x1000xf32> to vector<1xf32>
    %reduce_sum3A_130 = vector.shape_cast %reduce_sum3A_129 : vector<1xf32> to vector<1x1x1xf32>
    %reduce_sum3A_131 = vector.extract %reduce_sum3A_130[0, 0, 0] : f32 from vector<1x1x1xf32>
    %add3A_132 = arith.addf %add3A_109, %reduce_sum3A_131 : f32
    %get3A_133 = arith.constant 6000 : index
    %get3A_134 = arith.constant 0 : index
    %get3A_135 = vector.load %arg2[%get3A_133, %get3A_134] : memref<10000x128xf32, #tpu.memory_space<vmem>>, vector<1000x128xf32>
    %dot_general3A_136 = arith.constant dense<0.000000e+00> : vector<2000x1000xf32>
    %dot_general3A_137 = tpu.matmul %get3A_1, %get3A_135, %dot_general3A_136 {dimension_numbers = #tpu.dot_dimension_numbers<[1], [1], [0], [0], [0, 0, 1, 0], [], []>, transpose_lhs_hint = false} : vector<2000x128xf32>, vector<1000x128xf32>, vector<2000x1000xf32> -> vector<2000x1000xf32>
    %max3A_138 = arith.constant 0.000000e+00 : f32
    %max3A_139 = vector.broadcast %max3A_138 : f32 to vector<2000x1000xf32>
    %max3A_140 = arith.maximumf %dot_general3A_137, %max3A_139 : vector<2000x1000xf32>
    %sub3A_141 = arith.subf %dot_general3A_137, %max3A_140 : vector<2000x1000xf32>
    %exp3A_142 = math.exp %sub3A_141 : vector<2000x1000xf32>
    %neg3A_143 = arith.constant 0.000000e+00 : f32
    %neg3A_144 = vector.broadcast %neg3A_143 : f32 to vector<2000x1000xf32>
    %neg3A_145 = arith.subf %neg3A_144, %max3A_140 : vector<2000x1000xf32>
    %exp3A_146 = math.exp %neg3A_145 : vector<2000x1000xf32>
    %add3A_147 = arith.addf %exp3A_142, %exp3A_146 : vector<2000x1000xf32>
    %log3A_148 = math.log %add3A_147 : vector<2000x1000xf32>
    %add3A_149 = arith.addf %max3A_140, %log3A_148 : vector<2000x1000xf32>
    %reduce_sum3A_150 = vector.shape_cast %add3A_149 : vector<2000x1000xf32> to vector<1x2000x1000xf32>
    %reduce_sum3A_151 = arith.constant dense<0.000000e+00> : vector<1xf32>
    %reduce_sum3A_152 = vector.multi_reduction <add>, %reduce_sum3A_150, %reduce_sum3A_151 [1, 2] : vector<1x2000x1000xf32> to vector<1xf32>
    %reduce_sum3A_153 = vector.shape_cast %reduce_sum3A_152 : vector<1xf32> to vector<1x1x1xf32>
    %reduce_sum3A_154 = vector.extract %reduce_sum3A_153[0, 0, 0] : f32 from vector<1x1x1xf32>
    %add3A_155 = arith.addf %add3A_132, %reduce_sum3A_154 : f32
    %get3A_156 = arith.constant 7000 : index
    %get3A_157 = arith.constant 0 : index
    %get3A_158 = vector.load %arg2[%get3A_156, %get3A_157] : memref<10000x128xf32, #tpu.memory_space<vmem>>, vector<1000x128xf32>
    %dot_general3A_159 = arith.constant dense<0.000000e+00> : vector<2000x1000xf32>
    %dot_general3A_160 = tpu.matmul %get3A_1, %get3A_158, %dot_general3A_159 {dimension_numbers = #tpu.dot_dimension_numbers<[1], [1], [0], [0], [0, 0, 1, 0], [], []>, transpose_lhs_hint = false} : vector<2000x128xf32>, vector<1000x128xf32>, vector<2000x1000xf32> -> vector<2000x1000xf32>
    %max3A_161 = arith.constant 0.000000e+00 : f32
    %max3A_162 = vector.broadcast %max3A_161 : f32 to vector<2000x1000xf32>
    %max3A_163 = arith.maximumf %dot_general3A_160, %max3A_162 : vector<2000x1000xf32>
    %sub3A_164 = arith.subf %dot_general3A_160, %max3A_163 : vector<2000x1000xf32>
    %exp3A_165 = math.exp %sub3A_164 : vector<2000x1000xf32>
    %neg3A_166 = arith.constant 0.000000e+00 : f32
    %neg3A_167 = vector.broadcast %neg3A_166 : f32 to vector<2000x1000xf32>
    %neg3A_168 = arith.subf %neg3A_167, %max3A_163 : vector<2000x1000xf32>
    %exp3A_169 = math.exp %neg3A_168 : vector<2000x1000xf32>
    %add3A_170 = arith.addf %exp3A_165, %exp3A_169 : vector<2000x1000xf32>
    %log3A_171 = math.log %add3A_170 : vector<2000x1000xf32>
    %add3A_172 = arith.addf %max3A_163, %log3A_171 : vector<2000x1000xf32>
    %reduce_sum3A_173 = vector.shape_cast %add3A_172 : vector<2000x1000xf32> to vector<1x2000x1000xf32>
    %reduce_sum3A_174 = arith.constant dense<0.000000e+00> : vector<1xf32>
    %reduce_sum3A_175 = vector.multi_reduction <add>, %reduce_sum3A_173, %reduce_sum3A_174 [1, 2] : vector<1x2000x1000xf32> to vector<1xf32>
    %reduce_sum3A_176 = vector.shape_cast %reduce_sum3A_175 : vector<1xf32> to vector<1x1x1xf32>
    %reduce_sum3A_177 = vector.extract %reduce_sum3A_176[0, 0, 0] : f32 from vector<1x1x1xf32>
    %add3A_178 = arith.addf %add3A_155, %reduce_sum3A_177 : f32
    %get3A_179 = arith.constant 8000 : index
    %get3A_180 = arith.constant 0 : index
    %get3A_181 = vector.load %arg2[%get3A_179, %get3A_180] : memref<10000x128xf32, #tpu.memory_space<vmem>>, vector<1000x128xf32>
    %dot_general3A_182 = arith.constant dense<0.000000e+00> : vector<2000x1000xf32>
    %dot_general3A_183 = tpu.matmul %get3A_1, %get3A_181, %dot_general3A_182 {dimension_numbers = #tpu.dot_dimension_numbers<[1], [1], [0], [0], [0, 0, 1, 0], [], []>, transpose_lhs_hint = false} : vector<2000x128xf32>, vector<1000x128xf32>, vector<2000x1000xf32> -> vector<2000x1000xf32>
    %max3A_184 = arith.constant 0.000000e+00 : f32
    %max3A_185 = vector.broadcast %max3A_184 : f32 to vector<2000x1000xf32>
    %max3A_186 = arith.maximumf %dot_general3A_183, %max3A_185 : vector<2000x1000xf32>
    %sub3A_187 = arith.subf %dot_general3A_183, %max3A_186 : vector<2000x1000xf32>
    %exp3A_188 = math.exp %sub3A_187 : vector<2000x1000xf32>
    %neg3A_189 = arith.constant 0.000000e+00 : f32
    %neg3A_190 = vector.broadcast %neg3A_189 : f32 to vector<2000x1000xf32>
    %neg3A_191 = arith.subf %neg3A_190, %max3A_186 : vector<2000x1000xf32>
    %exp3A_192 = math.exp %neg3A_191 : vector<2000x1000xf32>
    %add3A_193 = arith.addf %exp3A_188, %exp3A_192 : vector<2000x1000xf32>
    %log3A_194 = math.log %add3A_193 : vector<2000x1000xf32>
    %add3A_195 = arith.addf %max3A_186, %log3A_194 : vector<2000x1000xf32>
    %reduce_sum3A_196 = vector.shape_cast %add3A_195 : vector<2000x1000xf32> to vector<1x2000x1000xf32>
    %reduce_sum3A_197 = arith.constant dense<0.000000e+00> : vector<1xf32>
    %reduce_sum3A_198 = vector.multi_reduction <add>, %reduce_sum3A_196, %reduce_sum3A_197 [1, 2] : vector<1x2000x1000xf32> to vector<1xf32>
    %reduce_sum3A_199 = vector.shape_cast %reduce_sum3A_198 : vector<1xf32> to vector<1x1x1xf32>
    %reduce_sum3A_200 = vector.extract %reduce_sum3A_199[0, 0, 0] : f32 from vector<1x1x1xf32>
    %add3A_201 = arith.addf %add3A_178, %reduce_sum3A_200 : f32
    %get3A_202 = arith.constant 9000 : index
    %get3A_203 = arith.constant 0 : index
    %get3A_204 = vector.load %arg2[%get3A_202, %get3A_203] : memref<10000x128xf32, #tpu.memory_space<vmem>>, vector<1000x128xf32>
    %dot_general3A_205 = arith.constant dense<0.000000e+00> : vector<2000x1000xf32>
    %dot_general3A_206 = tpu.matmul %get3A_1, %get3A_204, %dot_general3A_205 {dimension_numbers = #tpu.dot_dimension_numbers<[1], [1], [0], [0], [0, 0, 1, 0], [], []>, transpose_lhs_hint = false} : vector<2000x128xf32>, vector<1000x128xf32>, vector<2000x1000xf32> -> vector<2000x1000xf32>
    %max3A_207 = arith.constant 0.000000e+00 : f32
    %max3A_208 = vector.broadcast %max3A_207 : f32 to vector<2000x1000xf32>
    %max3A_209 = arith.maximumf %dot_general3A_206, %max3A_208 : vector<2000x1000xf32>
    %sub3A_210 = arith.subf %dot_general3A_206, %max3A_209 : vector<2000x1000xf32>
    %exp3A_211 = math.exp %sub3A_210 : vector<2000x1000xf32>
    %neg3A_212 = arith.constant 0.000000e+00 : f32
    %neg3A_213 = vector.broadcast %neg3A_212 : f32 to vector<2000x1000xf32>
    %neg3A_214 = arith.subf %neg3A_213, %max3A_209 : vector<2000x1000xf32>
    %exp3A_215 = math.exp %neg3A_214 : vector<2000x1000xf32>
    %add3A_216 = arith.addf %exp3A_211, %exp3A_215 : vector<2000x1000xf32>
    %log3A_217 = math.log %add3A_216 : vector<2000x1000xf32>
    %add3A_218 = arith.addf %max3A_209, %log3A_217 : vector<2000x1000xf32>
    %reduce_sum3A_219 = vector.shape_cast %add3A_218 : vector<2000x1000xf32> to vector<1x2000x1000xf32>
    %reduce_sum3A_220 = arith.constant dense<0.000000e+00> : vector<1xf32>
    %reduce_sum3A_221 = vector.multi_reduction <add>, %reduce_sum3A_219, %reduce_sum3A_220 [1, 2] : vector<1x2000x1000xf32> to vector<1xf32>
    %reduce_sum3A_222 = vector.shape_cast %reduce_sum3A_221 : vector<1xf32> to vector<1x1x1xf32>
    %reduce_sum3A_223 = vector.extract %reduce_sum3A_222[0, 0, 0] : f32 from vector<1x1x1xf32>
    %add3A_224 = arith.addf %add3A_201, %reduce_sum3A_223 : f32
    %reshape3A = vector.broadcast %add3A_224 : f32 to vector<1x1x1xf32>
    %swap3A = arith.constant 0 : index
    %swap3A_225 = arith.constant 0 : index
    %swap3A_226 = arith.constant 0 : index
    %swap3A_227 = vector.load %arg3[%swap3A, %swap3A_225, %swap3A_226] : memref<1x1x1xf32, #tpu.memory_space<vmem>>, vector<1x1x1xf32>
    tpu.vector_store %arg3[%swap3A, %swap3A_225, %swap3A_226], %reshape3A {strides = array<i32>} : memref<1x1x1xf32, #tpu.memory_space<vmem>>, vector<1x1x1xf32>,
    return
  }
  func.func @transform_0(%arg0: i32) -> (i32, i32) {
    %c0_i32 = arith.constant 0 : i32
    %c0_i32_0 = arith.constant 0 : i32
    return %arg0, %c0_i32 : i32, i32
  }
  func.func @transform_1(%arg0: i32) -> (i32, i32) {
    %c0_i32 = arith.constant 0 : i32
    %c0_i32_0 = arith.constant 0 : i32
    %c0_i32_1 = arith.constant 0 : i32
    return %c0_i32, %c0_i32_0 : i32, i32
  }
  func.func @transform_2(%arg0: i32) -> (i32, i32, i32) {
    %c0_i32 = arith.constant 0 : i32
    %c0_i32_0 = arith.constant 0 : i32
    %c0_i32_1 = arith.constant 0 : i32
    return %arg0, %c0_i32, %c0_i32_0 : i32, i32, i32
  }
}

module attributes {stable_mosaic.version = 14 : i64} {
  func.func @_efin_body(%arg0: i32, %arg1: memref<10112x16xf32, #tpu.memory_space<vmem>>, %arg2: memref<10112x1xf32, #tpu.memory_space<vmem>>, %arg3: memref<1x1x2xf32, #tpu.memory_space<vmem>>) attributes {dimension_semantics = [#tpu.dimension_semantics<arbitrary>], iteration_bounds = array<i64: 32>, scalar_prefetch = 0 : i64, scratch_operands = 0 : i64, tpu.core_type = #tpu.core_type<tc>, window_params = [{transform_indices = @transform_0, window_bounds = array<i64: 10112, 16>}, {transform_indices = @transform_1, window_bounds = array<i64: 10112, 1>}, {transform_indices = @transform_2, window_bounds = array<i64: 1, 1, 2>}]} {
    %get3A = arith.constant 0 : index
    %get3A_0 = arith.constant 0 : index
    %get3A_1 = vector.load %arg1[%get3A, %get3A_0] : memref<10112x16xf32, #tpu.memory_space<vmem>>, vector<10112x16xf32>
    %reduce_sum3A = arith.constant dense<0.000000e+00> : vector<10112xf32>
    %reduce_sum3A_2 = vector.multi_reduction <add>, %get3A_1, %reduce_sum3A [1] : vector<10112x16xf32> to vector<10112xf32>
    %broadcast_in_dim3A = vector.shape_cast %reduce_sum3A_2 : vector<10112xf32> to vector<10112x1xf32>
    %get3A_3 = arith.constant 0 : index
    %get3A_4 = arith.constant 0 : index
    %get3A_5 = vector.load %arg2[%get3A_3, %get3A_4] : memref<10112x1xf32, #tpu.memory_space<vmem>>, vector<10112x1xf32>
    %max3A = arith.constant 0.000000e+00 : f32
    %max3A_6 = vector.broadcast %max3A : f32 to vector<10112x1xf32>
    %max3A_7 = arith.maximumf %broadcast_in_dim3A, %max3A_6 : vector<10112x1xf32>
    %sub3A = arith.subf %broadcast_in_dim3A, %max3A_7 : vector<10112x1xf32>
    %exp3A = math.exp %sub3A : vector<10112x1xf32>
    %neg3A = arith.constant 0.000000e+00 : f32
    %neg3A_8 = vector.broadcast %neg3A : f32 to vector<10112x1xf32>
    %neg3A_9 = arith.subf %neg3A_8, %max3A_7 : vector<10112x1xf32>
    %exp3A_10 = math.exp %neg3A_9 : vector<10112x1xf32>
    %add3A = arith.addf %exp3A, %exp3A_10 : vector<10112x1xf32>
    %log3A = math.log %add3A : vector<10112x1xf32>
    %add3A_11 = arith.addf %max3A_7, %log3A : vector<10112x1xf32>
    %mul3A = arith.mulf %get3A_5, %add3A_11 : vector<10112x1xf32>
    %reduce_sum3A_12 = vector.shape_cast %mul3A : vector<10112x1xf32> to vector<1x10112x1xf32>
    %reduce_sum3A_13 = arith.constant dense<0.000000e+00> : vector<1xf32>
    %reduce_sum3A_14 = vector.multi_reduction <add>, %reduce_sum3A_12, %reduce_sum3A_13 [1, 2] : vector<1x10112x1xf32> to vector<1xf32>
    %reduce_sum3A_15 = vector.shape_cast %reduce_sum3A_14 : vector<1xf32> to vector<1x1x1xf32>
    %reduce_sum3A_16 = vector.extract %reduce_sum3A_15[0, 0, 0] : f32 from vector<1x1x1xf32>
    %reshape3A = vector.broadcast %reduce_sum3A_16 : f32 to vector<1x1x1xf32>
    %neg3A_17 = arith.constant 0.000000e+00 : f32
    %neg3A_18 = vector.broadcast %neg3A_17 : f32 to vector<10112x1xf32>
    %neg3A_19 = arith.subf %neg3A_18, %broadcast_in_dim3A : vector<10112x1xf32>
    %max3A_20 = arith.constant 0.000000e+00 : f32
    %max3A_21 = vector.broadcast %max3A_20 : f32 to vector<10112x1xf32>
    %max3A_22 = arith.maximumf %neg3A_19, %max3A_21 : vector<10112x1xf32>
    %sub3A_23 = arith.subf %neg3A_19, %max3A_22 : vector<10112x1xf32>
    %exp3A_24 = math.exp %sub3A_23 : vector<10112x1xf32>
    %neg3A_25 = arith.constant 0.000000e+00 : f32
    %neg3A_26 = vector.broadcast %neg3A_25 : f32 to vector<10112x1xf32>
    %neg3A_27 = arith.subf %neg3A_26, %max3A_22 : vector<10112x1xf32>
    %exp3A_28 = math.exp %neg3A_27 : vector<10112x1xf32>
    %add3A_29 = arith.addf %exp3A_24, %exp3A_28 : vector<10112x1xf32>
    %log3A_30 = math.log %add3A_29 : vector<10112x1xf32>
    %add3A_31 = arith.addf %max3A_22, %log3A_30 : vector<10112x1xf32>
    %mul3A_32 = arith.mulf %get3A_5, %add3A_31 : vector<10112x1xf32>
    %reduce_sum3A_33 = vector.shape_cast %mul3A_32 : vector<10112x1xf32> to vector<1x10112x1xf32>
    %reduce_sum3A_34 = arith.constant dense<0.000000e+00> : vector<1xf32>
    %reduce_sum3A_35 = vector.multi_reduction <add>, %reduce_sum3A_33, %reduce_sum3A_34 [1, 2] : vector<1x10112x1xf32> to vector<1xf32>
    %reduce_sum3A_36 = vector.shape_cast %reduce_sum3A_35 : vector<1xf32> to vector<1x1x1xf32>
    %reduce_sum3A_37 = vector.extract %reduce_sum3A_36[0, 0, 0] : f32 from vector<1x1x1xf32>
    %reshape3A_38 = vector.broadcast %reduce_sum3A_37 : f32 to vector<1x1x1xf32>
    %concatenate3A = tpu.concatenate %reshape3A, %reshape3A_38 in 2 : vector<1x1x1xf32>, vector<1x1x1xf32> -> vector<1x1x2xf32>
    %swap3A = arith.constant 0 : index
    %swap3A_39 = arith.constant 0 : index
    %swap3A_40 = arith.constant 0 : index
    %swap3A_41 = vector.load %arg3[%swap3A, %swap3A_39, %swap3A_40] : memref<1x1x2xf32, #tpu.memory_space<vmem>>, vector<1x1x2xf32>
    tpu.vector_store %arg3[%swap3A, %swap3A_39, %swap3A_40], %concatenate3A {strides = array<i32>} : memref<1x1x2xf32, #tpu.memory_space<vmem>>, vector<1x1x2xf32>,
    return
  }
  func.func @transform_0(%arg0: i32) -> (i32, i32) {
    %c0_i32 = arith.constant 0 : i32
    %c0_i32_0 = arith.constant 0 : i32
    return %arg0, %c0_i32 : i32, i32
  }
  func.func @transform_1(%arg0: i32) -> (i32, i32) {
    %c0_i32 = arith.constant 0 : i32
    %c0_i32_0 = arith.constant 0 : i32
    return %arg0, %c0_i32 : i32, i32
  }
  func.func @transform_2(%arg0: i32) -> (i32, i32, i32) {
    %c0_i32 = arith.constant 0 : i32
    %c0_i32_0 = arith.constant 0 : i32
    %c0_i32_1 = arith.constant 0 : i32
    return %arg0, %c0_i32, %c0_i32_0 : i32, i32, i32
  }
}

module attributes {stable_mosaic.version = 14 : i64} {
  func.func @_final_body(%arg0: i32, %arg1: memref<2000x128xf32, #tpu.memory_space<vmem>>, %arg2: memref<2000x128xf32, #tpu.memory_space<vmem>>, %arg3: memref<2000x128xf32, #tpu.memory_space<vmem>>, %arg4: memref<128x128xf32, #tpu.memory_space<vmem>>, %arg5: memref<128x128xf32, #tpu.memory_space<vmem>>, %arg6: memref<128x128xf32, #tpu.memory_space<vmem>>, %arg7: memref<2000x128xf32, #tpu.memory_space<vmem>>, %arg8: memref<2000x128xf32, #tpu.memory_space<vmem>>, %arg9: memref<2000x128xf32, #tpu.memory_space<vmem>>) attributes {dimension_semantics = [#tpu.dimension_semantics<arbitrary>], iteration_bounds = array<i64: 5>, scalar_prefetch = 0 : i64, scratch_operands = 0 : i64, tpu.core_type = #tpu.core_type<tc>, window_params = [{transform_indices = @transform_0, window_bounds = array<i64: 2000, 128>}, {transform_indices = @transform_1, window_bounds = array<i64: 2000, 128>}, {transform_indices = @transform_2, window_bounds = array<i64: 2000, 128>}, {pipeline_mode = #tpu.pipeline_mode<synchronous>, transform_indices = @transform_3, window_bounds = array<i64: 128, 128>}, {pipeline_mode = #tpu.pipeline_mode<synchronous>, transform_indices = @transform_4, window_bounds = array<i64: 128, 128>}, {pipeline_mode = #tpu.pipeline_mode<synchronous>, transform_indices = @transform_5, window_bounds = array<i64: 128, 128>}, {transform_indices = @transform_6, window_bounds = array<i64: 2000, 128>}, {transform_indices = @transform_7, window_bounds = array<i64: 2000, 128>}, {transform_indices = @transform_8, window_bounds = array<i64: 2000, 128>}]} {
    %get3A = arith.constant 0 : index
    %get3A_0 = arith.constant 0 : index
    %get3A_1 = vector.load %arg1[%get3A, %get3A_0] : memref<2000x128xf32, #tpu.memory_space<vmem>>, vector<2000x128xf32>
    %get3A_2 = arith.constant 0 : index
    %get3A_3 = arith.constant 0 : index
    %get3A_4 = vector.load %arg4[%get3A_2, %get3A_3] : memref<128x128xf32, #tpu.memory_space<vmem>>, vector<128x128xf32>
    %dot_general3A = arith.constant dense<0.000000e+00> : vector<2000x128xf32>
    %dot_general3A_5 = tpu.matmul %get3A_1, %get3A_4, %dot_general3A {dimension_numbers = #tpu.dot_dimension_numbers<[1], [0], [0], [1], [0, 0, 1, 1], [], []>, transpose_lhs_hint = false} : vector<2000x128xf32>, vector<128x128xf32>, vector<2000x128xf32> -> vector<2000x128xf32>
    %get3A_6 = arith.constant 0 : index
    %get3A_7 = arith.constant 0 : index
    %get3A_8 = vector.load %arg2[%get3A_6, %get3A_7] : memref<2000x128xf32, #tpu.memory_space<vmem>>, vector<2000x128xf32>
    %get3A_9 = arith.constant 0 : index
    %get3A_10 = arith.constant 0 : index
    %get3A_11 = vector.load %arg5[%get3A_9, %get3A_10] : memref<128x128xf32, #tpu.memory_space<vmem>>, vector<128x128xf32>
    %dot_general3A_12 = arith.constant dense<0.000000e+00> : vector<2000x128xf32>
    %dot_general3A_13 = tpu.matmul %get3A_8, %get3A_11, %dot_general3A_12 {dimension_numbers = #tpu.dot_dimension_numbers<[1], [0], [0], [1], [0, 0, 1, 1], [], []>, transpose_lhs_hint = false} : vector<2000x128xf32>, vector<128x128xf32>, vector<2000x128xf32> -> vector<2000x128xf32>
    %add3A = arith.addf %dot_general3A_5, %dot_general3A_13 : vector<2000x128xf32>
    %get3A_14 = arith.constant 0 : index
    %get3A_15 = arith.constant 0 : index
    %get3A_16 = vector.load %arg3[%get3A_14, %get3A_15] : memref<2000x128xf32, #tpu.memory_space<vmem>>, vector<2000x128xf32>
    %get3A_17 = arith.constant 0 : index
    %get3A_18 = arith.constant 0 : index
    %get3A_19 = vector.load %arg6[%get3A_17, %get3A_18] : memref<128x128xf32, #tpu.memory_space<vmem>>, vector<128x128xf32>
    %dot_general3A_20 = arith.constant dense<0.000000e+00> : vector<2000x128xf32>
    %dot_general3A_21 = tpu.matmul %get3A_16, %get3A_19, %dot_general3A_20 {dimension_numbers = #tpu.dot_dimension_numbers<[1], [0], [0], [1], [0, 0, 1, 1], [], []>, transpose_lhs_hint = false} : vector<2000x128xf32>, vector<128x128xf32>, vector<2000x128xf32> -> vector<2000x128xf32>
    %add3A_22 = arith.addf %add3A, %dot_general3A_21 : vector<2000x128xf32>
    %tanh3A = math.tanh %add3A_22 : vector<2000x128xf32>
    %get3A_23 = arith.constant 0 : index
    %get3A_24 = arith.constant 0 : index
    %get3A_25 = vector.load %arg7[%get3A_23, %get3A_24] : memref<2000x128xf32, #tpu.memory_space<vmem>>, vector<2000x128xf32>
    %get3A_26 = arith.constant 0 : index
    %get3A_27 = arith.constant 0 : index
    %get3A_28 = vector.load %arg8[%get3A_26, %get3A_27] : memref<2000x128xf32, #tpu.memory_space<vmem>>, vector<2000x128xf32>
    %mul3A = arith.mulf %get3A_25, %get3A_28 : vector<2000x128xf32>
    %sub3A = arith.constant 1.000000e+00 : f32
    %sub3A_29 = vector.broadcast %sub3A : f32 to vector<2000x128xf32>
    %sub3A_30 = arith.subf %sub3A_29, %get3A_25 : vector<2000x128xf32>
    %mul3A_31 = arith.mulf %sub3A_30, %tanh3A : vector<2000x128xf32>
    %add3A_32 = arith.addf %mul3A, %mul3A_31 : vector<2000x128xf32>
    %swap3A = arith.constant 0 : index
    %swap3A_33 = arith.constant 0 : index
    %swap3A_34 = vector.load %arg9[%swap3A, %swap3A_33] : memref<2000x128xf32, #tpu.memory_space<vmem>>, vector<2000x128xf32>
    tpu.vector_store %arg9[%swap3A, %swap3A_33], %add3A_32 {strides = array<i32>} : memref<2000x128xf32, #tpu.memory_space<vmem>>, vector<2000x128xf32>,
    return
  }
  func.func @transform_0(%arg0: i32) -> (i32, i32) {
    %c0_i32 = arith.constant 0 : i32
    %c0_i32_0 = arith.constant 0 : i32
    return %arg0, %c0_i32 : i32, i32
  }
  func.func @transform_1(%arg0: i32) -> (i32, i32) {
    %c0_i32 = arith.constant 0 : i32
    %c0_i32_0 = arith.constant 0 : i32
    return %arg0, %c0_i32 : i32, i32
  }
  func.func @transform_2(%arg0: i32) -> (i32, i32) {
    %c0_i32 = arith.constant 0 : i32
    %c0_i32_0 = arith.constant 0 : i32
    return %arg0, %c0_i32 : i32, i32
  }
  func.func @transform_3(%arg0: i32) -> (i32, i32) {
    %c0_i32 = arith.constant 0 : i32
    %c0_i32_0 = arith.constant 0 : i32
    %c0_i32_1 = arith.constant 0 : i32
    return %c0_i32, %c0_i32_0 : i32, i32
  }
  func.func @transform_4(%arg0: i32) -> (i32, i32) {
    %c0_i32 = arith.constant 0 : i32
    %c0_i32_0 = arith.constant 0 : i32
    %c0_i32_1 = arith.constant 0 : i32
    return %c0_i32, %c0_i32_0 : i32, i32
  }
  func.func @transform_5(%arg0: i32) -> (i32, i32) {
    %c0_i32 = arith.constant 0 : i32
    %c0_i32_0 = arith.constant 0 : i32
    %c0_i32_1 = arith.constant 0 : i32
    return %c0_i32, %c0_i32_0 : i32, i32
  }
  func.func @transform_6(%arg0: i32) -> (i32, i32) {
    %c0_i32 = arith.constant 0 : i32
    %c0_i32_0 = arith.constant 0 : i32
    return %arg0, %c0_i32 : i32, i32
  }
  func.func @transform_7(%arg0: i32) -> (i32, i32) {
    %c0_i32 = arith.constant 0 : i32
    %c0_i32_0 = arith.constant 0 : i32
    return %arg0, %c0_i32 : i32, i32
  }
  func.func @transform_8(%arg0: i32) -> (i32, i32) {
    %c0_i32 = arith.constant 0 : i32
    %c0_i32_0 = arith.constant 0 : i32
    return %arg0, %c0_i32 : i32, i32
  }
}

</mosaic_0001>

<sc_bundles>
// kernel: kernel.41.cloned.1.call-start
scs
__scs_entry_jumppad:
0x0: {  	(pc) =	sbr.rel $0x88, $3  }
0x1: {  	(tag) =	ssettag $0x0;
	lr =	simm.s32 $0x1  }
0x2: {  	[smem:$0x3F8B] =	sst lr;
	_ =	strace $0xD0000000  }
0x3: {  	_ = 	snop  }
0x4: {  	_ = 	snop  }
0x5: {  	_ = 	snop  }
0x6: {  	_ = 	snop  }
0x7: {  	_ = 	snop  }
__scs_overlays_trampoline_lowered:
0x8: {  	[smem:$0x3F9A] =	sst s0  }
0x9: {  	[smem:$0x3F9B] =	sst s1  }
0xa: {  	[smem:$0x3F9C] =	sst s2  }
0xb: {  	[smem:$0x3F9D] =	sst s3  }
0xc: {  	[smem:$0x3F9E] =	sst s4  }
0xd: {  	[smem:$0x3F9F] =	sst s5  }
0xe: {  	[smem:$0x3FA0] =	sst s6  }
0xf: {  	[smem:$0x3FA1] =	sst s7  }
0x10: {  	[smem:$0x3FA2] =	sst s8  }
0x11: {  	[smem:$0x3FA3] =	sst s9;
	s0 =	simm.s32 @!p0 $0x0  }
0x12: {  	s1 =	sld [smem:$0x3F89];
	s0 =	simm.s32 @p0 $0x1  }
0x13: {  	[smem:$0x3FA4] =	sst s0;
	s0 =	simm.s32 @!p1 $0x0  }
0x14: {  	s2 =	sld [smem:$0x3F88];
	s0 =	simm.s32 @p1 $0x1  }
0x15: {  	[smem:$0x3FA5] =	sst s0;
	s0 =	simm.s32 @!p2 $0x0  }
0x16: {  	s3 =	sld [smem:$0x3FDB];
	s0 =	simm.s32 @p2 $0x1  }
0x17: {  	s4 =	simm.s32 $0x1BF5;
	[smem:$0x3FA7] =	sst s0  }
0x18: {  	s0 =	sld [smem:$0x3F8A];
	_ =	swait.ge [sflag:s4], $0x0  }
0x19: {  	s7 =	sld [smem:$0x3F8B]  }
0x1a: {  	s8 =	sadd.s32 $0xFFFFE003, lr  }
0x1b: {  	s9 =	sadd.s32 $0xFFFFFEF7, lr;
	s5 =	simm.s32 $0xFFFFFFFF;
	p2 =	slt.u32 s8, $0xFFFFF086  }
0x1c: {  	p1 =	slt.u32 s9, $0xF7A;
	s5 =	simm.s32 @!p2 $0x0  }
0x1d: {  	s5 =	simm.s32 @p1 $0x1;
	p0 =	seq.s32 s7, s2  }
0x1e: {  	s7 =	smul.u32 @!p0 $0xF7A, s2;
	p2 =	seq.s32 @!p0 s5, $0x0  }
0x1f: {  	s9 =	smul.u32 $0xF7A, s1;
	s8 =	simm.s32 @!p0 $0x1BF5;
	p2 =	por !p2, p0  }
0x20: {  	[sflag:s8] =	ssyncset.s32 @!p0 $0xFFFFF086;
	s6 =	sadd.s32 @!p0 s3, s7;
	s7 =	simm.s32 @!p0 $0x108  }
0x21: {  	s3 =	sadd.s32 s3, s9;
	s6 =	sadd.s32 @!p0 $0x88, s6;
	s7 =	simm.s32 @p2 $0x1082  }
0x22: {  	[simem:s7], [sflag:s8] =	dma.local @!p0 [hbm:s6], $0xF7A  }
0x23: {  	s9 =	sor.u32 $0xD0000000, s2;
	s6 =	simm.s32 $0x108;
	_ =	swait.ge @!p0 [sflag:s8], $0x0  }
0x24: {  	s3 =	sadd.s32 $0x88, s3;
	s6 =	simm.s32 @!p1 $0x1082;
	[sflag:s4] =	ssyncset.s32 $0xFFFFF086  }
0x25: {  	[simem:s6], [sflag:s4] =	dma.local [hbm:s3], $0xF7A  }
0x26: {  	[smem:$0x3F8B] =	sst s1;
	(tag) =	ssettag s2;
	_ =	strace s9  }
0x27: {  	s1 =	sld [smem:$0x3F9B]  }
0x28: {  	s2 =	sld [smem:$0x3F9C]  }
0x29: {  	s4 =	sld [smem:$0x3F9E]  }
0x2a: {  	p0 =	seq.s32 s5, $0x0;
	s5 =	sld [smem:$0x3F9F]  }
0x2b: {  	s6 =	sld [smem:$0x3FA0]  }
0x2c: {  	s7 =	sld [smem:$0x3FA1]  }
0x2d: {  	s3 =	simm.s32 $0x108;
	s8 =	sld [smem:$0x3FA2]  }
0x2e: {  	s3 =	simm.s32 @!p0 $0x1082;
	s9 =	sld [smem:$0x3FA3]  }
0x2f: {  	lr =	sadd.s32 s0, s3;
	s0 =	sld [smem:$0x3F9A]  }
0x30: {  	s3 =	sld [smem:$0x3F9D]  }
0x31: {  	[smem:$0x3FA6] =	sst s10  }
0x32: {  	s10 =	sld [smem:$0x3FA4];
	_ =	sdelay $0x3  }
0x33: {  	p0 =	seq.s32 s10, $0x1;
	s10 =	sld [smem:$0x3FA6];
	_ =	sdelay $0x3  }
0x34: {  	[smem:$0x3FA6] =	sst s10  }
0x35: {  	s10 =	sld [smem:$0x3FA5];
	_ =	sdelay $0x3  }
0x36: {  	p1 =	seq.s32 s10, $0x1;
	s10 =	sld [smem:$0x3FA6];
	_ =	sdelay $0x3  }
0x37: {  	[smem:$0x3FA6] =	sst s10  }
0x38: {  	s10 =	sld [smem:$0x3FA7]  }
0x39: {  	_ = 	snop;
	(pc) =	sbr.ind lr, $3  }
0x3a: {  	_ = 	snop  }
0x3b: {  	_ = 	snop  }
0x3c: {  	p2 =	seq.s32 s10, $0x1;
	s10 =	sld [smem:$0x3FA6]  }
0x3d: {  	_ =	shalt  }
0x3e: {  	_ =	shalt  }
0x3f: {  	_ =	shalt  }
0x40: {  	_ =	shalt  }
0x41: {  	_ =	shalt  }
0x42: {  	_ =	shalt  }
0x43: {  	_ =	shalt  }
0x44: {  	_ =	shalt  }
0x45: {  	_ =	shalt  }
0x46: {  	_ =	shalt  }
0x47: {  	_ =	shalt  }
0x48: {  	_ =	shalt  }
0x49: {  	_ =	shalt  }
0x4a: {  	_ =	shalt  }
0x4b: {  	_ =	shalt  }
0x4c: {  	_ =	shalt  }
0x4d: {  	_ =	shalt  }
0x4e: {  	_ =	shalt  }
0x4f: {  	_ =	shalt  }
0x50: {  	_ =	shalt  }
0x51: {  	_ =	shalt  }
0x52: {  	_ =	shalt  }
0x53: {  	_ =	shalt  }
0x54: {  	_ =	shalt  }
0x55: {  	_ =	shalt  }
0x56: {  	_ =	shalt  }
0x57: {  	_ =	shalt  }
0x58: {  	_ =	shalt  }
0x59: {  	_ =	shalt  }
0x5a: {  	_ =	shalt  }
0x5b: {  	_ =	shalt  }
0x5c: {  	_ =	shalt  }
0x5d: {  	_ =	shalt  }
0x5e: {  	_ =	shalt  }
0x5f: {  	_ =	shalt  }
0x60: {  	_ =	shalt  }
0x61: {  	_ =	shalt  }
0x62: {  	_ =	shalt  }
0x63: {  	_ =	shalt  }
0x64: {  	_ =	shalt  }
0x65: {  	_ =	shalt  }
0x66: {  	_ =	shalt  }
0x67: {  	_ =	shalt  }
0x68: {  	_ =	shalt  }
0x69: {  	_ =	shalt  }
0x6a: {  	_ =	shalt  }
0x6b: {  	_ =	shalt  }
0x6c: {  	_ =	shalt  }
0x6d: {  	_ =	shalt  }
0x6e: {  	_ =	shalt  }
0x6f: {  	_ =	shalt  }
0x70: {  	_ =	shalt  }
0x71: {  	_ =	shalt  }
0x72: {  	_ =	shalt  }
0x73: {  	_ =	shalt  }
0x74: {  	_ =	shalt  }
0x75: {  	_ =	shalt  }
0x76: {  	_ =	shalt  }
0x77: {  	_ =	shalt  }
0x78: {  	_ =	shalt  }
0x79: {  	_ =	shalt  }
0x7a: {  	_ =	shalt  }
0x7b: {  	_ =	shalt  }
0x7c: {  	_ =	shalt  }
0x7d: {  	_ =	shalt  }
0x7e: {  	_ =	shalt  }
0x7f: {  	_ =	shalt  }
0x80: {  	_ =	shalt  }
0x81: {  	_ =	shalt  }
0x82: {  	_ =	shalt  }
0x83: {  	_ =	shalt  }
0x84: {  	_ =	shalt  }
0x85: {  	_ =	shalt  }
0x86: {  	_ =	shalt  }
0x87: {  	_ =	shalt  }
.Lfunc_end0:
.L_simem_size_0:
called_computation_lowered:
.L_overlay_start_0:
0x88: {  	s2 =	sld [smem:$0x3FD9]  }
0x89: {  	s3 =	sld [smem:$0x3FFE];
	_ =	sdelay $0x1  }
0x8a: {  	s1 =	srdreg.scid  }
0x8b: {  	s0 =	sand.u32 $0x1, s1  }
0x8c: {  	s14 =	sshll.u32 s0, $0xA;
	s2 =	sadd.s32 s3, s2  }
0x8d: {  	s2 =	sadd.s32 s2, s14  }
0x8e: {  	[smem:$0x3FB2] =	sst s2  }
0x8f: {  	_ = 	snop  }
0x90: {  	s2 =	sld [smem:$0x3FD0];
	_ =	sdelay $0x2  }
0x91: {  	s15 =	simm.s32 $0xC;
	s4 =	simm.s32 $0x10  }
0x92: {  	[smem:s4], [sflag:s15] =	dma.local [hbm:s2], $0x1  }
0x93: {  	_ =	swait.eq [sflag:s15], $0x1  }
0x94: {  	[sflag:s15] =	ssyncset.done $0x0  }
0x95: {  	[sflag:s15] =	ssyncadd.s32 $0xFFFFFFFF  }
0x96: {  	s16 =	sld [smem:$0x12];
	(tm) =	ssettm $0x1  }
0x97: {  	s17 =	sld [smem:$0x3FFB];
	_ =	sdelay $0x3  }
0x98: {  	_ =	strace s17  }
0x99: {  	s3 =	sld [smem:$0x3FFC];
	_ =	sdelay $0x3  }
0x9a: {  	_ =	strace s3  }
0x9b: {  	s3 =	sld [smem:$0x3FFD];
	_ =	sdelay $0x3  }
0x9c: {  	_ =	strace s3  }
0x9d: {  	_ =	strace $0x8FFFFFFF  }
0x9e: {  	s18 =	sld [smem:$0x3FDB];
	_ =	sdelay $0x1  }
0x9f: {  	s19 =	simm.s32 $_scs_section_size  }
0xa0: {  	s5 =	simm.s32 $_size__tile_overlayer_lowered;
	s6 =	simm.s32 $_tile_overlayer_lowered  }
0xa1: {  	s22 =	simm.s32 $0x1BFF;
	s21 =	sshll.u32 s6, $0x1;
	s3 =	sadd.s32 s19, s18  }
0xa2: {  	s7 =	simm.s32 $0x0;
	s20 =	sshll.u32 s5, $0x1;
	s5 =	sadd.s32 s21, s3  }
0xa3: {  	[timem:s7], [sflag:s22] =	dma.local [hbm:s5], s20  }
0xa4: {  	_ =	swait.ge [sflag:s22], s20  }
0xa5: {  	s4 =	ssub.s32 $0x0, s20;
	[sflag:s22] =	ssyncset.done $0x0  }
0xa6: {  	[sflag:s22] =	ssyncadd.s32 s4;
	_ =	sdelay $0x1  }
0xa7: {  	s23 =	simm.s32 $0x1B8B  }
0xa8: {  	_ =	swait.ge [sflag:s23], $0x1  }
0xa9: {  	[sflag:s23] =	ssyncset.done $0x0  }
0xaa: {  	s25 =	simm.s32 $0x1B8E;
	s24 =	sld [smem:$0x3FFE];
	[sflag:s23] =	ssyncadd.s32 $0xFFFFFFFF  }
0xab: {  	s26 =	simm.s32 $execute0_lowered;
	[smem:$0x3FD2] =	sst s25  }
0xac: {  	s5 =	sshll.u32 s26, $0x1;
	_ =	strace $0x80000046;
	[dreg:$0x1] =	wrdreg $0xFFFFFFFF  }
0xad: {  	s28 =	simm.s32 $_size_execute0_lowered;
	s3 =	sadd.s32 s3, s5;
	[dreg:$0x0] =	wrdreg $0x0  }
0xae: {  	s5 =	sshll.u32 s28, $0x1;
	[dreg:$0x2] =	wrdreg s3  }
0xaf: {  	[dreg:$0x3] =	wrdreg s5  }
0xb0: {  	[dreg:$0x4] =	wrdreg $0xC0  }
0xb1: {  	_ =	task [dreg:s7], $0x5FFFF  }
0xb2: {  	[dreg:$0x1] =	wrdreg $0xFFFFFFFF  }
0xb3: {  	[dreg:$0x0] =	wrdreg $0x60  }
0xb4: {  	[dreg:$0x2] =	wrdreg s16  }
0xb5: {  	[dreg:$0x3] =	wrdreg s24  }
0xb6: {  	[dreg:$0x4] =	wrdreg $0x0  }
0xb7: {  	[dreg:$0x5] =	wrdreg $0x9  }
0xb8: {  	_ =	task.clear_ibuf [dreg:s7], $0x6FFFF;
	_ =	strace $0x90000046  }
0xb9: {  	s29 =	simm.s32 $0x9;
	_ =	strace $0x80000048  }
0xba: {  	_ =	swait.ge [sflag:s29], $0x1  }
0xbb: {  	[sflag:s29] =	ssyncadd.s32 $0xFFFFFFFF  }
0xbc: {  	_ =	strace $0x90000048  }
0xbd: {  	_ =	sfence  }
0xbe: {  	s30 =	sld [smem:$0x0];
	_ =	sdelay $0x2  }
0xbf: {  	s31 =	sshll.u32 s1, $0xD;
	s1 =	sshrl.u32 s1, $0x2  }
0xc0: {  	s3 =	sand.u32 $0x4000, s31;
	s1 =	sadd.s32 s1, s30  }
0xc1: {  	s0 =	sor.u32 s3, s0;
	s1 =	sshll.u32 s1, $0x11  }
0xc2: {  	s0 =	sor.u32 s1, s0  }
0xc3: {  	s0 =	sadd.s32 $0x8F2B, s0  }
0xc4: {  	[sflag:s0] =	ssyncadd.remote.s32 $0x1  }
0xc5: {  	_ =	sfence.sel $0xFFFF  }
0xc6: {  	[dreg:$0x0] =	wrdreg $0xFFFFFFFF;
	(pc) =	sbr.abs _section_cstart, $3  }
0xc7: {  	[dreg:$0x1] =	wrdreg $0xFFFFFFFF  }
0xc8: {  	_ =	task.clear_ibuf [dreg:s7], $0x2FFFF;
	_ =	strace $0x9FFFFFFF  }
0xc9: {  	(tm) =	ssettm $0x7FFFFFFF  }
tec
execute0_lowered:
.L_overlay_start_1:
0x0: {  	(tag) =	ssettag $0x1  }
0x1: {  	s1 =	rddreg [dreg:$0x0]  }
0x2: {  	s8 =	rddreg [dreg:$0x1]  }
0x3: {  	s2 =	rddreg [dreg:$0x2];
	s3 =	srdreg.scid  }
0x4: {  	s0 =	rddreg [dreg:$0x3];
	s4 =	simm.s32 $0x0;
	s15 =	simm.s32 $0x14000  }
0x5: {  	s16 =	simm.s32 $0x80;
	s17 =	simm.s32 $0x14100;
	s18 =	simm.s32 $0x1  }
0x6: {  	s19 =	simm.s32 $0x2;
	s9 =	sand.u32 $0x1, s3;
	s3 =	stileid.u32  }
0x7: {  	s20 =	simm.s32 $0x0;
	[smem:$0x7FF] =	sst s4;
	s7 =	smul.u32 $0x140000, s9  }
0x8: {  	s5 =	sadd.s32 $0x29800, s8;
	s6 =	sadd.s32 $0x1F800, s8;
	s10 =	smul.u32 $0x14000, s3  }
0x9: {  	_ =	strace $0x80000047;
	s28 =	ssub.s32 $0x2, s9;
	s13 =	smul.u32 $0x50000, s3  }
0xa: {  	s29 =	sshll.u32 s3, $0x1;
	s31 =	sshll.u32 s3, $0x6;
	s12 =	sshrl.u32 s28, $0x1  }
0xb: {  	s9 =	sor.u32 s9, s29;
	s7 =	sadd.s32 s10, s7;
	s12 =	ssub.s32 s28, s12  }
0xc: {  	s30 =	sshrl.u32 s13, $0x2;
	s9 =	smul.u32 $0x2800, s9;
	s11 =	sshrl.u32 s7, $0x3  }
0xd: {  	s13 =	simm.s32 $0x3;
	s7 =	sadd.s32 $0x33800, s8;
	s11 =	sadd.s32 s11, s8  }
0xe: {  	s14 =	sadd.s32 s30, s2;
	s8 =	sor.u32 $0x1C03, s31;
	s10 =	sadd.s32 $0x36000, s11  }
0xf: {  	s11 =	smax.u32 s12, $0x1;
	s12 =	sshrl.u32 s14, $0x3;
	s14 =	simm.s32 $0x14080  }
.LBB2_1:
0x10: {  	[spmem:s12], [sflag:s8] =	dma.local [hbm:s7], $0x2800  }
0x11: {  	s21 =	sand.u32 $0x3C00, s4  }
0x12: {  	s22 =	sand.u32 $0x380, s4;
	_ =	swait.ge [sflag:s13], $0x2800;
	s21 =	sadd.s32 s9, s21  }
0x13: {  	[sflag:s13] =	ssyncset.done $0x0;
	s21 =	sor.u32 s22, s21  }
0x14: {  	[sflag:s13] =	ssyncadd.s32 $0xFFFFD800;
	s21 =	sshrl.u32 s21, $0x3  }
0x15: {  	[bflag:$0x0] =	sbarrier.arrive $0xFFFF;
	s29 =	sadd.s32 s6, s21  }
0x16: {  	[tilespmem:s14], [sflag:$0x3] =	stream.linear.gather [hbm4b:s29+s4], $0x80, $0x38;
	[tilespmem:$0x18100] =	vst v63  }
0x17: {  	_ =	swait.ge [sflag:s13], $0x80  }
0x18: {  	[sflag:s13] =	ssyncset.done $0x0  }
0x19: {  	s21 =	sadd.s32 s5, s21;
	[sflag:s13] =	ssyncadd.s32 $0xFFFFFF80  }
0x1a: {  	[tilespmem:s15], [sflag:$0x3] =	stream.linear.gather [hbm4b:s21+s4], $0x80, $0x38;
	[tilespmem:$0x18100] =	vst v63  }
0x1b: {  	_ =	swait.ge [sflag:s13], $0x80  }
0x1c: {  	[sflag:s13] =	ssyncset.done $0x0  }
0x1d: {  	[sflag:s13] =	ssyncadd.s32 $0xFFFFFF80  }
0x1e: {  	[tilespmem:s17], [sflag:$0x1] =	stream.indirect.gather [hbm4b:s1+s16], $0x80, s14, s16, $0xb8;
	[tilespmem:$0x18100] =	vst v63  }
0x1f: {  	_ =	swait.ge [sflag:s18], $0x4000  }
0x20: {  	s30 =	simm.s32 $0x80;
	[sflag:s18] =	ssyncset.done $0x0  }
0x21: {  	s31 =	sand.u32 $0x3C00, s30;
	[sflag:s18] =	ssyncadd.s32 $0xFFFFC000  }
0x22: {  	[spmem:s2] =	stream.indirect.scatter.add.f32 [tilespmem:s17], [sflag:$0x2], $0x80, s15, s16, $0xb8;
	[tilespmem:$0x18100] =	vst v63  }
0x23: {  	s23 =	sand.u32 $0x380, s30;
	s22 =	sadd.s32 s9, s31;
	_ =	swait.ge [sflag:s19], $0x4000  }
0x24: {  	s22 =	sor.u32 s23, s22;
	s21 =	simm.s32 $0x100;
	[sflag:s19] =	ssyncset.done $0x0  }
.LBB2_2:
0x25: {  	s22 =	sshrl.u32 s22, $0x3  }
0x26: {  	[sflag:s19] =	ssyncadd.s32 $0xFFFFC000;
	s23 =	smov.u32 s21;
	s24 =	sadd.s32 $0x80, s21  }
0x27: {  	p0 =	sne.s32 s21, $0x2780;
	s21 =	sadd.s32 s6, s22  }
0x28: {  	[tilespmem:s14], [sflag:$0x3] =	stream.linear.gather [hbm4b:s21+s4], $0x80, $0x38;
	[tilespmem:$0x18100] =	vst v63  }
0x29: {  	_ =	swait.ge [sflag:s13], $0x80  }
0x2a: {  	[sflag:s13] =	ssyncset.done $0x0  }
0x2b: {  	s21 =	sadd.s32 s5, s22;
	[sflag:s13] =	ssyncadd.s32 $0xFFFFFF80  }
0x2c: {  	[tilespmem:s15], [sflag:$0x3] =	stream.linear.gather [hbm4b:s21+s4], $0x80, $0x38;
	[tilespmem:$0x18100] =	vst v63  }
0x2d: {  	_ =	swait.ge [sflag:s13], $0x80  }
0x2e: {  	[sflag:s13] =	ssyncset.done $0x0  }
0x2f: {  	[sflag:s13] =	ssyncadd.s32 $0xFFFFFF80  }
0x30: {  	[tilespmem:s17], [sflag:$0x1] =	stream.indirect.gather [hbm4b:s1+s16], $0x80, s14, s16, $0xb8;
	[tilespmem:$0x18100] =	vst v63  }
0x31: {  	_ =	swait.ge [sflag:s18], $0x4000  }
.Ltmp0:
0x32: {  	[sflag:s18] =	ssyncset.done $0x0;
	(pc) =	sbr.rel @p0 .LBB2_2-.Ltmp0, $4  }
0x33: {  	s21 =	sand.u32 $0x3C00, s23;
	[sflag:s18] =	ssyncadd.s32 $0xFFFFC000  }
0x34: {  	[spmem:s2] =	stream.indirect.scatter.add.f32 [tilespmem:s17], [sflag:$0x2], $0x80, s15, s16, $0xb8;
	[tilespmem:$0x18100] =	vst v63  }
0x35: {  	s22 =	sand.u32 $0x380, s23;
	s21 =	sadd.s32 s9, s21;
	_ =	swait.ge [sflag:s19], $0x4000  }
0x36: {  	s22 =	sor.u32 s22, s21;
	s21 =	smov.u32 s24;
	[sflag:s19] =	ssyncset.done $0x0  }
0x37: {  	s21 =	sshrl.u32 s22, $0x3  }
0x38: {  	[sflag:s19] =	ssyncadd.s32 $0xFFFFC000;
	s22 =	sadd.s32 s6, s21  }
0x39: {  	[tilespmem:s14], [sflag:$0x3] =	stream.linear.gather [hbm4b:s22+s4], $0x80, $0x38;
	[tilespmem:$0x18100] =	vst v63  }
0x3a: {  	_ =	swait.ge [sflag:s13], $0x80  }
0x3b: {  	[sflag:s13] =	ssyncset.done $0x0  }
0x3c: {  	s21 =	sadd.s32 s5, s21;
	[sflag:s13] =	ssyncadd.s32 $0xFFFFFF80  }
0x3d: {  	[tilespmem:s15], [sflag:$0x3] =	stream.linear.gather [hbm4b:s21+s4], $0x80, $0x38;
	[tilespmem:$0x18100] =	vst v63  }
0x3e: {  	_ =	swait.ge [sflag:s13], $0x80  }
0x3f: {  	[sflag:s13] =	ssyncset.done $0x0  }
0x40: {  	[sflag:s13] =	ssyncadd.s32 $0xFFFFFF80  }
0x41: {  	[tilespmem:s17], [sflag:$0x1] =	stream.indirect.gather [hbm4b:s1+s16], $0x80, s14, s16, $0xb8;
	[tilespmem:$0x18100] =	vst v63  }
0x42: {  	_ =	swait.ge [sflag:s18], $0x4000  }
0x43: {  	[sflag:s18] =	ssyncset.done $0x0  }
0x44: {  	[sflag:s18] =	ssyncadd.s32 $0xFFFFC000  }
0x45: {  	[spmem:s2] =	stream.indirect.scatter.add.f32 [tilespmem:s17], [sflag:$0x2], $0x80, s15, s16, $0xb8;
	[tilespmem:$0x18100] =	vst v63  }
0x46: {  	_ =	swait.ge [sflag:s19], $0x4000  }
0x47: {  	s20 =	sadd.s32 $0x1, s20;
	[sflag:s19] =	ssyncset.done $0x0  }
0x48: {  	p0 =	sne.s32 s20, s11;
	[sflag:s19] =	ssyncadd.s32 $0xFFFFC000  }
.Ltmp1:
0x49: {  	[bflag:$0x0] =	sbarrier.arrive $0xFFFF;
	(pc) =	sbr.rel @p0 .LBB2_1-.Ltmp1, $4  }
0x4a: {  	[hbm:s10], [sflag:s8] =	dma.local [spmem:s12], $0x2800  }
0x4b: {  	_ =	swait.ge [sflag:s13], $0x2800  }
0x4c: {  	[sflag:s13] =	ssyncset.done $0x0  }
0x4d: {  	[sflag:s13] =	ssyncadd.s32 $0xFFFFD800  }
0x4e: {  	_ =	sfence.sel $0x180000  }
0x4f: {  	[bflag:$0x0] =	sbarrier.arrive $0xFFFF  }
0x50: {  	p0 =	sne.s32 s3, $0x0;
	_ =	strace $0x90000047  }
0x51: {  	s0 =	sadd.s32 @!p0 $0x100000, s0;
	[bflag:$0x2] =	sbarrier.arrive $0xFFFF  }
0x52: {  	[sflag:s0] =	ssyncadd.tile.s32 @!p0 $0x1;
	_ =	shalt  }
.Lfunc_end2:
_tile_overlayer_lowered:
.L_overlay_start_2:
0x53: {  	(tag) =	ssettag $0x2  }
0x54: {  	s0 =	rddreg [dreg:$0x0];
	s2 =	stileid.u32  }
0x55: {  	s1 =	rddreg [dreg:$0x1];
	p0 =	sne.s32 s2, $0x0  }
0x56: {  	s3 =	rddreg [dreg:$0x2];
	[bflag:$0x3] =	sbarrier.arrive $0xFFFF;
	s2 =	simm.s32 @!p0 $0x1C03  }
0x57: {  	[timem:s3], [sflag:s2] =	dma.local @!p0 [hbm:s0], s1  }
0x58: {  	s0 =	simm.s32 @!p0 $0x3  }
0x59: {  	_ =	swait.ge @!p0 [sflag:s0], s1  }
0x5a: {  	s1 =	ssub.s32 @!p0 $0x0, s1;
	[sflag:s0] =	ssyncset.done @!p0 $0x0  }
0x5b: {  	[sflag:s0] =	ssyncadd.s32 @!p0 s1  }
0x5c: {  	[bflag:$0x3] =	sbarrier.arrive $0xFFFF  }
0x5d: {  	_ =	shalt  }

// kernel: kernel.44.cloned.1.call-start
scs
__scs_entry_jumppad:
0x0: {  	(pc) =	sbr.rel $0x88, $3  }
0x1: {  	(tag) =	ssettag $0x0;
	lr =	simm.s32 $0x1  }
0x2: {  	[smem:$0x3F8B] =	sst lr;
	_ =	strace $0xD0000000  }
0x3: {  	_ = 	snop  }
0x4: {  	_ = 	snop  }
0x5: {  	_ = 	snop  }
0x6: {  	_ = 	snop  }
0x7: {  	_ = 	snop  }
__scs_overlays_trampoline_lowered:
0x8: {  	[smem:$0x3F9A] =	sst s0  }
0x9: {  	[smem:$0x3F9B] =	sst s1  }
0xa: {  	[smem:$0x3F9C] =	sst s2  }
0xb: {  	[smem:$0x3F9D] =	sst s3  }
0xc: {  	[smem:$0x3F9E] =	sst s4  }
0xd: {  	[smem:$0x3F9F] =	sst s5  }
0xe: {  	[smem:$0x3FA0] =	sst s6  }
0xf: {  	[smem:$0x3FA1] =	sst s7  }
0x10: {  	[smem:$0x3FA2] =	sst s8  }
0x11: {  	[smem:$0x3FA3] =	sst s9;
	s0 =	simm.s32 @!p0 $0x0  }
0x12: {  	s1 =	sld [smem:$0x3F89];
	s0 =	simm.s32 @p0 $0x1  }
0x13: {  	[smem:$0x3FA4] =	sst s0;
	s0 =	simm.s32 @!p1 $0x0  }
0x14: {  	s2 =	sld [smem:$0x3F88];
	s0 =	simm.s32 @p1 $0x1  }
0x15: {  	[smem:$0x3FA5] =	sst s0;
	s0 =	simm.s32 @!p2 $0x0  }
0x16: {  	s3 =	sld [smem:$0x3FDB];
	s0 =	simm.s32 @p2 $0x1  }
0x17: {  	s4 =	simm.s32 $0x1BF5;
	[smem:$0x3FA7] =	sst s0  }
0x18: {  	s0 =	sld [smem:$0x3F8A];
	_ =	swait.ge [sflag:s4], $0x0  }
0x19: {  	s7 =	sld [smem:$0x3F8B]  }
0x1a: {  	s8 =	sadd.s32 $0xFFFFE003, lr  }
0x1b: {  	s9 =	sadd.s32 $0xFFFFFEF7, lr;
	s5 =	simm.s32 $0xFFFFFFFF;
	p2 =	slt.u32 s8, $0xFFFFF086  }
0x1c: {  	p1 =	slt.u32 s9, $0xF7A;
	s5 =	simm.s32 @!p2 $0x0  }
0x1d: {  	s5 =	simm.s32 @p1 $0x1;
	p0 =	seq.s32 s7, s2  }
0x1e: {  	s7 =	smul.u32 @!p0 $0xF7A, s2;
	p2 =	seq.s32 @!p0 s5, $0x0  }
0x1f: {  	s9 =	smul.u32 $0xF7A, s1;
	s8 =	simm.s32 @!p0 $0x1BF5;
	p2 =	por !p2, p0  }
0x20: {  	[sflag:s8] =	ssyncset.s32 @!p0 $0xFFFFF086;
	s6 =	sadd.s32 @!p0 s3, s7;
	s7 =	simm.s32 @!p0 $0x108  }
0x21: {  	s3 =	sadd.s32 s3, s9;
	s6 =	sadd.s32 @!p0 $0x88, s6;
	s7 =	simm.s32 @p2 $0x1082  }
0x22: {  	[simem:s7], [sflag:s8] =	dma.local @!p0 [hbm:s6], $0xF7A  }
0x23: {  	s9 =	sor.u32 $0xD0000000, s2;
	s6 =	simm.s32 $0x108;
	_ =	swait.ge @!p0 [sflag:s8], $0x0  }
0x24: {  	s3 =	sadd.s32 $0x88, s3;
	s6 =	simm.s32 @!p1 $0x1082;
	[sflag:s4] =	ssyncset.s32 $0xFFFFF086  }
0x25: {  	[simem:s6], [sflag:s4] =	dma.local [hbm:s3], $0xF7A  }
0x26: {  	[smem:$0x3F8B] =	sst s1;
	(tag) =	ssettag s2;
	_ =	strace s9  }
0x27: {  	s1 =	sld [smem:$0x3F9B]  }
0x28: {  	s2 =	sld [smem:$0x3F9C]  }
0x29: {  	s4 =	sld [smem:$0x3F9E]  }
0x2a: {  	p0 =	seq.s32 s5, $0x0;
	s5 =	sld [smem:$0x3F9F]  }
0x2b: {  	s6 =	sld [smem:$0x3FA0]  }
0x2c: {  	s7 =	sld [smem:$0x3FA1]  }
0x2d: {  	s3 =	simm.s32 $0x108;
	s8 =	sld [smem:$0x3FA2]  }
0x2e: {  	s3 =	simm.s32 @!p0 $0x1082;
	s9 =	sld [smem:$0x3FA3]  }
0x2f: {  	lr =	sadd.s32 s0, s3;
	s0 =	sld [smem:$0x3F9A]  }
0x30: {  	s3 =	sld [smem:$0x3F9D]  }
0x31: {  	[smem:$0x3FA6] =	sst s10  }
0x32: {  	s10 =	sld [smem:$0x3FA4];
	_ =	sdelay $0x3  }
0x33: {  	p0 =	seq.s32 s10, $0x1;
	s10 =	sld [smem:$0x3FA6];
	_ =	sdelay $0x3  }
0x34: {  	[smem:$0x3FA6] =	sst s10  }
0x35: {  	s10 =	sld [smem:$0x3FA5];
	_ =	sdelay $0x3  }
0x36: {  	p1 =	seq.s32 s10, $0x1;
	s10 =	sld [smem:$0x3FA6];
	_ =	sdelay $0x3  }
0x37: {  	[smem:$0x3FA6] =	sst s10  }
0x38: {  	s10 =	sld [smem:$0x3FA7]  }
0x39: {  	_ = 	snop;
	(pc) =	sbr.ind lr, $3  }
0x3a: {  	_ = 	snop  }
0x3b: {  	_ = 	snop  }
0x3c: {  	p2 =	seq.s32 s10, $0x1;
	s10 =	sld [smem:$0x3FA6]  }
0x3d: {  	_ =	shalt  }
0x3e: {  	_ =	shalt  }
0x3f: {  	_ =	shalt  }
0x40: {  	_ =	shalt  }
0x41: {  	_ =	shalt  }
0x42: {  	_ =	shalt  }
0x43: {  	_ =	shalt  }
0x44: {  	_ =	shalt  }
0x45: {  	_ =	shalt  }
0x46: {  	_ =	shalt  }
0x47: {  	_ =	shalt  }
0x48: {  	_ =	shalt  }
0x49: {  	_ =	shalt  }
0x4a: {  	_ =	shalt  }
0x4b: {  	_ =	shalt  }
0x4c: {  	_ =	shalt  }
0x4d: {  	_ =	shalt  }
0x4e: {  	_ =	shalt  }
0x4f: {  	_ =	shalt  }
0x50: {  	_ =	shalt  }
0x51: {  	_ =	shalt  }
0x52: {  	_ =	shalt  }
0x53: {  	_ =	shalt  }
0x54: {  	_ =	shalt  }
0x55: {  	_ =	shalt  }
0x56: {  	_ =	shalt  }
0x57: {  	_ =	shalt  }
0x58: {  	_ =	shalt  }
0x59: {  	_ =	shalt  }
0x5a: {  	_ =	shalt  }
0x5b: {  	_ =	shalt  }
0x5c: {  	_ =	shalt  }
0x5d: {  	_ =	shalt  }
0x5e: {  	_ =	shalt  }
0x5f: {  	_ =	shalt  }
0x60: {  	_ =	shalt  }
0x61: {  	_ =	shalt  }
0x62: {  	_ =	shalt  }
0x63: {  	_ =	shalt  }
0x64: {  	_ =	shalt  }
0x65: {  	_ =	shalt  }
0x66: {  	_ =	shalt  }
0x67: {  	_ =	shalt  }
0x68: {  	_ =	shalt  }
0x69: {  	_ =	shalt  }
0x6a: {  	_ =	shalt  }
0x6b: {  	_ =	shalt  }
0x6c: {  	_ =	shalt  }
0x6d: {  	_ =	shalt  }
0x6e: {  	_ =	shalt  }
0x6f: {  	_ =	shalt  }
0x70: {  	_ =	shalt  }
0x71: {  	_ =	shalt  }
0x72: {  	_ =	shalt  }
0x73: {  	_ =	shalt  }
0x74: {  	_ =	shalt  }
0x75: {  	_ =	shalt  }
0x76: {  	_ =	shalt  }
0x77: {  	_ =	shalt  }
0x78: {  	_ =	shalt  }
0x79: {  	_ =	shalt  }
0x7a: {  	_ =	shalt  }
0x7b: {  	_ =	shalt  }
0x7c: {  	_ =	shalt  }
0x7d: {  	_ =	shalt  }
0x7e: {  	_ =	shalt  }
0x7f: {  	_ =	shalt  }
0x80: {  	_ =	shalt  }
0x81: {  	_ =	shalt  }
0x82: {  	_ =	shalt  }
0x83: {  	_ =	shalt  }
0x84: {  	_ =	shalt  }
0x85: {  	_ =	shalt  }
0x86: {  	_ =	shalt  }
0x87: {  	_ =	shalt  }
.Lfunc_end0:
.L_simem_size_0:
called_computation.1_lowered:
.L_overlay_start_0:
0x88: {  	s2 =	sld [smem:$0x3FD9]  }
0x89: {  	s3 =	sld [smem:$0x3FFE];
	_ =	sdelay $0x1  }
0x8a: {  	s1 =	srdreg.scid  }
0x8b: {  	s0 =	sand.u32 $0x1, s1  }
0x8c: {  	s17 =	sshll.u32 s0, $0xA;
	s2 =	sadd.s32 s3, s2  }
0x8d: {  	s2 =	sadd.s32 s2, s17  }
0x8e: {  	[smem:$0x3FB2] =	sst s2  }
0x8f: {  	_ = 	snop  }
0x90: {  	(tm) =	ssettm $0x1  }
0x91: {  	s18 =	sld [smem:$0x3FFB];
	_ =	sdelay $0x3  }
0x92: {  	_ =	strace s18  }
0x93: {  	s2 =	sld [smem:$0x3FFC];
	_ =	sdelay $0x3  }
0x94: {  	_ =	strace s2  }
0x95: {  	s2 =	sld [smem:$0x3FFD];
	_ =	sdelay $0x3  }
0x96: {  	_ =	strace s2  }
0x97: {  	_ =	strace $0x8FFFFFFF  }
0x98: {  	s19 =	sld [smem:$0x3FDB];
	_ =	sdelay $0x1  }
0x99: {  	s20 =	simm.s32 $_scs_section_size  }
0x9a: {  	s4 =	simm.s32 $_size__tile_overlayer_lowered;
	s5 =	simm.s32 $_tile_overlayer_lowered  }
0x9b: {  	s6 =	simm.s32 $0x1BFF;
	s21 =	sshll.u32 s5, $0x1;
	s3 =	sadd.s32 s20, s19  }
0x9c: {  	s22 =	simm.s32 $0x0;
	s4 =	sshll.u32 s4, $0x1;
	s5 =	sadd.s32 s21, s3  }
0x9d: {  	[timem:s22], [sflag:s6] =	dma.local [hbm:s5], s4  }
0x9e: {  	_ =	swait.ge [sflag:s6], s4  }
0x9f: {  	s4 =	ssub.s32 $0x0, s4;
	[sflag:s6] =	ssyncset.done $0x0  }
0xa0: {  	[sflag:s6] =	ssyncadd.s32 s4;
	_ =	sdelay $0x1  }
0xa1: {  	s23 =	simm.s32 $0x1B8B  }
0xa2: {  	_ =	swait.ge [sflag:s23], $0x1  }
0xa3: {  	[sflag:s23] =	ssyncset.done $0x0  }
0xa4: {  	[sflag:s23] =	ssyncadd.s32 $0xFFFFFFFF  }
0xa5: {  	s4 =	sld [smem:$0x0]  }
0xa6: {  	s5 =	sand.u32 $0xFFFFFFFE, s1  }
0xa7: {  	p0 =	sne.s32 s1, s5  }
0xa8: {  	s5 =	sshll.u32 @p0 s5, $0xE  }
0xa9: {  	s5 =	sadd.s32 @p0 $0x11B8D, s5;
	s6 =	sshll.u32 @p0 s4, $0x11  }
0xaa: {  	s5 =	sor.u32 @p0 s6, s5  }
0xab: {  	[sflag:s5] =	ssyncadd.remote.s32 @p0 $0x1;
	_ =	sdelay $0x1  }
0xac: {  	s5 =	simm.s32 @p0 $0x1B8D  }
0xad: {  	_ =	swait.eq @p0 [sflag:s5], $0x1  }
0xae: {  	[sflag:s5] =	ssyncadd.s32 @p0 $0xFFFFFFFF  }
0xaf: {  	s6 =	sshll.u32 @!p0 s1, $0xE  }
0xb0: {  	s6 =	sor.u32 @!p0 $0x4000, s6;
	s5 =	simm.s32 @!p0 $0x1B8D  }
0xb1: {  	s4 =	sshll.u32 @!p0 s4, $0x11;
	s6 =	sadd.s32 @!p0 $0x11B8D, s6;
	_ =	swait.eq @!p0 [sflag:s5], $0x1  }
0xb2: {  	s4 =	sor.u32 @!p0 s4, s6;
	[sflag:s5] =	ssyncadd.s32 @!p0 $0xFFFFFFFF  }
0xb3: {  	s25 =	simm.s32 $0x1B8E;
	s24 =	sld [smem:$0x3FFE];
	[sflag:s4] =	ssyncadd.remote.s32 @!p0 $0x1  }
0xb4: {  	s26 =	simm.s32 $execute0_lowered;
	[smem:$0x3FD2] =	sst s25  }
0xb5: {  	s5 =	sshll.u32 s26, $0x1;
	_ =	strace $0x8000004C;
	[dreg:$0x1] =	wrdreg $0xFFFFFFFF  }
0xb6: {  	s28 =	simm.s32 $_size_execute0_lowered;
	s3 =	sadd.s32 s3, s5;
	[dreg:$0x0] =	wrdreg $0x0  }
0xb7: {  	s5 =	sshll.u32 s28, $0x1;
	[dreg:$0x2] =	wrdreg s3  }
0xb8: {  	[dreg:$0x3] =	wrdreg s5  }
0xb9: {  	[dreg:$0x4] =	wrdreg $0xC0  }
0xba: {  	_ =	task [dreg:s22], $0x5FFFF  }
0xbb: {  	[dreg:$0x1] =	wrdreg $0xFFFFFFFF  }
0xbc: {  	[dreg:$0x0] =	wrdreg $0x60  }
0xbd: {  	[dreg:$0x2] =	wrdreg s24  }
0xbe: {  	[dreg:$0x3] =	wrdreg $0x0  }
0xbf: {  	[dreg:$0x4] =	wrdreg $0x9  }
0xc0: {  	_ =	task.clear_ibuf [dreg:s22], $0x5FFFF;
	_ =	strace $0x9000004C  }
0xc1: {  	s29 =	simm.s32 $0x9;
	_ =	strace $0x8000004E  }
0xc2: {  	_ =	swait.ge [sflag:s29], $0x1  }
0xc3: {  	[sflag:s29] =	ssyncadd.s32 $0xFFFFFFFF  }
0xc4: {  	_ =	strace $0x9000004E  }
0xc5: {  	_ =	sfence  }
0xc6: {  	s30 =	sld [smem:$0x0];
	_ =	sdelay $0x2  }
0xc7: {  	s31 =	sshll.u32 s1, $0xD;
	s1 =	sshrl.u32 s1, $0x2  }
0xc8: {  	s4 =	sand.u32 $0x4000, s31;
	s1 =	sadd.s32 s1, s30  }
0xc9: {  	s0 =	sor.u32 s4, s0;
	s1 =	sshll.u32 s1, $0x11  }
0xca: {  	s0 =	sor.u32 s1, s0  }
0xcb: {  	s0 =	sadd.s32 $0x8F2B, s0  }
0xcc: {  	[sflag:s0] =	ssyncadd.remote.s32 $0x1  }
0xcd: {  	_ =	sfence.sel $0xFFFF  }
0xce: {  	[dreg:$0x0] =	wrdreg $0xFFFFFFFF;
	(pc) =	sbr.abs _section_cstart, $3  }
0xcf: {  	[dreg:$0x1] =	wrdreg $0xFFFFFFFF  }
0xd0: {  	_ =	task.clear_ibuf [dreg:s22], $0x2FFFF;
	_ =	strace $0x9FFFFFFF  }
0xd1: {  	(tm) =	ssettm $0x7FFFFFFF  }
tec
execute0_lowered:
.L_overlay_start_1:
0x0: {  	(tag) =	ssettag $0x1  }
0x1: {  	s8 =	rddreg [dreg:$0x0]  }
0x2: {  	s1 =	rddreg [dreg:$0x1]  }
0x3: {  	s2 =	srdreg.scid;
	s0 =	rddreg [dreg:$0x2]  }
0x4: {  	s3 =	simm.s32 $0x0;
	s15 =	simm.s32 $0x14000;
	s16 =	simm.s32 $0x80  }
0x5: {  	s17 =	simm.s32 $0x14100;
	s18 =	simm.s32 $0x1;
	s19 =	simm.s32 $0x2  }
0x6: {  	s20 =	simm.s32 $0x0;
	s9 =	sand.u32 $0x1, s2;
	s2 =	stileid.u32  }
0x7: {  	[smem:$0x7FF] =	sst s3;
	s4 =	sadd.s32 $0xD4A00, s8;
	s7 =	smul.u32 $0x140000, s9  }
0x8: {  	s5 =	sadd.s32 $0x29800, s8;
	s6 =	sadd.s32 $0x1F800, s8;
	s10 =	smul.u32 $0x14000, s2  }
0x9: {  	_ =	strace $0x8000004D;
	s28 =	ssub.s32 $0x2, s9;
	s13 =	smul.u32 $0x50000, s2  }
0xa: {  	s29 =	sshll.u32 s2, $0x1;
	s31 =	sshll.u32 s2, $0x6;
	s12 =	sshrl.u32 s28, $0x1  }
0xb: {  	s9 =	sor.u32 s9, s29;
	s7 =	sadd.s32 s10, s7;
	s12 =	ssub.s32 s28, s12  }
0xc: {  	s30 =	sshrl.u32 s13, $0x2;
	s9 =	smul.u32 $0x2800, s9;
	s11 =	sshrl.u32 s7, $0x3  }
0xd: {  	s13 =	simm.s32 $0x3;
	s7 =	sadd.s32 $0x33800, s8;
	s11 =	sadd.s32 s11, s8  }
0xe: {  	s14 =	sadd.s32 s30, s1;
	s8 =	sor.u32 $0x1C03, s31;
	s10 =	sadd.s32 $0xFBC00, s11  }
0xf: {  	s11 =	smax.u32 s12, $0x1;
	s12 =	sshrl.u32 s14, $0x3;
	s14 =	simm.s32 $0x14080  }
.LBB2_1:
0x10: {  	[spmem:s12], [sflag:s8] =	dma.local [hbm:s7], $0x2800  }
0x11: {  	s21 =	sand.u32 $0x3C00, s3  }
0x12: {  	s22 =	sand.u32 $0x380, s3;
	_ =	swait.ge [sflag:s13], $0x2800;
	s21 =	sadd.s32 s9, s21  }
0x13: {  	[sflag:s13] =	ssyncset.done $0x0;
	s21 =	sor.u32 s22, s21  }
0x14: {  	[sflag:s13] =	ssyncadd.s32 $0xFFFFD800;
	s21 =	sshrl.u32 s21, $0x3  }
0x15: {  	[bflag:$0x0] =	sbarrier.arrive $0xFFFF;
	s29 =	sadd.s32 s6, s21  }
0x16: {  	[tilespmem:s14], [sflag:$0x3] =	stream.linear.gather [hbm4b:s29+s3], $0x80, $0x38;
	[tilespmem:$0x18100] =	vst v63  }
0x17: {  	_ =	swait.ge [sflag:s13], $0x80  }
0x18: {  	[sflag:s13] =	ssyncset.done $0x0  }
0x19: {  	s21 =	sadd.s32 s5, s21;
	[sflag:s13] =	ssyncadd.s32 $0xFFFFFF80  }
0x1a: {  	[tilespmem:s15], [sflag:$0x3] =	stream.linear.gather [hbm4b:s21+s3], $0x80, $0x38;
	[tilespmem:$0x18100] =	vst v63  }
0x1b: {  	_ =	swait.ge [sflag:s13], $0x80  }
0x1c: {  	[sflag:s13] =	ssyncset.done $0x0  }
0x1d: {  	[sflag:s13] =	ssyncadd.s32 $0xFFFFFF80  }
0x1e: {  	[tilespmem:s17], [sflag:$0x1] =	stream.indirect.gather [hbm4b:s4+s16], $0x80, s14, s16, $0xb8;
	[tilespmem:$0x18100] =	vst v63  }
0x1f: {  	_ =	swait.ge [sflag:s18], $0x4000  }
0x20: {  	s30 =	simm.s32 $0x80;
	[sflag:s18] =	ssyncset.done $0x0  }
0x21: {  	s31 =	sand.u32 $0x3C00, s30;
	[sflag:s18] =	ssyncadd.s32 $0xFFFFC000  }
0x22: {  	[spmem:s1] =	stream.indirect.scatter.add.f32 [tilespmem:s17], [sflag:$0x2], $0x80, s15, s16, $0xb8;
	[tilespmem:$0x18100] =	vst v63  }
0x23: {  	s23 =	sand.u32 $0x380, s30;
	s22 =	sadd.s32 s9, s31;
	_ =	swait.ge [sflag:s19], $0x4000  }
0x24: {  	s22 =	sor.u32 s23, s22;
	s21 =	simm.s32 $0x100;
	[sflag:s19] =	ssyncset.done $0x0  }
.LBB2_2:
0x25: {  	s22 =	sshrl.u32 s22, $0x3  }
0x26: {  	[sflag:s19] =	ssyncadd.s32 $0xFFFFC000;
	s23 =	smov.u32 s21;
	s24 =	sadd.s32 $0x80, s21  }
0x27: {  	p0 =	sne.s32 s21, $0x2780;
	s21 =	sadd.s32 s6, s22  }
0x28: {  	[tilespmem:s14], [sflag:$0x3] =	stream.linear.gather [hbm4b:s21+s3], $0x80, $0x38;
	[tilespmem:$0x18100] =	vst v63  }
0x29: {  	_ =	swait.ge [sflag:s13], $0x80  }
0x2a: {  	[sflag:s13] =	ssyncset.done $0x0  }
0x2b: {  	s21 =	sadd.s32 s5, s22;
	[sflag:s13] =	ssyncadd.s32 $0xFFFFFF80  }
0x2c: {  	[tilespmem:s15], [sflag:$0x3] =	stream.linear.gather [hbm4b:s21+s3], $0x80, $0x38;
	[tilespmem:$0x18100] =	vst v63  }
0x2d: {  	_ =	swait.ge [sflag:s13], $0x80  }
0x2e: {  	[sflag:s13] =	ssyncset.done $0x0  }
0x2f: {  	[sflag:s13] =	ssyncadd.s32 $0xFFFFFF80  }
0x30: {  	[tilespmem:s17], [sflag:$0x1] =	stream.indirect.gather [hbm4b:s4+s16], $0x80, s14, s16, $0xb8;
	[tilespmem:$0x18100] =	vst v63  }
0x31: {  	_ =	swait.ge [sflag:s18], $0x4000  }
.Ltmp0:
0x32: {  	[sflag:s18] =	ssyncset.done $0x0;
	(pc) =	sbr.rel @p0 .LBB2_2-.Ltmp0, $4  }
0x33: {  	s21 =	sand.u32 $0x3C00, s23;
	[sflag:s18] =	ssyncadd.s32 $0xFFFFC000  }
0x34: {  	[spmem:s1] =	stream.indirect.scatter.add.f32 [tilespmem:s17], [sflag:$0x2], $0x80, s15, s16, $0xb8;
	[tilespmem:$0x18100] =	vst v63  }
0x35: {  	s22 =	sand.u32 $0x380, s23;
	s21 =	sadd.s32 s9, s21;
	_ =	swait.ge [sflag:s19], $0x4000  }
0x36: {  	s22 =	sor.u32 s22, s21;
	s21 =	smov.u32 s24;
	[sflag:s19] =	ssyncset.done $0x0  }
0x37: {  	s21 =	sshrl.u32 s22, $0x3  }
0x38: {  	[sflag:s19] =	ssyncadd.s32 $0xFFFFC000;
	s22 =	sadd.s32 s6, s21  }
0x39: {  	[tilespmem:s14], [sflag:$0x3] =	stream.linear.gather [hbm4b:s22+s3], $0x80, $0x38;
	[tilespmem:$0x18100] =	vst v63  }
0x3a: {  	_ =	swait.ge [sflag:s13], $0x80  }
0x3b: {  	[sflag:s13] =	ssyncset.done $0x0  }
0x3c: {  	s21 =	sadd.s32 s5, s21;
	[sflag:s13] =	ssyncadd.s32 $0xFFFFFF80  }
0x3d: {  	[tilespmem:s15], [sflag:$0x3] =	stream.linear.gather [hbm4b:s21+s3], $0x80, $0x38;
	[tilespmem:$0x18100] =	vst v63  }
0x3e: {  	_ =	swait.ge [sflag:s13], $0x80  }
0x3f: {  	[sflag:s13] =	ssyncset.done $0x0  }
0x40: {  	[sflag:s13] =	ssyncadd.s32 $0xFFFFFF80  }
0x41: {  	[tilespmem:s17], [sflag:$0x1] =	stream.indirect.gather [hbm4b:s4+s16], $0x80, s14, s16, $0xb8;
	[tilespmem:$0x18100] =	vst v63  }
0x42: {  	_ =	swait.ge [sflag:s18], $0x4000  }
0x43: {  	[sflag:s18] =	ssyncset.done $0x0  }
0x44: {  	[sflag:s18] =	ssyncadd.s32 $0xFFFFC000  }
0x45: {  	[spmem:s1] =	stream.indirect.scatter.add.f32 [tilespmem:s17], [sflag:$0x2], $0x80, s15, s16, $0xb8;
	[tilespmem:$0x18100] =	vst v63  }
0x46: {  	_ =	swait.ge [sflag:s19], $0x4000  }
0x47: {  	s20 =	sadd.s32 $0x1, s20;
	[sflag:s19] =	ssyncset.done $0x0  }
0x48: {  	p0 =	sne.s32 s20, s11;
	[sflag:s19] =	ssyncadd.s32 $0xFFFFC000  }
.Ltmp1:
0x49: {  	[bflag:$0x0] =	sbarrier.arrive $0xFFFF;
	(pc) =	sbr.rel @p0 .LBB2_1-.Ltmp1, $4  }
0x4a: {  	[hbm:s10], [sflag:s8] =	dma.local [spmem:s12], $0x2800  }
0x4b: {  	_ =	swait.ge [sflag:s13], $0x2800  }
0x4c: {  	[sflag:s13] =	ssyncset.done $0x0  }
0x4d: {  	[sflag:s13] =	ssyncadd.s32 $0xFFFFD800  }
0x4e: {  	_ =	sfence.sel $0x180000  }
0x4f: {  	[bflag:$0x0] =	sbarrier.arrive $0xFFFF  }
0x50: {  	p0 =	sne.s32 s2, $0x0;
	_ =	strace $0x9000004D  }
0x51: {  	s0 =	sadd.s32 @!p0 $0x100000, s0;
	[bflag:$0x2] =	sbarrier.arrive $0xFFFF  }
0x52: {  	[sflag:s0] =	ssyncadd.tile.s32 @!p0 $0x1;
	_ =	shalt  }
.Lfunc_end2:
_tile_overlayer_lowered:
.L_overlay_start_2:
0x53: {  	(tag) =	ssettag $0x2  }
0x54: {  	s0 =	rddreg [dreg:$0x0];
	s2 =	stileid.u32  }
0x55: {  	s1 =	rddreg [dreg:$0x1];
	p0 =	sne.s32 s2, $0x0  }
0x56: {  	s3 =	rddreg [dreg:$0x2];
	[bflag:$0x3] =	sbarrier.arrive $0xFFFF;
	s2 =	simm.s32 @!p0 $0x1C03  }
0x57: {  	[timem:s3], [sflag:s2] =	dma.local @!p0 [hbm:s0], s1  }
0x58: {  	s0 =	simm.s32 @!p0 $0x3  }
0x59: {  	_ =	swait.ge @!p0 [sflag:s0], s1  }
0x5a: {  	s1 =	ssub.s32 @!p0 $0x0, s1;
	[sflag:s0] =	ssyncset.done @!p0 $0x0  }
0x5b: {  	[sflag:s0] =	ssyncadd.s32 @!p0 s1  }
0x5c: {  	[bflag:$0x3] =	sbarrier.arrive $0xFFFF  }
0x5d: {  	_ =	shalt  }

// kernel: kernel.47.cloned.1.call-start
scs
__scs_entry_jumppad:
0x0: {  	(pc) =	sbr.rel $0x88, $3  }
0x1: {  	(tag) =	ssettag $0x0;
	lr =	simm.s32 $0x1  }
0x2: {  	[smem:$0x3F8B] =	sst lr;
	_ =	strace $0xD0000000  }
0x3: {  	_ = 	snop  }
0x4: {  	_ = 	snop  }
0x5: {  	_ = 	snop  }
0x6: {  	_ = 	snop  }
0x7: {  	_ = 	snop  }
__scs_overlays_trampoline_lowered:
0x8: {  	[smem:$0x3F9A] =	sst s0  }
0x9: {  	[smem:$0x3F9B] =	sst s1  }
0xa: {  	[smem:$0x3F9C] =	sst s2  }
0xb: {  	[smem:$0x3F9D] =	sst s3  }
0xc: {  	[smem:$0x3F9E] =	sst s4  }
0xd: {  	[smem:$0x3F9F] =	sst s5  }
0xe: {  	[smem:$0x3FA0] =	sst s6  }
0xf: {  	[smem:$0x3FA1] =	sst s7  }
0x10: {  	[smem:$0x3FA2] =	sst s8  }
0x11: {  	[smem:$0x3FA3] =	sst s9;
	s0 =	simm.s32 @!p0 $0x0  }
0x12: {  	s1 =	sld [smem:$0x3F89];
	s0 =	simm.s32 @p0 $0x1  }
0x13: {  	[smem:$0x3FA4] =	sst s0;
	s0 =	simm.s32 @!p1 $0x0  }
0x14: {  	s2 =	sld [smem:$0x3F88];
	s0 =	simm.s32 @p1 $0x1  }
0x15: {  	[smem:$0x3FA5] =	sst s0;
	s0 =	simm.s32 @!p2 $0x0  }
0x16: {  	s3 =	sld [smem:$0x3FDB];
	s0 =	simm.s32 @p2 $0x1  }
0x17: {  	s4 =	simm.s32 $0x1BF5;
	[smem:$0x3FA7] =	sst s0  }
0x18: {  	s0 =	sld [smem:$0x3F8A];
	_ =	swait.ge [sflag:s4], $0x0  }
0x19: {  	s7 =	sld [smem:$0x3F8B]  }
0x1a: {  	s8 =	sadd.s32 $0xFFFFE003, lr  }
0x1b: {  	s9 =	sadd.s32 $0xFFFFFEF7, lr;
	s5 =	simm.s32 $0xFFFFFFFF;
	p2 =	slt.u32 s8, $0xFFFFF086  }
0x1c: {  	p1 =	slt.u32 s9, $0xF7A;
	s5 =	simm.s32 @!p2 $0x0  }
0x1d: {  	s5 =	simm.s32 @p1 $0x1;
	p0 =	seq.s32 s7, s2  }
0x1e: {  	s7 =	smul.u32 @!p0 $0xF7A, s2;
	p2 =	seq.s32 @!p0 s5, $0x0  }
0x1f: {  	s9 =	smul.u32 $0xF7A, s1;
	s8 =	simm.s32 @!p0 $0x1BF5;
	p2 =	por !p2, p0  }
0x20: {  	[sflag:s8] =	ssyncset.s32 @!p0 $0xFFFFF086;
	s6 =	sadd.s32 @!p0 s3, s7;
	s7 =	simm.s32 @!p0 $0x108  }
0x21: {  	s3 =	sadd.s32 s3, s9;
	s6 =	sadd.s32 @!p0 $0x88, s6;
	s7 =	simm.s32 @p2 $0x1082  }
0x22: {  	[simem:s7], [sflag:s8] =	dma.local @!p0 [hbm:s6], $0xF7A  }
0x23: {  	s9 =	sor.u32 $0xD0000000, s2;
	s6 =	simm.s32 $0x108;
	_ =	swait.ge @!p0 [sflag:s8], $0x0  }
0x24: {  	s3 =	sadd.s32 $0x88, s3;
	s6 =	simm.s32 @!p1 $0x1082;
	[sflag:s4] =	ssyncset.s32 $0xFFFFF086  }
0x25: {  	[simem:s6], [sflag:s4] =	dma.local [hbm:s3], $0xF7A  }
0x26: {  	[smem:$0x3F8B] =	sst s1;
	(tag) =	ssettag s2;
	_ =	strace s9  }
0x27: {  	s1 =	sld [smem:$0x3F9B]  }
0x28: {  	s2 =	sld [smem:$0x3F9C]  }
0x29: {  	s4 =	sld [smem:$0x3F9E]  }
0x2a: {  	p0 =	seq.s32 s5, $0x0;
	s5 =	sld [smem:$0x3F9F]  }
0x2b: {  	s6 =	sld [smem:$0x3FA0]  }
0x2c: {  	s7 =	sld [smem:$0x3FA1]  }
0x2d: {  	s3 =	simm.s32 $0x108;
	s8 =	sld [smem:$0x3FA2]  }
0x2e: {  	s3 =	simm.s32 @!p0 $0x1082;
	s9 =	sld [smem:$0x3FA3]  }
0x2f: {  	lr =	sadd.s32 s0, s3;
	s0 =	sld [smem:$0x3F9A]  }
0x30: {  	s3 =	sld [smem:$0x3F9D]  }
0x31: {  	[smem:$0x3FA6] =	sst s10  }
0x32: {  	s10 =	sld [smem:$0x3FA4];
	_ =	sdelay $0x3  }
0x33: {  	p0 =	seq.s32 s10, $0x1;
	s10 =	sld [smem:$0x3FA6];
	_ =	sdelay $0x3  }
0x34: {  	[smem:$0x3FA6] =	sst s10  }
0x35: {  	s10 =	sld [smem:$0x3FA5];
	_ =	sdelay $0x3  }
0x36: {  	p1 =	seq.s32 s10, $0x1;
	s10 =	sld [smem:$0x3FA6];
	_ =	sdelay $0x3  }
0x37: {  	[smem:$0x3FA6] =	sst s10  }
0x38: {  	s10 =	sld [smem:$0x3FA7]  }
0x39: {  	_ = 	snop;
	(pc) =	sbr.ind lr, $3  }
0x3a: {  	_ = 	snop  }
0x3b: {  	_ = 	snop  }
0x3c: {  	p2 =	seq.s32 s10, $0x1;
	s10 =	sld [smem:$0x3FA6]  }
0x3d: {  	_ =	shalt  }
0x3e: {  	_ =	shalt  }
0x3f: {  	_ =	shalt  }
0x40: {  	_ =	shalt  }
0x41: {  	_ =	shalt  }
0x42: {  	_ =	shalt  }
0x43: {  	_ =	shalt  }
0x44: {  	_ =	shalt  }
0x45: {  	_ =	shalt  }
0x46: {  	_ =	shalt  }
0x47: {  	_ =	shalt  }
0x48: {  	_ =	shalt  }
0x49: {  	_ =	shalt  }
0x4a: {  	_ =	shalt  }
0x4b: {  	_ =	shalt  }
0x4c: {  	_ =	shalt  }
0x4d: {  	_ =	shalt  }
0x4e: {  	_ =	shalt  }
0x4f: {  	_ =	shalt  }
0x50: {  	_ =	shalt  }
0x51: {  	_ =	shalt  }
0x52: {  	_ =	shalt  }
0x53: {  	_ =	shalt  }
0x54: {  	_ =	shalt  }
0x55: {  	_ =	shalt  }
0x56: {  	_ =	shalt  }
0x57: {  	_ =	shalt  }
0x58: {  	_ =	shalt  }
0x59: {  	_ =	shalt  }
0x5a: {  	_ =	shalt  }
0x5b: {  	_ =	shalt  }
0x5c: {  	_ =	shalt  }
0x5d: {  	_ =	shalt  }
0x5e: {  	_ =	shalt  }
0x5f: {  	_ =	shalt  }
0x60: {  	_ =	shalt  }
0x61: {  	_ =	shalt  }
0x62: {  	_ =	shalt  }
0x63: {  	_ =	shalt  }
0x64: {  	_ =	shalt  }
0x65: {  	_ =	shalt  }
0x66: {  	_ =	shalt  }
0x67: {  	_ =	shalt  }
0x68: {  	_ =	shalt  }
0x69: {  	_ =	shalt  }
0x6a: {  	_ =	shalt  }
0x6b: {  	_ =	shalt  }
0x6c: {  	_ =	shalt  }
0x6d: {  	_ =	shalt  }
0x6e: {  	_ =	shalt  }
0x6f: {  	_ =	shalt  }
0x70: {  	_ =	shalt  }
0x71: {  	_ =	shalt  }
0x72: {  	_ =	shalt  }
0x73: {  	_ =	shalt  }
0x74: {  	_ =	shalt  }
0x75: {  	_ =	shalt  }
0x76: {  	_ =	shalt  }
0x77: {  	_ =	shalt  }
0x78: {  	_ =	shalt  }
0x79: {  	_ =	shalt  }
0x7a: {  	_ =	shalt  }
0x7b: {  	_ =	shalt  }
0x7c: {  	_ =	shalt  }
0x7d: {  	_ =	shalt  }
0x7e: {  	_ =	shalt  }
0x7f: {  	_ =	shalt  }
0x80: {  	_ =	shalt  }
0x81: {  	_ =	shalt  }
0x82: {  	_ =	shalt  }
0x83: {  	_ =	shalt  }
0x84: {  	_ =	shalt  }
0x85: {  	_ =	shalt  }
0x86: {  	_ =	shalt  }
0x87: {  	_ =	shalt  }
.Lfunc_end0:
.L_simem_size_0:
called_computation.2_lowered:
.L_overlay_start_0:
0x88: {  	s2 =	sld [smem:$0x3FD9]  }
0x89: {  	s3 =	sld [smem:$0x3FFE];
	_ =	sdelay $0x1  }
0x8a: {  	s1 =	srdreg.scid  }
0x8b: {  	s0 =	sand.u32 $0x1, s1  }
0x8c: {  	s16 =	sshll.u32 s0, $0xA;
	s2 =	sadd.s32 s3, s2  }
0x8d: {  	s2 =	sadd.s32 s2, s16  }
0x8e: {  	[smem:$0x3FB2] =	sst s2  }
0x8f: {  	_ = 	snop  }
0x90: {  	(tm) =	ssettm $0x1  }
0x91: {  	s17 =	sld [smem:$0x3FFB];
	_ =	sdelay $0x3  }
0x92: {  	_ =	strace s17  }
0x93: {  	s2 =	sld [smem:$0x3FFC];
	_ =	sdelay $0x3  }
0x94: {  	_ =	strace s2  }
0x95: {  	s2 =	sld [smem:$0x3FFD];
	_ =	sdelay $0x3  }
0x96: {  	_ =	strace s2  }
0x97: {  	_ =	strace $0x8FFFFFFF  }
0x98: {  	s18 =	sld [smem:$0x3FDB];
	_ =	sdelay $0x1  }
0x99: {  	s19 =	simm.s32 $_scs_section_size  }
0x9a: {  	s4 =	simm.s32 $_size__tile_overlayer_lowered;
	s5 =	simm.s32 $_tile_overlayer_lowered  }
0x9b: {  	s22 =	simm.s32 $0x1BFF;
	s21 =	sshll.u32 s5, $0x1;
	s2 =	sadd.s32 s19, s18  }
0x9c: {  	s6 =	simm.s32 $0x0;
	s20 =	sshll.u32 s4, $0x1;
	s4 =	sadd.s32 s21, s2  }
0x9d: {  	[timem:s6], [sflag:s22] =	dma.local [hbm:s4], s20  }
0x9e: {  	_ =	swait.ge [sflag:s22], s20  }
0x9f: {  	s3 =	ssub.s32 $0x0, s20;
	[sflag:s22] =	ssyncset.done $0x0  }
0xa0: {  	[sflag:s22] =	ssyncadd.s32 s3;
	_ =	sdelay $0x1  }
0xa1: {  	s23 =	simm.s32 $0x1B8B  }
0xa2: {  	_ =	swait.ge [sflag:s23], $0x1  }
0xa3: {  	[sflag:s23] =	ssyncset.done $0x0  }
0xa4: {  	s25 =	simm.s32 $0x1B8E;
	s24 =	sld [smem:$0x3FFE];
	[sflag:s23] =	ssyncadd.s32 $0xFFFFFFFF  }
0xa5: {  	s26 =	simm.s32 $execute0_lowered;
	[smem:$0x3FD2] =	sst s25  }
0xa6: {  	s4 =	sshll.u32 s26, $0x1;
	_ =	strace $0x80000049;
	[dreg:$0x1] =	wrdreg $0xFFFFFFFF  }
0xa7: {  	s28 =	simm.s32 $_size_execute0_lowered;
	s2 =	sadd.s32 s2, s4;
	[dreg:$0x0] =	wrdreg $0x0  }
0xa8: {  	s4 =	sshll.u32 s28, $0x1;
	[dreg:$0x2] =	wrdreg s2  }
0xa9: {  	[dreg:$0x3] =	wrdreg s4  }
0xaa: {  	[dreg:$0x4] =	wrdreg $0xC0  }
0xab: {  	_ =	task [dreg:s6], $0x5FFFF  }
0xac: {  	[dreg:$0x1] =	wrdreg $0xFFFFFFFF  }
0xad: {  	[dreg:$0x0] =	wrdreg $0x60  }
0xae: {  	[dreg:$0x2] =	wrdreg s24  }
0xaf: {  	[dreg:$0x3] =	wrdreg $0x0  }
0xb0: {  	[dreg:$0x4] =	wrdreg $0xA  }
0xb1: {  	_ =	task.clear_ibuf [dreg:s6], $0x5FFFF;
	_ =	strace $0x90000049  }
0xb2: {  	s29 =	simm.s32 $0xA;
	_ =	strace $0x8000004B  }
0xb3: {  	_ =	swait.ge [sflag:s29], $0x1  }
0xb4: {  	[sflag:s29] =	ssyncadd.s32 $0xFFFFFFFF  }
0xb5: {  	_ =	strace $0x9000004B  }
0xb6: {  	_ =	sfence  }
0xb7: {  	s30 =	sld [smem:$0x0];
	_ =	sdelay $0x2  }
0xb8: {  	s31 =	sshll.u32 s1, $0xD;
	s1 =	sshrl.u32 s1, $0x2  }
0xb9: {  	s3 =	sand.u32 $0x4000, s31;
	s1 =	sadd.s32 s1, s30  }
0xba: {  	s0 =	sor.u32 s3, s0;
	s1 =	sshll.u32 s1, $0x11  }
0xbb: {  	s0 =	sor.u32 s1, s0  }
0xbc: {  	s0 =	sadd.s32 $0x8F2B, s0  }
0xbd: {  	[sflag:s0] =	ssyncadd.remote.s32 $0x1  }
0xbe: {  	_ =	sfence.sel $0xFFFF  }
0xbf: {  	[dreg:$0x0] =	wrdreg $0xFFFFFFFF;
	(pc) =	sbr.abs _section_cstart, $3  }
0xc0: {  	[dreg:$0x1] =	wrdreg $0xFFFFFFFF  }
0xc1: {  	_ =	task.clear_ibuf [dreg:s6], $0x2FFFF;
	_ =	strace $0x9FFFFFFF  }
0xc2: {  	(tm) =	ssettm $0x7FFFFFFF  }
0xc3: {  	_ =	shalt  }
tec
execute0_lowered:
.L_overlay_start_1:
0x0: {  	(tag) =	ssettag $0x1  }
0x1: {  	s8 =	rddreg [dreg:$0x0]  }
0x2: {  	s1 =	rddreg [dreg:$0x1]  }
0x3: {  	s2 =	srdreg.scid;
	s0 =	rddreg [dreg:$0x2]  }
0x4: {  	s3 =	simm.s32 $0x0;
	s15 =	simm.s32 $0x14000;
	s16 =	simm.s32 $0x80  }
0x5: {  	s17 =	simm.s32 $0x14100;
	s18 =	simm.s32 $0x1;
	s19 =	simm.s32 $0x2  }
0x6: {  	s20 =	simm.s32 $0x0;
	s9 =	sand.u32 $0x1, s2;
	s2 =	stileid.u32  }
0x7: {  	[smem:$0x7FF] =	sst s3;
	s4 =	sadd.s32 $0x5D800, s8;
	s7 =	smul.u32 $0x140000, s9  }
0x8: {  	s5 =	sadd.s32 $0x29800, s8;
	s6 =	sadd.s32 $0x1F800, s8;
	s10 =	smul.u32 $0x14000, s2  }
0x9: {  	_ =	strace $0x8000004A;
	s28 =	ssub.s32 $0x2, s9;
	s13 =	smul.u32 $0x50000, s2  }
0xa: {  	s29 =	sshll.u32 s2, $0x1;
	s31 =	sshll.u32 s2, $0x6;
	s12 =	sshrl.u32 s28, $0x1  }
0xb: {  	s9 =	sor.u32 s9, s29;
	s7 =	sadd.s32 s10, s7;
	s12 =	ssub.s32 s28, s12  }
0xc: {  	s30 =	sshrl.u32 s13, $0x2;
	s9 =	smul.u32 $0x2800, s9;
	s11 =	sshrl.u32 s7, $0x3  }
0xd: {  	s13 =	simm.s32 $0x3;
	s7 =	sadd.s32 $0x33800, s8;
	s11 =	sadd.s32 s11, s8  }
0xe: {  	s14 =	sadd.s32 s30, s1;
	s8 =	sor.u32 $0x1C03, s31;
	s10 =	sadd.s32 $0x84A00, s11  }
0xf: {  	s11 =	smax.u32 s12, $0x1;
	s12 =	sshrl.u32 s14, $0x3;
	s14 =	simm.s32 $0x14080  }
.LBB2_1:
0x10: {  	[spmem:s12], [sflag:s8] =	dma.local [hbm:s7], $0x2800  }
0x11: {  	s21 =	sand.u32 $0x3C00, s3  }
0x12: {  	s22 =	sand.u32 $0x380, s3;
	_ =	swait.ge [sflag:s13], $0x2800;
	s21 =	sadd.s32 s9, s21  }
0x13: {  	[sflag:s13] =	ssyncset.done $0x0;
	s21 =	sor.u32 s22, s21  }
0x14: {  	[sflag:s13] =	ssyncadd.s32 $0xFFFFD800;
	s21 =	sshrl.u32 s21, $0x3  }
0x15: {  	[bflag:$0x0] =	sbarrier.arrive $0xFFFF;
	s29 =	sadd.s32 s6, s21  }
0x16: {  	[tilespmem:s14], [sflag:$0x3] =	stream.linear.gather [hbm4b:s29+s3], $0x80, $0x38;
	[tilespmem:$0x18100] =	vst v63  }
0x17: {  	_ =	swait.ge [sflag:s13], $0x80  }
0x18: {  	[sflag:s13] =	ssyncset.done $0x0  }
0x19: {  	s21 =	sadd.s32 s5, s21;
	[sflag:s13] =	ssyncadd.s32 $0xFFFFFF80  }
0x1a: {  	[tilespmem:s15], [sflag:$0x3] =	stream.linear.gather [hbm4b:s21+s3], $0x80, $0x38;
	[tilespmem:$0x18100] =	vst v63  }
0x1b: {  	_ =	swait.ge [sflag:s13], $0x80  }
0x1c: {  	[sflag:s13] =	ssyncset.done $0x0  }
0x1d: {  	[sflag:s13] =	ssyncadd.s32 $0xFFFFFF80  }
0x1e: {  	[tilespmem:s17], [sflag:$0x1] =	stream.indirect.gather [hbm4b:s4+s16], $0x80, s14, s16, $0xb8;
	[tilespmem:$0x18100] =	vst v63  }
0x1f: {  	_ =	swait.ge [sflag:s18], $0x4000  }
0x20: {  	s30 =	simm.s32 $0x80;
	[sflag:s18] =	ssyncset.done $0x0  }
0x21: {  	s31 =	sand.u32 $0x3C00, s30;
	[sflag:s18] =	ssyncadd.s32 $0xFFFFC000  }
0x22: {  	[spmem:s1] =	stream.indirect.scatter.add.f32 [tilespmem:s17], [sflag:$0x2], $0x80, s15, s16, $0xb8;
	[tilespmem:$0x18100] =	vst v63  }
0x23: {  	s23 =	sand.u32 $0x380, s30;
	s22 =	sadd.s32 s9, s31;
	_ =	swait.ge [sflag:s19], $0x4000  }
0x24: {  	s22 =	sor.u32 s23, s22;
	s21 =	simm.s32 $0x100;
	[sflag:s19] =	ssyncset.done $0x0  }
.LBB2_2:
0x25: {  	s22 =	sshrl.u32 s22, $0x3  }
0x26: {  	[sflag:s19] =	ssyncadd.s32 $0xFFFFC000;
	s23 =	smov.u32 s21;
	s24 =	sadd.s32 $0x80, s21  }
0x27: {  	p0 =	sne.s32 s21, $0x2780;
	s21 =	sadd.s32 s6, s22  }
0x28: {  	[tilespmem:s14], [sflag:$0x3] =	stream.linear.gather [hbm4b:s21+s3], $0x80, $0x38;
	[tilespmem:$0x18100] =	vst v63  }
0x29: {  	_ =	swait.ge [sflag:s13], $0x80  }
0x2a: {  	[sflag:s13] =	ssyncset.done $0x0  }
0x2b: {  	s21 =	sadd.s32 s5, s22;
	[sflag:s13] =	ssyncadd.s32 $0xFFFFFF80  }
0x2c: {  	[tilespmem:s15], [sflag:$0x3] =	stream.linear.gather [hbm4b:s21+s3], $0x80, $0x38;
	[tilespmem:$0x18100] =	vst v63  }
0x2d: {  	_ =	swait.ge [sflag:s13], $0x80  }
0x2e: {  	[sflag:s13] =	ssyncset.done $0x0  }
0x2f: {  	[sflag:s13] =	ssyncadd.s32 $0xFFFFFF80  }
0x30: {  	[tilespmem:s17], [sflag:$0x1] =	stream.indirect.gather [hbm4b:s4+s16], $0x80, s14, s16, $0xb8;
	[tilespmem:$0x18100] =	vst v63  }
0x31: {  	_ =	swait.ge [sflag:s18], $0x4000  }
.Ltmp0:
0x32: {  	[sflag:s18] =	ssyncset.done $0x0;
	(pc) =	sbr.rel @p0 .LBB2_2-.Ltmp0, $4  }
0x33: {  	s21 =	sand.u32 $0x3C00, s23;
	[sflag:s18] =	ssyncadd.s32 $0xFFFFC000  }
0x34: {  	[spmem:s1] =	stream.indirect.scatter.add.f32 [tilespmem:s17], [sflag:$0x2], $0x80, s15, s16, $0xb8;
	[tilespmem:$0x18100] =	vst v63  }
0x35: {  	s22 =	sand.u32 $0x380, s23;
	s21 =	sadd.s32 s9, s21;
	_ =	swait.ge [sflag:s19], $0x4000  }
0x36: {  	s22 =	sor.u32 s22, s21;
	s21 =	smov.u32 s24;
	[sflag:s19] =	ssyncset.done $0x0  }
0x37: {  	s21 =	sshrl.u32 s22, $0x3  }
0x38: {  	[sflag:s19] =	ssyncadd.s32 $0xFFFFC000;
	s22 =	sadd.s32 s6, s21  }
0x39: {  	[tilespmem:s14], [sflag:$0x3] =	stream.linear.gather [hbm4b:s22+s3], $0x80, $0x38;
	[tilespmem:$0x18100] =	vst v63  }
0x3a: {  	_ =	swait.ge [sflag:s13], $0x80  }
0x3b: {  	[sflag:s13] =	ssyncset.done $0x0  }
0x3c: {  	s21 =	sadd.s32 s5, s21;
	[sflag:s13] =	ssyncadd.s32 $0xFFFFFF80  }
0x3d: {  	[tilespmem:s15], [sflag:$0x3] =	stream.linear.gather [hbm4b:s21+s3], $0x80, $0x38;
	[tilespmem:$0x18100] =	vst v63  }
0x3e: {  	_ =	swait.ge [sflag:s13], $0x80  }
0x3f: {  	[sflag:s13] =	ssyncset.done $0x0  }
0x40: {  	[sflag:s13] =	ssyncadd.s32 $0xFFFFFF80  }
0x41: {  	[tilespmem:s17], [sflag:$0x1] =	stream.indirect.gather [hbm4b:s4+s16], $0x80, s14, s16, $0xb8;
	[tilespmem:$0x18100] =	vst v63  }
0x42: {  	_ =	swait.ge [sflag:s18], $0x4000  }
0x43: {  	[sflag:s18] =	ssyncset.done $0x0  }
0x44: {  	[sflag:s18] =	ssyncadd.s32 $0xFFFFC000  }
0x45: {  	[spmem:s1] =	stream.indirect.scatter.add.f32 [tilespmem:s17], [sflag:$0x2], $0x80, s15, s16, $0xb8;
	[tilespmem:$0x18100] =	vst v63  }
0x46: {  	_ =	swait.ge [sflag:s19], $0x4000  }
0x47: {  	s20 =	sadd.s32 $0x1, s20;
	[sflag:s19] =	ssyncset.done $0x0  }
0x48: {  	p0 =	sne.s32 s20, s11;
	[sflag:s19] =	ssyncadd.s32 $0xFFFFC000  }
.Ltmp1:
0x49: {  	[bflag:$0x0] =	sbarrier.arrive $0xFFFF;
	(pc) =	sbr.rel @p0 .LBB2_1-.Ltmp1, $4  }
0x4a: {  	[hbm:s10], [sflag:s8] =	dma.local [spmem:s12], $0x2800  }
0x4b: {  	_ =	swait.ge [sflag:s13], $0x2800  }
0x4c: {  	[sflag:s13] =	ssyncset.done $0x0  }
0x4d: {  	[sflag:s13] =	ssyncadd.s32 $0xFFFFD800  }
0x4e: {  	_ =	sfence.sel $0x180000  }
0x4f: {  	[bflag:$0x0] =	sbarrier.arrive $0xFFFF  }
0x50: {  	p0 =	sne.s32 s2, $0x0;
	_ =	strace $0x9000004A  }
0x51: {  	s0 =	sadd.s32 @!p0 $0x100000, s0;
	[bflag:$0x2] =	sbarrier.arrive $0xFFFF  }
0x52: {  	[sflag:s0] =	ssyncadd.tile.s32 @!p0 $0x1;
	_ =	shalt  }
.Lfunc_end2:
_tile_overlayer_lowered:
.L_overlay_start_2:
0x53: {  	(tag) =	ssettag $0x2  }
0x54: {  	s0 =	rddreg [dreg:$0x0];
	s2 =	stileid.u32  }
0x55: {  	s1 =	rddreg [dreg:$0x1];
	p0 =	sne.s32 s2, $0x0  }
0x56: {  	s3 =	rddreg [dreg:$0x2];
	[bflag:$0x3] =	sbarrier.arrive $0xFFFF;
	s2 =	simm.s32 @!p0 $0x1C03  }
0x57: {  	[timem:s3], [sflag:s2] =	dma.local @!p0 [hbm:s0], s1  }
0x58: {  	s0 =	simm.s32 @!p0 $0x3  }
0x59: {  	_ =	swait.ge @!p0 [sflag:s0], s1  }
0x5a: {  	s1 =	ssub.s32 @!p0 $0x0, s1;
	[sflag:s0] =	ssyncset.done @!p0 $0x0  }
0x5b: {  	[sflag:s0] =	ssyncadd.s32 @!p0 s1  }
0x5c: {  	[bflag:$0x3] =	sbarrier.arrive $0xFFFF  }
0x5d: {  	_ =	shalt  }

// kernel: kernel.50.cloned.1.call-start
scs
__scs_entry_jumppad:
0x0: {  	(pc) =	sbr.rel $0x88, $3  }
0x1: {  	(tag) =	ssettag $0x0;
	lr =	simm.s32 $0x1  }
0x2: {  	[smem:$0x3F8B] =	sst lr;
	_ =	strace $0xD0000000  }
0x3: {  	_ = 	snop  }
0x4: {  	_ = 	snop  }
0x5: {  	_ = 	snop  }
0x6: {  	_ = 	snop  }
0x7: {  	_ = 	snop  }
__scs_overlays_trampoline_lowered:
0x8: {  	[smem:$0x3F9A] =	sst s0  }
0x9: {  	[smem:$0x3F9B] =	sst s1  }
0xa: {  	[smem:$0x3F9C] =	sst s2  }
0xb: {  	[smem:$0x3F9D] =	sst s3  }
0xc: {  	[smem:$0x3F9E] =	sst s4  }
0xd: {  	[smem:$0x3F9F] =	sst s5  }
0xe: {  	[smem:$0x3FA0] =	sst s6  }
0xf: {  	[smem:$0x3FA1] =	sst s7  }
0x10: {  	[smem:$0x3FA2] =	sst s8  }
0x11: {  	[smem:$0x3FA3] =	sst s9;
	s0 =	simm.s32 @!p0 $0x0  }
0x12: {  	s1 =	sld [smem:$0x3F89];
	s0 =	simm.s32 @p0 $0x1  }
0x13: {  	[smem:$0x3FA4] =	sst s0;
	s0 =	simm.s32 @!p1 $0x0  }
0x14: {  	s2 =	sld [smem:$0x3F88];
	s0 =	simm.s32 @p1 $0x1  }
0x15: {  	[smem:$0x3FA5] =	sst s0;
	s0 =	simm.s32 @!p2 $0x0  }
0x16: {  	s3 =	sld [smem:$0x3FDB];
	s0 =	simm.s32 @p2 $0x1  }
0x17: {  	s4 =	simm.s32 $0x1BF5;
	[smem:$0x3FA7] =	sst s0  }
0x18: {  	s0 =	sld [smem:$0x3F8A];
	_ =	swait.ge [sflag:s4], $0x0  }
0x19: {  	s7 =	sld [smem:$0x3F8B]  }
0x1a: {  	s8 =	sadd.s32 $0xFFFFE003, lr  }
0x1b: {  	s9 =	sadd.s32 $0xFFFFFEF7, lr;
	s5 =	simm.s32 $0xFFFFFFFF;
	p2 =	slt.u32 s8, $0xFFFFF086  }
0x1c: {  	p1 =	slt.u32 s9, $0xF7A;
	s5 =	simm.s32 @!p2 $0x0  }
0x1d: {  	s5 =	simm.s32 @p1 $0x1;
	p0 =	seq.s32 s7, s2  }
0x1e: {  	s7 =	smul.u32 @!p0 $0xF7A, s2;
	p2 =	seq.s32 @!p0 s5, $0x0  }
0x1f: {  	s9 =	smul.u32 $0xF7A, s1;
	s8 =	simm.s32 @!p0 $0x1BF5;
	p2 =	por !p2, p0  }
0x20: {  	[sflag:s8] =	ssyncset.s32 @!p0 $0xFFFFF086;
	s6 =	sadd.s32 @!p0 s3, s7;
	s7 =	simm.s32 @!p0 $0x108  }
0x21: {  	s3 =	sadd.s32 s3, s9;
	s6 =	sadd.s32 @!p0 $0x88, s6;
	s7 =	simm.s32 @p2 $0x1082  }
0x22: {  	[simem:s7], [sflag:s8] =	dma.local @!p0 [hbm:s6], $0xF7A  }
0x23: {  	s9 =	sor.u32 $0xD0000000, s2;
	s6 =	simm.s32 $0x108;
	_ =	swait.ge @!p0 [sflag:s8], $0x0  }
0x24: {  	s3 =	sadd.s32 $0x88, s3;
	s6 =	simm.s32 @!p1 $0x1082;
	[sflag:s4] =	ssyncset.s32 $0xFFFFF086  }
0x25: {  	[simem:s6], [sflag:s4] =	dma.local [hbm:s3], $0xF7A  }
0x26: {  	[smem:$0x3F8B] =	sst s1;
	(tag) =	ssettag s2;
	_ =	strace s9  }
0x27: {  	s1 =	sld [smem:$0x3F9B]  }
0x28: {  	s2 =	sld [smem:$0x3F9C]  }
0x29: {  	s4 =	sld [smem:$0x3F9E]  }
0x2a: {  	p0 =	seq.s32 s5, $0x0;
	s5 =	sld [smem:$0x3F9F]  }
0x2b: {  	s6 =	sld [smem:$0x3FA0]  }
0x2c: {  	s7 =	sld [smem:$0x3FA1]  }
0x2d: {  	s3 =	simm.s32 $0x108;
	s8 =	sld [smem:$0x3FA2]  }
0x2e: {  	s3 =	simm.s32 @!p0 $0x1082;
	s9 =	sld [smem:$0x3FA3]  }
0x2f: {  	lr =	sadd.s32 s0, s3;
	s0 =	sld [smem:$0x3F9A]  }
0x30: {  	s3 =	sld [smem:$0x3F9D]  }
0x31: {  	[smem:$0x3FA6] =	sst s10  }
0x32: {  	s10 =	sld [smem:$0x3FA4];
	_ =	sdelay $0x3  }
0x33: {  	p0 =	seq.s32 s10, $0x1;
	s10 =	sld [smem:$0x3FA6];
	_ =	sdelay $0x3  }
0x34: {  	[smem:$0x3FA6] =	sst s10  }
0x35: {  	s10 =	sld [smem:$0x3FA5];
	_ =	sdelay $0x3  }
0x36: {  	p1 =	seq.s32 s10, $0x1;
	s10 =	sld [smem:$0x3FA6];
	_ =	sdelay $0x3  }
0x37: {  	[smem:$0x3FA6] =	sst s10  }
0x38: {  	s10 =	sld [smem:$0x3FA7]  }
0x39: {  	_ = 	snop;
	(pc) =	sbr.ind lr, $3  }
0x3a: {  	_ = 	snop  }
0x3b: {  	_ = 	snop  }
0x3c: {  	p2 =	seq.s32 s10, $0x1;
	s10 =	sld [smem:$0x3FA6]  }
0x3d: {  	_ =	shalt  }
0x3e: {  	_ =	shalt  }
0x3f: {  	_ =	shalt  }
0x40: {  	_ =	shalt  }
0x41: {  	_ =	shalt  }
0x42: {  	_ =	shalt  }
0x43: {  	_ =	shalt  }
0x44: {  	_ =	shalt  }
0x45: {  	_ =	shalt  }
0x46: {  	_ =	shalt  }
0x47: {  	_ =	shalt  }
0x48: {  	_ =	shalt  }
0x49: {  	_ =	shalt  }
0x4a: {  	_ =	shalt  }
0x4b: {  	_ =	shalt  }
0x4c: {  	_ =	shalt  }
0x4d: {  	_ =	shalt  }
0x4e: {  	_ =	shalt  }
0x4f: {  	_ =	shalt  }
0x50: {  	_ =	shalt  }
0x51: {  	_ =	shalt  }
0x52: {  	_ =	shalt  }
0x53: {  	_ =	shalt  }
0x54: {  	_ =	shalt  }
0x55: {  	_ =	shalt  }
0x56: {  	_ =	shalt  }
0x57: {  	_ =	shalt  }
0x58: {  	_ =	shalt  }
0x59: {  	_ =	shalt  }
0x5a: {  	_ =	shalt  }
0x5b: {  	_ =	shalt  }
0x5c: {  	_ =	shalt  }
0x5d: {  	_ =	shalt  }
0x5e: {  	_ =	shalt  }
0x5f: {  	_ =	shalt  }
0x60: {  	_ =	shalt  }
0x61: {  	_ =	shalt  }
0x62: {  	_ =	shalt  }
0x63: {  	_ =	shalt  }
0x64: {  	_ =	shalt  }
0x65: {  	_ =	shalt  }
0x66: {  	_ =	shalt  }
0x67: {  	_ =	shalt  }
0x68: {  	_ =	shalt  }
0x69: {  	_ =	shalt  }
0x6a: {  	_ =	shalt  }
0x6b: {  	_ =	shalt  }
0x6c: {  	_ =	shalt  }
0x6d: {  	_ =	shalt  }
0x6e: {  	_ =	shalt  }
0x6f: {  	_ =	shalt  }
0x70: {  	_ =	shalt  }
0x71: {  	_ =	shalt  }
0x72: {  	_ =	shalt  }
0x73: {  	_ =	shalt  }
0x74: {  	_ =	shalt  }
0x75: {  	_ =	shalt  }
0x76: {  	_ =	shalt  }
0x77: {  	_ =	shalt  }
0x78: {  	_ =	shalt  }
0x79: {  	_ =	shalt  }
0x7a: {  	_ =	shalt  }
0x7b: {  	_ =	shalt  }
0x7c: {  	_ =	shalt  }
0x7d: {  	_ =	shalt  }
0x7e: {  	_ =	shalt  }
0x7f: {  	_ =	shalt  }
0x80: {  	_ =	shalt  }
0x81: {  	_ =	shalt  }
0x82: {  	_ =	shalt  }
0x83: {  	_ =	shalt  }
0x84: {  	_ =	shalt  }
0x85: {  	_ =	shalt  }
0x86: {  	_ =	shalt  }
0x87: {  	_ =	shalt  }
.Lfunc_end0:
.L_simem_size_0:
called_computation.3_lowered:
.L_overlay_start_0:
0x88: {  	s2 =	sld [smem:$0x3FD9]  }
0x89: {  	s3 =	sld [smem:$0x3FFE];
	_ =	sdelay $0x1  }
0x8a: {  	s1 =	srdreg.scid  }
0x8b: {  	s0 =	sand.u32 $0x1, s1  }
0x8c: {  	s16 =	sshll.u32 s0, $0xA;
	s2 =	sadd.s32 s3, s2  }
0x8d: {  	s2 =	sadd.s32 s2, s16  }
0x8e: {  	[smem:$0x3FB2] =	sst s2  }
0x8f: {  	_ = 	snop  }
0x90: {  	(tm) =	ssettm $0x1  }
0x91: {  	s17 =	sld [smem:$0x3FFB];
	_ =	sdelay $0x3  }
0x92: {  	_ =	strace s17  }
0x93: {  	s2 =	sld [smem:$0x3FFC];
	_ =	sdelay $0x3  }
0x94: {  	_ =	strace s2  }
0x95: {  	s2 =	sld [smem:$0x3FFD];
	_ =	sdelay $0x3  }
0x96: {  	_ =	strace s2  }
0x97: {  	_ =	strace $0x8FFFFFFF  }
0x98: {  	s18 =	sld [smem:$0x3FDB];
	_ =	sdelay $0x1  }
0x99: {  	s19 =	simm.s32 $_scs_section_size  }
0x9a: {  	s4 =	simm.s32 $_size__tile_overlayer_lowered;
	s5 =	simm.s32 $_tile_overlayer_lowered  }
0x9b: {  	s22 =	simm.s32 $0x1BFF;
	s21 =	sshll.u32 s5, $0x1;
	s2 =	sadd.s32 s19, s18  }
0x9c: {  	s6 =	simm.s32 $0x0;
	s20 =	sshll.u32 s4, $0x1;
	s4 =	sadd.s32 s21, s2  }
0x9d: {  	[timem:s6], [sflag:s22] =	dma.local [hbm:s4], s20  }
0x9e: {  	_ =	swait.ge [sflag:s22], s20  }
0x9f: {  	s3 =	ssub.s32 $0x0, s20;
	[sflag:s22] =	ssyncset.done $0x0  }
0xa0: {  	[sflag:s22] =	ssyncadd.s32 s3;
	_ =	sdelay $0x1  }
0xa1: {  	s23 =	simm.s32 $0x1B8B  }
0xa2: {  	_ =	swait.ge [sflag:s23], $0x1  }
0xa3: {  	[sflag:s23] =	ssyncset.done $0x0  }
0xa4: {  	s25 =	simm.s32 $0x1B8E;
	s24 =	sld [smem:$0x3FFE];
	[sflag:s23] =	ssyncadd.s32 $0xFFFFFFFF  }
0xa5: {  	s26 =	simm.s32 $execute0_lowered;
	[smem:$0x3FD2] =	sst s25  }
0xa6: {  	s4 =	sshll.u32 s26, $0x1;
	_ =	strace $0x8000004F;
	[dreg:$0x1] =	wrdreg $0xFFFFFFFF  }
0xa7: {  	s28 =	simm.s32 $_size_execute0_lowered;
	s2 =	sadd.s32 s2, s4;
	[dreg:$0x0] =	wrdreg $0x0  }
0xa8: {  	s4 =	sshll.u32 s28, $0x1;
	[dreg:$0x2] =	wrdreg s2  }
0xa9: {  	[dreg:$0x3] =	wrdreg s4  }
0xaa: {  	[dreg:$0x4] =	wrdreg $0xC0  }
0xab: {  	_ =	task [dreg:s6], $0x5FFFF  }
0xac: {  	[dreg:$0x1] =	wrdreg $0xFFFFFFFF  }
0xad: {  	[dreg:$0x0] =	wrdreg $0x60  }
0xae: {  	[dreg:$0x2] =	wrdreg s24  }
0xaf: {  	[dreg:$0x3] =	wrdreg $0x0  }
0xb0: {  	[dreg:$0x4] =	wrdreg $0x9  }
0xb1: {  	_ =	task.clear_ibuf [dreg:s6], $0x5FFFF;
	_ =	strace $0x9000004F  }
0xb2: {  	s29 =	simm.s32 $0x9;
	_ =	strace $0x80000051  }
0xb3: {  	_ =	swait.ge [sflag:s29], $0x1  }
0xb4: {  	[sflag:s29] =	ssyncadd.s32 $0xFFFFFFFF  }
0xb5: {  	_ =	strace $0x90000051  }
0xb6: {  	_ =	sfence  }
0xb7: {  	s30 =	sld [smem:$0x0];
	_ =	sdelay $0x2  }
0xb8: {  	s31 =	sshll.u32 s1, $0xD;
	s1 =	sshrl.u32 s1, $0x2  }
0xb9: {  	s3 =	sand.u32 $0x4000, s31;
	s1 =	sadd.s32 s1, s30  }
0xba: {  	s0 =	sor.u32 s3, s0;
	s1 =	sshll.u32 s1, $0x11  }
0xbb: {  	s0 =	sor.u32 s1, s0  }
0xbc: {  	s0 =	sadd.s32 $0x8F2B, s0  }
0xbd: {  	[sflag:s0] =	ssyncadd.remote.s32 $0x1  }
0xbe: {  	_ =	sfence.sel $0xFFFF  }
0xbf: {  	[dreg:$0x0] =	wrdreg $0xFFFFFFFF;
	(pc) =	sbr.abs _section_cstart, $3  }
0xc0: {  	[dreg:$0x1] =	wrdreg $0xFFFFFFFF  }
0xc1: {  	_ =	task.clear_ibuf [dreg:s6], $0x2FFFF;
	_ =	strace $0x9FFFFFFF  }
0xc2: {  	(tm) =	ssettm $0x7FFFFFFF  }
0xc3: {  	_ =	shalt  }
tec
execute0_lowered:
.L_overlay_start_1:
0x0: {  	(tag) =	ssettag $0x1  }
0x1: {  	s8 =	rddreg [dreg:$0x0]  }
0x2: {  	s1 =	rddreg [dreg:$0x1]  }
0x3: {  	s2 =	srdreg.scid;
	s0 =	rddreg [dreg:$0x2]  }
0x4: {  	s3 =	simm.s32 $0x0;
	s15 =	simm.s32 $0x14000;
	s16 =	simm.s32 $0x80  }
0x5: {  	s17 =	simm.s32 $0x14100;
	s18 =	simm.s32 $0x1;
	s19 =	simm.s32 $0x2  }
0x6: {  	s20 =	simm.s32 $0x0;
	s9 =	sand.u32 $0x1, s2;
	s2 =	stileid.u32  }
0x7: {  	[smem:$0x7FF] =	sst s3;
	s4 =	sadd.s32 $0xABC00, s8;
	s7 =	smul.u32 $0x140000, s9  }
0x8: {  	s5 =	sadd.s32 $0x29800, s8;
	s6 =	sadd.s32 $0x1F800, s8;
	s10 =	smul.u32 $0x14000, s2  }
0x9: {  	_ =	strace $0x80000050;
	s28 =	ssub.s32 $0x2, s9;
	s13 =	smul.u32 $0x50000, s2  }
0xa: {  	s29 =	sshll.u32 s2, $0x1;
	s31 =	sshll.u32 s2, $0x6;
	s12 =	sshrl.u32 s28, $0x1  }
0xb: {  	s9 =	sor.u32 s9, s29;
	s7 =	sadd.s32 s10, s7;
	s12 =	ssub.s32 s28, s12  }
0xc: {  	s30 =	sshrl.u32 s13, $0x2;
	s9 =	smul.u32 $0x2800, s9;
	s11 =	sshrl.u32 s7, $0x3  }
0xd: {  	s13 =	simm.s32 $0x3;
	s7 =	sadd.s32 $0x33800, s8;
	s11 =	sadd.s32 s11, s8  }
0xe: {  	s14 =	sadd.s32 s30, s1;
	s8 =	sor.u32 $0x1C03, s31;
	s10 =	sadd.s32 $0xD2E00, s11  }
0xf: {  	s11 =	smax.u32 s12, $0x1;
	s12 =	sshrl.u32 s14, $0x3;
	s14 =	simm.s32 $0x14080  }
.LBB2_1:
0x10: {  	[spmem:s12], [sflag:s8] =	dma.local [hbm:s7], $0x2800  }
0x11: {  	s21 =	sand.u32 $0x3C00, s3  }
0x12: {  	s22 =	sand.u32 $0x380, s3;
	_ =	swait.ge [sflag:s13], $0x2800;
	s21 =	sadd.s32 s9, s21  }
0x13: {  	[sflag:s13] =	ssyncset.done $0x0;
	s21 =	sor.u32 s22, s21  }
0x14: {  	[sflag:s13] =	ssyncadd.s32 $0xFFFFD800;
	s21 =	sshrl.u32 s21, $0x3  }
0x15: {  	[bflag:$0x0] =	sbarrier.arrive $0xFFFF;
	s29 =	sadd.s32 s6, s21  }
0x16: {  	[tilespmem:s14], [sflag:$0x3] =	stream.linear.gather [hbm4b:s29+s3], $0x80, $0x38;
	[tilespmem:$0x18100] =	vst v63  }
0x17: {  	_ =	swait.ge [sflag:s13], $0x80  }
0x18: {  	[sflag:s13] =	ssyncset.done $0x0  }
0x19: {  	s21 =	sadd.s32 s5, s21;
	[sflag:s13] =	ssyncadd.s32 $0xFFFFFF80  }
0x1a: {  	[tilespmem:s15], [sflag:$0x3] =	stream.linear.gather [hbm4b:s21+s3], $0x80, $0x38;
	[tilespmem:$0x18100] =	vst v63  }
0x1b: {  	_ =	swait.ge [sflag:s13], $0x80  }
0x1c: {  	[sflag:s13] =	ssyncset.done $0x0  }
0x1d: {  	[sflag:s13] =	ssyncadd.s32 $0xFFFFFF80  }
0x1e: {  	[tilespmem:s17], [sflag:$0x1] =	stream.indirect.gather [hbm4b:s4+s16], $0x80, s14, s16, $0xb8;
	[tilespmem:$0x18100] =	vst v63  }
0x1f: {  	_ =	swait.ge [sflag:s18], $0x4000  }
0x20: {  	s30 =	simm.s32 $0x80;
	[sflag:s18] =	ssyncset.done $0x0  }
0x21: {  	s31 =	sand.u32 $0x3C00, s30;
	[sflag:s18] =	ssyncadd.s32 $0xFFFFC000  }
0x22: {  	[spmem:s1] =	stream.indirect.scatter.add.f32 [tilespmem:s17], [sflag:$0x2], $0x80, s15, s16, $0xb8;
	[tilespmem:$0x18100] =	vst v63  }
0x23: {  	s23 =	sand.u32 $0x380, s30;
	s22 =	sadd.s32 s9, s31;
	_ =	swait.ge [sflag:s19], $0x4000  }
0x24: {  	s22 =	sor.u32 s23, s22;
	s21 =	simm.s32 $0x100;
	[sflag:s19] =	ssyncset.done $0x0  }
.LBB2_2:
0x25: {  	s22 =	sshrl.u32 s22, $0x3  }
0x26: {  	[sflag:s19] =	ssyncadd.s32 $0xFFFFC000;
	s23 =	smov.u32 s21;
	s24 =	sadd.s32 $0x80, s21  }
0x27: {  	p0 =	sne.s32 s21, $0x2780;
	s21 =	sadd.s32 s6, s22  }
0x28: {  	[tilespmem:s14], [sflag:$0x3] =	stream.linear.gather [hbm4b:s21+s3], $0x80, $0x38;
	[tilespmem:$0x18100] =	vst v63  }
0x29: {  	_ =	swait.ge [sflag:s13], $0x80  }
0x2a: {  	[sflag:s13] =	ssyncset.done $0x0  }
0x2b: {  	s21 =	sadd.s32 s5, s22;
	[sflag:s13] =	ssyncadd.s32 $0xFFFFFF80  }
0x2c: {  	[tilespmem:s15], [sflag:$0x3] =	stream.linear.gather [hbm4b:s21+s3], $0x80, $0x38;
	[tilespmem:$0x18100] =	vst v63  }
0x2d: {  	_ =	swait.ge [sflag:s13], $0x80  }
0x2e: {  	[sflag:s13] =	ssyncset.done $0x0  }
0x2f: {  	[sflag:s13] =	ssyncadd.s32 $0xFFFFFF80  }
0x30: {  	[tilespmem:s17], [sflag:$0x1] =	stream.indirect.gather [hbm4b:s4+s16], $0x80, s14, s16, $0xb8;
	[tilespmem:$0x18100] =	vst v63  }
0x31: {  	_ =	swait.ge [sflag:s18], $0x4000  }
.Ltmp0:
0x32: {  	[sflag:s18] =	ssyncset.done $0x0;
	(pc) =	sbr.rel @p0 .LBB2_2-.Ltmp0, $4  }
0x33: {  	s21 =	sand.u32 $0x3C00, s23;
	[sflag:s18] =	ssyncadd.s32 $0xFFFFC000  }
0x34: {  	[spmem:s1] =	stream.indirect.scatter.add.f32 [tilespmem:s17], [sflag:$0x2], $0x80, s15, s16, $0xb8;
	[tilespmem:$0x18100] =	vst v63  }
0x35: {  	s22 =	sand.u32 $0x380, s23;
	s21 =	sadd.s32 s9, s21;
	_ =	swait.ge [sflag:s19], $0x4000  }
0x36: {  	s22 =	sor.u32 s22, s21;
	s21 =	smov.u32 s24;
	[sflag:s19] =	ssyncset.done $0x0  }
0x37: {  	s21 =	sshrl.u32 s22, $0x3  }
0x38: {  	[sflag:s19] =	ssyncadd.s32 $0xFFFFC000;
	s22 =	sadd.s32 s6, s21  }
0x39: {  	[tilespmem:s14], [sflag:$0x3] =	stream.linear.gather [hbm4b:s22+s3], $0x80, $0x38;
	[tilespmem:$0x18100] =	vst v63  }
0x3a: {  	_ =	swait.ge [sflag:s13], $0x80  }
0x3b: {  	[sflag:s13] =	ssyncset.done $0x0  }
0x3c: {  	s21 =	sadd.s32 s5, s21;
	[sflag:s13] =	ssyncadd.s32 $0xFFFFFF80  }
0x3d: {  	[tilespmem:s15], [sflag:$0x3] =	stream.linear.gather [hbm4b:s21+s3], $0x80, $0x38;
	[tilespmem:$0x18100] =	vst v63  }
0x3e: {  	_ =	swait.ge [sflag:s13], $0x80  }
0x3f: {  	[sflag:s13] =	ssyncset.done $0x0  }
0x40: {  	[sflag:s13] =	ssyncadd.s32 $0xFFFFFF80  }
0x41: {  	[tilespmem:s17], [sflag:$0x1] =	stream.indirect.gather [hbm4b:s4+s16], $0x80, s14, s16, $0xb8;
	[tilespmem:$0x18100] =	vst v63  }
0x42: {  	_ =	swait.ge [sflag:s18], $0x4000  }
0x43: {  	[sflag:s18] =	ssyncset.done $0x0  }
0x44: {  	[sflag:s18] =	ssyncadd.s32 $0xFFFFC000  }
0x45: {  	[spmem:s1] =	stream.indirect.scatter.add.f32 [tilespmem:s17], [sflag:$0x2], $0x80, s15, s16, $0xb8;
	[tilespmem:$0x18100] =	vst v63  }
0x46: {  	_ =	swait.ge [sflag:s19], $0x4000  }
0x47: {  	s20 =	sadd.s32 $0x1, s20;
	[sflag:s19] =	ssyncset.done $0x0  }
0x48: {  	p0 =	sne.s32 s20, s11;
	[sflag:s19] =	ssyncadd.s32 $0xFFFFC000  }
.Ltmp1:
0x49: {  	[bflag:$0x0] =	sbarrier.arrive $0xFFFF;
	(pc) =	sbr.rel @p0 .LBB2_1-.Ltmp1, $4  }
0x4a: {  	[hbm:s10], [sflag:s8] =	dma.local [spmem:s12], $0x2800  }
0x4b: {  	_ =	swait.ge [sflag:s13], $0x2800  }
0x4c: {  	[sflag:s13] =	ssyncset.done $0x0  }
0x4d: {  	[sflag:s13] =	ssyncadd.s32 $0xFFFFD800  }
0x4e: {  	_ =	sfence.sel $0x180000  }
0x4f: {  	[bflag:$0x0] =	sbarrier.arrive $0xFFFF  }
0x50: {  	p0 =	sne.s32 s2, $0x0;
	_ =	strace $0x90000050  }
0x51: {  	s0 =	sadd.s32 @!p0 $0x100000, s0;
	[bflag:$0x2] =	sbarrier.arrive $0xFFFF  }
0x52: {  	[sflag:s0] =	ssyncadd.tile.s32 @!p0 $0x1;
	_ =	shalt  }
.Lfunc_end2:
_tile_overlayer_lowered:
.L_overlay_start_2:
0x53: {  	(tag) =	ssettag $0x2  }
0x54: {  	s0 =	rddreg [dreg:$0x0];
	s2 =	stileid.u32  }
0x55: {  	s1 =	rddreg [dreg:$0x1];
	p0 =	sne.s32 s2, $0x0  }
0x56: {  	s3 =	rddreg [dreg:$0x2];
	[bflag:$0x3] =	sbarrier.arrive $0xFFFF;
	s2 =	simm.s32 @!p0 $0x1C03  }
0x57: {  	[timem:s3], [sflag:s2] =	dma.local @!p0 [hbm:s0], s1  }
0x58: {  	s0 =	simm.s32 @!p0 $0x3  }
0x59: {  	_ =	swait.ge @!p0 [sflag:s0], s1  }
0x5a: {  	s1 =	ssub.s32 @!p0 $0x0, s1;
	[sflag:s0] =	ssyncset.done @!p0 $0x0  }
0x5b: {  	[sflag:s0] =	ssyncadd.s32 @!p0 s1  }
0x5c: {  	[bflag:$0x3] =	sbarrier.arrive $0xFFFF  }
0x5d: {  	_ =	shalt  }

// kernel: kernel.53.cloned.1.call-start
scs
__scs_entry_jumppad:
0x0: {  	(pc) =	sbr.rel $0x88, $3  }
0x1: {  	(tag) =	ssettag $0x0;
	lr =	simm.s32 $0x1  }
0x2: {  	[smem:$0x3F8B] =	sst lr;
	_ =	strace $0xD0000000  }
0x3: {  	_ = 	snop  }
0x4: {  	_ = 	snop  }
0x5: {  	_ = 	snop  }
0x6: {  	_ = 	snop  }
0x7: {  	_ = 	snop  }
__scs_overlays_trampoline_lowered:
0x8: {  	[smem:$0x3F9A] =	sst s0  }
0x9: {  	[smem:$0x3F9B] =	sst s1  }
0xa: {  	[smem:$0x3F9C] =	sst s2  }
0xb: {  	[smem:$0x3F9D] =	sst s3  }
0xc: {  	[smem:$0x3F9E] =	sst s4  }
0xd: {  	[smem:$0x3F9F] =	sst s5  }
0xe: {  	[smem:$0x3FA0] =	sst s6  }
0xf: {  	[smem:$0x3FA1] =	sst s7  }
0x10: {  	[smem:$0x3FA2] =	sst s8  }
0x11: {  	[smem:$0x3FA3] =	sst s9;
	s0 =	simm.s32 @!p0 $0x0  }
0x12: {  	s1 =	sld [smem:$0x3F89];
	s0 =	simm.s32 @p0 $0x1  }
0x13: {  	[smem:$0x3FA4] =	sst s0;
	s0 =	simm.s32 @!p1 $0x0  }
0x14: {  	s2 =	sld [smem:$0x3F88];
	s0 =	simm.s32 @p1 $0x1  }
0x15: {  	[smem:$0x3FA5] =	sst s0;
	s0 =	simm.s32 @!p2 $0x0  }
0x16: {  	s3 =	sld [smem:$0x3FDB];
	s0 =	simm.s32 @p2 $0x1  }
0x17: {  	s4 =	simm.s32 $0x1BF5;
	[smem:$0x3FA7] =	sst s0  }
0x18: {  	s0 =	sld [smem:$0x3F8A];
	_ =	swait.ge [sflag:s4], $0x0  }
0x19: {  	s7 =	sld [smem:$0x3F8B]  }
0x1a: {  	s8 =	sadd.s32 $0xFFFFE003, lr  }
0x1b: {  	s9 =	sadd.s32 $0xFFFFFEF7, lr;
	s5 =	simm.s32 $0xFFFFFFFF;
	p2 =	slt.u32 s8, $0xFFFFF086  }
0x1c: {  	p1 =	slt.u32 s9, $0xF7A;
	s5 =	simm.s32 @!p2 $0x0  }
0x1d: {  	s5 =	simm.s32 @p1 $0x1;
	p0 =	seq.s32 s7, s2  }
0x1e: {  	s7 =	smul.u32 @!p0 $0xF7A, s2;
	p2 =	seq.s32 @!p0 s5, $0x0  }
0x1f: {  	s9 =	smul.u32 $0xF7A, s1;
	s8 =	simm.s32 @!p0 $0x1BF5;
	p2 =	por !p2, p0  }
0x20: {  	[sflag:s8] =	ssyncset.s32 @!p0 $0xFFFFF086;
	s6 =	sadd.s32 @!p0 s3, s7;
	s7 =	simm.s32 @!p0 $0x108  }
0x21: {  	s3 =	sadd.s32 s3, s9;
	s6 =	sadd.s32 @!p0 $0x88, s6;
	s7 =	simm.s32 @p2 $0x1082  }
0x22: {  	[simem:s7], [sflag:s8] =	dma.local @!p0 [hbm:s6], $0xF7A  }
0x23: {  	s9 =	sor.u32 $0xD0000000, s2;
	s6 =	simm.s32 $0x108;
	_ =	swait.ge @!p0 [sflag:s8], $0x0  }
0x24: {  	s3 =	sadd.s32 $0x88, s3;
	s6 =	simm.s32 @!p1 $0x1082;
	[sflag:s4] =	ssyncset.s32 $0xFFFFF086  }
0x25: {  	[simem:s6], [sflag:s4] =	dma.local [hbm:s3], $0xF7A  }
0x26: {  	[smem:$0x3F8B] =	sst s1;
	(tag) =	ssettag s2;
	_ =	strace s9  }
0x27: {  	s1 =	sld [smem:$0x3F9B]  }
0x28: {  	s2 =	sld [smem:$0x3F9C]  }
0x29: {  	s4 =	sld [smem:$0x3F9E]  }
0x2a: {  	p0 =	seq.s32 s5, $0x0;
	s5 =	sld [smem:$0x3F9F]  }
0x2b: {  	s6 =	sld [smem:$0x3FA0]  }
0x2c: {  	s7 =	sld [smem:$0x3FA1]  }
0x2d: {  	s3 =	simm.s32 $0x108;
	s8 =	sld [smem:$0x3FA2]  }
0x2e: {  	s3 =	simm.s32 @!p0 $0x1082;
	s9 =	sld [smem:$0x3FA3]  }
0x2f: {  	lr =	sadd.s32 s0, s3;
	s0 =	sld [smem:$0x3F9A]  }
0x30: {  	s3 =	sld [smem:$0x3F9D]  }
0x31: {  	[smem:$0x3FA6] =	sst s10  }
0x32: {  	s10 =	sld [smem:$0x3FA4];
	_ =	sdelay $0x3  }
0x33: {  	p0 =	seq.s32 s10, $0x1;
	s10 =	sld [smem:$0x3FA6];
	_ =	sdelay $0x3  }
0x34: {  	[smem:$0x3FA6] =	sst s10  }
0x35: {  	s10 =	sld [smem:$0x3FA5];
	_ =	sdelay $0x3  }
0x36: {  	p1 =	seq.s32 s10, $0x1;
	s10 =	sld [smem:$0x3FA6];
	_ =	sdelay $0x3  }
0x37: {  	[smem:$0x3FA6] =	sst s10  }
0x38: {  	s10 =	sld [smem:$0x3FA7]  }
0x39: {  	_ = 	snop;
	(pc) =	sbr.ind lr, $3  }
0x3a: {  	_ = 	snop  }
0x3b: {  	_ = 	snop  }
0x3c: {  	p2 =	seq.s32 s10, $0x1;
	s10 =	sld [smem:$0x3FA6]  }
0x3d: {  	_ =	shalt  }
0x3e: {  	_ =	shalt  }
0x3f: {  	_ =	shalt  }
0x40: {  	_ =	shalt  }
0x41: {  	_ =	shalt  }
0x42: {  	_ =	shalt  }
0x43: {  	_ =	shalt  }
0x44: {  	_ =	shalt  }
0x45: {  	_ =	shalt  }
0x46: {  	_ =	shalt  }
0x47: {  	_ =	shalt  }
0x48: {  	_ =	shalt  }
0x49: {  	_ =	shalt  }
0x4a: {  	_ =	shalt  }
0x4b: {  	_ =	shalt  }
0x4c: {  	_ =	shalt  }
0x4d: {  	_ =	shalt  }
0x4e: {  	_ =	shalt  }
0x4f: {  	_ =	shalt  }
0x50: {  	_ =	shalt  }
0x51: {  	_ =	shalt  }
0x52: {  	_ =	shalt  }
0x53: {  	_ =	shalt  }
0x54: {  	_ =	shalt  }
0x55: {  	_ =	shalt  }
0x56: {  	_ =	shalt  }
0x57: {  	_ =	shalt  }
0x58: {  	_ =	shalt  }
0x59: {  	_ =	shalt  }
0x5a: {  	_ =	shalt  }
0x5b: {  	_ =	shalt  }
0x5c: {  	_ =	shalt  }
0x5d: {  	_ =	shalt  }
0x5e: {  	_ =	shalt  }
0x5f: {  	_ =	shalt  }
0x60: {  	_ =	shalt  }
0x61: {  	_ =	shalt  }
0x62: {  	_ =	shalt  }
0x63: {  	_ =	shalt  }
0x64: {  	_ =	shalt  }
0x65: {  	_ =	shalt  }
0x66: {  	_ =	shalt  }
0x67: {  	_ =	shalt  }
0x68: {  	_ =	shalt  }
0x69: {  	_ =	shalt  }
0x6a: {  	_ =	shalt  }
0x6b: {  	_ =	shalt  }
0x6c: {  	_ =	shalt  }
0x6d: {  	_ =	shalt  }
0x6e: {  	_ =	shalt  }
0x6f: {  	_ =	shalt  }
0x70: {  	_ =	shalt  }
0x71: {  	_ =	shalt  }
0x72: {  	_ =	shalt  }
0x73: {  	_ =	shalt  }
0x74: {  	_ =	shalt  }
0x75: {  	_ =	shalt  }
0x76: {  	_ =	shalt  }
0x77: {  	_ =	shalt  }
0x78: {  	_ =	shalt  }
0x79: {  	_ =	shalt  }
0x7a: {  	_ =	shalt  }
0x7b: {  	_ =	shalt  }
0x7c: {  	_ =	shalt  }
0x7d: {  	_ =	shalt  }
0x7e: {  	_ =	shalt  }
0x7f: {  	_ =	shalt  }
0x80: {  	_ =	shalt  }
0x81: {  	_ =	shalt  }
0x82: {  	_ =	shalt  }
0x83: {  	_ =	shalt  }
0x84: {  	_ =	shalt  }
0x85: {  	_ =	shalt  }
0x86: {  	_ =	shalt  }
0x87: {  	_ =	shalt  }
.Lfunc_end0:
.L_simem_size_0:
called_computation.4_lowered:
.L_overlay_start_0:
0x88: {  	s2 =	sld [smem:$0x3FD9]  }
0x89: {  	s3 =	sld [smem:$0x3FFE];
	_ =	sdelay $0x1  }
0x8a: {  	s1 =	srdreg.scid  }
0x8b: {  	s0 =	sand.u32 $0x1, s1  }
0x8c: {  	s15 =	sshll.u32 s0, $0xA;
	s2 =	sadd.s32 s3, s2  }
0x8d: {  	s2 =	sadd.s32 s2, s15  }
0x8e: {  	[smem:$0x3FB2] =	sst s2  }
0x8f: {  	_ = 	snop  }
0x90: {  	s2 =	sld [smem:$0x3FD0];
	_ =	sdelay $0x2  }
0x91: {  	s16 =	simm.s32 $0xC;
	s4 =	simm.s32 $0x10  }
0x92: {  	[smem:s4], [sflag:s16] =	dma.local [hbm:s2], $0x1  }
0x93: {  	_ =	swait.eq [sflag:s16], $0x1  }
0x94: {  	[sflag:s16] =	ssyncset.done $0x0  }
0x95: {  	[sflag:s16] =	ssyncadd.s32 $0xFFFFFFFF  }
0x96: {  	s17 =	sld [smem:$0x12];
	(tm) =	ssettm $0x1  }
0x97: {  	s18 =	sld [smem:$0x3FFB];
	_ =	sdelay $0x3  }
0x98: {  	_ =	strace s18  }
0x99: {  	s2 =	sld [smem:$0x3FFC];
	_ =	sdelay $0x3  }
0x9a: {  	_ =	strace s2  }
0x9b: {  	s2 =	sld [smem:$0x3FFD];
	_ =	sdelay $0x3  }
0x9c: {  	_ =	strace s2  }
0x9d: {  	_ =	strace $0x8FFFFFFF  }
0x9e: {  	s19 =	sld [smem:$0x3FDB];
	_ =	sdelay $0x1  }
0x9f: {  	s20 =	simm.s32 $_scs_section_size  }
0xa0: {  	s5 =	simm.s32 $_size__tile_overlayer_lowered;
	s6 =	simm.s32 $_tile_overlayer_lowered  }
0xa1: {  	s7 =	simm.s32 $0x1BFF;
	s21 =	sshll.u32 s6, $0x1;
	s4 =	sadd.s32 s20, s19  }
0xa2: {  	s22 =	simm.s32 $0x0;
	s5 =	sshll.u32 s5, $0x1;
	s6 =	sadd.s32 s21, s4  }
0xa3: {  	[timem:s22], [sflag:s7] =	dma.local [hbm:s6], s5  }
0xa4: {  	_ =	swait.ge [sflag:s7], s5  }
0xa5: {  	s5 =	ssub.s32 $0x0, s5;
	[sflag:s7] =	ssyncset.done $0x0  }
0xa6: {  	[sflag:s7] =	ssyncadd.s32 s5;
	_ =	sdelay $0x1  }
0xa7: {  	s23 =	simm.s32 $0x1B8B  }
0xa8: {  	_ =	swait.ge [sflag:s23], $0x1  }
0xa9: {  	[sflag:s23] =	ssyncset.done $0x0  }
0xaa: {  	[sflag:s23] =	ssyncadd.s32 $0xFFFFFFFF  }
0xab: {  	s5 =	sld [smem:$0x0]  }
0xac: {  	s6 =	sand.u32 $0xFFFFFFFE, s1  }
0xad: {  	p0 =	sne.s32 s1, s6  }
0xae: {  	s6 =	sshll.u32 @p0 s6, $0xE  }
0xaf: {  	s6 =	sadd.s32 @p0 $0x11B8D, s6;
	s7 =	sshll.u32 @p0 s5, $0x11  }
0xb0: {  	s6 =	sor.u32 @p0 s7, s6  }
0xb1: {  	[sflag:s6] =	ssyncadd.remote.s32 @p0 $0x1;
	_ =	sdelay $0x1  }
0xb2: {  	s6 =	simm.s32 @p0 $0x1B8D  }
0xb3: {  	_ =	swait.eq @p0 [sflag:s6], $0x1  }
0xb4: {  	[sflag:s6] =	ssyncadd.s32 @p0 $0xFFFFFFFF  }
0xb5: {  	s7 =	sshll.u32 @!p0 s1, $0xE  }
0xb6: {  	s7 =	sor.u32 @!p0 $0x4000, s7;
	s6 =	simm.s32 @!p0 $0x1B8D  }
0xb7: {  	s5 =	sshll.u32 @!p0 s5, $0x11;
	s7 =	sadd.s32 @!p0 $0x11B8D, s7;
	_ =	swait.eq @!p0 [sflag:s6], $0x1  }
0xb8: {  	s5 =	sor.u32 @!p0 s5, s7;
	[sflag:s6] =	ssyncadd.s32 @!p0 $0xFFFFFFFF  }
0xb9: {  	s25 =	simm.s32 $0x1B8E;
	s24 =	sld [smem:$0x3FFE];
	[sflag:s5] =	ssyncadd.remote.s32 @!p0 $0x1  }
0xba: {  	s26 =	simm.s32 $execute0_lowered;
	[smem:$0x3FD2] =	sst s25  }
0xbb: {  	s6 =	sshll.u32 s26, $0x1;
	_ =	strace $0x80000058;
	[dreg:$0x1] =	wrdreg $0xFFFFFFFF  }
0xbc: {  	s28 =	simm.s32 $_size_execute0_lowered;
	s4 =	sadd.s32 s4, s6;
	[dreg:$0x0] =	wrdreg $0x0  }
0xbd: {  	s6 =	sshll.u32 s28, $0x1;
	[dreg:$0x2] =	wrdreg s4  }
0xbe: {  	[dreg:$0x3] =	wrdreg s6  }
0xbf: {  	[dreg:$0x4] =	wrdreg $0xC0  }
0xc0: {  	_ =	task [dreg:s22], $0x5FFFF  }
0xc1: {  	[dreg:$0x1] =	wrdreg $0xFFFFFFFF  }
0xc2: {  	[dreg:$0x0] =	wrdreg $0x60  }
0xc3: {  	[dreg:$0x2] =	wrdreg s17  }
0xc4: {  	[dreg:$0x3] =	wrdreg s24  }
0xc5: {  	[dreg:$0x4] =	wrdreg $0x0  }
0xc6: {  	[dreg:$0x5] =	wrdreg $0x9  }
0xc7: {  	_ =	task.clear_ibuf [dreg:s22], $0x6FFFF;
	_ =	strace $0x90000058  }
0xc8: {  	s29 =	simm.s32 $0x9;
	_ =	strace $0x8000005A  }
0xc9: {  	_ =	swait.ge [sflag:s29], $0x1  }
0xca: {  	[sflag:s29] =	ssyncadd.s32 $0xFFFFFFFF  }
0xcb: {  	_ =	strace $0x9000005A  }
0xcc: {  	_ =	sfence  }
0xcd: {  	s30 =	sld [smem:$0x0];
	_ =	sdelay $0x2  }
0xce: {  	s31 =	sshll.u32 s1, $0xD;
	s1 =	sshrl.u32 s1, $0x2  }
0xcf: {  	s4 =	sand.u32 $0x4000, s31;
	s1 =	sadd.s32 s1, s30  }
0xd0: {  	s0 =	sor.u32 s4, s0;
	s1 =	sshll.u32 s1, $0x11  }
0xd1: {  	s0 =	sor.u32 s1, s0  }
0xd2: {  	s0 =	sadd.s32 $0x8F2B, s0  }
0xd3: {  	[sflag:s0] =	ssyncadd.remote.s32 $0x1  }
0xd4: {  	_ =	sfence.sel $0xFFFF  }
0xd5: {  	[dreg:$0x0] =	wrdreg $0xFFFFFFFF;
	(pc) =	sbr.abs _section_cstart, $3  }
0xd6: {  	[dreg:$0x1] =	wrdreg $0xFFFFFFFF  }
0xd7: {  	_ =	task.clear_ibuf [dreg:s22], $0x2FFFF;
	_ =	strace $0x9FFFFFFF  }
0xd8: {  	(tm) =	ssettm $0x7FFFFFFF  }
0xd9: {  	_ =	shalt  }
tec
execute0_lowered:
.L_overlay_start_1:
0x0: {  	(tag) =	ssettag $0x1  }
0x1: {  	s1 =	rddreg [dreg:$0x0]  }
0x2: {  	s8 =	rddreg [dreg:$0x1]  }
0x3: {  	s2 =	rddreg [dreg:$0x2];
	s3 =	srdreg.scid  }
0x4: {  	s0 =	rddreg [dreg:$0x3];
	s4 =	simm.s32 $0x0;
	s15 =	simm.s32 $0x14000  }
0x5: {  	s16 =	simm.s32 $0x80;
	s17 =	simm.s32 $0x14100;
	s18 =	simm.s32 $0x1  }
0x6: {  	s19 =	simm.s32 $0x2;
	s9 =	sand.u32 $0x1, s3;
	s3 =	stileid.u32  }
0x7: {  	s20 =	simm.s32 $0x0;
	[smem:$0x7FF] =	sst s4;
	s7 =	smul.u32 $0x140000, s9  }
0x8: {  	s5 =	sadd.s32 $0x29800, s8;
	s6 =	sadd.s32 $0x1F800, s8;
	s10 =	smul.u32 $0x14000, s3  }
0x9: {  	_ =	strace $0x80000059;
	s28 =	ssub.s32 $0x2, s9;
	s13 =	smul.u32 $0x50000, s3  }
0xa: {  	s29 =	sshll.u32 s3, $0x1;
	s31 =	sshll.u32 s3, $0x6;
	s12 =	sshrl.u32 s28, $0x1  }
0xb: {  	s9 =	sor.u32 s9, s29;
	s7 =	sadd.s32 s10, s7;
	s12 =	ssub.s32 s28, s12  }
0xc: {  	s30 =	sshrl.u32 s13, $0x2;
	s9 =	smul.u32 $0x2800, s9;
	s11 =	sshrl.u32 s7, $0x3  }
0xd: {  	s13 =	simm.s32 $0x3;
	s7 =	sadd.s32 $0x33800, s8;
	s11 =	sadd.s32 s11, s8  }
0xe: {  	s14 =	sadd.s32 s30, s2;
	s8 =	sor.u32 $0x1C03, s31;
	s10 =	sadd.s32 $0x1EB000, s11  }
0xf: {  	s11 =	smax.u32 s12, $0x1;
	s12 =	sshrl.u32 s14, $0x3;
	s14 =	simm.s32 $0x14080  }
.LBB2_1:
0x10: {  	[spmem:s12], [sflag:s8] =	dma.local [hbm:s7], $0x2800  }
0x11: {  	s21 =	sand.u32 $0x3C00, s4  }
0x12: {  	s22 =	sand.u32 $0x380, s4;
	_ =	swait.ge [sflag:s13], $0x2800;
	s21 =	sadd.s32 s9, s21  }
0x13: {  	[sflag:s13] =	ssyncset.done $0x0;
	s21 =	sor.u32 s22, s21  }
0x14: {  	[sflag:s13] =	ssyncadd.s32 $0xFFFFD800;
	s21 =	sshrl.u32 s21, $0x3  }
0x15: {  	[bflag:$0x0] =	sbarrier.arrive $0xFFFF;
	s29 =	sadd.s32 s6, s21  }
0x16: {  	[tilespmem:s14], [sflag:$0x3] =	stream.linear.gather [hbm4b:s29+s4], $0x80, $0x38;
	[tilespmem:$0x18100] =	vst v63  }
0x17: {  	_ =	swait.ge [sflag:s13], $0x80  }
0x18: {  	[sflag:s13] =	ssyncset.done $0x0  }
0x19: {  	s21 =	sadd.s32 s5, s21;
	[sflag:s13] =	ssyncadd.s32 $0xFFFFFF80  }
0x1a: {  	[tilespmem:s15], [sflag:$0x3] =	stream.linear.gather [hbm4b:s21+s4], $0x80, $0x38;
	[tilespmem:$0x18100] =	vst v63  }
0x1b: {  	_ =	swait.ge [sflag:s13], $0x80  }
0x1c: {  	[sflag:s13] =	ssyncset.done $0x0  }
0x1d: {  	[sflag:s13] =	ssyncadd.s32 $0xFFFFFF80  }
0x1e: {  	[tilespmem:s17], [sflag:$0x1] =	stream.indirect.gather [hbm4b:s1+s16], $0x80, s14, s16, $0xb8;
	[tilespmem:$0x18100] =	vst v63  }
0x1f: {  	_ =	swait.ge [sflag:s18], $0x4000  }
0x20: {  	s30 =	simm.s32 $0x80;
	[sflag:s18] =	ssyncset.done $0x0  }
0x21: {  	s31 =	sand.u32 $0x3C00, s30;
	[sflag:s18] =	ssyncadd.s32 $0xFFFFC000  }
0x22: {  	[spmem:s2] =	stream.indirect.scatter.add.f32 [tilespmem:s17], [sflag:$0x2], $0x80, s15, s16, $0xb8;
	[tilespmem:$0x18100] =	vst v63  }
0x23: {  	s23 =	sand.u32 $0x380, s30;
	s22 =	sadd.s32 s9, s31;
	_ =	swait.ge [sflag:s19], $0x4000  }
0x24: {  	s22 =	sor.u32 s23, s22;
	s21 =	simm.s32 $0x100;
	[sflag:s19] =	ssyncset.done $0x0  }
.LBB2_2:
0x25: {  	s22 =	sshrl.u32 s22, $0x3  }
0x26: {  	[sflag:s19] =	ssyncadd.s32 $0xFFFFC000;
	s23 =	smov.u32 s21;
	s24 =	sadd.s32 $0x80, s21  }
0x27: {  	p0 =	sne.s32 s21, $0x2780;
	s21 =	sadd.s32 s6, s22  }
0x28: {  	[tilespmem:s14], [sflag:$0x3] =	stream.linear.gather [hbm4b:s21+s4], $0x80, $0x38;
	[tilespmem:$0x18100] =	vst v63  }
0x29: {  	_ =	swait.ge [sflag:s13], $0x80  }
0x2a: {  	[sflag:s13] =	ssyncset.done $0x0  }
0x2b: {  	s21 =	sadd.s32 s5, s22;
	[sflag:s13] =	ssyncadd.s32 $0xFFFFFF80  }
0x2c: {  	[tilespmem:s15], [sflag:$0x3] =	stream.linear.gather [hbm4b:s21+s4], $0x80, $0x38;
	[tilespmem:$0x18100] =	vst v63  }
0x2d: {  	_ =	swait.ge [sflag:s13], $0x80  }
0x2e: {  	[sflag:s13] =	ssyncset.done $0x0  }
0x2f: {  	[sflag:s13] =	ssyncadd.s32 $0xFFFFFF80  }
0x30: {  	[tilespmem:s17], [sflag:$0x1] =	stream.indirect.gather [hbm4b:s1+s16], $0x80, s14, s16, $0xb8;
	[tilespmem:$0x18100] =	vst v63  }
0x31: {  	_ =	swait.ge [sflag:s18], $0x4000  }
.Ltmp0:
0x32: {  	[sflag:s18] =	ssyncset.done $0x0;
	(pc) =	sbr.rel @p0 .LBB2_2-.Ltmp0, $4  }
0x33: {  	s21 =	sand.u32 $0x3C00, s23;
	[sflag:s18] =	ssyncadd.s32 $0xFFFFC000  }
0x34: {  	[spmem:s2] =	stream.indirect.scatter.add.f32 [tilespmem:s17], [sflag:$0x2], $0x80, s15, s16, $0xb8;
	[tilespmem:$0x18100] =	vst v63  }
0x35: {  	s22 =	sand.u32 $0x380, s23;
	s21 =	sadd.s32 s9, s21;
	_ =	swait.ge [sflag:s19], $0x4000  }
0x36: {  	s22 =	sor.u32 s22, s21;
	s21 =	smov.u32 s24;
	[sflag:s19] =	ssyncset.done $0x0  }
0x37: {  	s21 =	sshrl.u32 s22, $0x3  }
0x38: {  	[sflag:s19] =	ssyncadd.s32 $0xFFFFC000;
	s22 =	sadd.s32 s6, s21  }
0x39: {  	[tilespmem:s14], [sflag:$0x3] =	stream.linear.gather [hbm4b:s22+s4], $0x80, $0x38;
	[tilespmem:$0x18100] =	vst v63  }
0x3a: {  	_ =	swait.ge [sflag:s13], $0x80  }
0x3b: {  	[sflag:s13] =	ssyncset.done $0x0  }
0x3c: {  	s21 =	sadd.s32 s5, s21;
	[sflag:s13] =	ssyncadd.s32 $0xFFFFFF80  }
0x3d: {  	[tilespmem:s15], [sflag:$0x3] =	stream.linear.gather [hbm4b:s21+s4], $0x80, $0x38;
	[tilespmem:$0x18100] =	vst v63  }
0x3e: {  	_ =	swait.ge [sflag:s13], $0x80  }
0x3f: {  	[sflag:s13] =	ssyncset.done $0x0  }
0x40: {  	[sflag:s13] =	ssyncadd.s32 $0xFFFFFF80  }
0x41: {  	[tilespmem:s17], [sflag:$0x1] =	stream.indirect.gather [hbm4b:s1+s16], $0x80, s14, s16, $0xb8;
	[tilespmem:$0x18100] =	vst v63  }
0x42: {  	_ =	swait.ge [sflag:s18], $0x4000  }
0x43: {  	[sflag:s18] =	ssyncset.done $0x0  }
0x44: {  	[sflag:s18] =	ssyncadd.s32 $0xFFFFC000  }
0x45: {  	[spmem:s2] =	stream.indirect.scatter.add.f32 [tilespmem:s17], [sflag:$0x2], $0x80, s15, s16, $0xb8;
	[tilespmem:$0x18100] =	vst v63  }
0x46: {  	_ =	swait.ge [sflag:s19], $0x4000  }
0x47: {  	s20 =	sadd.s32 $0x1, s20;
	[sflag:s19] =	ssyncset.done $0x0  }
0x48: {  	p0 =	sne.s32 s20, s11;
	[sflag:s19] =	ssyncadd.s32 $0xFFFFC000  }
.Ltmp1:
0x49: {  	[bflag:$0x0] =	sbarrier.arrive $0xFFFF;
	(pc) =	sbr.rel @p0 .LBB2_1-.Ltmp1, $4  }
0x4a: {  	[hbm:s10], [sflag:s8] =	dma.local [spmem:s12], $0x2800  }
0x4b: {  	_ =	swait.ge [sflag:s13], $0x2800  }
0x4c: {  	[sflag:s13] =	ssyncset.done $0x0  }
0x4d: {  	[sflag:s13] =	ssyncadd.s32 $0xFFFFD800  }
0x4e: {  	_ =	sfence.sel $0x180000  }
0x4f: {  	[bflag:$0x0] =	sbarrier.arrive $0xFFFF  }
0x50: {  	p0 =	sne.s32 s3, $0x0;
	_ =	strace $0x90000059  }
0x51: {  	s0 =	sadd.s32 @!p0 $0x100000, s0;
	[bflag:$0x2] =	sbarrier.arrive $0xFFFF  }
0x52: {  	[sflag:s0] =	ssyncadd.tile.s32 @!p0 $0x1;
	_ =	shalt  }
.Lfunc_end2:
_tile_overlayer_lowered:
.L_overlay_start_2:
0x53: {  	(tag) =	ssettag $0x2  }
0x54: {  	s0 =	rddreg [dreg:$0x0];
	s2 =	stileid.u32  }
0x55: {  	s1 =	rddreg [dreg:$0x1];
	p0 =	sne.s32 s2, $0x0  }
0x56: {  	s3 =	rddreg [dreg:$0x2];
	[bflag:$0x3] =	sbarrier.arrive $0xFFFF;
	s2 =	simm.s32 @!p0 $0x1C03  }
0x57: {  	[timem:s3], [sflag:s2] =	dma.local @!p0 [hbm:s0], s1  }
0x58: {  	s0 =	simm.s32 @!p0 $0x3  }
0x59: {  	_ =	swait.ge @!p0 [sflag:s0], s1  }
0x5a: {  	s1 =	ssub.s32 @!p0 $0x0, s1;
	[sflag:s0] =	ssyncset.done @!p0 $0x0  }
0x5b: {  	[sflag:s0] =	ssyncadd.s32 @!p0 s1  }
0x5c: {  	[bflag:$0x3] =	sbarrier.arrive $0xFFFF  }
0x5d: {  	_ =	shalt  }

// kernel: kernel.56.cloned.1.call-start
scs
__scs_entry_jumppad:
0x0: {  	(pc) =	sbr.rel $0x88, $3  }
0x1: {  	(tag) =	ssettag $0x0;
	lr =	simm.s32 $0x1  }
0x2: {  	[smem:$0x3F8B] =	sst lr;
	_ =	strace $0xD0000000  }
0x3: {  	_ = 	snop  }
0x4: {  	_ = 	snop  }
0x5: {  	_ = 	snop  }
0x6: {  	_ = 	snop  }
0x7: {  	_ = 	snop  }
__scs_overlays_trampoline_lowered:
0x8: {  	[smem:$0x3F9A] =	sst s0  }
0x9: {  	[smem:$0x3F9B] =	sst s1  }
0xa: {  	[smem:$0x3F9C] =	sst s2  }
0xb: {  	[smem:$0x3F9D] =	sst s3  }
0xc: {  	[smem:$0x3F9E] =	sst s4  }
0xd: {  	[smem:$0x3F9F] =	sst s5  }
0xe: {  	[smem:$0x3FA0] =	sst s6  }
0xf: {  	[smem:$0x3FA1] =	sst s7  }
0x10: {  	[smem:$0x3FA2] =	sst s8  }
0x11: {  	[smem:$0x3FA3] =	sst s9;
	s0 =	simm.s32 @!p0 $0x0  }
0x12: {  	s1 =	sld [smem:$0x3F89];
	s0 =	simm.s32 @p0 $0x1  }
0x13: {  	[smem:$0x3FA4] =	sst s0;
	s0 =	simm.s32 @!p1 $0x0  }
0x14: {  	s2 =	sld [smem:$0x3F88];
	s0 =	simm.s32 @p1 $0x1  }
0x15: {  	[smem:$0x3FA5] =	sst s0;
	s0 =	simm.s32 @!p2 $0x0  }
0x16: {  	s3 =	sld [smem:$0x3FDB];
	s0 =	simm.s32 @p2 $0x1  }
0x17: {  	s4 =	simm.s32 $0x1BF5;
	[smem:$0x3FA7] =	sst s0  }
0x18: {  	s0 =	sld [smem:$0x3F8A];
	_ =	swait.ge [sflag:s4], $0x0  }
0x19: {  	s7 =	sld [smem:$0x3F8B]  }
0x1a: {  	s8 =	sadd.s32 $0xFFFFE003, lr  }
0x1b: {  	s9 =	sadd.s32 $0xFFFFFEF7, lr;
	s5 =	simm.s32 $0xFFFFFFFF;
	p2 =	slt.u32 s8, $0xFFFFF086  }
0x1c: {  	p1 =	slt.u32 s9, $0xF7A;
	s5 =	simm.s32 @!p2 $0x0  }
0x1d: {  	s5 =	simm.s32 @p1 $0x1;
	p0 =	seq.s32 s7, s2  }
0x1e: {  	s7 =	smul.u32 @!p0 $0xF7A, s2;
	p2 =	seq.s32 @!p0 s5, $0x0  }
0x1f: {  	s9 =	smul.u32 $0xF7A, s1;
	s8 =	simm.s32 @!p0 $0x1BF5;
	p2 =	por !p2, p0  }
0x20: {  	[sflag:s8] =	ssyncset.s32 @!p0 $0xFFFFF086;
	s6 =	sadd.s32 @!p0 s3, s7;
	s7 =	simm.s32 @!p0 $0x108  }
0x21: {  	s3 =	sadd.s32 s3, s9;
	s6 =	sadd.s32 @!p0 $0x88, s6;
	s7 =	simm.s32 @p2 $0x1082  }
0x22: {  	[simem:s7], [sflag:s8] =	dma.local @!p0 [hbm:s6], $0xF7A  }
0x23: {  	s9 =	sor.u32 $0xD0000000, s2;
	s6 =	simm.s32 $0x108;
	_ =	swait.ge @!p0 [sflag:s8], $0x0  }
0x24: {  	s3 =	sadd.s32 $0x88, s3;
	s6 =	simm.s32 @!p1 $0x1082;
	[sflag:s4] =	ssyncset.s32 $0xFFFFF086  }
0x25: {  	[simem:s6], [sflag:s4] =	dma.local [hbm:s3], $0xF7A  }
0x26: {  	[smem:$0x3F8B] =	sst s1;
	(tag) =	ssettag s2;
	_ =	strace s9  }
0x27: {  	s1 =	sld [smem:$0x3F9B]  }
0x28: {  	s2 =	sld [smem:$0x3F9C]  }
0x29: {  	s4 =	sld [smem:$0x3F9E]  }
0x2a: {  	p0 =	seq.s32 s5, $0x0;
	s5 =	sld [smem:$0x3F9F]  }
0x2b: {  	s6 =	sld [smem:$0x3FA0]  }
0x2c: {  	s7 =	sld [smem:$0x3FA1]  }
0x2d: {  	s3 =	simm.s32 $0x108;
	s8 =	sld [smem:$0x3FA2]  }
0x2e: {  	s3 =	simm.s32 @!p0 $0x1082;
	s9 =	sld [smem:$0x3FA3]  }
0x2f: {  	lr =	sadd.s32 s0, s3;
	s0 =	sld [smem:$0x3F9A]  }
0x30: {  	s3 =	sld [smem:$0x3F9D]  }
0x31: {  	[smem:$0x3FA6] =	sst s10  }
0x32: {  	s10 =	sld [smem:$0x3FA4];
	_ =	sdelay $0x3  }
0x33: {  	p0 =	seq.s32 s10, $0x1;
	s10 =	sld [smem:$0x3FA6];
	_ =	sdelay $0x3  }
0x34: {  	[smem:$0x3FA6] =	sst s10  }
0x35: {  	s10 =	sld [smem:$0x3FA5];
	_ =	sdelay $0x3  }
0x36: {  	p1 =	seq.s32 s10, $0x1;
	s10 =	sld [smem:$0x3FA6];
	_ =	sdelay $0x3  }
0x37: {  	[smem:$0x3FA6] =	sst s10  }
0x38: {  	s10 =	sld [smem:$0x3FA7]  }
0x39: {  	_ = 	snop;
	(pc) =	sbr.ind lr, $3  }
0x3a: {  	_ = 	snop  }
0x3b: {  	_ = 	snop  }
0x3c: {  	p2 =	seq.s32 s10, $0x1;
	s10 =	sld [smem:$0x3FA6]  }
0x3d: {  	_ =	shalt  }
0x3e: {  	_ =	shalt  }
0x3f: {  	_ =	shalt  }
0x40: {  	_ =	shalt  }
0x41: {  	_ =	shalt  }
0x42: {  	_ =	shalt  }
0x43: {  	_ =	shalt  }
0x44: {  	_ =	shalt  }
0x45: {  	_ =	shalt  }
0x46: {  	_ =	shalt  }
0x47: {  	_ =	shalt  }
0x48: {  	_ =	shalt  }
0x49: {  	_ =	shalt  }
0x4a: {  	_ =	shalt  }
0x4b: {  	_ =	shalt  }
0x4c: {  	_ =	shalt  }
0x4d: {  	_ =	shalt  }
0x4e: {  	_ =	shalt  }
0x4f: {  	_ =	shalt  }
0x50: {  	_ =	shalt  }
0x51: {  	_ =	shalt  }
0x52: {  	_ =	shalt  }
0x53: {  	_ =	shalt  }
0x54: {  	_ =	shalt  }
0x55: {  	_ =	shalt  }
0x56: {  	_ =	shalt  }
0x57: {  	_ =	shalt  }
0x58: {  	_ =	shalt  }
0x59: {  	_ =	shalt  }
0x5a: {  	_ =	shalt  }
0x5b: {  	_ =	shalt  }
0x5c: {  	_ =	shalt  }
0x5d: {  	_ =	shalt  }
0x5e: {  	_ =	shalt  }
0x5f: {  	_ =	shalt  }
0x60: {  	_ =	shalt  }
0x61: {  	_ =	shalt  }
0x62: {  	_ =	shalt  }
0x63: {  	_ =	shalt  }
0x64: {  	_ =	shalt  }
0x65: {  	_ =	shalt  }
0x66: {  	_ =	shalt  }
0x67: {  	_ =	shalt  }
0x68: {  	_ =	shalt  }
0x69: {  	_ =	shalt  }
0x6a: {  	_ =	shalt  }
0x6b: {  	_ =	shalt  }
0x6c: {  	_ =	shalt  }
0x6d: {  	_ =	shalt  }
0x6e: {  	_ =	shalt  }
0x6f: {  	_ =	shalt  }
0x70: {  	_ =	shalt  }
0x71: {  	_ =	shalt  }
0x72: {  	_ =	shalt  }
0x73: {  	_ =	shalt  }
0x74: {  	_ =	shalt  }
0x75: {  	_ =	shalt  }
0x76: {  	_ =	shalt  }
0x77: {  	_ =	shalt  }
0x78: {  	_ =	shalt  }
0x79: {  	_ =	shalt  }
0x7a: {  	_ =	shalt  }
0x7b: {  	_ =	shalt  }
0x7c: {  	_ =	shalt  }
0x7d: {  	_ =	shalt  }
0x7e: {  	_ =	shalt  }
0x7f: {  	_ =	shalt  }
0x80: {  	_ =	shalt  }
0x81: {  	_ =	shalt  }
0x82: {  	_ =	shalt  }
0x83: {  	_ =	shalt  }
0x84: {  	_ =	shalt  }
0x85: {  	_ =	shalt  }
0x86: {  	_ =	shalt  }
0x87: {  	_ =	shalt  }
.Lfunc_end0:
.L_simem_size_0:
called_computation.5_lowered:
.L_overlay_start_0:
0x88: {  	s2 =	sld [smem:$0x3FD9]  }
0x89: {  	s3 =	sld [smem:$0x3FFE];
	_ =	sdelay $0x1  }
0x8a: {  	s1 =	srdreg.scid  }
0x8b: {  	s0 =	sand.u32 $0x1, s1  }
0x8c: {  	s16 =	sshll.u32 s0, $0xA;
	s2 =	sadd.s32 s3, s2  }
0x8d: {  	s2 =	sadd.s32 s2, s16  }
0x8e: {  	[smem:$0x3FB2] =	sst s2  }
0x8f: {  	_ = 	snop  }
0x90: {  	(tm) =	ssettm $0x1  }
0x91: {  	s17 =	sld [smem:$0x3FFB];
	_ =	sdelay $0x3  }
0x92: {  	_ =	strace s17  }
0x93: {  	s2 =	sld [smem:$0x3FFC];
	_ =	sdelay $0x3  }
0x94: {  	_ =	strace s2  }
0x95: {  	s2 =	sld [smem:$0x3FFD];
	_ =	sdelay $0x3  }
0x96: {  	_ =	strace s2  }
0x97: {  	_ =	strace $0x8FFFFFFF  }
0x98: {  	s18 =	sld [smem:$0x3FDB];
	_ =	sdelay $0x1  }
0x99: {  	s19 =	simm.s32 $_scs_section_size  }
0x9a: {  	s4 =	simm.s32 $_size__tile_overlayer_lowered;
	s5 =	simm.s32 $_tile_overlayer_lowered  }
0x9b: {  	s22 =	simm.s32 $0x1BFF;
	s21 =	sshll.u32 s5, $0x1;
	s2 =	sadd.s32 s19, s18  }
0x9c: {  	s6 =	simm.s32 $0x0;
	s20 =	sshll.u32 s4, $0x1;
	s4 =	sadd.s32 s21, s2  }
0x9d: {  	[timem:s6], [sflag:s22] =	dma.local [hbm:s4], s20  }
0x9e: {  	_ =	swait.ge [sflag:s22], s20  }
0x9f: {  	s3 =	ssub.s32 $0x0, s20;
	[sflag:s22] =	ssyncset.done $0x0  }
0xa0: {  	[sflag:s22] =	ssyncadd.s32 s3;
	_ =	sdelay $0x1  }
0xa1: {  	s23 =	simm.s32 $0x1B8B  }
0xa2: {  	_ =	swait.ge [sflag:s23], $0x1  }
0xa3: {  	[sflag:s23] =	ssyncset.done $0x0  }
0xa4: {  	s25 =	simm.s32 $0x1B8E;
	s24 =	sld [smem:$0x3FFE];
	[sflag:s23] =	ssyncadd.s32 $0xFFFFFFFF  }
0xa5: {  	s26 =	simm.s32 $execute0_lowered;
	[smem:$0x3FD2] =	sst s25  }
0xa6: {  	s4 =	sshll.u32 s26, $0x1;
	_ =	strace $0x80000052;
	[dreg:$0x1] =	wrdreg $0xFFFFFFFF  }
0xa7: {  	s28 =	simm.s32 $_size_execute0_lowered;
	s2 =	sadd.s32 s2, s4;
	[dreg:$0x0] =	wrdreg $0x0  }
0xa8: {  	s4 =	sshll.u32 s28, $0x1;
	[dreg:$0x2] =	wrdreg s2  }
0xa9: {  	[dreg:$0x3] =	wrdreg s4  }
0xaa: {  	[dreg:$0x4] =	wrdreg $0xC0  }
0xab: {  	_ =	task [dreg:s6], $0x5FFFF  }
0xac: {  	[dreg:$0x1] =	wrdreg $0xFFFFFFFF  }
0xad: {  	[dreg:$0x0] =	wrdreg $0x60  }
0xae: {  	[dreg:$0x2] =	wrdreg s24  }
0xaf: {  	[dreg:$0x3] =	wrdreg $0x0  }
0xb0: {  	[dreg:$0x4] =	wrdreg $0x9  }
0xb1: {  	_ =	task.clear_ibuf [dreg:s6], $0x5FFFF;
	_ =	strace $0x90000052  }
0xb2: {  	s29 =	simm.s32 $0x9;
	_ =	strace $0x80000054  }
0xb3: {  	_ =	swait.ge [sflag:s29], $0x1  }
0xb4: {  	[sflag:s29] =	ssyncadd.s32 $0xFFFFFFFF  }
0xb5: {  	_ =	strace $0x90000054  }
0xb6: {  	_ =	sfence  }
0xb7: {  	s30 =	sld [smem:$0x0];
	_ =	sdelay $0x2  }
0xb8: {  	s31 =	sshll.u32 s1, $0xD;
	s1 =	sshrl.u32 s1, $0x2  }
0xb9: {  	s3 =	sand.u32 $0x4000, s31;
	s1 =	sadd.s32 s1, s30  }
0xba: {  	s0 =	sor.u32 s3, s0;
	s1 =	sshll.u32 s1, $0x11  }
0xbb: {  	s0 =	sor.u32 s1, s0  }
0xbc: {  	s0 =	sadd.s32 $0x8F2B, s0  }
0xbd: {  	[sflag:s0] =	ssyncadd.remote.s32 $0x1  }
0xbe: {  	_ =	sfence.sel $0xFFFF  }
0xbf: {  	[dreg:$0x0] =	wrdreg $0xFFFFFFFF;
	(pc) =	sbr.abs _section_cstart, $3  }
0xc0: {  	[dreg:$0x1] =	wrdreg $0xFFFFFFFF  }
0xc1: {  	_ =	task.clear_ibuf [dreg:s6], $0x2FFFF;
	_ =	strace $0x9FFFFFFF  }
0xc2: {  	(tm) =	ssettm $0x7FFFFFFF  }
0xc3: {  	_ =	shalt  }
tec
execute0_lowered:
.L_overlay_start_1:
0x0: {  	(tag) =	ssettag $0x1  }
0x1: {  	s8 =	rddreg [dreg:$0x0]  }
0x2: {  	s1 =	rddreg [dreg:$0x1]  }
0x3: {  	s0 =	rddreg [dreg:$0x2];
	s3 =	simm.s32 $0x0  }
0x4: {  	s2 =	srdreg.scid;
	s15 =	simm.s32 $0x14000;
	s16 =	simm.s32 $0x80  }
0x5: {  	s17 =	simm.s32 $0x14100;
	s18 =	simm.s32 $0x1;
	s19 =	simm.s32 $0x2  }
0x6: {  	s20 =	simm.s32 $0x0;
	[smem:$0x7FF] =	sst s3;
	s9 =	sand.u32 $0x1, s2  }
0x7: {  	s2 =	stileid.u32;
	s4 =	sadd.s32 $0x14CC00, s8;
	s7 =	smul.u32 $0x140000, s9  }
0x8: {  	s5 =	sadd.s32 $0x29800, s8;
	s6 =	sadd.s32 $0x1F800, s8;
	s10 =	smul.u32 $0x14000, s2  }
0x9: {  	_ =	strace $0x80000053;
	s28 =	ssub.s32 $0x2, s9;
	s13 =	smul.u32 $0x50000, s2  }
0xa: {  	s29 =	sshll.u32 s2, $0x1;
	s31 =	sshll.u32 s2, $0x6;
	s12 =	sshrl.u32 s28, $0x1  }
0xb: {  	s9 =	sor.u32 s9, s29;
	s7 =	sadd.s32 s10, s7;
	s12 =	ssub.s32 s28, s12  }
0xc: {  	s30 =	sshrl.u32 s13, $0x2;
	s9 =	smul.u32 $0x2800, s9;
	s11 =	sshrl.u32 s7, $0x3  }
0xd: {  	s13 =	simm.s32 $0x3;
	s7 =	sadd.s32 $0x33800, s8;
	s11 =	sadd.s32 s11, s8  }
0xe: {  	s14 =	sadd.s32 s30, s1;
	s8 =	sor.u32 $0x1C03, s31;
	s10 =	sadd.s32 $0xD2E00, s11  }
0xf: {  	s11 =	smax.u32 s12, $0x1;
	s12 =	sshrl.u32 s14, $0x3;
	s14 =	simm.s32 $0x14080  }
.LBB2_1:
0x10: {  	[spmem:s12], [sflag:s8] =	dma.local [hbm:s7], $0x2800  }
0x11: {  	s21 =	sand.u32 $0x3C00, s3  }
0x12: {  	s22 =	sand.u32 $0x380, s3;
	_ =	swait.ge [sflag:s13], $0x2800;
	s21 =	sadd.s32 s9, s21  }
0x13: {  	[sflag:s13] =	ssyncset.done $0x0;
	s21 =	sor.u32 s22, s21  }
0x14: {  	[sflag:s13] =	ssyncadd.s32 $0xFFFFD800;
	s21 =	sshrl.u32 s21, $0x3  }
0x15: {  	[bflag:$0x0] =	sbarrier.arrive $0xFFFF;
	s29 =	sadd.s32 s6, s21  }
0x16: {  	[tilespmem:s14], [sflag:$0x3] =	stream.linear.gather [hbm4b:s29+s3], $0x80, $0x38;
	[tilespmem:$0x18100] =	vst v63  }
0x17: {  	_ =	swait.ge [sflag:s13], $0x80  }
0x18: {  	[sflag:s13] =	ssyncset.done $0x0  }
0x19: {  	s21 =	sadd.s32 s5, s21;
	[sflag:s13] =	ssyncadd.s32 $0xFFFFFF80  }
0x1a: {  	[tilespmem:s15], [sflag:$0x3] =	stream.linear.gather [hbm4b:s21+s3], $0x80, $0x38;
	[tilespmem:$0x18100] =	vst v63  }
0x1b: {  	_ =	swait.ge [sflag:s13], $0x80  }
0x1c: {  	[sflag:s13] =	ssyncset.done $0x0  }
0x1d: {  	[sflag:s13] =	ssyncadd.s32 $0xFFFFFF80  }
0x1e: {  	[tilespmem:s17], [sflag:$0x1] =	stream.indirect.gather [hbm4b:s4+s16], $0x80, s14, s16, $0xb8;
	[tilespmem:$0x18100] =	vst v63  }
0x1f: {  	_ =	swait.ge [sflag:s18], $0x4000  }
0x20: {  	s30 =	simm.s32 $0x80;
	[sflag:s18] =	ssyncset.done $0x0  }
0x21: {  	s31 =	sand.u32 $0x3C00, s30;
	[sflag:s18] =	ssyncadd.s32 $0xFFFFC000  }
0x22: {  	[spmem:s1] =	stream.indirect.scatter.add.f32 [tilespmem:s17], [sflag:$0x2], $0x80, s15, s16, $0xb8;
	[tilespmem:$0x18100] =	vst v63  }
0x23: {  	s23 =	sand.u32 $0x380, s30;
	s22 =	sadd.s32 s9, s31;
	_ =	swait.ge [sflag:s19], $0x4000  }
0x24: {  	s22 =	sor.u32 s23, s22;
	s21 =	simm.s32 $0x100;
	[sflag:s19] =	ssyncset.done $0x0  }
.LBB2_2:
0x25: {  	s22 =	sshrl.u32 s22, $0x3  }
0x26: {  	[sflag:s19] =	ssyncadd.s32 $0xFFFFC000;
	s23 =	smov.u32 s21;
	s24 =	sadd.s32 $0x80, s21  }
0x27: {  	p0 =	sne.s32 s21, $0x2780;
	s21 =	sadd.s32 s6, s22  }
0x28: {  	[tilespmem:s14], [sflag:$0x3] =	stream.linear.gather [hbm4b:s21+s3], $0x80, $0x38;
	[tilespmem:$0x18100] =	vst v63  }
0x29: {  	_ =	swait.ge [sflag:s13], $0x80  }
0x2a: {  	[sflag:s13] =	ssyncset.done $0x0  }
0x2b: {  	s21 =	sadd.s32 s5, s22;
	[sflag:s13] =	ssyncadd.s32 $0xFFFFFF80  }
0x2c: {  	[tilespmem:s15], [sflag:$0x3] =	stream.linear.gather [hbm4b:s21+s3], $0x80, $0x38;
	[tilespmem:$0x18100] =	vst v63  }
0x2d: {  	_ =	swait.ge [sflag:s13], $0x80  }
0x2e: {  	[sflag:s13] =	ssyncset.done $0x0  }
0x2f: {  	[sflag:s13] =	ssyncadd.s32 $0xFFFFFF80  }
0x30: {  	[tilespmem:s17], [sflag:$0x1] =	stream.indirect.gather [hbm4b:s4+s16], $0x80, s14, s16, $0xb8;
	[tilespmem:$0x18100] =	vst v63  }
0x31: {  	_ =	swait.ge [sflag:s18], $0x4000  }
.Ltmp0:
0x32: {  	[sflag:s18] =	ssyncset.done $0x0;
	(pc) =	sbr.rel @p0 .LBB2_2-.Ltmp0, $4  }
0x33: {  	s21 =	sand.u32 $0x3C00, s23;
	[sflag:s18] =	ssyncadd.s32 $0xFFFFC000  }
0x34: {  	[spmem:s1] =	stream.indirect.scatter.add.f32 [tilespmem:s17], [sflag:$0x2], $0x80, s15, s16, $0xb8;
	[tilespmem:$0x18100] =	vst v63  }
0x35: {  	s22 =	sand.u32 $0x380, s23;
	s21 =	sadd.s32 s9, s21;
	_ =	swait.ge [sflag:s19], $0x4000  }
0x36: {  	s22 =	sor.u32 s22, s21;
	s21 =	smov.u32 s24;
	[sflag:s19] =	ssyncset.done $0x0  }
0x37: {  	s21 =	sshrl.u32 s22, $0x3  }
0x38: {  	[sflag:s19] =	ssyncadd.s32 $0xFFFFC000;
	s22 =	sadd.s32 s6, s21  }
0x39: {  	[tilespmem:s14], [sflag:$0x3] =	stream.linear.gather [hbm4b:s22+s3], $0x80, $0x38;
	[tilespmem:$0x18100] =	vst v63  }
0x3a: {  	_ =	swait.ge [sflag:s13], $0x80  }
0x3b: {  	[sflag:s13] =	ssyncset.done $0x0  }
0x3c: {  	s21 =	sadd.s32 s5, s21;
	[sflag:s13] =	ssyncadd.s32 $0xFFFFFF80  }
0x3d: {  	[tilespmem:s15], [sflag:$0x3] =	stream.linear.gather [hbm4b:s21+s3], $0x80, $0x38;
	[tilespmem:$0x18100] =	vst v63  }
0x3e: {  	_ =	swait.ge [sflag:s13], $0x80  }
0x3f: {  	[sflag:s13] =	ssyncset.done $0x0  }
0x40: {  	[sflag:s13] =	ssyncadd.s32 $0xFFFFFF80  }
0x41: {  	[tilespmem:s17], [sflag:$0x1] =	stream.indirect.gather [hbm4b:s4+s16], $0x80, s14, s16, $0xb8;
	[tilespmem:$0x18100] =	vst v63  }
0x42: {  	_ =	swait.ge [sflag:s18], $0x4000  }
0x43: {  	[sflag:s18] =	ssyncset.done $0x0  }
0x44: {  	[sflag:s18] =	ssyncadd.s32 $0xFFFFC000  }
0x45: {  	[spmem:s1] =	stream.indirect.scatter.add.f32 [tilespmem:s17], [sflag:$0x2], $0x80, s15, s16, $0xb8;
	[tilespmem:$0x18100] =	vst v63  }
0x46: {  	_ =	swait.ge [sflag:s19], $0x4000  }
0x47: {  	s20 =	sadd.s32 $0x1, s20;
	[sflag:s19] =	ssyncset.done $0x0  }
0x48: {  	p0 =	sne.s32 s20, s11;
	[sflag:s19] =	ssyncadd.s32 $0xFFFFC000  }
.Ltmp1:
0x49: {  	[bflag:$0x0] =	sbarrier.arrive $0xFFFF;
	(pc) =	sbr.rel @p0 .LBB2_1-.Ltmp1, $4  }
0x4a: {  	[hbm:s10], [sflag:s8] =	dma.local [spmem:s12], $0x2800  }
0x4b: {  	_ =	swait.ge [sflag:s13], $0x2800  }
0x4c: {  	[sflag:s13] =	ssyncset.done $0x0  }
0x4d: {  	[sflag:s13] =	ssyncadd.s32 $0xFFFFD800  }
0x4e: {  	_ =	sfence.sel $0x180000  }
0x4f: {  	[bflag:$0x0] =	sbarrier.arrive $0xFFFF  }
0x50: {  	p0 =	sne.s32 s2, $0x0;
	_ =	strace $0x90000053  }
0x51: {  	s0 =	sadd.s32 @!p0 $0x100000, s0;
	[bflag:$0x2] =	sbarrier.arrive $0xFFFF  }
0x52: {  	[sflag:s0] =	ssyncadd.tile.s32 @!p0 $0x1;
	_ =	shalt  }
.Lfunc_end2:
_tile_overlayer_lowered:
.L_overlay_start_2:
0x53: {  	(tag) =	ssettag $0x2  }
0x54: {  	s0 =	rddreg [dreg:$0x0];
	s2 =	stileid.u32  }
0x55: {  	s1 =	rddreg [dreg:$0x1];
	p0 =	sne.s32 s2, $0x0  }
0x56: {  	s3 =	rddreg [dreg:$0x2];
	[bflag:$0x3] =	sbarrier.arrive $0xFFFF;
	s2 =	simm.s32 @!p0 $0x1C03  }
0x57: {  	[timem:s3], [sflag:s2] =	dma.local @!p0 [hbm:s0], s1  }
0x58: {  	s0 =	simm.s32 @!p0 $0x3  }
0x59: {  	_ =	swait.ge @!p0 [sflag:s0], s1  }
0x5a: {  	s1 =	ssub.s32 @!p0 $0x0, s1;
	[sflag:s0] =	ssyncset.done @!p0 $0x0  }
0x5b: {  	[sflag:s0] =	ssyncadd.s32 @!p0 s1  }
0x5c: {  	[bflag:$0x3] =	sbarrier.arrive $0xFFFF  }
0x5d: {  	_ =	shalt  }

// kernel: kernel.59.cloned.1.call-start
scs
__scs_entry_jumppad:
0x0: {  	(pc) =	sbr.rel $0x88, $3  }
0x1: {  	(tag) =	ssettag $0x0;
	lr =	simm.s32 $0x1  }
0x2: {  	[smem:$0x3F8B] =	sst lr;
	_ =	strace $0xD0000000  }
0x3: {  	_ = 	snop  }
0x4: {  	_ = 	snop  }
0x5: {  	_ = 	snop  }
0x6: {  	_ = 	snop  }
0x7: {  	_ = 	snop  }
__scs_overlays_trampoline_lowered:
0x8: {  	[smem:$0x3F9A] =	sst s0  }
0x9: {  	[smem:$0x3F9B] =	sst s1  }
0xa: {  	[smem:$0x3F9C] =	sst s2  }
0xb: {  	[smem:$0x3F9D] =	sst s3  }
0xc: {  	[smem:$0x3F9E] =	sst s4  }
0xd: {  	[smem:$0x3F9F] =	sst s5  }
0xe: {  	[smem:$0x3FA0] =	sst s6  }
0xf: {  	[smem:$0x3FA1] =	sst s7  }
0x10: {  	[smem:$0x3FA2] =	sst s8  }
0x11: {  	[smem:$0x3FA3] =	sst s9;
	s0 =	simm.s32 @!p0 $0x0  }
0x12: {  	s1 =	sld [smem:$0x3F89];
	s0 =	simm.s32 @p0 $0x1  }
0x13: {  	[smem:$0x3FA4] =	sst s0;
	s0 =	simm.s32 @!p1 $0x0  }
0x14: {  	s2 =	sld [smem:$0x3F88];
	s0 =	simm.s32 @p1 $0x1  }
0x15: {  	[smem:$0x3FA5] =	sst s0;
	s0 =	simm.s32 @!p2 $0x0  }
0x16: {  	s3 =	sld [smem:$0x3FDB];
	s0 =	simm.s32 @p2 $0x1  }
0x17: {  	s4 =	simm.s32 $0x1BF5;
	[smem:$0x3FA7] =	sst s0  }
0x18: {  	s0 =	sld [smem:$0x3F8A];
	_ =	swait.ge [sflag:s4], $0x0  }
0x19: {  	s7 =	sld [smem:$0x3F8B]  }
0x1a: {  	s8 =	sadd.s32 $0xFFFFE003, lr  }
0x1b: {  	s9 =	sadd.s32 $0xFFFFFEF7, lr;
	s5 =	simm.s32 $0xFFFFFFFF;
	p2 =	slt.u32 s8, $0xFFFFF086  }
0x1c: {  	p1 =	slt.u32 s9, $0xF7A;
	s5 =	simm.s32 @!p2 $0x0  }
0x1d: {  	s5 =	simm.s32 @p1 $0x1;
	p0 =	seq.s32 s7, s2  }
0x1e: {  	s7 =	smul.u32 @!p0 $0xF7A, s2;
	p2 =	seq.s32 @!p0 s5, $0x0  }
0x1f: {  	s9 =	smul.u32 $0xF7A, s1;
	s8 =	simm.s32 @!p0 $0x1BF5;
	p2 =	por !p2, p0  }
0x20: {  	[sflag:s8] =	ssyncset.s32 @!p0 $0xFFFFF086;
	s6 =	sadd.s32 @!p0 s3, s7;
	s7 =	simm.s32 @!p0 $0x108  }
0x21: {  	s3 =	sadd.s32 s3, s9;
	s6 =	sadd.s32 @!p0 $0x88, s6;
	s7 =	simm.s32 @p2 $0x1082  }
0x22: {  	[simem:s7], [sflag:s8] =	dma.local @!p0 [hbm:s6], $0xF7A  }
0x23: {  	s9 =	sor.u32 $0xD0000000, s2;
	s6 =	simm.s32 $0x108;
	_ =	swait.ge @!p0 [sflag:s8], $0x0  }
0x24: {  	s3 =	sadd.s32 $0x88, s3;
	s6 =	simm.s32 @!p1 $0x1082;
	[sflag:s4] =	ssyncset.s32 $0xFFFFF086  }
0x25: {  	[simem:s6], [sflag:s4] =	dma.local [hbm:s3], $0xF7A  }
0x26: {  	[smem:$0x3F8B] =	sst s1;
	(tag) =	ssettag s2;
	_ =	strace s9  }
0x27: {  	s1 =	sld [smem:$0x3F9B]  }
0x28: {  	s2 =	sld [smem:$0x3F9C]  }
0x29: {  	s4 =	sld [smem:$0x3F9E]  }
0x2a: {  	p0 =	seq.s32 s5, $0x0;
	s5 =	sld [smem:$0x3F9F]  }
0x2b: {  	s6 =	sld [smem:$0x3FA0]  }
0x2c: {  	s7 =	sld [smem:$0x3FA1]  }
0x2d: {  	s3 =	simm.s32 $0x108;
	s8 =	sld [smem:$0x3FA2]  }
0x2e: {  	s3 =	simm.s32 @!p0 $0x1082;
	s9 =	sld [smem:$0x3FA3]  }
0x2f: {  	lr =	sadd.s32 s0, s3;
	s0 =	sld [smem:$0x3F9A]  }
0x30: {  	s3 =	sld [smem:$0x3F9D]  }
0x31: {  	[smem:$0x3FA6] =	sst s10  }
0x32: {  	s10 =	sld [smem:$0x3FA4];
	_ =	sdelay $0x3  }
0x33: {  	p0 =	seq.s32 s10, $0x1;
	s10 =	sld [smem:$0x3FA6];
	_ =	sdelay $0x3  }
0x34: {  	[smem:$0x3FA6] =	sst s10  }
0x35: {  	s10 =	sld [smem:$0x3FA5];
	_ =	sdelay $0x3  }
0x36: {  	p1 =	seq.s32 s10, $0x1;
	s10 =	sld [smem:$0x3FA6];
	_ =	sdelay $0x3  }
0x37: {  	[smem:$0x3FA6] =	sst s10  }
0x38: {  	s10 =	sld [smem:$0x3FA7]  }
0x39: {  	_ = 	snop;
	(pc) =	sbr.ind lr, $3  }
0x3a: {  	_ = 	snop  }
0x3b: {  	_ = 	snop  }
0x3c: {  	p2 =	seq.s32 s10, $0x1;
	s10 =	sld [smem:$0x3FA6]  }
0x3d: {  	_ =	shalt  }
0x3e: {  	_ =	shalt  }
0x3f: {  	_ =	shalt  }
0x40: {  	_ =	shalt  }
0x41: {  	_ =	shalt  }
0x42: {  	_ =	shalt  }
0x43: {  	_ =	shalt  }
0x44: {  	_ =	shalt  }
0x45: {  	_ =	shalt  }
0x46: {  	_ =	shalt  }
0x47: {  	_ =	shalt  }
0x48: {  	_ =	shalt  }
0x49: {  	_ =	shalt  }
0x4a: {  	_ =	shalt  }
0x4b: {  	_ =	shalt  }
0x4c: {  	_ =	shalt  }
0x4d: {  	_ =	shalt  }
0x4e: {  	_ =	shalt  }
0x4f: {  	_ =	shalt  }
0x50: {  	_ =	shalt  }
0x51: {  	_ =	shalt  }
0x52: {  	_ =	shalt  }
0x53: {  	_ =	shalt  }
0x54: {  	_ =	shalt  }
0x55: {  	_ =	shalt  }
0x56: {  	_ =	shalt  }
0x57: {  	_ =	shalt  }
0x58: {  	_ =	shalt  }
0x59: {  	_ =	shalt  }
0x5a: {  	_ =	shalt  }
0x5b: {  	_ =	shalt  }
0x5c: {  	_ =	shalt  }
0x5d: {  	_ =	shalt  }
0x5e: {  	_ =	shalt  }
0x5f: {  	_ =	shalt  }
0x60: {  	_ =	shalt  }
0x61: {  	_ =	shalt  }
0x62: {  	_ =	shalt  }
0x63: {  	_ =	shalt  }
0x64: {  	_ =	shalt  }
0x65: {  	_ =	shalt  }
0x66: {  	_ =	shalt  }
0x67: {  	_ =	shalt  }
0x68: {  	_ =	shalt  }
0x69: {  	_ =	shalt  }
0x6a: {  	_ =	shalt  }
0x6b: {  	_ =	shalt  }
0x6c: {  	_ =	shalt  }
0x6d: {  	_ =	shalt  }
0x6e: {  	_ =	shalt  }
0x6f: {  	_ =	shalt  }
0x70: {  	_ =	shalt  }
0x71: {  	_ =	shalt  }
0x72: {  	_ =	shalt  }
0x73: {  	_ =	shalt  }
0x74: {  	_ =	shalt  }
0x75: {  	_ =	shalt  }
0x76: {  	_ =	shalt  }
0x77: {  	_ =	shalt  }
0x78: {  	_ =	shalt  }
0x79: {  	_ =	shalt  }
0x7a: {  	_ =	shalt  }
0x7b: {  	_ =	shalt  }
0x7c: {  	_ =	shalt  }
0x7d: {  	_ =	shalt  }
0x7e: {  	_ =	shalt  }
0x7f: {  	_ =	shalt  }
0x80: {  	_ =	shalt  }
0x81: {  	_ =	shalt  }
0x82: {  	_ =	shalt  }
0x83: {  	_ =	shalt  }
0x84: {  	_ =	shalt  }
0x85: {  	_ =	shalt  }
0x86: {  	_ =	shalt  }
0x87: {  	_ =	shalt  }
.Lfunc_end0:
.L_simem_size_0:
called_computation.6_lowered:
.L_overlay_start_0:
0x88: {  	s2 =	sld [smem:$0x3FD9]  }
0x89: {  	s3 =	sld [smem:$0x3FFE];
	_ =	sdelay $0x1  }
0x8a: {  	s1 =	srdreg.scid  }
0x8b: {  	s0 =	sand.u32 $0x1, s1  }
0x8c: {  	s16 =	sshll.u32 s0, $0xA;
	s2 =	sadd.s32 s3, s2  }
0x8d: {  	s2 =	sadd.s32 s2, s16  }
0x8e: {  	[smem:$0x3FB2] =	sst s2  }
0x8f: {  	_ = 	snop  }
0x90: {  	(tm) =	ssettm $0x1  }
0x91: {  	s17 =	sld [smem:$0x3FFB];
	_ =	sdelay $0x3  }
0x92: {  	_ =	strace s17  }
0x93: {  	s2 =	sld [smem:$0x3FFC];
	_ =	sdelay $0x3  }
0x94: {  	_ =	strace s2  }
0x95: {  	s2 =	sld [smem:$0x3FFD];
	_ =	sdelay $0x3  }
0x96: {  	_ =	strace s2  }
0x97: {  	_ =	strace $0x8FFFFFFF  }
0x98: {  	s18 =	sld [smem:$0x3FDB];
	_ =	sdelay $0x1  }
0x99: {  	s19 =	simm.s32 $_scs_section_size  }
0x9a: {  	s4 =	simm.s32 $_size__tile_overlayer_lowered;
	s5 =	simm.s32 $_tile_overlayer_lowered  }
0x9b: {  	s22 =	simm.s32 $0x1BFF;
	s21 =	sshll.u32 s5, $0x1;
	s2 =	sadd.s32 s19, s18  }
0x9c: {  	s6 =	simm.s32 $0x0;
	s20 =	sshll.u32 s4, $0x1;
	s4 =	sadd.s32 s21, s2  }
0x9d: {  	[timem:s6], [sflag:s22] =	dma.local [hbm:s4], s20  }
0x9e: {  	_ =	swait.ge [sflag:s22], s20  }
0x9f: {  	s3 =	ssub.s32 $0x0, s20;
	[sflag:s22] =	ssyncset.done $0x0  }
0xa0: {  	[sflag:s22] =	ssyncadd.s32 s3;
	_ =	sdelay $0x1  }
0xa1: {  	s23 =	simm.s32 $0x1B8B  }
0xa2: {  	_ =	swait.ge [sflag:s23], $0x1  }
0xa3: {  	[sflag:s23] =	ssyncset.done $0x0  }
0xa4: {  	s25 =	simm.s32 $0x1B8E;
	s24 =	sld [smem:$0x3FFE];
	[sflag:s23] =	ssyncadd.s32 $0xFFFFFFFF  }
0xa5: {  	s26 =	simm.s32 $execute0_lowered;
	[smem:$0x3FD2] =	sst s25  }
0xa6: {  	s4 =	sshll.u32 s26, $0x1;
	_ =	strace $0x80000055;
	[dreg:$0x1] =	wrdreg $0xFFFFFFFF  }
0xa7: {  	s28 =	simm.s32 $_size_execute0_lowered;
	s2 =	sadd.s32 s2, s4;
	[dreg:$0x0] =	wrdreg $0x0  }
0xa8: {  	s4 =	sshll.u32 s28, $0x1;
	[dreg:$0x2] =	wrdreg s2  }
0xa9: {  	[dreg:$0x3] =	wrdreg s4  }
0xaa: {  	[dreg:$0x4] =	wrdreg $0xC0  }
0xab: {  	_ =	task [dreg:s6], $0x5FFFF  }
0xac: {  	[dreg:$0x1] =	wrdreg $0xFFFFFFFF  }
0xad: {  	[dreg:$0x0] =	wrdreg $0x60  }
0xae: {  	[dreg:$0x2] =	wrdreg s24  }
0xaf: {  	[dreg:$0x3] =	wrdreg $0x0  }
0xb0: {  	[dreg:$0x4] =	wrdreg $0xA  }
0xb1: {  	_ =	task.clear_ibuf [dreg:s6], $0x5FFFF;
	_ =	strace $0x90000055  }
0xb2: {  	s29 =	simm.s32 $0xA;
	_ =	strace $0x80000057  }
0xb3: {  	_ =	swait.ge [sflag:s29], $0x1  }
0xb4: {  	[sflag:s29] =	ssyncadd.s32 $0xFFFFFFFF  }
0xb5: {  	_ =	strace $0x90000057  }
0xb6: {  	_ =	sfence  }
0xb7: {  	s30 =	sld [smem:$0x0];
	_ =	sdelay $0x2  }
0xb8: {  	s31 =	sshll.u32 s1, $0xD;
	s1 =	sshrl.u32 s1, $0x2  }
0xb9: {  	s3 =	sand.u32 $0x4000, s31;
	s1 =	sadd.s32 s1, s30  }
0xba: {  	s0 =	sor.u32 s3, s0;
	s1 =	sshll.u32 s1, $0x11  }
0xbb: {  	s0 =	sor.u32 s1, s0  }
0xbc: {  	s0 =	sadd.s32 $0x8F2B, s0  }
0xbd: {  	[sflag:s0] =	ssyncadd.remote.s32 $0x1  }
0xbe: {  	_ =	sfence.sel $0xFFFF  }
0xbf: {  	[dreg:$0x0] =	wrdreg $0xFFFFFFFF;
	(pc) =	sbr.abs _section_cstart, $3  }
0xc0: {  	[dreg:$0x1] =	wrdreg $0xFFFFFFFF  }
0xc1: {  	_ =	task.clear_ibuf [dreg:s6], $0x2FFFF;
	_ =	strace $0x9FFFFFFF  }
0xc2: {  	(tm) =	ssettm $0x7FFFFFFF  }
0xc3: {  	_ =	shalt  }
tec
execute0_lowered:
.L_overlay_start_1:
0x0: {  	(tag) =	ssettag $0x1  }
0x1: {  	s8 =	rddreg [dreg:$0x0]  }
0x2: {  	s1 =	rddreg [dreg:$0x1]  }
0x3: {  	s2 =	srdreg.scid;
	s0 =	rddreg [dreg:$0x2]  }
0x4: {  	s3 =	simm.s32 $0x0;
	s15 =	simm.s32 $0x14000;
	s16 =	simm.s32 $0x80  }
0x5: {  	s17 =	simm.s32 $0x14100;
	s18 =	simm.s32 $0x1;
	s19 =	simm.s32 $0x2  }
0x6: {  	s20 =	simm.s32 $0x0;
	s9 =	sand.u32 $0x1, s2;
	s2 =	stileid.u32  }
0x7: {  	[smem:$0x7FF] =	sst s3;
	s4 =	sadd.s32 $0x5D800, s8;
	s7 =	smul.u32 $0x140000, s9  }
0x8: {  	s5 =	sadd.s32 $0x29800, s8;
	s6 =	sadd.s32 $0x1F800, s8;
	s10 =	smul.u32 $0x14000, s2  }
0x9: {  	_ =	strace $0x80000056;
	s28 =	ssub.s32 $0x2, s9;
	s13 =	smul.u32 $0x50000, s2  }
0xa: {  	s29 =	sshll.u32 s2, $0x1;
	s31 =	sshll.u32 s2, $0x6;
	s12 =	sshrl.u32 s28, $0x1  }
0xb: {  	s9 =	sor.u32 s9, s29;
	s7 =	sadd.s32 s10, s7;
	s12 =	ssub.s32 s28, s12  }
0xc: {  	s30 =	sshrl.u32 s13, $0x2;
	s9 =	smul.u32 $0x2800, s9;
	s11 =	sshrl.u32 s7, $0x3  }
0xd: {  	s13 =	simm.s32 $0x3;
	s7 =	sadd.s32 $0x33800, s8;
	s11 =	sadd.s32 s11, s8  }
0xe: {  	s14 =	sadd.s32 s30, s1;
	s8 =	sor.u32 $0x1C03, s31;
	s10 =	sadd.s32 $0x19B000, s11  }
0xf: {  	s11 =	smax.u32 s12, $0x1;
	s12 =	sshrl.u32 s14, $0x3;
	s14 =	simm.s32 $0x14080  }
.LBB2_1:
0x10: {  	[spmem:s12], [sflag:s8] =	dma.local [hbm:s7], $0x2800  }
0x11: {  	s21 =	sand.u32 $0x3C00, s3  }
0x12: {  	s22 =	sand.u32 $0x380, s3;
	_ =	swait.ge [sflag:s13], $0x2800;
	s21 =	sadd.s32 s9, s21  }
0x13: {  	[sflag:s13] =	ssyncset.done $0x0;
	s21 =	sor.u32 s22, s21  }
0x14: {  	[sflag:s13] =	ssyncadd.s32 $0xFFFFD800;
	s21 =	sshrl.u32 s21, $0x3  }
0x15: {  	[bflag:$0x0] =	sbarrier.arrive $0xFFFF;
	s29 =	sadd.s32 s6, s21  }
0x16: {  	[tilespmem:s14], [sflag:$0x3] =	stream.linear.gather [hbm4b:s29+s3], $0x80, $0x38;
	[tilespmem:$0x18100] =	vst v63  }
0x17: {  	_ =	swait.ge [sflag:s13], $0x80  }
0x18: {  	[sflag:s13] =	ssyncset.done $0x0  }
0x19: {  	s21 =	sadd.s32 s5, s21;
	[sflag:s13] =	ssyncadd.s32 $0xFFFFFF80  }
0x1a: {  	[tilespmem:s15], [sflag:$0x3] =	stream.linear.gather [hbm4b:s21+s3], $0x80, $0x38;
	[tilespmem:$0x18100] =	vst v63  }
0x1b: {  	_ =	swait.ge [sflag:s13], $0x80  }
0x1c: {  	[sflag:s13] =	ssyncset.done $0x0  }
0x1d: {  	[sflag:s13] =	ssyncadd.s32 $0xFFFFFF80  }
0x1e: {  	[tilespmem:s17], [sflag:$0x1] =	stream.indirect.gather [hbm4b:s4+s16], $0x80, s14, s16, $0xb8;
	[tilespmem:$0x18100] =	vst v63  }
0x1f: {  	_ =	swait.ge [sflag:s18], $0x4000  }
0x20: {  	s30 =	simm.s32 $0x80;
	[sflag:s18] =	ssyncset.done $0x0  }
0x21: {  	s31 =	sand.u32 $0x3C00, s30;
	[sflag:s18] =	ssyncadd.s32 $0xFFFFC000  }
0x22: {  	[spmem:s1] =	stream.indirect.scatter.add.f32 [tilespmem:s17], [sflag:$0x2], $0x80, s15, s16, $0xb8;
	[tilespmem:$0x18100] =	vst v63  }
0x23: {  	s23 =	sand.u32 $0x380, s30;
	s22 =	sadd.s32 s9, s31;
	_ =	swait.ge [sflag:s19], $0x4000  }
0x24: {  	s22 =	sor.u32 s23, s22;
	s21 =	simm.s32 $0x100;
	[sflag:s19] =	ssyncset.done $0x0  }
.LBB2_2:
0x25: {  	s22 =	sshrl.u32 s22, $0x3  }
0x26: {  	[sflag:s19] =	ssyncadd.s32 $0xFFFFC000;
	s23 =	smov.u32 s21;
	s24 =	sadd.s32 $0x80, s21  }
0x27: {  	p0 =	sne.s32 s21, $0x2780;
	s21 =	sadd.s32 s6, s22  }
0x28: {  	[tilespmem:s14], [sflag:$0x3] =	stream.linear.gather [hbm4b:s21+s3], $0x80, $0x38;
	[tilespmem:$0x18100] =	vst v63  }
0x29: {  	_ =	swait.ge [sflag:s13], $0x80  }
0x2a: {  	[sflag:s13] =	ssyncset.done $0x0  }
0x2b: {  	s21 =	sadd.s32 s5, s22;
	[sflag:s13] =	ssyncadd.s32 $0xFFFFFF80  }
0x2c: {  	[tilespmem:s15], [sflag:$0x3] =	stream.linear.gather [hbm4b:s21+s3], $0x80, $0x38;
	[tilespmem:$0x18100] =	vst v63  }
0x2d: {  	_ =	swait.ge [sflag:s13], $0x80  }
0x2e: {  	[sflag:s13] =	ssyncset.done $0x0  }
0x2f: {  	[sflag:s13] =	ssyncadd.s32 $0xFFFFFF80  }
0x30: {  	[tilespmem:s17], [sflag:$0x1] =	stream.indirect.gather [hbm4b:s4+s16], $0x80, s14, s16, $0xb8;
	[tilespmem:$0x18100] =	vst v63  }
0x31: {  	_ =	swait.ge [sflag:s18], $0x4000  }
.Ltmp0:
0x32: {  	[sflag:s18] =	ssyncset.done $0x0;
	(pc) =	sbr.rel @p0 .LBB2_2-.Ltmp0, $4  }
0x33: {  	s21 =	sand.u32 $0x3C00, s23;
	[sflag:s18] =	ssyncadd.s32 $0xFFFFC000  }
0x34: {  	[spmem:s1] =	stream.indirect.scatter.add.f32 [tilespmem:s17], [sflag:$0x2], $0x80, s15, s16, $0xb8;
	[tilespmem:$0x18100] =	vst v63  }
0x35: {  	s22 =	sand.u32 $0x380, s23;
	s21 =	sadd.s32 s9, s21;
	_ =	swait.ge [sflag:s19], $0x4000  }
0x36: {  	s22 =	sor.u32 s22, s21;
	s21 =	smov.u32 s24;
	[sflag:s19] =	ssyncset.done $0x0  }
0x37: {  	s21 =	sshrl.u32 s22, $0x3  }
0x38: {  	[sflag:s19] =	ssyncadd.s32 $0xFFFFC000;
	s22 =	sadd.s32 s6, s21  }
0x39: {  	[tilespmem:s14], [sflag:$0x3] =	stream.linear.gather [hbm4b:s22+s3], $0x80, $0x38;
	[tilespmem:$0x18100] =	vst v63  }
0x3a: {  	_ =	swait.ge [sflag:s13], $0x80  }
0x3b: {  	[sflag:s13] =	ssyncset.done $0x0  }
0x3c: {  	s21 =	sadd.s32 s5, s21;
	[sflag:s13] =	ssyncadd.s32 $0xFFFFFF80  }
0x3d: {  	[tilespmem:s15], [sflag:$0x3] =	stream.linear.gather [hbm4b:s21+s3], $0x80, $0x38;
	[tilespmem:$0x18100] =	vst v63  }
0x3e: {  	_ =	swait.ge [sflag:s13], $0x80  }
0x3f: {  	[sflag:s13] =	ssyncset.done $0x0  }
0x40: {  	[sflag:s13] =	ssyncadd.s32 $0xFFFFFF80  }
0x41: {  	[tilespmem:s17], [sflag:$0x1] =	stream.indirect.gather [hbm4b:s4+s16], $0x80, s14, s16, $0xb8;
	[tilespmem:$0x18100] =	vst v63  }
0x42: {  	_ =	swait.ge [sflag:s18], $0x4000  }
0x43: {  	[sflag:s18] =	ssyncset.done $0x0  }
0x44: {  	[sflag:s18] =	ssyncadd.s32 $0xFFFFC000  }
0x45: {  	[spmem:s1] =	stream.indirect.scatter.add.f32 [tilespmem:s17], [sflag:$0x2], $0x80, s15, s16, $0xb8;
	[tilespmem:$0x18100] =	vst v63  }
0x46: {  	_ =	swait.ge [sflag:s19], $0x4000  }
0x47: {  	s20 =	sadd.s32 $0x1, s20;
	[sflag:s19] =	ssyncset.done $0x0  }
0x48: {  	p0 =	sne.s32 s20, s11;
	[sflag:s19] =	ssyncadd.s32 $0xFFFFC000  }
.Ltmp1:
0x49: {  	[bflag:$0x0] =	sbarrier.arrive $0xFFFF;
	(pc) =	sbr.rel @p0 .LBB2_1-.Ltmp1, $4  }
0x4a: {  	[hbm:s10], [sflag:s8] =	dma.local [spmem:s12], $0x2800  }
0x4b: {  	_ =	swait.ge [sflag:s13], $0x2800  }
0x4c: {  	[sflag:s13] =	ssyncset.done $0x0  }
0x4d: {  	[sflag:s13] =	ssyncadd.s32 $0xFFFFD800  }
0x4e: {  	_ =	sfence.sel $0x180000  }
0x4f: {  	[bflag:$0x0] =	sbarrier.arrive $0xFFFF  }
0x50: {  	p0 =	sne.s32 s2, $0x0;
	_ =	strace $0x90000056  }
0x51: {  	s0 =	sadd.s32 @!p0 $0x100000, s0;
	[bflag:$0x2] =	sbarrier.arrive $0xFFFF  }
0x52: {  	[sflag:s0] =	ssyncadd.tile.s32 @!p0 $0x1;
	_ =	shalt  }
.Lfunc_end2:
_tile_overlayer_lowered:
.L_overlay_start_2:
0x53: {  	(tag) =	ssettag $0x2  }
0x54: {  	s0 =	rddreg [dreg:$0x0];
	s2 =	stileid.u32  }
0x55: {  	s1 =	rddreg [dreg:$0x1];
	p0 =	sne.s32 s2, $0x0  }
0x56: {  	s3 =	rddreg [dreg:$0x2];
	[bflag:$0x3] =	sbarrier.arrive $0xFFFF;
	s2 =	simm.s32 @!p0 $0x1C03  }
0x57: {  	[timem:s3], [sflag:s2] =	dma.local @!p0 [hbm:s0], s1  }
0x58: {  	s0 =	simm.s32 @!p0 $0x3  }
0x59: {  	_ =	swait.ge @!p0 [sflag:s0], s1  }
0x5a: {  	s1 =	ssub.s32 @!p0 $0x0, s1;
	[sflag:s0] =	ssyncset.done @!p0 $0x0  }
0x5b: {  	[sflag:s0] =	ssyncadd.s32 @!p0 s1  }
0x5c: {  	[bflag:$0x3] =	sbarrier.arrive $0xFFFF  }
0x5d: {  	_ =	shalt  }

// kernel: kernel.62.cloned.1.call-start
scs
__scs_entry_jumppad:
0x0: {  	(pc) =	sbr.rel $0x88, $3  }
0x1: {  	(tag) =	ssettag $0x0;
	lr =	simm.s32 $0x1  }
0x2: {  	[smem:$0x3F8B] =	sst lr;
	_ =	strace $0xD0000000  }
0x3: {  	_ = 	snop  }
0x4: {  	_ = 	snop  }
0x5: {  	_ = 	snop  }
0x6: {  	_ = 	snop  }
0x7: {  	_ = 	snop  }
__scs_overlays_trampoline_lowered:
0x8: {  	[smem:$0x3F9A] =	sst s0  }
0x9: {  	[smem:$0x3F9B] =	sst s1  }
0xa: {  	[smem:$0x3F9C] =	sst s2  }
0xb: {  	[smem:$0x3F9D] =	sst s3  }
0xc: {  	[smem:$0x3F9E] =	sst s4  }
0xd: {  	[smem:$0x3F9F] =	sst s5  }
0xe: {  	[smem:$0x3FA0] =	sst s6  }
0xf: {  	[smem:$0x3FA1] =	sst s7  }
0x10: {  	[smem:$0x3FA2] =	sst s8  }
0x11: {  	[smem:$0x3FA3] =	sst s9;
	s0 =	simm.s32 @!p0 $0x0  }
0x12: {  	s1 =	sld [smem:$0x3F89];
	s0 =	simm.s32 @p0 $0x1  }
0x13: {  	[smem:$0x3FA4] =	sst s0;
	s0 =	simm.s32 @!p1 $0x0  }
0x14: {  	s2 =	sld [smem:$0x3F88];
	s0 =	simm.s32 @p1 $0x1  }
0x15: {  	[smem:$0x3FA5] =	sst s0;
	s0 =	simm.s32 @!p2 $0x0  }
0x16: {  	s3 =	sld [smem:$0x3FDB];
	s0 =	simm.s32 @p2 $0x1  }
0x17: {  	s4 =	simm.s32 $0x1BF5;
	[smem:$0x3FA7] =	sst s0  }
0x18: {  	s0 =	sld [smem:$0x3F8A];
	_ =	swait.ge [sflag:s4], $0x0  }
0x19: {  	s7 =	sld [smem:$0x3F8B]  }
0x1a: {  	s8 =	sadd.s32 $0xFFFFE003, lr  }
0x1b: {  	s9 =	sadd.s32 $0xFFFFFEF7, lr;
	s5 =	simm.s32 $0xFFFFFFFF;
	p2 =	slt.u32 s8, $0xFFFFF086  }
0x1c: {  	p1 =	slt.u32 s9, $0xF7A;
	s5 =	simm.s32 @!p2 $0x0  }
0x1d: {  	s5 =	simm.s32 @p1 $0x1;
	p0 =	seq.s32 s7, s2  }
0x1e: {  	s7 =	smul.u32 @!p0 $0xF7A, s2;
	p2 =	seq.s32 @!p0 s5, $0x0  }
0x1f: {  	s9 =	smul.u32 $0xF7A, s1;
	s8 =	simm.s32 @!p0 $0x1BF5;
	p2 =	por !p2, p0  }
0x20: {  	[sflag:s8] =	ssyncset.s32 @!p0 $0xFFFFF086;
	s6 =	sadd.s32 @!p0 s3, s7;
	s7 =	simm.s32 @!p0 $0x108  }
0x21: {  	s3 =	sadd.s32 s3, s9;
	s6 =	sadd.s32 @!p0 $0x88, s6;
	s7 =	simm.s32 @p2 $0x1082  }
0x22: {  	[simem:s7], [sflag:s8] =	dma.local @!p0 [hbm:s6], $0xF7A  }
0x23: {  	s9 =	sor.u32 $0xD0000000, s2;
	s6 =	simm.s32 $0x108;
	_ =	swait.ge @!p0 [sflag:s8], $0x0  }
0x24: {  	s3 =	sadd.s32 $0x88, s3;
	s6 =	simm.s32 @!p1 $0x1082;
	[sflag:s4] =	ssyncset.s32 $0xFFFFF086  }
0x25: {  	[simem:s6], [sflag:s4] =	dma.local [hbm:s3], $0xF7A  }
0x26: {  	[smem:$0x3F8B] =	sst s1;
	(tag) =	ssettag s2;
	_ =	strace s9  }
0x27: {  	s1 =	sld [smem:$0x3F9B]  }
0x28: {  	s2 =	sld [smem:$0x3F9C]  }
0x29: {  	s4 =	sld [smem:$0x3F9E]  }
0x2a: {  	p0 =	seq.s32 s5, $0x0;
	s5 =	sld [smem:$0x3F9F]  }
0x2b: {  	s6 =	sld [smem:$0x3FA0]  }
0x2c: {  	s7 =	sld [smem:$0x3FA1]  }
0x2d: {  	s3 =	simm.s32 $0x108;
	s8 =	sld [smem:$0x3FA2]  }
0x2e: {  	s3 =	simm.s32 @!p0 $0x1082;
	s9 =	sld [smem:$0x3FA3]  }
0x2f: {  	lr =	sadd.s32 s0, s3;
	s0 =	sld [smem:$0x3F9A]  }
0x30: {  	s3 =	sld [smem:$0x3F9D]  }
0x31: {  	[smem:$0x3FA6] =	sst s10  }
0x32: {  	s10 =	sld [smem:$0x3FA4];
	_ =	sdelay $0x3  }
0x33: {  	p0 =	seq.s32 s10, $0x1;
	s10 =	sld [smem:$0x3FA6];
	_ =	sdelay $0x3  }
0x34: {  	[smem:$0x3FA6] =	sst s10  }
0x35: {  	s10 =	sld [smem:$0x3FA5];
	_ =	sdelay $0x3  }
0x36: {  	p1 =	seq.s32 s10, $0x1;
	s10 =	sld [smem:$0x3FA6];
	_ =	sdelay $0x3  }
0x37: {  	[smem:$0x3FA6] =	sst s10  }
0x38: {  	s10 =	sld [smem:$0x3FA7]  }
0x39: {  	_ = 	snop;
	(pc) =	sbr.ind lr, $3  }
0x3a: {  	_ = 	snop  }
0x3b: {  	_ = 	snop  }
0x3c: {  	p2 =	seq.s32 s10, $0x1;
	s10 =	sld [smem:$0x3FA6]  }
0x3d: {  	_ =	shalt  }
0x3e: {  	_ =	shalt  }
0x3f: {  	_ =	shalt  }
0x40: {  	_ =	shalt  }
0x41: {  	_ =	shalt  }
0x42: {  	_ =	shalt  }
0x43: {  	_ =	shalt  }
0x44: {  	_ =	shalt  }
0x45: {  	_ =	shalt  }
0x46: {  	_ =	shalt  }
0x47: {  	_ =	shalt  }
0x48: {  	_ =	shalt  }
0x49: {  	_ =	shalt  }
0x4a: {  	_ =	shalt  }
0x4b: {  	_ =	shalt  }
0x4c: {  	_ =	shalt  }
0x4d: {  	_ =	shalt  }
0x4e: {  	_ =	shalt  }
0x4f: {  	_ =	shalt  }
0x50: {  	_ =	shalt  }
0x51: {  	_ =	shalt  }
0x52: {  	_ =	shalt  }
0x53: {  	_ =	shalt  }
0x54: {  	_ =	shalt  }
0x55: {  	_ =	shalt  }
0x56: {  	_ =	shalt  }
0x57: {  	_ =	shalt  }
0x58: {  	_ =	shalt  }
0x59: {  	_ =	shalt  }
0x5a: {  	_ =	shalt  }
0x5b: {  	_ =	shalt  }
0x5c: {  	_ =	shalt  }
0x5d: {  	_ =	shalt  }
0x5e: {  	_ =	shalt  }
0x5f: {  	_ =	shalt  }
0x60: {  	_ =	shalt  }
0x61: {  	_ =	shalt  }
0x62: {  	_ =	shalt  }
0x63: {  	_ =	shalt  }
0x64: {  	_ =	shalt  }
0x65: {  	_ =	shalt  }
0x66: {  	_ =	shalt  }
0x67: {  	_ =	shalt  }
0x68: {  	_ =	shalt  }
0x69: {  	_ =	shalt  }
0x6a: {  	_ =	shalt  }
0x6b: {  	_ =	shalt  }
0x6c: {  	_ =	shalt  }
0x6d: {  	_ =	shalt  }
0x6e: {  	_ =	shalt  }
0x6f: {  	_ =	shalt  }
0x70: {  	_ =	shalt  }
0x71: {  	_ =	shalt  }
0x72: {  	_ =	shalt  }
0x73: {  	_ =	shalt  }
0x74: {  	_ =	shalt  }
0x75: {  	_ =	shalt  }
0x76: {  	_ =	shalt  }
0x77: {  	_ =	shalt  }
0x78: {  	_ =	shalt  }
0x79: {  	_ =	shalt  }
0x7a: {  	_ =	shalt  }
0x7b: {  	_ =	shalt  }
0x7c: {  	_ =	shalt  }
0x7d: {  	_ =	shalt  }
0x7e: {  	_ =	shalt  }
0x7f: {  	_ =	shalt  }
0x80: {  	_ =	shalt  }
0x81: {  	_ =	shalt  }
0x82: {  	_ =	shalt  }
0x83: {  	_ =	shalt  }
0x84: {  	_ =	shalt  }
0x85: {  	_ =	shalt  }
0x86: {  	_ =	shalt  }
0x87: {  	_ =	shalt  }
.Lfunc_end0:
.L_simem_size_0:
called_computation.7_lowered:
.L_overlay_start_0:
0x88: {  	s2 =	sld [smem:$0x3FD9]  }
0x89: {  	s3 =	sld [smem:$0x3FFE];
	_ =	sdelay $0x1  }
0x8a: {  	s1 =	srdreg.scid  }
0x8b: {  	s0 =	sand.u32 $0x1, s1  }
0x8c: {  	s17 =	sshll.u32 s0, $0xA;
	s2 =	sadd.s32 s3, s2  }
0x8d: {  	s2 =	sadd.s32 s2, s17  }
0x8e: {  	[smem:$0x3FB2] =	sst s2  }
0x8f: {  	_ = 	snop  }
0x90: {  	(tm) =	ssettm $0x1  }
0x91: {  	s18 =	sld [smem:$0x3FFB];
	_ =	sdelay $0x3  }
0x92: {  	_ =	strace s18  }
0x93: {  	s2 =	sld [smem:$0x3FFC];
	_ =	sdelay $0x3  }
0x94: {  	_ =	strace s2  }
0x95: {  	s2 =	sld [smem:$0x3FFD];
	_ =	sdelay $0x3  }
0x96: {  	_ =	strace s2  }
0x97: {  	_ =	strace $0x8FFFFFFF  }
0x98: {  	s19 =	sld [smem:$0x3FDB];
	_ =	sdelay $0x1  }
0x99: {  	s20 =	simm.s32 $_scs_section_size  }
0x9a: {  	s4 =	simm.s32 $_size__tile_overlayer_lowered;
	s5 =	simm.s32 $_tile_overlayer_lowered  }
0x9b: {  	s6 =	simm.s32 $0x1BFF;
	s21 =	sshll.u32 s5, $0x1;
	s3 =	sadd.s32 s20, s19  }
0x9c: {  	s22 =	simm.s32 $0x0;
	s4 =	sshll.u32 s4, $0x1;
	s5 =	sadd.s32 s21, s3  }
0x9d: {  	[timem:s22], [sflag:s6] =	dma.local [hbm:s5], s4  }
0x9e: {  	_ =	swait.ge [sflag:s6], s4  }
0x9f: {  	s4 =	ssub.s32 $0x0, s4;
	[sflag:s6] =	ssyncset.done $0x0  }
0xa0: {  	[sflag:s6] =	ssyncadd.s32 s4;
	_ =	sdelay $0x1  }
0xa1: {  	s23 =	simm.s32 $0x1B8B  }
0xa2: {  	_ =	swait.ge [sflag:s23], $0x1  }
0xa3: {  	[sflag:s23] =	ssyncset.done $0x0  }
0xa4: {  	[sflag:s23] =	ssyncadd.s32 $0xFFFFFFFF  }
0xa5: {  	s4 =	sld [smem:$0x0]  }
0xa6: {  	s5 =	sand.u32 $0xFFFFFFFE, s1  }
0xa7: {  	p0 =	sne.s32 s1, s5  }
0xa8: {  	s5 =	sshll.u32 @p0 s5, $0xE  }
0xa9: {  	s5 =	sadd.s32 @p0 $0x11B8D, s5;
	s6 =	sshll.u32 @p0 s4, $0x11  }
0xaa: {  	s5 =	sor.u32 @p0 s6, s5  }
0xab: {  	[sflag:s5] =	ssyncadd.remote.s32 @p0 $0x1;
	_ =	sdelay $0x1  }
0xac: {  	s5 =	simm.s32 @p0 $0x1B8D  }
0xad: {  	_ =	swait.eq @p0 [sflag:s5], $0x1  }
0xae: {  	[sflag:s5] =	ssyncadd.s32 @p0 $0xFFFFFFFF  }
0xaf: {  	s6 =	sshll.u32 @!p0 s1, $0xE  }
0xb0: {  	s6 =	sor.u32 @!p0 $0x4000, s6;
	s5 =	simm.s32 @!p0 $0x1B8D  }
0xb1: {  	s4 =	sshll.u32 @!p0 s4, $0x11;
	s6 =	sadd.s32 @!p0 $0x11B8D, s6;
	_ =	swait.eq @!p0 [sflag:s5], $0x1  }
0xb2: {  	s4 =	sor.u32 @!p0 s4, s6;
	[sflag:s5] =	ssyncadd.s32 @!p0 $0xFFFFFFFF  }
0xb3: {  	s25 =	simm.s32 $0x1B8E;
	s24 =	sld [smem:$0x3FFE];
	[sflag:s4] =	ssyncadd.remote.s32 @!p0 $0x1  }
0xb4: {  	s26 =	simm.s32 $execute0_lowered;
	[smem:$0x3FD2] =	sst s25  }
0xb5: {  	s5 =	sshll.u32 s26, $0x1;
	_ =	strace $0x8000005B;
	[dreg:$0x1] =	wrdreg $0xFFFFFFFF  }
0xb6: {  	s28 =	simm.s32 $_size_execute0_lowered;
	s3 =	sadd.s32 s3, s5;
	[dreg:$0x0] =	wrdreg $0x0  }
0xb7: {  	s5 =	sshll.u32 s28, $0x1;
	[dreg:$0x2] =	wrdreg s3  }
0xb8: {  	[dreg:$0x3] =	wrdreg s5  }
0xb9: {  	[dreg:$0x4] =	wrdreg $0xC0  }
0xba: {  	_ =	task [dreg:s22], $0x5FFFF  }
0xbb: {  	[dreg:$0x1] =	wrdreg $0xFFFFFFFF  }
0xbc: {  	[dreg:$0x0] =	wrdreg $0x60  }
0xbd: {  	[dreg:$0x2] =	wrdreg s24  }
0xbe: {  	[dreg:$0x3] =	wrdreg $0x0  }
0xbf: {  	[dreg:$0x4] =	wrdreg $0xA  }
0xc0: {  	_ =	task.clear_ibuf [dreg:s22], $0x5FFFF;
	_ =	strace $0x9000005B  }
0xc1: {  	s29 =	simm.s32 $0xA;
	_ =	strace $0x8000005D  }
0xc2: {  	_ =	swait.ge [sflag:s29], $0x1  }
0xc3: {  	[sflag:s29] =	ssyncadd.s32 $0xFFFFFFFF  }
0xc4: {  	_ =	strace $0x9000005D  }
0xc5: {  	_ =	sfence  }
0xc6: {  	s30 =	sld [smem:$0x0];
	_ =	sdelay $0x2  }
0xc7: {  	s31 =	sshll.u32 s1, $0xD;
	s1 =	sshrl.u32 s1, $0x2  }
0xc8: {  	s4 =	sand.u32 $0x4000, s31;
	s1 =	sadd.s32 s1, s30  }
0xc9: {  	s0 =	sor.u32 s4, s0;
	s1 =	sshll.u32 s1, $0x11  }
0xca: {  	s0 =	sor.u32 s1, s0  }
0xcb: {  	s0 =	sadd.s32 $0x8F2B, s0  }
0xcc: {  	[sflag:s0] =	ssyncadd.remote.s32 $0x1  }
0xcd: {  	_ =	sfence.sel $0xFFFF  }
0xce: {  	[dreg:$0x0] =	wrdreg $0xFFFFFFFF;
	(pc) =	sbr.abs _section_cstart, $3  }
0xcf: {  	[dreg:$0x1] =	wrdreg $0xFFFFFFFF  }
0xd0: {  	_ =	task.clear_ibuf [dreg:s22], $0x2FFFF;
	_ =	strace $0x9FFFFFFF  }
0xd1: {  	(tm) =	ssettm $0x7FFFFFFF  }
tec
execute0_lowered:
.L_overlay_start_1:
0x0: {  	(tag) =	ssettag $0x1  }
0x1: {  	s8 =	rddreg [dreg:$0x0]  }
0x2: {  	s1 =	rddreg [dreg:$0x1]  }
0x3: {  	s2 =	srdreg.scid;
	s0 =	rddreg [dreg:$0x2]  }
0x4: {  	s3 =	simm.s32 $0x0;
	s15 =	simm.s32 $0x14000;
	s16 =	simm.s32 $0x80  }
0x5: {  	s17 =	simm.s32 $0x14100;
	s18 =	simm.s32 $0x1;
	s19 =	simm.s32 $0x2  }
0x6: {  	s20 =	simm.s32 $0x0;
	s9 =	sand.u32 $0x1, s2;
	s2 =	stileid.u32  }
0x7: {  	[smem:$0x7FF] =	sst s3;
	s4 =	sadd.s32 $0x5D800, s8;
	s7 =	smul.u32 $0x140000, s9  }
0x8: {  	s5 =	sadd.s32 $0x29800, s8;
	s6 =	sadd.s32 $0x1F800, s8;
	s10 =	smul.u32 $0x14000, s2  }
0x9: {  	_ =	strace $0x8000005C;
	s28 =	ssub.s32 $0x2, s9;
	s13 =	smul.u32 $0x50000, s2  }
0xa: {  	s29 =	sshll.u32 s2, $0x1;
	s31 =	sshll.u32 s2, $0x6;
	s12 =	sshrl.u32 s28, $0x1  }
0xb: {  	s9 =	sor.u32 s9, s29;
	s7 =	sadd.s32 s10, s7;
	s12 =	ssub.s32 s28, s12  }
0xc: {  	s30 =	sshrl.u32 s13, $0x2;
	s9 =	smul.u32 $0x2800, s9;
	s11 =	sshrl.u32 s7, $0x3  }
0xd: {  	s13 =	simm.s32 $0x3;
	s7 =	sadd.s32 $0x33800, s8;
	s11 =	sadd.s32 s11, s8  }
0xe: {  	s14 =	sadd.s32 s30, s1;
	s8 =	sor.u32 $0x1C03, s31;
	s10 =	sadd.s32 $0x19B000, s11  }
0xf: {  	s11 =	smax.u32 s12, $0x1;
	s12 =	sshrl.u32 s14, $0x3;
	s14 =	simm.s32 $0x14080  }
.LBB2_1:
0x10: {  	[spmem:s12], [sflag:s8] =	dma.local [hbm:s7], $0x2800  }
0x11: {  	s21 =	sand.u32 $0x3C00, s3  }
0x12: {  	s22 =	sand.u32 $0x380, s3;
	_ =	swait.ge [sflag:s13], $0x2800;
	s21 =	sadd.s32 s9, s21  }
0x13: {  	[sflag:s13] =	ssyncset.done $0x0;
	s21 =	sor.u32 s22, s21  }
0x14: {  	[sflag:s13] =	ssyncadd.s32 $0xFFFFD800;
	s21 =	sshrl.u32 s21, $0x3  }
0x15: {  	[bflag:$0x0] =	sbarrier.arrive $0xFFFF;
	s29 =	sadd.s32 s6, s21  }
0x16: {  	[tilespmem:s14], [sflag:$0x3] =	stream.linear.gather [hbm4b:s29+s3], $0x80, $0x38;
	[tilespmem:$0x18100] =	vst v63  }
0x17: {  	_ =	swait.ge [sflag:s13], $0x80  }
0x18: {  	[sflag:s13] =	ssyncset.done $0x0  }
0x19: {  	s21 =	sadd.s32 s5, s21;
	[sflag:s13] =	ssyncadd.s32 $0xFFFFFF80  }
0x1a: {  	[tilespmem:s15], [sflag:$0x3] =	stream.linear.gather [hbm4b:s21+s3], $0x80, $0x38;
	[tilespmem:$0x18100] =	vst v63  }
0x1b: {  	_ =	swait.ge [sflag:s13], $0x80  }
0x1c: {  	[sflag:s13] =	ssyncset.done $0x0  }
0x1d: {  	[sflag:s13] =	ssyncadd.s32 $0xFFFFFF80  }
0x1e: {  	[tilespmem:s17], [sflag:$0x1] =	stream.indirect.gather [hbm4b:s4+s16], $0x80, s14, s16, $0xb8;
	[tilespmem:$0x18100] =	vst v63  }
0x1f: {  	_ =	swait.ge [sflag:s18], $0x4000  }
0x20: {  	s30 =	simm.s32 $0x80;
	[sflag:s18] =	ssyncset.done $0x0  }
0x21: {  	s31 =	sand.u32 $0x3C00, s30;
	[sflag:s18] =	ssyncadd.s32 $0xFFFFC000  }
0x22: {  	[spmem:s1] =	stream.indirect.scatter.add.f32 [tilespmem:s17], [sflag:$0x2], $0x80, s15, s16, $0xb8;
	[tilespmem:$0x18100] =	vst v63  }
0x23: {  	s23 =	sand.u32 $0x380, s30;
	s22 =	sadd.s32 s9, s31;
	_ =	swait.ge [sflag:s19], $0x4000  }
0x24: {  	s22 =	sor.u32 s23, s22;
	s21 =	simm.s32 $0x100;
	[sflag:s19] =	ssyncset.done $0x0  }
.LBB2_2:
0x25: {  	s22 =	sshrl.u32 s22, $0x3  }
0x26: {  	[sflag:s19] =	ssyncadd.s32 $0xFFFFC000;
	s23 =	smov.u32 s21;
	s24 =	sadd.s32 $0x80, s21  }
0x27: {  	p0 =	sne.s32 s21, $0x2780;
	s21 =	sadd.s32 s6, s22  }
0x28: {  	[tilespmem:s14], [sflag:$0x3] =	stream.linear.gather [hbm4b:s21+s3], $0x80, $0x38;
	[tilespmem:$0x18100] =	vst v63  }
0x29: {  	_ =	swait.ge [sflag:s13], $0x80  }
0x2a: {  	[sflag:s13] =	ssyncset.done $0x0  }
0x2b: {  	s21 =	sadd.s32 s5, s22;
	[sflag:s13] =	ssyncadd.s32 $0xFFFFFF80  }
0x2c: {  	[tilespmem:s15], [sflag:$0x3] =	stream.linear.gather [hbm4b:s21+s3], $0x80, $0x38;
	[tilespmem:$0x18100] =	vst v63  }
0x2d: {  	_ =	swait.ge [sflag:s13], $0x80  }
0x2e: {  	[sflag:s13] =	ssyncset.done $0x0  }
0x2f: {  	[sflag:s13] =	ssyncadd.s32 $0xFFFFFF80  }
0x30: {  	[tilespmem:s17], [sflag:$0x1] =	stream.indirect.gather [hbm4b:s4+s16], $0x80, s14, s16, $0xb8;
	[tilespmem:$0x18100] =	vst v63  }
0x31: {  	_ =	swait.ge [sflag:s18], $0x4000  }
.Ltmp0:
0x32: {  	[sflag:s18] =	ssyncset.done $0x0;
	(pc) =	sbr.rel @p0 .LBB2_2-.Ltmp0, $4  }
0x33: {  	s21 =	sand.u32 $0x3C00, s23;
	[sflag:s18] =	ssyncadd.s32 $0xFFFFC000  }
0x34: {  	[spmem:s1] =	stream.indirect.scatter.add.f32 [tilespmem:s17], [sflag:$0x2], $0x80, s15, s16, $0xb8;
	[tilespmem:$0x18100] =	vst v63  }
0x35: {  	s22 =	sand.u32 $0x380, s23;
	s21 =	sadd.s32 s9, s21;
	_ =	swait.ge [sflag:s19], $0x4000  }
0x36: {  	s22 =	sor.u32 s22, s21;
	s21 =	smov.u32 s24;
	[sflag:s19] =	ssyncset.done $0x0  }
0x37: {  	s21 =	sshrl.u32 s22, $0x3  }
0x38: {  	[sflag:s19] =	ssyncadd.s32 $0xFFFFC000;
	s22 =	sadd.s32 s6, s21  }
0x39: {  	[tilespmem:s14], [sflag:$0x3] =	stream.linear.gather [hbm4b:s22+s3], $0x80, $0x38;
	[tilespmem:$0x18100] =	vst v63  }
0x3a: {  	_ =	swait.ge [sflag:s13], $0x80  }
0x3b: {  	[sflag:s13] =	ssyncset.done $0x0  }
0x3c: {  	s21 =	sadd.s32 s5, s21;
	[sflag:s13] =	ssyncadd.s32 $0xFFFFFF80  }
0x3d: {  	[tilespmem:s15], [sflag:$0x3] =	stream.linear.gather [hbm4b:s21+s3], $0x80, $0x38;
	[tilespmem:$0x18100] =	vst v63  }
0x3e: {  	_ =	swait.ge [sflag:s13], $0x80  }
0x3f: {  	[sflag:s13] =	ssyncset.done $0x0  }
0x40: {  	[sflag:s13] =	ssyncadd.s32 $0xFFFFFF80  }
0x41: {  	[tilespmem:s17], [sflag:$0x1] =	stream.indirect.gather [hbm4b:s4+s16], $0x80, s14, s16, $0xb8;
	[tilespmem:$0x18100] =	vst v63  }
0x42: {  	_ =	swait.ge [sflag:s18], $0x4000  }
0x43: {  	[sflag:s18] =	ssyncset.done $0x0  }
0x44: {  	[sflag:s18] =	ssyncadd.s32 $0xFFFFC000  }
0x45: {  	[spmem:s1] =	stream.indirect.scatter.add.f32 [tilespmem:s17], [sflag:$0x2], $0x80, s15, s16, $0xb8;
	[tilespmem:$0x18100] =	vst v63  }
0x46: {  	_ =	swait.ge [sflag:s19], $0x4000  }
0x47: {  	s20 =	sadd.s32 $0x1, s20;
	[sflag:s19] =	ssyncset.done $0x0  }
0x48: {  	p0 =	sne.s32 s20, s11;
	[sflag:s19] =	ssyncadd.s32 $0xFFFFC000  }
.Ltmp1:
0x49: {  	[bflag:$0x0] =	sbarrier.arrive $0xFFFF;
	(pc) =	sbr.rel @p0 .LBB2_1-.Ltmp1, $4  }
0x4a: {  	[hbm:s10], [sflag:s8] =	dma.local [spmem:s12], $0x2800  }
0x4b: {  	_ =	swait.ge [sflag:s13], $0x2800  }
0x4c: {  	[sflag:s13] =	ssyncset.done $0x0  }
0x4d: {  	[sflag:s13] =	ssyncadd.s32 $0xFFFFD800  }
0x4e: {  	_ =	sfence.sel $0x180000  }
0x4f: {  	[bflag:$0x0] =	sbarrier.arrive $0xFFFF  }
0x50: {  	p0 =	sne.s32 s2, $0x0;
	_ =	strace $0x9000005C  }
0x51: {  	s0 =	sadd.s32 @!p0 $0x100000, s0;
	[bflag:$0x2] =	sbarrier.arrive $0xFFFF  }
0x52: {  	[sflag:s0] =	ssyncadd.tile.s32 @!p0 $0x1;
	_ =	shalt  }
.Lfunc_end2:
_tile_overlayer_lowered:
.L_overlay_start_2:
0x53: {  	(tag) =	ssettag $0x2  }
0x54: {  	s0 =	rddreg [dreg:$0x0];
	s2 =	stileid.u32  }
0x55: {  	s1 =	rddreg [dreg:$0x1];
	p0 =	sne.s32 s2, $0x0  }
0x56: {  	s3 =	rddreg [dreg:$0x2];
	[bflag:$0x3] =	sbarrier.arrive $0xFFFF;
	s2 =	simm.s32 @!p0 $0x1C03  }
0x57: {  	[timem:s3], [sflag:s2] =	dma.local @!p0 [hbm:s0], s1  }
0x58: {  	s0 =	simm.s32 @!p0 $0x3  }
0x59: {  	_ =	swait.ge @!p0 [sflag:s0], s1  }
0x5a: {  	s1 =	ssub.s32 @!p0 $0x0, s1;
	[sflag:s0] =	ssyncset.done @!p0 $0x0  }
0x5b: {  	[sflag:s0] =	ssyncadd.s32 @!p0 s1  }
0x5c: {  	[bflag:$0x3] =	sbarrier.arrive $0xFFFF  }
0x5d: {  	_ =	shalt  }

// kernel: kernel.65.cloned.1.call-start
scs
__scs_entry_jumppad:
0x0: {  	(pc) =	sbr.rel $0x88, $3  }
0x1: {  	(tag) =	ssettag $0x0;
	lr =	simm.s32 $0x1  }
0x2: {  	[smem:$0x3F8B] =	sst lr;
	_ =	strace $0xD0000000  }
0x3: {  	_ = 	snop  }
0x4: {  	_ = 	snop  }
0x5: {  	_ = 	snop  }
0x6: {  	_ = 	snop  }
0x7: {  	_ = 	snop  }
__scs_overlays_trampoline_lowered:
0x8: {  	[smem:$0x3F9A] =	sst s0  }
0x9: {  	[smem:$0x3F9B] =	sst s1  }
0xa: {  	[smem:$0x3F9C] =	sst s2  }
0xb: {  	[smem:$0x3F9D] =	sst s3  }
0xc: {  	[smem:$0x3F9E] =	sst s4  }
0xd: {  	[smem:$0x3F9F] =	sst s5  }
0xe: {  	[smem:$0x3FA0] =	sst s6  }
0xf: {  	[smem:$0x3FA1] =	sst s7  }
0x10: {  	[smem:$0x3FA2] =	sst s8  }
0x11: {  	[smem:$0x3FA3] =	sst s9;
	s0 =	simm.s32 @!p0 $0x0  }
0x12: {  	s1 =	sld [smem:$0x3F89];
	s0 =	simm.s32 @p0 $0x1  }
0x13: {  	[smem:$0x3FA4] =	sst s0;
	s0 =	simm.s32 @!p1 $0x0  }
0x14: {  	s2 =	sld [smem:$0x3F88];
	s0 =	simm.s32 @p1 $0x1  }
0x15: {  	[smem:$0x3FA5] =	sst s0;
	s0 =	simm.s32 @!p2 $0x0  }
0x16: {  	s3 =	sld [smem:$0x3FDB];
	s0 =	simm.s32 @p2 $0x1  }
0x17: {  	s4 =	simm.s32 $0x1BF5;
	[smem:$0x3FA7] =	sst s0  }
0x18: {  	s0 =	sld [smem:$0x3F8A];
	_ =	swait.ge [sflag:s4], $0x0  }
0x19: {  	s7 =	sld [smem:$0x3F8B]  }
0x1a: {  	s8 =	sadd.s32 $0xFFFFE003, lr  }
0x1b: {  	s9 =	sadd.s32 $0xFFFFFEF7, lr;
	s5 =	simm.s32 $0xFFFFFFFF;
	p2 =	slt.u32 s8, $0xFFFFF086  }
0x1c: {  	p1 =	slt.u32 s9, $0xF7A;
	s5 =	simm.s32 @!p2 $0x0  }
0x1d: {  	s5 =	simm.s32 @p1 $0x1;
	p0 =	seq.s32 s7, s2  }
0x1e: {  	s7 =	smul.u32 @!p0 $0xF7A, s2;
	p2 =	seq.s32 @!p0 s5, $0x0  }
0x1f: {  	s9 =	smul.u32 $0xF7A, s1;
	s8 =	simm.s32 @!p0 $0x1BF5;
	p2 =	por !p2, p0  }
0x20: {  	[sflag:s8] =	ssyncset.s32 @!p0 $0xFFFFF086;
	s6 =	sadd.s32 @!p0 s3, s7;
	s7 =	simm.s32 @!p0 $0x108  }
0x21: {  	s3 =	sadd.s32 s3, s9;
	s6 =	sadd.s32 @!p0 $0x88, s6;
	s7 =	simm.s32 @p2 $0x1082  }
0x22: {  	[simem:s7], [sflag:s8] =	dma.local @!p0 [hbm:s6], $0xF7A  }
0x23: {  	s9 =	sor.u32 $0xD0000000, s2;
	s6 =	simm.s32 $0x108;
	_ =	swait.ge @!p0 [sflag:s8], $0x0  }
0x24: {  	s3 =	sadd.s32 $0x88, s3;
	s6 =	simm.s32 @!p1 $0x1082;
	[sflag:s4] =	ssyncset.s32 $0xFFFFF086  }
0x25: {  	[simem:s6], [sflag:s4] =	dma.local [hbm:s3], $0xF7A  }
0x26: {  	[smem:$0x3F8B] =	sst s1;
	(tag) =	ssettag s2;
	_ =	strace s9  }
0x27: {  	s1 =	sld [smem:$0x3F9B]  }
0x28: {  	s2 =	sld [smem:$0x3F9C]  }
0x29: {  	s4 =	sld [smem:$0x3F9E]  }
0x2a: {  	p0 =	seq.s32 s5, $0x0;
	s5 =	sld [smem:$0x3F9F]  }
0x2b: {  	s6 =	sld [smem:$0x3FA0]  }
0x2c: {  	s7 =	sld [smem:$0x3FA1]  }
0x2d: {  	s3 =	simm.s32 $0x108;
	s8 =	sld [smem:$0x3FA2]  }
0x2e: {  	s3 =	simm.s32 @!p0 $0x1082;
	s9 =	sld [smem:$0x3FA3]  }
0x2f: {  	lr =	sadd.s32 s0, s3;
	s0 =	sld [smem:$0x3F9A]  }
0x30: {  	s3 =	sld [smem:$0x3F9D]  }
0x31: {  	[smem:$0x3FA6] =	sst s10  }
0x32: {  	s10 =	sld [smem:$0x3FA4];
	_ =	sdelay $0x3  }
0x33: {  	p0 =	seq.s32 s10, $0x1;
	s10 =	sld [smem:$0x3FA6];
	_ =	sdelay $0x3  }
0x34: {  	[smem:$0x3FA6] =	sst s10  }
0x35: {  	s10 =	sld [smem:$0x3FA5];
	_ =	sdelay $0x3  }
0x36: {  	p1 =	seq.s32 s10, $0x1;
	s10 =	sld [smem:$0x3FA6];
	_ =	sdelay $0x3  }
0x37: {  	[smem:$0x3FA6] =	sst s10  }
0x38: {  	s10 =	sld [smem:$0x3FA7]  }
0x39: {  	_ = 	snop;
	(pc) =	sbr.ind lr, $3  }
0x3a: {  	_ = 	snop  }
0x3b: {  	_ = 	snop  }
0x3c: {  	p2 =	seq.s32 s10, $0x1;
	s10 =	sld [smem:$0x3FA6]  }
0x3d: {  	_ =	shalt  }
0x3e: {  	_ =	shalt  }
0x3f: {  	_ =	shalt  }
0x40: {  	_ =	shalt  }
0x41: {  	_ =	shalt  }
0x42: {  	_ =	shalt  }
0x43: {  	_ =	shalt  }
0x44: {  	_ =	shalt  }
0x45: {  	_ =	shalt  }
0x46: {  	_ =	shalt  }
0x47: {  	_ =	shalt  }
0x48: {  	_ =	shalt  }
0x49: {  	_ =	shalt  }
0x4a: {  	_ =	shalt  }
0x4b: {  	_ =	shalt  }
0x4c: {  	_ =	shalt  }
0x4d: {  	_ =	shalt  }
0x4e: {  	_ =	shalt  }
0x4f: {  	_ =	shalt  }
0x50: {  	_ =	shalt  }
0x51: {  	_ =	shalt  }
0x52: {  	_ =	shalt  }
0x53: {  	_ =	shalt  }
0x54: {  	_ =	shalt  }
0x55: {  	_ =	shalt  }
0x56: {  	_ =	shalt  }
0x57: {  	_ =	shalt  }
0x58: {  	_ =	shalt  }
0x59: {  	_ =	shalt  }
0x5a: {  	_ =	shalt  }
0x5b: {  	_ =	shalt  }
0x5c: {  	_ =	shalt  }
0x5d: {  	_ =	shalt  }
0x5e: {  	_ =	shalt  }
0x5f: {  	_ =	shalt  }
0x60: {  	_ =	shalt  }
0x61: {  	_ =	shalt  }
0x62: {  	_ =	shalt  }
0x63: {  	_ =	shalt  }
0x64: {  	_ =	shalt  }
0x65: {  	_ =	shalt  }
0x66: {  	_ =	shalt  }
0x67: {  	_ =	shalt  }
0x68: {  	_ =	shalt  }
0x69: {  	_ =	shalt  }
0x6a: {  	_ =	shalt  }
0x6b: {  	_ =	shalt  }
0x6c: {  	_ =	shalt  }
0x6d: {  	_ =	shalt  }
0x6e: {  	_ =	shalt  }
0x6f: {  	_ =	shalt  }
0x70: {  	_ =	shalt  }
0x71: {  	_ =	shalt  }
0x72: {  	_ =	shalt  }
0x73: {  	_ =	shalt  }
0x74: {  	_ =	shalt  }
0x75: {  	_ =	shalt  }
0x76: {  	_ =	shalt  }
0x77: {  	_ =	shalt  }
0x78: {  	_ =	shalt  }
0x79: {  	_ =	shalt  }
0x7a: {  	_ =	shalt  }
0x7b: {  	_ =	shalt  }
0x7c: {  	_ =	shalt  }
0x7d: {  	_ =	shalt  }
0x7e: {  	_ =	shalt  }
0x7f: {  	_ =	shalt  }
0x80: {  	_ =	shalt  }
0x81: {  	_ =	shalt  }
0x82: {  	_ =	shalt  }
0x83: {  	_ =	shalt  }
0x84: {  	_ =	shalt  }
0x85: {  	_ =	shalt  }
0x86: {  	_ =	shalt  }
0x87: {  	_ =	shalt  }
.Lfunc_end0:
.L_simem_size_0:
called_computation.8_lowered:
.L_overlay_start_0:
0x88: {  	s2 =	sld [smem:$0x3FD9]  }
0x89: {  	s3 =	sld [smem:$0x3FFE];
	_ =	sdelay $0x1  }
0x8a: {  	s1 =	srdreg.scid  }
0x8b: {  	s0 =	sand.u32 $0x1, s1  }
0x8c: {  	s14 =	sshll.u32 s0, $0xA;
	s2 =	sadd.s32 s3, s2  }
0x8d: {  	s2 =	sadd.s32 s2, s14  }
0x8e: {  	[smem:$0x3FB2] =	sst s2  }
0x8f: {  	_ = 	snop  }
0x90: {  	s2 =	sld [smem:$0x3FD0];
	_ =	sdelay $0x2  }
0x91: {  	s15 =	simm.s32 $0xC;
	s4 =	simm.s32 $0x10  }
0x92: {  	[smem:s4], [sflag:s15] =	dma.local [hbm:s2], $0x1  }
0x93: {  	_ =	swait.eq [sflag:s15], $0x1  }
0x94: {  	[sflag:s15] =	ssyncset.done $0x0  }
0x95: {  	[sflag:s15] =	ssyncadd.s32 $0xFFFFFFFF  }
0x96: {  	s16 =	sld [smem:$0x12];
	(tm) =	ssettm $0x1  }
0x97: {  	s17 =	sld [smem:$0x3FFB];
	_ =	sdelay $0x3  }
0x98: {  	_ =	strace s17  }
0x99: {  	s3 =	sld [smem:$0x3FFC];
	_ =	sdelay $0x3  }
0x9a: {  	_ =	strace s3  }
0x9b: {  	s3 =	sld [smem:$0x3FFD];
	_ =	sdelay $0x3  }
0x9c: {  	_ =	strace s3  }
0x9d: {  	_ =	strace $0x8FFFFFFF  }
0x9e: {  	s18 =	sld [smem:$0x3FDB];
	_ =	sdelay $0x1  }
0x9f: {  	s19 =	simm.s32 $_scs_section_size  }
0xa0: {  	s5 =	simm.s32 $_size__tile_overlayer_lowered;
	s6 =	simm.s32 $_tile_overlayer_lowered  }
0xa1: {  	s22 =	simm.s32 $0x1BFF;
	s21 =	sshll.u32 s6, $0x1;
	s3 =	sadd.s32 s19, s18  }
0xa2: {  	s7 =	simm.s32 $0x0;
	s20 =	sshll.u32 s5, $0x1;
	s5 =	sadd.s32 s21, s3  }
0xa3: {  	[timem:s7], [sflag:s22] =	dma.local [hbm:s5], s20  }
0xa4: {  	_ =	swait.ge [sflag:s22], s20  }
0xa5: {  	s4 =	ssub.s32 $0x0, s20;
	[sflag:s22] =	ssyncset.done $0x0  }
0xa6: {  	[sflag:s22] =	ssyncadd.s32 s4;
	_ =	sdelay $0x1  }
0xa7: {  	s23 =	simm.s32 $0x1B8B  }
0xa8: {  	_ =	swait.ge [sflag:s23], $0x1  }
0xa9: {  	[sflag:s23] =	ssyncset.done $0x0  }
0xaa: {  	s25 =	simm.s32 $0x1B8E;
	s24 =	sld [smem:$0x3FFE];
	[sflag:s23] =	ssyncadd.s32 $0xFFFFFFFF  }
0xab: {  	s26 =	simm.s32 $execute0_lowered;
	[smem:$0x3FD2] =	sst s25  }
0xac: {  	s5 =	sshll.u32 s26, $0x1;
	_ =	strace $0x8000005E;
	[dreg:$0x1] =	wrdreg $0xFFFFFFFF  }
0xad: {  	s28 =	simm.s32 $_size_execute0_lowered;
	s3 =	sadd.s32 s3, s5;
	[dreg:$0x0] =	wrdreg $0x0  }
0xae: {  	s5 =	sshll.u32 s28, $0x1;
	[dreg:$0x2] =	wrdreg s3  }
0xaf: {  	[dreg:$0x3] =	wrdreg s5  }
0xb0: {  	[dreg:$0x4] =	wrdreg $0xC0  }
0xb1: {  	_ =	task [dreg:s7], $0x5FFFF  }
0xb2: {  	[dreg:$0x1] =	wrdreg $0xFFFFFFFF  }
0xb3: {  	[dreg:$0x0] =	wrdreg $0x60  }
0xb4: {  	[dreg:$0x2] =	wrdreg s16  }
0xb5: {  	[dreg:$0x3] =	wrdreg s24  }
0xb6: {  	[dreg:$0x4] =	wrdreg $0x0  }
0xb7: {  	[dreg:$0x5] =	wrdreg $0x9  }
0xb8: {  	_ =	task.clear_ibuf [dreg:s7], $0x6FFFF;
	_ =	strace $0x9000005E  }
0xb9: {  	s29 =	simm.s32 $0x9;
	_ =	strace $0x80000060  }
0xba: {  	_ =	swait.ge [sflag:s29], $0x1  }
0xbb: {  	[sflag:s29] =	ssyncadd.s32 $0xFFFFFFFF  }
0xbc: {  	_ =	strace $0x90000060  }
0xbd: {  	_ =	sfence  }
0xbe: {  	s30 =	sld [smem:$0x0];
	_ =	sdelay $0x2  }
0xbf: {  	s31 =	sshll.u32 s1, $0xD;
	s1 =	sshrl.u32 s1, $0x2  }
0xc0: {  	s3 =	sand.u32 $0x4000, s31;
	s1 =	sadd.s32 s1, s30  }
0xc1: {  	s0 =	sor.u32 s3, s0;
	s1 =	sshll.u32 s1, $0x11  }
0xc2: {  	s0 =	sor.u32 s1, s0  }
0xc3: {  	s0 =	sadd.s32 $0x8F2B, s0  }
0xc4: {  	[sflag:s0] =	ssyncadd.remote.s32 $0x1  }
0xc5: {  	_ =	sfence.sel $0xFFFF  }
0xc6: {  	[dreg:$0x0] =	wrdreg $0xFFFFFFFF;
	(pc) =	sbr.abs _section_cstart, $3  }
0xc7: {  	[dreg:$0x1] =	wrdreg $0xFFFFFFFF  }
0xc8: {  	_ =	task.clear_ibuf [dreg:s7], $0x2FFFF;
	_ =	strace $0x9FFFFFFF  }
0xc9: {  	(tm) =	ssettm $0x7FFFFFFF  }
tec
execute0_lowered:
.L_overlay_start_1:
0x0: {  	(tag) =	ssettag $0x1  }
0x1: {  	s1 =	rddreg [dreg:$0x0]  }
0x2: {  	s8 =	rddreg [dreg:$0x1]  }
0x3: {  	s2 =	rddreg [dreg:$0x2];
	s3 =	srdreg.scid  }
0x4: {  	s0 =	rddreg [dreg:$0x3];
	s4 =	simm.s32 $0x0;
	s15 =	simm.s32 $0x14000  }
0x5: {  	s16 =	simm.s32 $0x80;
	s17 =	simm.s32 $0x14100;
	s18 =	simm.s32 $0x1  }
0x6: {  	s19 =	simm.s32 $0x2;
	s9 =	sand.u32 $0x1, s3;
	s3 =	stileid.u32  }
0x7: {  	s20 =	simm.s32 $0x0;
	[smem:$0x7FF] =	sst s4;
	s7 =	smul.u32 $0x140000, s9  }
0x8: {  	s5 =	sadd.s32 $0x29800, s8;
	s6 =	sadd.s32 $0x1F800, s8;
	s10 =	smul.u32 $0x14000, s3  }
0x9: {  	_ =	strace $0x8000005F;
	s28 =	ssub.s32 $0x2, s9;
	s13 =	smul.u32 $0x50000, s3  }
0xa: {  	s29 =	sshll.u32 s3, $0x1;
	s31 =	sshll.u32 s3, $0x6;
	s12 =	sshrl.u32 s28, $0x1  }
0xb: {  	s9 =	sor.u32 s9, s29;
	s7 =	sadd.s32 s10, s7;
	s12 =	ssub.s32 s28, s12  }
0xc: {  	s30 =	sshrl.u32 s13, $0x2;
	s9 =	smul.u32 $0x2800, s9;
	s11 =	sshrl.u32 s7, $0x3  }
0xd: {  	s13 =	simm.s32 $0x3;
	s7 =	sadd.s32 $0x33800, s8;
	s11 =	sadd.s32 s11, s8  }
0xe: {  	s14 =	sadd.s32 s30, s2;
	s8 =	sor.u32 $0x1C03, s31;
	s10 =	sadd.s32 $0xD2E00, s11  }
0xf: {  	s11 =	smax.u32 s12, $0x1;
	s12 =	sshrl.u32 s14, $0x3;
	s14 =	simm.s32 $0x14080  }
.LBB2_1:
0x10: {  	[spmem:s12], [sflag:s8] =	dma.local [hbm:s7], $0x2800  }
0x11: {  	s21 =	sand.u32 $0x3C00, s4  }
0x12: {  	s22 =	sand.u32 $0x380, s4;
	_ =	swait.ge [sflag:s13], $0x2800;
	s21 =	sadd.s32 s9, s21  }
0x13: {  	[sflag:s13] =	ssyncset.done $0x0;
	s21 =	sor.u32 s22, s21  }
0x14: {  	[sflag:s13] =	ssyncadd.s32 $0xFFFFD800;
	s21 =	sshrl.u32 s21, $0x3  }
0x15: {  	[bflag:$0x0] =	sbarrier.arrive $0xFFFF;
	s29 =	sadd.s32 s6, s21  }
0x16: {  	[tilespmem:s14], [sflag:$0x3] =	stream.linear.gather [hbm4b:s29+s4], $0x80, $0x38;
	[tilespmem:$0x18100] =	vst v63  }
0x17: {  	_ =	swait.ge [sflag:s13], $0x80  }
0x18: {  	[sflag:s13] =	ssyncset.done $0x0  }
0x19: {  	s21 =	sadd.s32 s5, s21;
	[sflag:s13] =	ssyncadd.s32 $0xFFFFFF80  }
0x1a: {  	[tilespmem:s15], [sflag:$0x3] =	stream.linear.gather [hbm4b:s21+s4], $0x80, $0x38;
	[tilespmem:$0x18100] =	vst v63  }
0x1b: {  	_ =	swait.ge [sflag:s13], $0x80  }
0x1c: {  	[sflag:s13] =	ssyncset.done $0x0  }
0x1d: {  	[sflag:s13] =	ssyncadd.s32 $0xFFFFFF80  }
0x1e: {  	[tilespmem:s17], [sflag:$0x1] =	stream.indirect.gather [hbm4b:s1+s16], $0x80, s14, s16, $0xb8;
	[tilespmem:$0x18100] =	vst v63  }
0x1f: {  	_ =	swait.ge [sflag:s18], $0x4000  }
0x20: {  	s30 =	simm.s32 $0x80;
	[sflag:s18] =	ssyncset.done $0x0  }
0x21: {  	s31 =	sand.u32 $0x3C00, s30;
	[sflag:s18] =	ssyncadd.s32 $0xFFFFC000  }
0x22: {  	[spmem:s2] =	stream.indirect.scatter.add.f32 [tilespmem:s17], [sflag:$0x2], $0x80, s15, s16, $0xb8;
	[tilespmem:$0x18100] =	vst v63  }
0x23: {  	s23 =	sand.u32 $0x380, s30;
	s22 =	sadd.s32 s9, s31;
	_ =	swait.ge [sflag:s19], $0x4000  }
0x24: {  	s22 =	sor.u32 s23, s22;
	s21 =	simm.s32 $0x100;
	[sflag:s19] =	ssyncset.done $0x0  }
.LBB2_2:
0x25: {  	s22 =	sshrl.u32 s22, $0x3  }
0x26: {  	[sflag:s19] =	ssyncadd.s32 $0xFFFFC000;
	s23 =	smov.u32 s21;
	s24 =	sadd.s32 $0x80, s21  }
0x27: {  	p0 =	sne.s32 s21, $0x2780;
	s21 =	sadd.s32 s6, s22  }
0x28: {  	[tilespmem:s14], [sflag:$0x3] =	stream.linear.gather [hbm4b:s21+s4], $0x80, $0x38;
	[tilespmem:$0x18100] =	vst v63  }
0x29: {  	_ =	swait.ge [sflag:s13], $0x80  }
0x2a: {  	[sflag:s13] =	ssyncset.done $0x0  }
0x2b: {  	s21 =	sadd.s32 s5, s22;
	[sflag:s13] =	ssyncadd.s32 $0xFFFFFF80  }
0x2c: {  	[tilespmem:s15], [sflag:$0x3] =	stream.linear.gather [hbm4b:s21+s4], $0x80, $0x38;
	[tilespmem:$0x18100] =	vst v63  }
0x2d: {  	_ =	swait.ge [sflag:s13], $0x80  }
0x2e: {  	[sflag:s13] =	ssyncset.done $0x0  }
0x2f: {  	[sflag:s13] =	ssyncadd.s32 $0xFFFFFF80  }
0x30: {  	[tilespmem:s17], [sflag:$0x1] =	stream.indirect.gather [hbm4b:s1+s16], $0x80, s14, s16, $0xb8;
	[tilespmem:$0x18100] =	vst v63  }
0x31: {  	_ =	swait.ge [sflag:s18], $0x4000  }
.Ltmp0:
0x32: {  	[sflag:s18] =	ssyncset.done $0x0;
	(pc) =	sbr.rel @p0 .LBB2_2-.Ltmp0, $4  }
0x33: {  	s21 =	sand.u32 $0x3C00, s23;
	[sflag:s18] =	ssyncadd.s32 $0xFFFFC000  }
0x34: {  	[spmem:s2] =	stream.indirect.scatter.add.f32 [tilespmem:s17], [sflag:$0x2], $0x80, s15, s16, $0xb8;
	[tilespmem:$0x18100] =	vst v63  }
0x35: {  	s22 =	sand.u32 $0x380, s23;
	s21 =	sadd.s32 s9, s21;
	_ =	swait.ge [sflag:s19], $0x4000  }
0x36: {  	s22 =	sor.u32 s22, s21;
	s21 =	smov.u32 s24;
	[sflag:s19] =	ssyncset.done $0x0  }
0x37: {  	s21 =	sshrl.u32 s22, $0x3  }
0x38: {  	[sflag:s19] =	ssyncadd.s32 $0xFFFFC000;
	s22 =	sadd.s32 s6, s21  }
0x39: {  	[tilespmem:s14], [sflag:$0x3] =	stream.linear.gather [hbm4b:s22+s4], $0x80, $0x38;
	[tilespmem:$0x18100] =	vst v63  }
0x3a: {  	_ =	swait.ge [sflag:s13], $0x80  }
0x3b: {  	[sflag:s13] =	ssyncset.done $0x0  }
0x3c: {  	s21 =	sadd.s32 s5, s21;
	[sflag:s13] =	ssyncadd.s32 $0xFFFFFF80  }
0x3d: {  	[tilespmem:s15], [sflag:$0x3] =	stream.linear.gather [hbm4b:s21+s4], $0x80, $0x38;
	[tilespmem:$0x18100] =	vst v63  }
0x3e: {  	_ =	swait.ge [sflag:s13], $0x80  }
0x3f: {  	[sflag:s13] =	ssyncset.done $0x0  }
0x40: {  	[sflag:s13] =	ssyncadd.s32 $0xFFFFFF80  }
0x41: {  	[tilespmem:s17], [sflag:$0x1] =	stream.indirect.gather [hbm4b:s1+s16], $0x80, s14, s16, $0xb8;
	[tilespmem:$0x18100] =	vst v63  }
0x42: {  	_ =	swait.ge [sflag:s18], $0x4000  }
0x43: {  	[sflag:s18] =	ssyncset.done $0x0  }
0x44: {  	[sflag:s18] =	ssyncadd.s32 $0xFFFFC000  }
0x45: {  	[spmem:s2] =	stream.indirect.scatter.add.f32 [tilespmem:s17], [sflag:$0x2], $0x80, s15, s16, $0xb8;
	[tilespmem:$0x18100] =	vst v63  }
0x46: {  	_ =	swait.ge [sflag:s19], $0x4000  }
0x47: {  	s20 =	sadd.s32 $0x1, s20;
	[sflag:s19] =	ssyncset.done $0x0  }
0x48: {  	p0 =	sne.s32 s20, s11;
	[sflag:s19] =	ssyncadd.s32 $0xFFFFC000  }
.Ltmp1:
0x49: {  	[bflag:$0x0] =	sbarrier.arrive $0xFFFF;
	(pc) =	sbr.rel @p0 .LBB2_1-.Ltmp1, $4  }
0x4a: {  	[hbm:s10], [sflag:s8] =	dma.local [spmem:s12], $0x2800  }
0x4b: {  	_ =	swait.ge [sflag:s13], $0x2800  }
0x4c: {  	[sflag:s13] =	ssyncset.done $0x0  }
0x4d: {  	[sflag:s13] =	ssyncadd.s32 $0xFFFFD800  }
0x4e: {  	_ =	sfence.sel $0x180000  }
0x4f: {  	[bflag:$0x0] =	sbarrier.arrive $0xFFFF  }
0x50: {  	p0 =	sne.s32 s3, $0x0;
	_ =	strace $0x9000005F  }
0x51: {  	s0 =	sadd.s32 @!p0 $0x100000, s0;
	[bflag:$0x2] =	sbarrier.arrive $0xFFFF  }
0x52: {  	[sflag:s0] =	ssyncadd.tile.s32 @!p0 $0x1;
	_ =	shalt  }
.Lfunc_end2:
_tile_overlayer_lowered:
.L_overlay_start_2:
0x53: {  	(tag) =	ssettag $0x2  }
0x54: {  	s0 =	rddreg [dreg:$0x0];
	s2 =	stileid.u32  }
0x55: {  	s1 =	rddreg [dreg:$0x1];
	p0 =	sne.s32 s2, $0x0  }
0x56: {  	s3 =	rddreg [dreg:$0x2];
	[bflag:$0x3] =	sbarrier.arrive $0xFFFF;
	s2 =	simm.s32 @!p0 $0x1C03  }
0x57: {  	[timem:s3], [sflag:s2] =	dma.local @!p0 [hbm:s0], s1  }
0x58: {  	s0 =	simm.s32 @!p0 $0x3  }
0x59: {  	_ =	swait.ge @!p0 [sflag:s0], s1  }
0x5a: {  	s1 =	ssub.s32 @!p0 $0x0, s1;
	[sflag:s0] =	ssyncset.done @!p0 $0x0  }
0x5b: {  	[sflag:s0] =	ssyncadd.s32 @!p0 s1  }
0x5c: {  	[bflag:$0x3] =	sbarrier.arrive $0xFFFF  }
0x5d: {  	_ =	shalt  }

// kernel: kernel.68.cloned.1.call-start
scs
__scs_entry_jumppad:
0x0: {  	(pc) =	sbr.rel $0x88, $3  }
0x1: {  	(tag) =	ssettag $0x0;
	lr =	simm.s32 $0x1  }
0x2: {  	[smem:$0x3F8B] =	sst lr;
	_ =	strace $0xD0000000  }
0x3: {  	_ = 	snop  }
0x4: {  	_ = 	snop  }
0x5: {  	_ = 	snop  }
0x6: {  	_ = 	snop  }
0x7: {  	_ = 	snop  }
__scs_overlays_trampoline_lowered:
0x8: {  	[smem:$0x3F9A] =	sst s0  }
0x9: {  	[smem:$0x3F9B] =	sst s1  }
0xa: {  	[smem:$0x3F9C] =	sst s2  }
0xb: {  	[smem:$0x3F9D] =	sst s3  }
0xc: {  	[smem:$0x3F9E] =	sst s4  }
0xd: {  	[smem:$0x3F9F] =	sst s5  }
0xe: {  	[smem:$0x3FA0] =	sst s6  }
0xf: {  	[smem:$0x3FA1] =	sst s7  }
0x10: {  	[smem:$0x3FA2] =	sst s8  }
0x11: {  	[smem:$0x3FA3] =	sst s9;
	s0 =	simm.s32 @!p0 $0x0  }
0x12: {  	s1 =	sld [smem:$0x3F89];
	s0 =	simm.s32 @p0 $0x1  }
0x13: {  	[smem:$0x3FA4] =	sst s0;
	s0 =	simm.s32 @!p1 $0x0  }
0x14: {  	s2 =	sld [smem:$0x3F88];
	s0 =	simm.s32 @p1 $0x1  }
0x15: {  	[smem:$0x3FA5] =	sst s0;
	s0 =	simm.s32 @!p2 $0x0  }
0x16: {  	s3 =	sld [smem:$0x3FDB];
	s0 =	simm.s32 @p2 $0x1  }
0x17: {  	s4 =	simm.s32 $0x1BF5;
	[smem:$0x3FA7] =	sst s0  }
0x18: {  	s0 =	sld [smem:$0x3F8A];
	_ =	swait.ge [sflag:s4], $0x0  }
0x19: {  	s7 =	sld [smem:$0x3F8B]  }
0x1a: {  	s8 =	sadd.s32 $0xFFFFE003, lr  }
0x1b: {  	s9 =	sadd.s32 $0xFFFFFEF7, lr;
	s5 =	simm.s32 $0xFFFFFFFF;
	p2 =	slt.u32 s8, $0xFFFFF086  }
0x1c: {  	p1 =	slt.u32 s9, $0xF7A;
	s5 =	simm.s32 @!p2 $0x0  }
0x1d: {  	s5 =	simm.s32 @p1 $0x1;
	p0 =	seq.s32 s7, s2  }
0x1e: {  	s7 =	smul.u32 @!p0 $0xF7A, s2;
	p2 =	seq.s32 @!p0 s5, $0x0  }
0x1f: {  	s9 =	smul.u32 $0xF7A, s1;
	s8 =	simm.s32 @!p0 $0x1BF5;
	p2 =	por !p2, p0  }
0x20: {  	[sflag:s8] =	ssyncset.s32 @!p0 $0xFFFFF086;
	s6 =	sadd.s32 @!p0 s3, s7;
	s7 =	simm.s32 @!p0 $0x108  }
0x21: {  	s3 =	sadd.s32 s3, s9;
	s6 =	sadd.s32 @!p0 $0x88, s6;
	s7 =	simm.s32 @p2 $0x1082  }
0x22: {  	[simem:s7], [sflag:s8] =	dma.local @!p0 [hbm:s6], $0xF7A  }
0x23: {  	s9 =	sor.u32 $0xD0000000, s2;
	s6 =	simm.s32 $0x108;
	_ =	swait.ge @!p0 [sflag:s8], $0x0  }
0x24: {  	s3 =	sadd.s32 $0x88, s3;
	s6 =	simm.s32 @!p1 $0x1082;
	[sflag:s4] =	ssyncset.s32 $0xFFFFF086  }
0x25: {  	[simem:s6], [sflag:s4] =	dma.local [hbm:s3], $0xF7A  }
0x26: {  	[smem:$0x3F8B] =	sst s1;
	(tag) =	ssettag s2;
	_ =	strace s9  }
0x27: {  	s1 =	sld [smem:$0x3F9B]  }
0x28: {  	s2 =	sld [smem:$0x3F9C]  }
0x29: {  	s4 =	sld [smem:$0x3F9E]  }
0x2a: {  	p0 =	seq.s32 s5, $0x0;
	s5 =	sld [smem:$0x3F9F]  }
0x2b: {  	s6 =	sld [smem:$0x3FA0]  }
0x2c: {  	s7 =	sld [smem:$0x3FA1]  }
0x2d: {  	s3 =	simm.s32 $0x108;
	s8 =	sld [smem:$0x3FA2]  }
0x2e: {  	s3 =	simm.s32 @!p0 $0x1082;
	s9 =	sld [smem:$0x3FA3]  }
0x2f: {  	lr =	sadd.s32 s0, s3;
	s0 =	sld [smem:$0x3F9A]  }
0x30: {  	s3 =	sld [smem:$0x3F9D]  }
0x31: {  	[smem:$0x3FA6] =	sst s10  }
0x32: {  	s10 =	sld [smem:$0x3FA4];
	_ =	sdelay $0x3  }
0x33: {  	p0 =	seq.s32 s10, $0x1;
	s10 =	sld [smem:$0x3FA6];
	_ =	sdelay $0x3  }
0x34: {  	[smem:$0x3FA6] =	sst s10  }
0x35: {  	s10 =	sld [smem:$0x3FA5];
	_ =	sdelay $0x3  }
0x36: {  	p1 =	seq.s32 s10, $0x1;
	s10 =	sld [smem:$0x3FA6];
	_ =	sdelay $0x3  }
0x37: {  	[smem:$0x3FA6] =	sst s10  }
0x38: {  	s10 =	sld [smem:$0x3FA7]  }
0x39: {  	_ = 	snop;
	(pc) =	sbr.ind lr, $3  }
0x3a: {  	_ = 	snop  }
0x3b: {  	_ = 	snop  }
0x3c: {  	p2 =	seq.s32 s10, $0x1;
	s10 =	sld [smem:$0x3FA6]  }
0x3d: {  	_ =	shalt  }
0x3e: {  	_ =	shalt  }
0x3f: {  	_ =	shalt  }
0x40: {  	_ =	shalt  }
0x41: {  	_ =	shalt  }
0x42: {  	_ =	shalt  }
0x43: {  	_ =	shalt  }
0x44: {  	_ =	shalt  }
0x45: {  	_ =	shalt  }
0x46: {  	_ =	shalt  }
0x47: {  	_ =	shalt  }
0x48: {  	_ =	shalt  }
0x49: {  	_ =	shalt  }
0x4a: {  	_ =	shalt  }
0x4b: {  	_ =	shalt  }
0x4c: {  	_ =	shalt  }
0x4d: {  	_ =	shalt  }
0x4e: {  	_ =	shalt  }
0x4f: {  	_ =	shalt  }
0x50: {  	_ =	shalt  }
0x51: {  	_ =	shalt  }
0x52: {  	_ =	shalt  }
0x53: {  	_ =	shalt  }
0x54: {  	_ =	shalt  }
0x55: {  	_ =	shalt  }
0x56: {  	_ =	shalt  }
0x57: {  	_ =	shalt  }
0x58: {  	_ =	shalt  }
0x59: {  	_ =	shalt  }
0x5a: {  	_ =	shalt  }
0x5b: {  	_ =	shalt  }
0x5c: {  	_ =	shalt  }
0x5d: {  	_ =	shalt  }
0x5e: {  	_ =	shalt  }
0x5f: {  	_ =	shalt  }
0x60: {  	_ =	shalt  }
0x61: {  	_ =	shalt  }
0x62: {  	_ =	shalt  }
0x63: {  	_ =	shalt  }
0x64: {  	_ =	shalt  }
0x65: {  	_ =	shalt  }
0x66: {  	_ =	shalt  }
0x67: {  	_ =	shalt  }
0x68: {  	_ =	shalt  }
0x69: {  	_ =	shalt  }
0x6a: {  	_ =	shalt  }
0x6b: {  	_ =	shalt  }
0x6c: {  	_ =	shalt  }
0x6d: {  	_ =	shalt  }
0x6e: {  	_ =	shalt  }
0x6f: {  	_ =	shalt  }
0x70: {  	_ =	shalt  }
0x71: {  	_ =	shalt  }
0x72: {  	_ =	shalt  }
0x73: {  	_ =	shalt  }
0x74: {  	_ =	shalt  }
0x75: {  	_ =	shalt  }
0x76: {  	_ =	shalt  }
0x77: {  	_ =	shalt  }
0x78: {  	_ =	shalt  }
0x79: {  	_ =	shalt  }
0x7a: {  	_ =	shalt  }
0x7b: {  	_ =	shalt  }
0x7c: {  	_ =	shalt  }
0x7d: {  	_ =	shalt  }
0x7e: {  	_ =	shalt  }
0x7f: {  	_ =	shalt  }
0x80: {  	_ =	shalt  }
0x81: {  	_ =	shalt  }
0x82: {  	_ =	shalt  }
0x83: {  	_ =	shalt  }
0x84: {  	_ =	shalt  }
0x85: {  	_ =	shalt  }
0x86: {  	_ =	shalt  }
0x87: {  	_ =	shalt  }
.Lfunc_end0:
.L_simem_size_0:
called_computation.9_lowered:
.L_overlay_start_0:
0x88: {  	s2 =	sld [smem:$0x3FD9]  }
0x89: {  	s3 =	sld [smem:$0x3FFE];
	_ =	sdelay $0x1  }
0x8a: {  	s1 =	srdreg.scid  }
0x8b: {  	s0 =	sand.u32 $0x1, s1  }
0x8c: {  	s17 =	sshll.u32 s0, $0xA;
	s2 =	sadd.s32 s3, s2  }
0x8d: {  	s2 =	sadd.s32 s2, s17  }
0x8e: {  	[smem:$0x3FB2] =	sst s2  }
0x8f: {  	_ = 	snop  }
0x90: {  	(tm) =	ssettm $0x1  }
0x91: {  	s18 =	sld [smem:$0x3FFB];
	_ =	sdelay $0x3  }
0x92: {  	_ =	strace s18  }
0x93: {  	s2 =	sld [smem:$0x3FFC];
	_ =	sdelay $0x3  }
0x94: {  	_ =	strace s2  }
0x95: {  	s2 =	sld [smem:$0x3FFD];
	_ =	sdelay $0x3  }
0x96: {  	_ =	strace s2  }
0x97: {  	_ =	strace $0x8FFFFFFF  }
0x98: {  	s19 =	sld [smem:$0x3FDB];
	_ =	sdelay $0x1  }
0x99: {  	s20 =	simm.s32 $_scs_section_size  }
0x9a: {  	s4 =	simm.s32 $_size__tile_overlayer_lowered;
	s5 =	simm.s32 $_tile_overlayer_lowered  }
0x9b: {  	s6 =	simm.s32 $0x1BFF;
	s21 =	sshll.u32 s5, $0x1;
	s3 =	sadd.s32 s20, s19  }
0x9c: {  	s22 =	simm.s32 $0x0;
	s4 =	sshll.u32 s4, $0x1;
	s5 =	sadd.s32 s21, s3  }
0x9d: {  	[timem:s22], [sflag:s6] =	dma.local [hbm:s5], s4  }
0x9e: {  	_ =	swait.ge [sflag:s6], s4  }
0x9f: {  	s4 =	ssub.s32 $0x0, s4;
	[sflag:s6] =	ssyncset.done $0x0  }
0xa0: {  	[sflag:s6] =	ssyncadd.s32 s4;
	_ =	sdelay $0x1  }
0xa1: {  	s23 =	simm.s32 $0x1B8B  }
0xa2: {  	_ =	swait.ge [sflag:s23], $0x1  }
0xa3: {  	[sflag:s23] =	ssyncset.done $0x0  }
0xa4: {  	[sflag:s23] =	ssyncadd.s32 $0xFFFFFFFF  }
0xa5: {  	s4 =	sld [smem:$0x0]  }
0xa6: {  	s5 =	sand.u32 $0xFFFFFFFE, s1  }
0xa7: {  	p0 =	sne.s32 s1, s5  }
0xa8: {  	s5 =	sshll.u32 @p0 s5, $0xE  }
0xa9: {  	s5 =	sadd.s32 @p0 $0x11B8D, s5;
	s6 =	sshll.u32 @p0 s4, $0x11  }
0xaa: {  	s5 =	sor.u32 @p0 s6, s5  }
0xab: {  	[sflag:s5] =	ssyncadd.remote.s32 @p0 $0x1;
	_ =	sdelay $0x1  }
0xac: {  	s5 =	simm.s32 @p0 $0x1B8D  }
0xad: {  	_ =	swait.eq @p0 [sflag:s5], $0x1  }
0xae: {  	[sflag:s5] =	ssyncadd.s32 @p0 $0xFFFFFFFF  }
0xaf: {  	s6 =	sshll.u32 @!p0 s1, $0xE  }
0xb0: {  	s6 =	sor.u32 @!p0 $0x4000, s6;
	s5 =	simm.s32 @!p0 $0x1B8D  }
0xb1: {  	s4 =	sshll.u32 @!p0 s4, $0x11;
	s6 =	sadd.s32 @!p0 $0x11B8D, s6;
	_ =	swait.eq @!p0 [sflag:s5], $0x1  }
0xb2: {  	s4 =	sor.u32 @!p0 s4, s6;
	[sflag:s5] =	ssyncadd.s32 @!p0 $0xFFFFFFFF  }
0xb3: {  	s25 =	simm.s32 $0x1B8E;
	s24 =	sld [smem:$0x3FFE];
	[sflag:s4] =	ssyncadd.remote.s32 @!p0 $0x1  }
0xb4: {  	s26 =	simm.s32 $execute0_lowered;
	[smem:$0x3FD2] =	sst s25  }
0xb5: {  	s5 =	sshll.u32 s26, $0x1;
	_ =	strace $0x80000064;
	[dreg:$0x1] =	wrdreg $0xFFFFFFFF  }
0xb6: {  	s28 =	simm.s32 $_size_execute0_lowered;
	s3 =	sadd.s32 s3, s5;
	[dreg:$0x0] =	wrdreg $0x0  }
0xb7: {  	s5 =	sshll.u32 s28, $0x1;
	[dreg:$0x2] =	wrdreg s3  }
0xb8: {  	[dreg:$0x3] =	wrdreg s5  }
0xb9: {  	[dreg:$0x4] =	wrdreg $0xC0  }
0xba: {  	_ =	task [dreg:s22], $0x5FFFF  }
0xbb: {  	[dreg:$0x1] =	wrdreg $0xFFFFFFFF  }
0xbc: {  	[dreg:$0x0] =	wrdreg $0x60  }
0xbd: {  	[dreg:$0x2] =	wrdreg s24  }
0xbe: {  	[dreg:$0x3] =	wrdreg $0x9  }
0xbf: {  	_ =	task.clear_ibuf [dreg:s22], $0x4FFFF;
	_ =	strace $0x90000064  }
0xc0: {  	s29 =	simm.s32 $0x9;
	_ =	strace $0x80000066  }
0xc1: {  	_ =	swait.ge [sflag:s29], $0x1  }
0xc2: {  	[sflag:s29] =	ssyncadd.s32 $0xFFFFFFFF  }
0xc3: {  	_ =	strace $0x90000066  }
0xc4: {  	_ =	sfence  }
0xc5: {  	s30 =	sld [smem:$0x0];
	_ =	sdelay $0x2  }
0xc6: {  	s31 =	sshll.u32 s1, $0xD;
	s1 =	sshrl.u32 s1, $0x2  }
0xc7: {  	s4 =	sand.u32 $0x4000, s31;
	s1 =	sadd.s32 s1, s30  }
0xc8: {  	s0 =	sor.u32 s4, s0;
	s1 =	sshll.u32 s1, $0x11  }
0xc9: {  	s0 =	sor.u32 s1, s0  }
0xca: {  	s0 =	sadd.s32 $0x8F2B, s0  }
0xcb: {  	[sflag:s0] =	ssyncadd.remote.s32 $0x1  }
0xcc: {  	_ =	sfence.sel $0xFFFF  }
0xcd: {  	[dreg:$0x0] =	wrdreg $0xFFFFFFFF;
	(pc) =	sbr.abs _section_cstart, $3  }
0xce: {  	[dreg:$0x1] =	wrdreg $0xFFFFFFFF  }
0xcf: {  	_ =	task.clear_ibuf [dreg:s22], $0x2FFFF;
	_ =	strace $0x9FFFFFFF  }
0xd0: {  	(tm) =	ssettm $0x7FFFFFFF  }
0xd1: {  	_ =	shalt  }
tec
execute0_lowered:
.L_overlay_start_1:
0x0: {  	(tag) =	ssettag $0x1  }
0x1: {  	s6 =	rddreg [dreg:$0x0]  }
0x2: {  	s0 =	rddreg [dreg:$0x1];
	s1 =	simm.s32 $0x0  }
0x3: {  	s4 =	srdreg.scid;
	s2 =	stileid.u32;
	s11 =	simm.s32 $0x80  }
0x4: {  	s12 =	simm.s32 $0x100;
	s13 =	simm.s32 $0x4100;
	s14 =	simm.s32 $0x1  }
0x5: {  	s15 =	simm.s32 $0x8100;
	s16 =	simm.s32 $0x0;
	[smem:$0x7FF] =	sst s1  }
0x6: {  	s3 =	sadd.s32 $0xABC00, s6;
	s7 =	sand.u32 $0x1, s4;
	s4 =	sadd.s32 $0x132400, s6  }
0x7: {  	s9 =	sshll.u32 s2, $0x1;
	s5 =	sadd.s32 $0x128400, s6;
	s8 =	ssub.s32 $0x2, s7  }
0x8: {  	s6 =	sadd.s32 $0x1C3E00, s6;
	s9 =	sor.u32 s7, s9;
	s10 =	sshrl.u32 s8, $0x1  }
0x9: {  	_ =	strace $0x80000065;
	s7 =	smul.u32 $0x2800, s9;
	s10 =	ssub.s32 s8, s10  }
0xa: {  	s8 =	smul.u32 $0x13C000, s9;
	s9 =	smax.u32 s10, $0x1;
	s10 =	simm.s32 $0x2  }
.LBB2_1:
0xb: {  	s17 =	simm.s32 $0x0  }
.LBB2_2:
0xc: {  	s18 =	sshll.u32 s17, $0x7  }
0xd: {  	s19 =	sand.u32 $0x3C00, s18  }
0xe: {  	s18 =	sand.u32 $0x380, s18;
	s19 =	sadd.s32 s7, s19  }
0xf: {  	s18 =	sor.u32 s18, s19  }
0x10: {  	s18 =	sshrl.u32 s18, $0x3  }
0x11: {  	s20 =	simm.s32 $0x0;
	s31 =	sadd.s32 s4, s18  }
0x12: {  	[tilespmem:s20], [sflag:$0x2] =	stream.linear.gather [hbm4b:s31+s20], $0x80, $0x38;
	[tilespmem:$0xC100] =	vst v63  }
0x13: {  	_ =	swait.ge [sflag:s10], $0x80  }
0x14: {  	[sflag:s10] =	ssyncset.done $0x0  }
0x15: {  	s18 =	sadd.s32 s5, s18;
	[sflag:s10] =	ssyncadd.s32 $0xFFFFFF80  }
0x16: {  	[tilespmem:s11], [sflag:$0x2] =	stream.linear.gather [hbm4b:s18+s20], $0x80, $0x38;
	[tilespmem:$0xC100] =	vst v63  }
0x17: {  	_ =	swait.ge [sflag:s10], $0x80  }
0x18: {  	[sflag:s10] =	ssyncset.done $0x0  }
0x19: {  	[sflag:s10] =	ssyncadd.s32 $0xFFFFFF80  }
0x1a: {  	[tilespmem:s12], [sflag:$0x1] =	stream.indirect.gather [hbm4b:s3+s11], $0x80, s20, s11, $0xb8;
	[tilespmem:$0xC100] =	vst v63  }
0x1b: {  	_ = 	snop  }
0x1c: {  	[tilespmem:s13], [sflag:$0x1] =	stream.indirect.gather [hbm4b:s3+s11], $0x80, s11, s11, $0xb8;
	[tilespmem:$0xC100] =	vst v63  }
0x1d: {  	_ =	swait.ge [sflag:s14], $0x4000  }
0x1e: {  	[sflag:s14] =	ssyncset.done $0x0  }
0x1f: {  	[sflag:s14] =	ssyncadd.s32 $0xFFFFC000  }
0x20: {  	_ =	swait.ge [sflag:s14], $0x4000  }
0x21: {  	[sflag:s14] =	ssyncset.done $0x0  }
0x22: {  	s18 =	simm.s32 $0x0;
	[sflag:s14] =	ssyncadd.s32 $0xFFFFC000  }
0x23: {  	v3 =	vld [tilespmem:s18+$0x100]  }
0x24: {  	v4 =	vld [tilespmem:s18+$0x4100]  }
0x25: {  	v5 =	vld [tilespmem:s18+$0x110]  }
0x26: {  	v6 =	vld [tilespmem:s18+$0x4110]  }
0x27: {  	v7 =	vld [tilespmem:s18+$0x120]  }
0x28: {  	v8 =	vld [tilespmem:s18+$0x4120]  }
0x29: {  	v0 =	vld [tilespmem:s18+$0x130]  }
0x2a: {  	s19 =	simm.s32 $0x80;
	v2 =	vld [tilespmem:s18+$0x4130]  }
0x2b: {  	v1 =	vld [tilespmem:s19+$0x100];
	v9 =	vmul.f32 v4, v3;
	v5 =	vmul.f32 v6, v5  }
0x2c: {  	v3 =	vld [tilespmem:s19+$0x4100]  }
0x2d: {  	s20 =	simm.s32 $0x400;
	v4 =	vld [tilespmem:s19+$0x110];
	v6 =	vmul.f32 v8, v7;
	v5 =	vadd.f32 v5, v9  }
.LBB2_3:
0x2e: {  	p0 =	sne.s32 s20, $0xFE00;
	v7 =	vld [tilespmem:s19+$0x4110]  }
0x2f: {  	v8 =	vld [tilespmem:s19+$0x120];
	v5 =	vadd.f32 v6, v5;
	v2 =	vmul.f32 v2, v0  }
0x30: {  	v6 =	vld [tilespmem:s19+$0x4120]  }
.Ltmp0:
0x31: {  	v0 =	vld [tilespmem:s19+$0x130];
	v5 =	vadd.f32 v2, v5;
	(pc) =	sbr.rel @p0 .LBB2_3-.Ltmp0, $4  }
0x32: {  	s21 =	sshra.s32 s20, $0x2;
	v2 =	vld [tilespmem:s19+$0x4130]  }
0x33: {  	v9 =	vmul.f32 v3, v1;
	v1 =	vld [tilespmem:s21+$0x100];
	v7 =	vmul.f32 v7, v4;
	[tilespmem:s18+$0x8100] =	vst v5;
	s18 =	smov.u32 s19;
	s19 =	smov.u32 s21  }
0x34: {  	v3 =	vld [tilespmem:s19+$0x4100]  }
0x35: {  	s20 =	sadd.s32 $0x200, s20;
	v4 =	vld [tilespmem:s19+$0x110];
	v5 =	vadd.f32 v7, v9;
	v6 =	vmul.f32 v6, v8  }
0x36: {  	v7 =	vld [tilespmem:s19+$0x4110]  }
0x37: {  	v8 =	vld [tilespmem:s19+$0x120]  }
0x38: {  	v9 =	vld [tilespmem:s19+$0x4120]  }
0x39: {  	v10 =	vld [tilespmem:s19+$0x130]  }
0x3a: {  	v11 =	vld [tilespmem:s19+$0x4130]  }
0x3b: {  	v1 =	vmul.f32 v3, v1;
	v60 =	vmul.f32 v7, v4;
	_ =	sdelay $0x1  }
0x3c: {  	v61 =	vmul.f32 v9, v8;
	v1 =	vadd.f32 v60, v1  }
0x3d: {  	v62 =	vadd.f32 v6, v5;
	v0 =	vmul.f32 v2, v0  }
0x3e: {  	v63 =	vmul.f32 v11, v10;
	v1 =	vadd.f32 v61, v1  }
0x3f: {  	s20 =	sshll.u32 s17, $0xE;
	v0 =	vadd.f32 v0, v62  }
0x40: {  	s17 =	sadd.s32 $0x1, s17;
	s20 =	sadd.s32 s8, s20;
	v1 =	vadd.f32 v63, v1  }
0x41: {  	p0 =	sne.s32 s17, $0x4F;
	s31 =	sshrl.u32 s20, $0x3;
	[tilespmem:s18+$0x8100] =	vst v0  }
.Ltmp1:
0x42: {  	s18 =	sadd.s32 s6, s31;
	[tilespmem:s19+$0x8100] =	vst v1;
	(pc) =	sbr.rel @p0 .LBB2_2-.Ltmp1, $4  }
0x43: {  	[hbm4b:s18+s1] =	stream.linear.scatter [tilespmem:s15], [sflag:$0x2], $0x4000, $0x38;
	[tilespmem:$0xC100] =	vst v63  }
0x44: {  	_ =	swait.ge [sflag:s10], $0x4000  }
0x45: {  	[sflag:s10] =	ssyncset.done $0x0  }
0x46: {  	[sflag:s10] =	ssyncadd.s32 $0xFFFFC000  }
0x47: {  	s16 =	sadd.s32 $0x1, s16  }
0x48: {  	p0 =	sne.s32 s16, s9  }
.Ltmp2:
0x49: {  	_ = 	snop;
	(pc) =	sbr.rel @p0 .LBB2_1-.Ltmp2, $1  }
0x4a: {  	_ =	sdelay $0x3  }
0x4b: {  	_ =	sfence.sel $0x180000  }
0x4c: {  	[bflag:$0x0] =	sbarrier.arrive $0xFFFF  }
0x4d: {  	p0 =	sne.s32 s2, $0x0;
	_ =	strace $0x90000065  }
0x4e: {  	s0 =	sadd.s32 @!p0 $0x100000, s0;
	[bflag:$0x2] =	sbarrier.arrive $0xFFFF  }
0x4f: {  	[sflag:s0] =	ssyncadd.tile.s32 @!p0 $0x1;
	_ =	shalt  }
.Lfunc_end2:
_tile_overlayer_lowered:
.L_overlay_start_2:
0x50: {  	(tag) =	ssettag $0x2  }
0x51: {  	s0 =	rddreg [dreg:$0x0];
	s2 =	stileid.u32  }
0x52: {  	s1 =	rddreg [dreg:$0x1];
	p0 =	sne.s32 s2, $0x0  }
0x53: {  	s3 =	rddreg [dreg:$0x2];
	[bflag:$0x3] =	sbarrier.arrive $0xFFFF;
	s2 =	simm.s32 @!p0 $0x1C02  }
0x54: {  	[timem:s3], [sflag:s2] =	dma.local @!p0 [hbm:s0], s1  }
0x55: {  	s0 =	simm.s32 @!p0 $0x2  }
0x56: {  	_ =	swait.ge @!p0 [sflag:s0], s1  }
0x57: {  	s1 =	ssub.s32 @!p0 $0x0, s1;
	[sflag:s0] =	ssyncset.done @!p0 $0x0  }
0x58: {  	[sflag:s0] =	ssyncadd.s32 @!p0 s1  }
0x59: {  	[bflag:$0x3] =	sbarrier.arrive $0xFFFF  }
0x5a: {  	_ =	shalt  }

// kernel: kernel.71.cloned.1.call-start
scs
__scs_entry_jumppad:
0x0: {  	(pc) =	sbr.rel $0x88, $3  }
0x1: {  	(tag) =	ssettag $0x0;
	lr =	simm.s32 $0x1  }
0x2: {  	[smem:$0x3F8B] =	sst lr;
	_ =	strace $0xD0000000  }
0x3: {  	_ = 	snop  }
0x4: {  	_ = 	snop  }
0x5: {  	_ = 	snop  }
0x6: {  	_ = 	snop  }
0x7: {  	_ = 	snop  }
__scs_overlays_trampoline_lowered:
0x8: {  	[smem:$0x3F9A] =	sst s0  }
0x9: {  	[smem:$0x3F9B] =	sst s1  }
0xa: {  	[smem:$0x3F9C] =	sst s2  }
0xb: {  	[smem:$0x3F9D] =	sst s3  }
0xc: {  	[smem:$0x3F9E] =	sst s4  }
0xd: {  	[smem:$0x3F9F] =	sst s5  }
0xe: {  	[smem:$0x3FA0] =	sst s6  }
0xf: {  	[smem:$0x3FA1] =	sst s7  }
0x10: {  	[smem:$0x3FA2] =	sst s8  }
0x11: {  	[smem:$0x3FA3] =	sst s9;
	s0 =	simm.s32 @!p0 $0x0  }
0x12: {  	s1 =	sld [smem:$0x3F89];
	s0 =	simm.s32 @p0 $0x1  }
0x13: {  	[smem:$0x3FA4] =	sst s0;
	s0 =	simm.s32 @!p1 $0x0  }
0x14: {  	s2 =	sld [smem:$0x3F88];
	s0 =	simm.s32 @p1 $0x1  }
0x15: {  	[smem:$0x3FA5] =	sst s0;
	s0 =	simm.s32 @!p2 $0x0  }
0x16: {  	s3 =	sld [smem:$0x3FDB];
	s0 =	simm.s32 @p2 $0x1  }
0x17: {  	s4 =	simm.s32 $0x1BF5;
	[smem:$0x3FA7] =	sst s0  }
0x18: {  	s0 =	sld [smem:$0x3F8A];
	_ =	swait.ge [sflag:s4], $0x0  }
0x19: {  	s7 =	sld [smem:$0x3F8B]  }
0x1a: {  	s8 =	sadd.s32 $0xFFFFE003, lr  }
0x1b: {  	s9 =	sadd.s32 $0xFFFFFEF7, lr;
	s5 =	simm.s32 $0xFFFFFFFF;
	p2 =	slt.u32 s8, $0xFFFFF086  }
0x1c: {  	p1 =	slt.u32 s9, $0xF7A;
	s5 =	simm.s32 @!p2 $0x0  }
0x1d: {  	s5 =	simm.s32 @p1 $0x1;
	p0 =	seq.s32 s7, s2  }
0x1e: {  	s7 =	smul.u32 @!p0 $0xF7A, s2;
	p2 =	seq.s32 @!p0 s5, $0x0  }
0x1f: {  	s9 =	smul.u32 $0xF7A, s1;
	s8 =	simm.s32 @!p0 $0x1BF5;
	p2 =	por !p2, p0  }
0x20: {  	[sflag:s8] =	ssyncset.s32 @!p0 $0xFFFFF086;
	s6 =	sadd.s32 @!p0 s3, s7;
	s7 =	simm.s32 @!p0 $0x108  }
0x21: {  	s3 =	sadd.s32 s3, s9;
	s6 =	sadd.s32 @!p0 $0x88, s6;
	s7 =	simm.s32 @p2 $0x1082  }
0x22: {  	[simem:s7], [sflag:s8] =	dma.local @!p0 [hbm:s6], $0xF7A  }
0x23: {  	s9 =	sor.u32 $0xD0000000, s2;
	s6 =	simm.s32 $0x108;
	_ =	swait.ge @!p0 [sflag:s8], $0x0  }
0x24: {  	s3 =	sadd.s32 $0x88, s3;
	s6 =	simm.s32 @!p1 $0x1082;
	[sflag:s4] =	ssyncset.s32 $0xFFFFF086  }
0x25: {  	[simem:s6], [sflag:s4] =	dma.local [hbm:s3], $0xF7A  }
0x26: {  	[smem:$0x3F8B] =	sst s1;
	(tag) =	ssettag s2;
	_ =	strace s9  }
0x27: {  	s1 =	sld [smem:$0x3F9B]  }
0x28: {  	s2 =	sld [smem:$0x3F9C]  }
0x29: {  	s4 =	sld [smem:$0x3F9E]  }
0x2a: {  	p0 =	seq.s32 s5, $0x0;
	s5 =	sld [smem:$0x3F9F]  }
0x2b: {  	s6 =	sld [smem:$0x3FA0]  }
0x2c: {  	s7 =	sld [smem:$0x3FA1]  }
0x2d: {  	s3 =	simm.s32 $0x108;
	s8 =	sld [smem:$0x3FA2]  }
0x2e: {  	s3 =	simm.s32 @!p0 $0x1082;
	s9 =	sld [smem:$0x3FA3]  }
0x2f: {  	lr =	sadd.s32 s0, s3;
	s0 =	sld [smem:$0x3F9A]  }
0x30: {  	s3 =	sld [smem:$0x3F9D]  }
0x31: {  	[smem:$0x3FA6] =	sst s10  }
0x32: {  	s10 =	sld [smem:$0x3FA4];
	_ =	sdelay $0x3  }
0x33: {  	p0 =	seq.s32 s10, $0x1;
	s10 =	sld [smem:$0x3FA6];
	_ =	sdelay $0x3  }
0x34: {  	[smem:$0x3FA6] =	sst s10  }
0x35: {  	s10 =	sld [smem:$0x3FA5];
	_ =	sdelay $0x3  }
0x36: {  	p1 =	seq.s32 s10, $0x1;
	s10 =	sld [smem:$0x3FA6];
	_ =	sdelay $0x3  }
0x37: {  	[smem:$0x3FA6] =	sst s10  }
0x38: {  	s10 =	sld [smem:$0x3FA7]  }
0x39: {  	_ = 	snop;
	(pc) =	sbr.ind lr, $3  }
0x3a: {  	_ = 	snop  }
0x3b: {  	_ = 	snop  }
0x3c: {  	p2 =	seq.s32 s10, $0x1;
	s10 =	sld [smem:$0x3FA6]  }
0x3d: {  	_ =	shalt  }
0x3e: {  	_ =	shalt  }
0x3f: {  	_ =	shalt  }
0x40: {  	_ =	shalt  }
0x41: {  	_ =	shalt  }
0x42: {  	_ =	shalt  }
0x43: {  	_ =	shalt  }
0x44: {  	_ =	shalt  }
0x45: {  	_ =	shalt  }
0x46: {  	_ =	shalt  }
0x47: {  	_ =	shalt  }
0x48: {  	_ =	shalt  }
0x49: {  	_ =	shalt  }
0x4a: {  	_ =	shalt  }
0x4b: {  	_ =	shalt  }
0x4c: {  	_ =	shalt  }
0x4d: {  	_ =	shalt  }
0x4e: {  	_ =	shalt  }
0x4f: {  	_ =	shalt  }
0x50: {  	_ =	shalt  }
0x51: {  	_ =	shalt  }
0x52: {  	_ =	shalt  }
0x53: {  	_ =	shalt  }
0x54: {  	_ =	shalt  }
0x55: {  	_ =	shalt  }
0x56: {  	_ =	shalt  }
0x57: {  	_ =	shalt  }
0x58: {  	_ =	shalt  }
0x59: {  	_ =	shalt  }
0x5a: {  	_ =	shalt  }
0x5b: {  	_ =	shalt  }
0x5c: {  	_ =	shalt  }
0x5d: {  	_ =	shalt  }
0x5e: {  	_ =	shalt  }
0x5f: {  	_ =	shalt  }
0x60: {  	_ =	shalt  }
0x61: {  	_ =	shalt  }
0x62: {  	_ =	shalt  }
0x63: {  	_ =	shalt  }
0x64: {  	_ =	shalt  }
0x65: {  	_ =	shalt  }
0x66: {  	_ =	shalt  }
0x67: {  	_ =	shalt  }
0x68: {  	_ =	shalt  }
0x69: {  	_ =	shalt  }
0x6a: {  	_ =	shalt  }
0x6b: {  	_ =	shalt  }
0x6c: {  	_ =	shalt  }
0x6d: {  	_ =	shalt  }
0x6e: {  	_ =	shalt  }
0x6f: {  	_ =	shalt  }
0x70: {  	_ =	shalt  }
0x71: {  	_ =	shalt  }
0x72: {  	_ =	shalt  }
0x73: {  	_ =	shalt  }
0x74: {  	_ =	shalt  }
0x75: {  	_ =	shalt  }
0x76: {  	_ =	shalt  }
0x77: {  	_ =	shalt  }
0x78: {  	_ =	shalt  }
0x79: {  	_ =	shalt  }
0x7a: {  	_ =	shalt  }
0x7b: {  	_ =	shalt  }
0x7c: {  	_ =	shalt  }
0x7d: {  	_ =	shalt  }
0x7e: {  	_ =	shalt  }
0x7f: {  	_ =	shalt  }
0x80: {  	_ =	shalt  }
0x81: {  	_ =	shalt  }
0x82: {  	_ =	shalt  }
0x83: {  	_ =	shalt  }
0x84: {  	_ =	shalt  }
0x85: {  	_ =	shalt  }
0x86: {  	_ =	shalt  }
0x87: {  	_ =	shalt  }
.Lfunc_end0:
.L_simem_size_0:
called_computation.10_lowered:
.L_overlay_start_0:
0x88: {  	s2 =	sld [smem:$0x3FD9]  }
0x89: {  	s3 =	sld [smem:$0x3FFE];
	_ =	sdelay $0x1  }
0x8a: {  	s1 =	srdreg.scid  }
0x8b: {  	s0 =	sand.u32 $0x1, s1  }
0x8c: {  	s15 =	sshll.u32 s0, $0xA;
	s2 =	sadd.s32 s3, s2  }
0x8d: {  	s2 =	sadd.s32 s2, s15  }
0x8e: {  	[smem:$0x3FB2] =	sst s2  }
0x8f: {  	_ = 	snop  }
0x90: {  	s2 =	sld [smem:$0x3FD0];
	_ =	sdelay $0x2  }
0x91: {  	s16 =	simm.s32 $0xC;
	s4 =	simm.s32 $0x10  }
0x92: {  	[smem:s4], [sflag:s16] =	dma.local [hbm:s2], $0x1  }
0x93: {  	_ =	swait.eq [sflag:s16], $0x1  }
0x94: {  	[sflag:s16] =	ssyncset.done $0x0  }
0x95: {  	[sflag:s16] =	ssyncadd.s32 $0xFFFFFFFF  }
0x96: {  	s17 =	sld [smem:$0x12];
	(tm) =	ssettm $0x1  }
0x97: {  	s18 =	sld [smem:$0x3FFB];
	_ =	sdelay $0x3  }
0x98: {  	_ =	strace s18  }
0x99: {  	s2 =	sld [smem:$0x3FFC];
	_ =	sdelay $0x3  }
0x9a: {  	_ =	strace s2  }
0x9b: {  	s2 =	sld [smem:$0x3FFD];
	_ =	sdelay $0x3  }
0x9c: {  	_ =	strace s2  }
0x9d: {  	_ =	strace $0x8FFFFFFF  }
0x9e: {  	s19 =	sld [smem:$0x3FDB];
	_ =	sdelay $0x1  }
0x9f: {  	s20 =	simm.s32 $_scs_section_size  }
0xa0: {  	s5 =	simm.s32 $_size__tile_overlayer_lowered;
	s6 =	simm.s32 $_tile_overlayer_lowered  }
0xa1: {  	s7 =	simm.s32 $0x1BFF;
	s21 =	sshll.u32 s6, $0x1;
	s4 =	sadd.s32 s20, s19  }
0xa2: {  	s22 =	simm.s32 $0x0;
	s5 =	sshll.u32 s5, $0x1;
	s6 =	sadd.s32 s21, s4  }
0xa3: {  	[timem:s22], [sflag:s7] =	dma.local [hbm:s6], s5  }
0xa4: {  	_ =	swait.ge [sflag:s7], s5  }
0xa5: {  	s5 =	ssub.s32 $0x0, s5;
	[sflag:s7] =	ssyncset.done $0x0  }
0xa6: {  	[sflag:s7] =	ssyncadd.s32 s5;
	_ =	sdelay $0x1  }
0xa7: {  	s23 =	simm.s32 $0x1B8B  }
0xa8: {  	_ =	swait.ge [sflag:s23], $0x1  }
0xa9: {  	[sflag:s23] =	ssyncset.done $0x0  }
0xaa: {  	[sflag:s23] =	ssyncadd.s32 $0xFFFFFFFF  }
0xab: {  	s5 =	sld [smem:$0x0]  }
0xac: {  	s6 =	sand.u32 $0xFFFFFFFE, s1  }
0xad: {  	p0 =	sne.s32 s1, s6  }
0xae: {  	s6 =	sshll.u32 @p0 s6, $0xE  }
0xaf: {  	s6 =	sadd.s32 @p0 $0x11B8D, s6;
	s7 =	sshll.u32 @p0 s5, $0x11  }
0xb0: {  	s6 =	sor.u32 @p0 s7, s6  }
0xb1: {  	[sflag:s6] =	ssyncadd.remote.s32 @p0 $0x1;
	_ =	sdelay $0x1  }
0xb2: {  	s6 =	simm.s32 @p0 $0x1B8D  }
0xb3: {  	_ =	swait.eq @p0 [sflag:s6], $0x1  }
0xb4: {  	[sflag:s6] =	ssyncadd.s32 @p0 $0xFFFFFFFF  }
0xb5: {  	s7 =	sshll.u32 @!p0 s1, $0xE  }
0xb6: {  	s7 =	sor.u32 @!p0 $0x4000, s7;
	s6 =	simm.s32 @!p0 $0x1B8D  }
0xb7: {  	s5 =	sshll.u32 @!p0 s5, $0x11;
	s7 =	sadd.s32 @!p0 $0x11B8D, s7;
	_ =	swait.eq @!p0 [sflag:s6], $0x1  }
0xb8: {  	s5 =	sor.u32 @!p0 s5, s7;
	[sflag:s6] =	ssyncadd.s32 @!p0 $0xFFFFFFFF  }
0xb9: {  	s25 =	simm.s32 $0x1B8E;
	s24 =	sld [smem:$0x3FFE];
	[sflag:s5] =	ssyncadd.remote.s32 @!p0 $0x1  }
0xba: {  	s26 =	simm.s32 $execute0_lowered;
	[smem:$0x3FD2] =	sst s25  }
0xbb: {  	s6 =	sshll.u32 s26, $0x1;
	_ =	strace $0x80000067;
	[dreg:$0x1] =	wrdreg $0xFFFFFFFF  }
0xbc: {  	s28 =	simm.s32 $_size_execute0_lowered;
	s4 =	sadd.s32 s4, s6;
	[dreg:$0x0] =	wrdreg $0x0  }
0xbd: {  	s6 =	sshll.u32 s28, $0x1;
	[dreg:$0x2] =	wrdreg s4  }
0xbe: {  	[dreg:$0x3] =	wrdreg s6  }
0xbf: {  	[dreg:$0x4] =	wrdreg $0xC0  }
0xc0: {  	_ =	task [dreg:s22], $0x5FFFF  }
0xc1: {  	[dreg:$0x1] =	wrdreg $0xFFFFFFFF  }
0xc2: {  	[dreg:$0x0] =	wrdreg $0x60  }
0xc3: {  	[dreg:$0x2] =	wrdreg s17  }
0xc4: {  	[dreg:$0x3] =	wrdreg s24  }
0xc5: {  	[dreg:$0x4] =	wrdreg $0xA  }
0xc6: {  	_ =	task.clear_ibuf [dreg:s22], $0x5FFFF;
	_ =	strace $0x90000067  }
0xc7: {  	s29 =	simm.s32 $0xA;
	_ =	strace $0x80000069  }
0xc8: {  	_ =	swait.ge [sflag:s29], $0x1  }
0xc9: {  	[sflag:s29] =	ssyncadd.s32 $0xFFFFFFFF  }
0xca: {  	_ =	strace $0x90000069  }
0xcb: {  	_ =	sfence  }
0xcc: {  	s30 =	sld [smem:$0x0];
	_ =	sdelay $0x2  }
0xcd: {  	s31 =	sshll.u32 s1, $0xD;
	s1 =	sshrl.u32 s1, $0x2  }
0xce: {  	s4 =	sand.u32 $0x4000, s31;
	s1 =	sadd.s32 s1, s30  }
0xcf: {  	s0 =	sor.u32 s4, s0;
	s1 =	sshll.u32 s1, $0x11  }
0xd0: {  	s0 =	sor.u32 s1, s0  }
0xd1: {  	s0 =	sadd.s32 $0x8F2B, s0  }
0xd2: {  	[sflag:s0] =	ssyncadd.remote.s32 $0x1  }
0xd3: {  	_ =	sfence.sel $0xFFFF  }
0xd4: {  	[dreg:$0x0] =	wrdreg $0xFFFFFFFF;
	(pc) =	sbr.abs _section_cstart, $3  }
0xd5: {  	[dreg:$0x1] =	wrdreg $0xFFFFFFFF  }
0xd6: {  	_ =	task.clear_ibuf [dreg:s22], $0x2FFFF;
	_ =	strace $0x9FFFFFFF  }
0xd7: {  	(tm) =	ssettm $0x7FFFFFFF  }
tec
execute0_lowered:
.L_overlay_start_1:
0x0: {  	(tag) =	ssettag $0x1  }
0x1: {  	s1 =	rddreg [dreg:$0x0]  }
0x2: {  	s6 =	rddreg [dreg:$0x1]  }
0x3: {  	s0 =	rddreg [dreg:$0x2]  }
0x4: {  	s3 =	simm.s32 $0x0;
	s4 =	srdreg.scid;
	s2 =	stileid.u32  }
0x5: {  	s11 =	simm.s32 $0x80;
	s12 =	simm.s32 $0x100;
	s13 =	simm.s32 $0x4100  }
0x6: {  	s14 =	simm.s32 $0x1;
	s15 =	simm.s32 $0x8100;
	s16 =	simm.s32 $0x0  }
0x7: {  	[smem:$0x7FF] =	sst s3;
	s7 =	sand.u32 $0x1, s4;
	s4 =	sadd.s32 $0x132400, s6  }
0x8: {  	s9 =	sshll.u32 s2, $0x1;
	s5 =	sadd.s32 $0x128400, s6;
	s8 =	ssub.s32 $0x2, s7  }
0x9: {  	s6 =	sadd.s32 $0x6B3E00, s6;
	s9 =	sor.u32 s7, s9;
	s10 =	sshrl.u32 s8, $0x1  }
0xa: {  	_ =	strace $0x80000068;
	s7 =	smul.u32 $0x2800, s9;
	s10 =	ssub.s32 s8, s10  }
0xb: {  	s8 =	smul.u32 $0x13C000, s9;
	s9 =	smax.u32 s10, $0x1;
	s10 =	simm.s32 $0x2  }
.LBB2_1:
0xc: {  	s17 =	simm.s32 $0x0  }
.LBB2_2:
0xd: {  	s18 =	sshll.u32 s17, $0x7  }
0xe: {  	s19 =	sand.u32 $0x3C00, s18  }
0xf: {  	s18 =	sand.u32 $0x380, s18;
	s19 =	sadd.s32 s7, s19  }
0x10: {  	s18 =	sor.u32 s18, s19  }
0x11: {  	s18 =	sshrl.u32 s18, $0x3  }
0x12: {  	s20 =	simm.s32 $0x0;
	s31 =	sadd.s32 s4, s18  }
0x13: {  	[tilespmem:s20], [sflag:$0x2] =	stream.linear.gather [hbm4b:s31+s20], $0x80, $0x38;
	[tilespmem:$0xC100] =	vst v63  }
0x14: {  	_ =	swait.ge [sflag:s10], $0x80  }
0x15: {  	[sflag:s10] =	ssyncset.done $0x0  }
0x16: {  	s18 =	sadd.s32 s5, s18;
	[sflag:s10] =	ssyncadd.s32 $0xFFFFFF80  }
0x17: {  	[tilespmem:s11], [sflag:$0x2] =	stream.linear.gather [hbm4b:s18+s20], $0x80, $0x38;
	[tilespmem:$0xC100] =	vst v63  }
0x18: {  	_ =	swait.ge [sflag:s10], $0x80  }
0x19: {  	[sflag:s10] =	ssyncset.done $0x0  }
0x1a: {  	[sflag:s10] =	ssyncadd.s32 $0xFFFFFF80  }
0x1b: {  	[tilespmem:s12], [sflag:$0x1] =	stream.indirect.gather [hbm4b:s1+s11], $0x80, s20, s11, $0xb8;
	[tilespmem:$0xC100] =	vst v63  }
0x1c: {  	_ = 	snop  }
0x1d: {  	[tilespmem:s13], [sflag:$0x1] =	stream.indirect.gather [hbm4b:s1+s11], $0x80, s11, s11, $0xb8;
	[tilespmem:$0xC100] =	vst v63  }
0x1e: {  	_ =	swait.ge [sflag:s14], $0x4000  }
0x1f: {  	[sflag:s14] =	ssyncset.done $0x0  }
0x20: {  	[sflag:s14] =	ssyncadd.s32 $0xFFFFC000  }
0x21: {  	_ =	swait.ge [sflag:s14], $0x4000  }
0x22: {  	[sflag:s14] =	ssyncset.done $0x0  }
0x23: {  	s18 =	simm.s32 $0x0;
	[sflag:s14] =	ssyncadd.s32 $0xFFFFC000  }
0x24: {  	v3 =	vld [tilespmem:s18+$0x100]  }
0x25: {  	v4 =	vld [tilespmem:s18+$0x4100]  }
0x26: {  	v5 =	vld [tilespmem:s18+$0x110]  }
0x27: {  	v6 =	vld [tilespmem:s18+$0x4110]  }
0x28: {  	v7 =	vld [tilespmem:s18+$0x120]  }
0x29: {  	v8 =	vld [tilespmem:s18+$0x4120]  }
0x2a: {  	v0 =	vld [tilespmem:s18+$0x130]  }
0x2b: {  	s19 =	simm.s32 $0x80;
	v2 =	vld [tilespmem:s18+$0x4130]  }
0x2c: {  	v1 =	vld [tilespmem:s19+$0x100];
	v9 =	vmul.f32 v4, v3;
	v5 =	vmul.f32 v6, v5  }
0x2d: {  	v3 =	vld [tilespmem:s19+$0x4100]  }
0x2e: {  	s20 =	simm.s32 $0x400;
	v4 =	vld [tilespmem:s19+$0x110];
	v6 =	vmul.f32 v8, v7;
	v5 =	vadd.f32 v5, v9  }
.LBB2_3:
0x2f: {  	p0 =	sne.s32 s20, $0xFE00;
	v7 =	vld [tilespmem:s19+$0x4110]  }
0x30: {  	v8 =	vld [tilespmem:s19+$0x120];
	v5 =	vadd.f32 v6, v5;
	v2 =	vmul.f32 v2, v0  }
0x31: {  	v6 =	vld [tilespmem:s19+$0x4120]  }
.Ltmp0:
0x32: {  	v0 =	vld [tilespmem:s19+$0x130];
	v5 =	vadd.f32 v2, v5;
	(pc) =	sbr.rel @p0 .LBB2_3-.Ltmp0, $4  }
0x33: {  	s21 =	sshra.s32 s20, $0x2;
	v2 =	vld [tilespmem:s19+$0x4130]  }
0x34: {  	v9 =	vmul.f32 v3, v1;
	v1 =	vld [tilespmem:s21+$0x100];
	v7 =	vmul.f32 v7, v4;
	[tilespmem:s18+$0x8100] =	vst v5;
	s18 =	smov.u32 s19;
	s19 =	smov.u32 s21  }
0x35: {  	v3 =	vld [tilespmem:s19+$0x4100]  }
0x36: {  	s20 =	sadd.s32 $0x200, s20;
	v4 =	vld [tilespmem:s19+$0x110];
	v5 =	vadd.f32 v7, v9;
	v6 =	vmul.f32 v6, v8  }
0x37: {  	v7 =	vld [tilespmem:s19+$0x4110]  }
0x38: {  	v8 =	vld [tilespmem:s19+$0x120]  }
0x39: {  	v9 =	vld [tilespmem:s19+$0x4120]  }
0x3a: {  	v10 =	vld [tilespmem:s19+$0x130]  }
0x3b: {  	v11 =	vld [tilespmem:s19+$0x4130]  }
0x3c: {  	v1 =	vmul.f32 v3, v1;
	v60 =	vmul.f32 v7, v4;
	_ =	sdelay $0x1  }
0x3d: {  	v61 =	vmul.f32 v9, v8;
	v1 =	vadd.f32 v60, v1  }
0x3e: {  	v62 =	vadd.f32 v6, v5;
	v0 =	vmul.f32 v2, v0  }
0x3f: {  	v63 =	vmul.f32 v11, v10;
	v1 =	vadd.f32 v61, v1  }
0x40: {  	s20 =	sshll.u32 s17, $0xE;
	v0 =	vadd.f32 v0, v62  }
0x41: {  	s17 =	sadd.s32 $0x1, s17;
	s20 =	sadd.s32 s8, s20;
	v1 =	vadd.f32 v63, v1  }
0x42: {  	p0 =	sne.s32 s17, $0x4F;
	s31 =	sshrl.u32 s20, $0x3;
	[tilespmem:s18+$0x8100] =	vst v0  }
.Ltmp1:
0x43: {  	s18 =	sadd.s32 s6, s31;
	[tilespmem:s19+$0x8100] =	vst v1;
	(pc) =	sbr.rel @p0 .LBB2_2-.Ltmp1, $4  }
0x44: {  	[hbm4b:s18+s3] =	stream.linear.scatter [tilespmem:s15], [sflag:$0x2], $0x4000, $0x38;
	[tilespmem:$0xC100] =	vst v63  }
0x45: {  	_ =	swait.ge [sflag:s10], $0x4000  }
0x46: {  	[sflag:s10] =	ssyncset.done $0x0  }
0x47: {  	[sflag:s10] =	ssyncadd.s32 $0xFFFFC000  }
0x48: {  	s16 =	sadd.s32 $0x1, s16  }
0x49: {  	p0 =	sne.s32 s16, s9  }
.Ltmp2:
0x4a: {  	_ = 	snop;
	(pc) =	sbr.rel @p0 .LBB2_1-.Ltmp2, $1  }
0x4b: {  	_ =	sdelay $0x3  }
0x4c: {  	_ =	sfence.sel $0x180000  }
0x4d: {  	[bflag:$0x0] =	sbarrier.arrive $0xFFFF  }
0x4e: {  	p0 =	sne.s32 s2, $0x0;
	_ =	strace $0x90000068  }
0x4f: {  	s0 =	sadd.s32 @!p0 $0x100000, s0;
	[bflag:$0x2] =	sbarrier.arrive $0xFFFF  }
0x50: {  	[sflag:s0] =	ssyncadd.tile.s32 @!p0 $0x1;
	_ =	shalt  }
.Lfunc_end2:
_tile_overlayer_lowered:
.L_overlay_start_2:
0x51: {  	(tag) =	ssettag $0x2  }
0x52: {  	s0 =	rddreg [dreg:$0x0];
	s2 =	stileid.u32  }
0x53: {  	s1 =	rddreg [dreg:$0x1];
	p0 =	sne.s32 s2, $0x0  }
0x54: {  	s3 =	rddreg [dreg:$0x2];
	[bflag:$0x3] =	sbarrier.arrive $0xFFFF;
	s2 =	simm.s32 @!p0 $0x1C02  }
0x55: {  	[timem:s3], [sflag:s2] =	dma.local @!p0 [hbm:s0], s1  }
0x56: {  	s0 =	simm.s32 @!p0 $0x2  }
0x57: {  	_ =	swait.ge @!p0 [sflag:s0], s1  }
0x58: {  	s1 =	ssub.s32 @!p0 $0x0, s1;
	[sflag:s0] =	ssyncset.done @!p0 $0x0  }
0x59: {  	[sflag:s0] =	ssyncadd.s32 @!p0 s1  }
0x5a: {  	[bflag:$0x3] =	sbarrier.arrive $0xFFFF  }
0x5b: {  	_ =	shalt  }

// kernel: kernel.74.cloned.1.call-start
scs
__scs_entry_jumppad:
0x0: {  	(pc) =	sbr.rel $0x88, $3  }
0x1: {  	(tag) =	ssettag $0x0;
	lr =	simm.s32 $0x1  }
0x2: {  	[smem:$0x3F8B] =	sst lr;
	_ =	strace $0xD0000000  }
0x3: {  	_ = 	snop  }
0x4: {  	_ = 	snop  }
0x5: {  	_ = 	snop  }
0x6: {  	_ = 	snop  }
0x7: {  	_ = 	snop  }
__scs_overlays_trampoline_lowered:
0x8: {  	[smem:$0x3F9A] =	sst s0  }
0x9: {  	[smem:$0x3F9B] =	sst s1  }
0xa: {  	[smem:$0x3F9C] =	sst s2  }
0xb: {  	[smem:$0x3F9D] =	sst s3  }
0xc: {  	[smem:$0x3F9E] =	sst s4  }
0xd: {  	[smem:$0x3F9F] =	sst s5  }
0xe: {  	[smem:$0x3FA0] =	sst s6  }
0xf: {  	[smem:$0x3FA1] =	sst s7  }
0x10: {  	[smem:$0x3FA2] =	sst s8  }
0x11: {  	[smem:$0x3FA3] =	sst s9;
	s0 =	simm.s32 @!p0 $0x0  }
0x12: {  	s1 =	sld [smem:$0x3F89];
	s0 =	simm.s32 @p0 $0x1  }
0x13: {  	[smem:$0x3FA4] =	sst s0;
	s0 =	simm.s32 @!p1 $0x0  }
0x14: {  	s2 =	sld [smem:$0x3F88];
	s0 =	simm.s32 @p1 $0x1  }
0x15: {  	[smem:$0x3FA5] =	sst s0;
	s0 =	simm.s32 @!p2 $0x0  }
0x16: {  	s3 =	sld [smem:$0x3FDB];
	s0 =	simm.s32 @p2 $0x1  }
0x17: {  	s4 =	simm.s32 $0x1BF5;
	[smem:$0x3FA7] =	sst s0  }
0x18: {  	s0 =	sld [smem:$0x3F8A];
	_ =	swait.ge [sflag:s4], $0x0  }
0x19: {  	s7 =	sld [smem:$0x3F8B]  }
0x1a: {  	s8 =	sadd.s32 $0xFFFFE003, lr  }
0x1b: {  	s9 =	sadd.s32 $0xFFFFFEF7, lr;
	s5 =	simm.s32 $0xFFFFFFFF;
	p2 =	slt.u32 s8, $0xFFFFF086  }
0x1c: {  	p1 =	slt.u32 s9, $0xF7A;
	s5 =	simm.s32 @!p2 $0x0  }
0x1d: {  	s5 =	simm.s32 @p1 $0x1;
	p0 =	seq.s32 s7, s2  }
0x1e: {  	s7 =	smul.u32 @!p0 $0xF7A, s2;
	p2 =	seq.s32 @!p0 s5, $0x0  }
0x1f: {  	s9 =	smul.u32 $0xF7A, s1;
	s8 =	simm.s32 @!p0 $0x1BF5;
	p2 =	por !p2, p0  }
0x20: {  	[sflag:s8] =	ssyncset.s32 @!p0 $0xFFFFF086;
	s6 =	sadd.s32 @!p0 s3, s7;
	s7 =	simm.s32 @!p0 $0x108  }
0x21: {  	s3 =	sadd.s32 s3, s9;
	s6 =	sadd.s32 @!p0 $0x88, s6;
	s7 =	simm.s32 @p2 $0x1082  }
0x22: {  	[simem:s7], [sflag:s8] =	dma.local @!p0 [hbm:s6], $0xF7A  }
0x23: {  	s9 =	sor.u32 $0xD0000000, s2;
	s6 =	simm.s32 $0x108;
	_ =	swait.ge @!p0 [sflag:s8], $0x0  }
0x24: {  	s3 =	sadd.s32 $0x88, s3;
	s6 =	simm.s32 @!p1 $0x1082;
	[sflag:s4] =	ssyncset.s32 $0xFFFFF086  }
0x25: {  	[simem:s6], [sflag:s4] =	dma.local [hbm:s3], $0xF7A  }
0x26: {  	[smem:$0x3F8B] =	sst s1;
	(tag) =	ssettag s2;
	_ =	strace s9  }
0x27: {  	s1 =	sld [smem:$0x3F9B]  }
0x28: {  	s2 =	sld [smem:$0x3F9C]  }
0x29: {  	s4 =	sld [smem:$0x3F9E]  }
0x2a: {  	p0 =	seq.s32 s5, $0x0;
	s5 =	sld [smem:$0x3F9F]  }
0x2b: {  	s6 =	sld [smem:$0x3FA0]  }
0x2c: {  	s7 =	sld [smem:$0x3FA1]  }
0x2d: {  	s3 =	simm.s32 $0x108;
	s8 =	sld [smem:$0x3FA2]  }
0x2e: {  	s3 =	simm.s32 @!p0 $0x1082;
	s9 =	sld [smem:$0x3FA3]  }
0x2f: {  	lr =	sadd.s32 s0, s3;
	s0 =	sld [smem:$0x3F9A]  }
0x30: {  	s3 =	sld [smem:$0x3F9D]  }
0x31: {  	[smem:$0x3FA6] =	sst s10  }
0x32: {  	s10 =	sld [smem:$0x3FA4];
	_ =	sdelay $0x3  }
0x33: {  	p0 =	seq.s32 s10, $0x1;
	s10 =	sld [smem:$0x3FA6];
	_ =	sdelay $0x3  }
0x34: {  	[smem:$0x3FA6] =	sst s10  }
0x35: {  	s10 =	sld [smem:$0x3FA5];
	_ =	sdelay $0x3  }
0x36: {  	p1 =	seq.s32 s10, $0x1;
	s10 =	sld [smem:$0x3FA6];
	_ =	sdelay $0x3  }
0x37: {  	[smem:$0x3FA6] =	sst s10  }
0x38: {  	s10 =	sld [smem:$0x3FA7]  }
0x39: {  	_ = 	snop;
	(pc) =	sbr.ind lr, $3  }
0x3a: {  	_ = 	snop  }
0x3b: {  	_ = 	snop  }
0x3c: {  	p2 =	seq.s32 s10, $0x1;
	s10 =	sld [smem:$0x3FA6]  }
0x3d: {  	_ =	shalt  }
0x3e: {  	_ =	shalt  }
0x3f: {  	_ =	shalt  }
0x40: {  	_ =	shalt  }
0x41: {  	_ =	shalt  }
0x42: {  	_ =	shalt  }
0x43: {  	_ =	shalt  }
0x44: {  	_ =	shalt  }
0x45: {  	_ =	shalt  }
0x46: {  	_ =	shalt  }
0x47: {  	_ =	shalt  }
0x48: {  	_ =	shalt  }
0x49: {  	_ =	shalt  }
0x4a: {  	_ =	shalt  }
0x4b: {  	_ =	shalt  }
0x4c: {  	_ =	shalt  }
0x4d: {  	_ =	shalt  }
0x4e: {  	_ =	shalt  }
0x4f: {  	_ =	shalt  }
0x50: {  	_ =	shalt  }
0x51: {  	_ =	shalt  }
0x52: {  	_ =	shalt  }
0x53: {  	_ =	shalt  }
0x54: {  	_ =	shalt  }
0x55: {  	_ =	shalt  }
0x56: {  	_ =	shalt  }
0x57: {  	_ =	shalt  }
0x58: {  	_ =	shalt  }
0x59: {  	_ =	shalt  }
0x5a: {  	_ =	shalt  }
0x5b: {  	_ =	shalt  }
0x5c: {  	_ =	shalt  }
0x5d: {  	_ =	shalt  }
0x5e: {  	_ =	shalt  }
0x5f: {  	_ =	shalt  }
0x60: {  	_ =	shalt  }
0x61: {  	_ =	shalt  }
0x62: {  	_ =	shalt  }
0x63: {  	_ =	shalt  }
0x64: {  	_ =	shalt  }
0x65: {  	_ =	shalt  }
0x66: {  	_ =	shalt  }
0x67: {  	_ =	shalt  }
0x68: {  	_ =	shalt  }
0x69: {  	_ =	shalt  }
0x6a: {  	_ =	shalt  }
0x6b: {  	_ =	shalt  }
0x6c: {  	_ =	shalt  }
0x6d: {  	_ =	shalt  }
0x6e: {  	_ =	shalt  }
0x6f: {  	_ =	shalt  }
0x70: {  	_ =	shalt  }
0x71: {  	_ =	shalt  }
0x72: {  	_ =	shalt  }
0x73: {  	_ =	shalt  }
0x74: {  	_ =	shalt  }
0x75: {  	_ =	shalt  }
0x76: {  	_ =	shalt  }
0x77: {  	_ =	shalt  }
0x78: {  	_ =	shalt  }
0x79: {  	_ =	shalt  }
0x7a: {  	_ =	shalt  }
0x7b: {  	_ =	shalt  }
0x7c: {  	_ =	shalt  }
0x7d: {  	_ =	shalt  }
0x7e: {  	_ =	shalt  }
0x7f: {  	_ =	shalt  }
0x80: {  	_ =	shalt  }
0x81: {  	_ =	shalt  }
0x82: {  	_ =	shalt  }
0x83: {  	_ =	shalt  }
0x84: {  	_ =	shalt  }
0x85: {  	_ =	shalt  }
0x86: {  	_ =	shalt  }
0x87: {  	_ =	shalt  }
.Lfunc_end0:
.L_simem_size_0:
called_computation.11_lowered:
.L_overlay_start_0:
0x88: {  	s2 =	sld [smem:$0x3FD9]  }
0x89: {  	s3 =	sld [smem:$0x3FFE];
	_ =	sdelay $0x1  }
0x8a: {  	s1 =	srdreg.scid  }
0x8b: {  	s0 =	sand.u32 $0x1, s1  }
0x8c: {  	s16 =	sshll.u32 s0, $0xA;
	s2 =	sadd.s32 s3, s2  }
0x8d: {  	s2 =	sadd.s32 s2, s16  }
0x8e: {  	[smem:$0x3FB2] =	sst s2  }
0x8f: {  	_ = 	snop  }
0x90: {  	(tm) =	ssettm $0x1  }
0x91: {  	s17 =	sld [smem:$0x3FFB];
	_ =	sdelay $0x3  }
0x92: {  	_ =	strace s17  }
0x93: {  	s2 =	sld [smem:$0x3FFC];
	_ =	sdelay $0x3  }
0x94: {  	_ =	strace s2  }
0x95: {  	s2 =	sld [smem:$0x3FFD];
	_ =	sdelay $0x3  }
0x96: {  	_ =	strace s2  }
0x97: {  	_ =	strace $0x8FFFFFFF  }
0x98: {  	s18 =	sld [smem:$0x3FDB];
	_ =	sdelay $0x1  }
0x99: {  	s19 =	simm.s32 $_scs_section_size  }
0x9a: {  	s4 =	simm.s32 $_size__tile_overlayer_lowered;
	s5 =	simm.s32 $_tile_overlayer_lowered  }
0x9b: {  	s22 =	simm.s32 $0x1BFF;
	s21 =	sshll.u32 s5, $0x1;
	s2 =	sadd.s32 s19, s18  }
0x9c: {  	s6 =	simm.s32 $0x0;
	s20 =	sshll.u32 s4, $0x1;
	s4 =	sadd.s32 s21, s2  }
0x9d: {  	[timem:s6], [sflag:s22] =	dma.local [hbm:s4], s20  }
0x9e: {  	_ =	swait.ge [sflag:s22], s20  }
0x9f: {  	s3 =	ssub.s32 $0x0, s20;
	[sflag:s22] =	ssyncset.done $0x0  }
0xa0: {  	[sflag:s22] =	ssyncadd.s32 s3;
	_ =	sdelay $0x1  }
0xa1: {  	s23 =	simm.s32 $0x1B8B  }
0xa2: {  	_ =	swait.ge [sflag:s23], $0x1  }
0xa3: {  	[sflag:s23] =	ssyncset.done $0x0  }
0xa4: {  	s25 =	simm.s32 $0x1B8E;
	s24 =	sld [smem:$0x3FFE];
	[sflag:s23] =	ssyncadd.s32 $0xFFFFFFFF  }
0xa5: {  	s26 =	simm.s32 $execute0_lowered;
	[smem:$0x3FD2] =	sst s25  }
0xa6: {  	s4 =	sshll.u32 s26, $0x1;
	_ =	strace $0x80000061;
	[dreg:$0x1] =	wrdreg $0xFFFFFFFF  }
0xa7: {  	s28 =	simm.s32 $_size_execute0_lowered;
	s2 =	sadd.s32 s2, s4;
	[dreg:$0x0] =	wrdreg $0x0  }
0xa8: {  	s4 =	sshll.u32 s28, $0x1;
	[dreg:$0x2] =	wrdreg s2  }
0xa9: {  	[dreg:$0x3] =	wrdreg s4  }
0xaa: {  	[dreg:$0x4] =	wrdreg $0xC0  }
0xab: {  	_ =	task [dreg:s6], $0x5FFFF  }
0xac: {  	[dreg:$0x1] =	wrdreg $0xFFFFFFFF  }
0xad: {  	[dreg:$0x0] =	wrdreg $0x60  }
0xae: {  	[dreg:$0x2] =	wrdreg s24  }
0xaf: {  	[dreg:$0x3] =	wrdreg $0x0  }
0xb0: {  	[dreg:$0x4] =	wrdreg $0xB  }
0xb1: {  	_ =	task.clear_ibuf [dreg:s6], $0x5FFFF;
	_ =	strace $0x90000061  }
0xb2: {  	s29 =	simm.s32 $0xB;
	_ =	strace $0x80000063  }
0xb3: {  	_ =	swait.ge [sflag:s29], $0x1  }
0xb4: {  	[sflag:s29] =	ssyncadd.s32 $0xFFFFFFFF  }
0xb5: {  	_ =	strace $0x90000063  }
0xb6: {  	_ =	sfence  }
0xb7: {  	s30 =	sld [smem:$0x0];
	_ =	sdelay $0x2  }
0xb8: {  	s31 =	sshll.u32 s1, $0xD;
	s1 =	sshrl.u32 s1, $0x2  }
0xb9: {  	s3 =	sand.u32 $0x4000, s31;
	s1 =	sadd.s32 s1, s30  }
0xba: {  	s0 =	sor.u32 s3, s0;
	s1 =	sshll.u32 s1, $0x11  }
0xbb: {  	s0 =	sor.u32 s1, s0  }
0xbc: {  	s0 =	sadd.s32 $0x8F2B, s0  }
0xbd: {  	[sflag:s0] =	ssyncadd.remote.s32 $0x1  }
0xbe: {  	_ =	sfence.sel $0xFFFF  }
0xbf: {  	[dreg:$0x0] =	wrdreg $0xFFFFFFFF;
	(pc) =	sbr.abs _section_cstart, $3  }
0xc0: {  	[dreg:$0x1] =	wrdreg $0xFFFFFFFF  }
0xc1: {  	_ =	task.clear_ibuf [dreg:s6], $0x2FFFF;
	_ =	strace $0x9FFFFFFF  }
0xc2: {  	(tm) =	ssettm $0x7FFFFFFF  }
0xc3: {  	_ =	shalt  }
tec
execute0_lowered:
.L_overlay_start_1:
0x0: {  	(tag) =	ssettag $0x1  }
0x1: {  	s8 =	rddreg [dreg:$0x0]  }
0x2: {  	s1 =	rddreg [dreg:$0x1]  }
0x3: {  	s2 =	srdreg.scid;
	s0 =	rddreg [dreg:$0x2]  }
0x4: {  	s3 =	simm.s32 $0x0;
	s15 =	simm.s32 $0x14000;
	s16 =	simm.s32 $0x80  }
0x5: {  	s17 =	simm.s32 $0x14100;
	s18 =	simm.s32 $0x1;
	s19 =	simm.s32 $0x2  }
0x6: {  	s20 =	simm.s32 $0x0;
	s9 =	sand.u32 $0x1, s2;
	s2 =	stileid.u32  }
0x7: {  	[smem:$0x7FF] =	sst s3;
	s4 =	sadd.s32 $0xD2E00, s8;
	s7 =	smul.u32 $0x140000, s9  }
0x8: {  	s5 =	sadd.s32 $0x29800, s8;
	s6 =	sadd.s32 $0x1F800, s8;
	s10 =	smul.u32 $0x14000, s2  }
0x9: {  	_ =	strace $0x80000062;
	s28 =	ssub.s32 $0x2, s9;
	s13 =	smul.u32 $0x50000, s2  }
0xa: {  	s29 =	sshll.u32 s2, $0x1;
	s31 =	sshll.u32 s2, $0x6;
	s12 =	sshrl.u32 s28, $0x1  }
0xb: {  	s9 =	sor.u32 s9, s29;
	s7 =	sadd.s32 s10, s7;
	s12 =	ssub.s32 s28, s12  }
0xc: {  	s30 =	sshrl.u32 s13, $0x2;
	s9 =	smul.u32 $0x2800, s9;
	s11 =	sshrl.u32 s7, $0x3  }
0xd: {  	s13 =	simm.s32 $0x3;
	s7 =	sadd.s32 $0x33800, s8;
	s11 =	sadd.s32 s11, s8  }
0xe: {  	s14 =	sadd.s32 s30, s1;
	s8 =	sor.u32 $0x1C03, s31;
	s10 =	sadd.s32 $0x173E00, s11  }
0xf: {  	s11 =	smax.u32 s12, $0x1;
	s12 =	sshrl.u32 s14, $0x3;
	s14 =	simm.s32 $0x14080  }
.LBB2_1:
0x10: {  	[spmem:s12], [sflag:s8] =	dma.local [hbm:s7], $0x2800  }
0x11: {  	s21 =	sand.u32 $0x3C00, s3  }
0x12: {  	s22 =	sand.u32 $0x380, s3;
	_ =	swait.ge [sflag:s13], $0x2800;
	s21 =	sadd.s32 s9, s21  }
0x13: {  	[sflag:s13] =	ssyncset.done $0x0;
	s21 =	sor.u32 s22, s21  }
0x14: {  	[sflag:s13] =	ssyncadd.s32 $0xFFFFD800;
	s21 =	sshrl.u32 s21, $0x3  }
0x15: {  	[bflag:$0x0] =	sbarrier.arrive $0xFFFF;
	s29 =	sadd.s32 s6, s21  }
0x16: {  	[tilespmem:s14], [sflag:$0x3] =	stream.linear.gather [hbm4b:s29+s3], $0x80, $0x38;
	[tilespmem:$0x18100] =	vst v63  }
0x17: {  	_ =	swait.ge [sflag:s13], $0x80  }
0x18: {  	[sflag:s13] =	ssyncset.done $0x0  }
0x19: {  	s21 =	sadd.s32 s5, s21;
	[sflag:s13] =	ssyncadd.s32 $0xFFFFFF80  }
0x1a: {  	[tilespmem:s15], [sflag:$0x3] =	stream.linear.gather [hbm4b:s21+s3], $0x80, $0x38;
	[tilespmem:$0x18100] =	vst v63  }
0x1b: {  	_ =	swait.ge [sflag:s13], $0x80  }
0x1c: {  	[sflag:s13] =	ssyncset.done $0x0  }
0x1d: {  	[sflag:s13] =	ssyncadd.s32 $0xFFFFFF80  }
0x1e: {  	[tilespmem:s17], [sflag:$0x1] =	stream.indirect.gather [hbm4b:s4+s16], $0x80, s14, s16, $0xb8;
	[tilespmem:$0x18100] =	vst v63  }
0x1f: {  	_ =	swait.ge [sflag:s18], $0x4000  }
0x20: {  	s30 =	simm.s32 $0x80;
	[sflag:s18] =	ssyncset.done $0x0  }
0x21: {  	s31 =	sand.u32 $0x3C00, s30;
	[sflag:s18] =	ssyncadd.s32 $0xFFFFC000  }
0x22: {  	[spmem:s1] =	stream.indirect.scatter.add.f32 [tilespmem:s17], [sflag:$0x2], $0x80, s15, s16, $0xb8;
	[tilespmem:$0x18100] =	vst v63  }
0x23: {  	s23 =	sand.u32 $0x380, s30;
	s22 =	sadd.s32 s9, s31;
	_ =	swait.ge [sflag:s19], $0x4000  }
0x24: {  	s22 =	sor.u32 s23, s22;
	s21 =	simm.s32 $0x100;
	[sflag:s19] =	ssyncset.done $0x0  }
.LBB2_2:
0x25: {  	s22 =	sshrl.u32 s22, $0x3  }
0x26: {  	[sflag:s19] =	ssyncadd.s32 $0xFFFFC000;
	s23 =	smov.u32 s21;
	s24 =	sadd.s32 $0x80, s21  }
0x27: {  	p0 =	sne.s32 s21, $0x2780;
	s21 =	sadd.s32 s6, s22  }
0x28: {  	[tilespmem:s14], [sflag:$0x3] =	stream.linear.gather [hbm4b:s21+s3], $0x80, $0x38;
	[tilespmem:$0x18100] =	vst v63  }
0x29: {  	_ =	swait.ge [sflag:s13], $0x80  }
0x2a: {  	[sflag:s13] =	ssyncset.done $0x0  }
0x2b: {  	s21 =	sadd.s32 s5, s22;
	[sflag:s13] =	ssyncadd.s32 $0xFFFFFF80  }
0x2c: {  	[tilespmem:s15], [sflag:$0x3] =	stream.linear.gather [hbm4b:s21+s3], $0x80, $0x38;
	[tilespmem:$0x18100] =	vst v63  }
0x2d: {  	_ =	swait.ge [sflag:s13], $0x80  }
0x2e: {  	[sflag:s13] =	ssyncset.done $0x0  }
0x2f: {  	[sflag:s13] =	ssyncadd.s32 $0xFFFFFF80  }
0x30: {  	[tilespmem:s17], [sflag:$0x1] =	stream.indirect.gather [hbm4b:s4+s16], $0x80, s14, s16, $0xb8;
	[tilespmem:$0x18100] =	vst v63  }
0x31: {  	_ =	swait.ge [sflag:s18], $0x4000  }
.Ltmp0:
0x32: {  	[sflag:s18] =	ssyncset.done $0x0;
	(pc) =	sbr.rel @p0 .LBB2_2-.Ltmp0, $4  }
0x33: {  	s21 =	sand.u32 $0x3C00, s23;
	[sflag:s18] =	ssyncadd.s32 $0xFFFFC000  }
0x34: {  	[spmem:s1] =	stream.indirect.scatter.add.f32 [tilespmem:s17], [sflag:$0x2], $0x80, s15, s16, $0xb8;
	[tilespmem:$0x18100] =	vst v63  }
0x35: {  	s22 =	sand.u32 $0x380, s23;
	s21 =	sadd.s32 s9, s21;
	_ =	swait.ge [sflag:s19], $0x4000  }
0x36: {  	s22 =	sor.u32 s22, s21;
	s21 =	smov.u32 s24;
	[sflag:s19] =	ssyncset.done $0x0  }
0x37: {  	s21 =	sshrl.u32 s22, $0x3  }
0x38: {  	[sflag:s19] =	ssyncadd.s32 $0xFFFFC000;
	s22 =	sadd.s32 s6, s21  }
0x39: {  	[tilespmem:s14], [sflag:$0x3] =	stream.linear.gather [hbm4b:s22+s3], $0x80, $0x38;
	[tilespmem:$0x18100] =	vst v63  }
0x3a: {  	_ =	swait.ge [sflag:s13], $0x80  }
0x3b: {  	[sflag:s13] =	ssyncset.done $0x0  }
0x3c: {  	s21 =	sadd.s32 s5, s21;
	[sflag:s13] =	ssyncadd.s32 $0xFFFFFF80  }
0x3d: {  	[tilespmem:s15], [sflag:$0x3] =	stream.linear.gather [hbm4b:s21+s3], $0x80, $0x38;
	[tilespmem:$0x18100] =	vst v63  }
0x3e: {  	_ =	swait.ge [sflag:s13], $0x80  }
0x3f: {  	[sflag:s13] =	ssyncset.done $0x0  }
0x40: {  	[sflag:s13] =	ssyncadd.s32 $0xFFFFFF80  }
0x41: {  	[tilespmem:s17], [sflag:$0x1] =	stream.indirect.gather [hbm4b:s4+s16], $0x80, s14, s16, $0xb8;
	[tilespmem:$0x18100] =	vst v63  }
0x42: {  	_ =	swait.ge [sflag:s18], $0x4000  }
0x43: {  	[sflag:s18] =	ssyncset.done $0x0  }
0x44: {  	[sflag:s18] =	ssyncadd.s32 $0xFFFFC000  }
0x45: {  	[spmem:s1] =	stream.indirect.scatter.add.f32 [tilespmem:s17], [sflag:$0x2], $0x80, s15, s16, $0xb8;
	[tilespmem:$0x18100] =	vst v63  }
0x46: {  	_ =	swait.ge [sflag:s19], $0x4000  }
0x47: {  	s20 =	sadd.s32 $0x1, s20;
	[sflag:s19] =	ssyncset.done $0x0  }
0x48: {  	p0 =	sne.s32 s20, s11;
	[sflag:s19] =	ssyncadd.s32 $0xFFFFC000  }
.Ltmp1:
0x49: {  	[bflag:$0x0] =	sbarrier.arrive $0xFFFF;
	(pc) =	sbr.rel @p0 .LBB2_1-.Ltmp1, $4  }
0x4a: {  	[hbm:s10], [sflag:s8] =	dma.local [spmem:s12], $0x2800  }
0x4b: {  	_ =	swait.ge [sflag:s13], $0x2800  }
0x4c: {  	[sflag:s13] =	ssyncset.done $0x0  }
0x4d: {  	[sflag:s13] =	ssyncadd.s32 $0xFFFFD800  }
0x4e: {  	_ =	sfence.sel $0x180000  }
0x4f: {  	[bflag:$0x0] =	sbarrier.arrive $0xFFFF  }
0x50: {  	p0 =	sne.s32 s2, $0x0;
	_ =	strace $0x90000062  }
0x51: {  	s0 =	sadd.s32 @!p0 $0x100000, s0;
	[bflag:$0x2] =	sbarrier.arrive $0xFFFF  }
0x52: {  	[sflag:s0] =	ssyncadd.tile.s32 @!p0 $0x1;
	_ =	shalt  }
.Lfunc_end2:
_tile_overlayer_lowered:
.L_overlay_start_2:
0x53: {  	(tag) =	ssettag $0x2  }
0x54: {  	s0 =	rddreg [dreg:$0x0];
	s2 =	stileid.u32  }
0x55: {  	s1 =	rddreg [dreg:$0x1];
	p0 =	sne.s32 s2, $0x0  }
0x56: {  	s3 =	rddreg [dreg:$0x2];
	[bflag:$0x3] =	sbarrier.arrive $0xFFFF;
	s2 =	simm.s32 @!p0 $0x1C03  }
0x57: {  	[timem:s3], [sflag:s2] =	dma.local @!p0 [hbm:s0], s1  }
0x58: {  	s0 =	simm.s32 @!p0 $0x3  }
0x59: {  	_ =	swait.ge @!p0 [sflag:s0], s1  }
0x5a: {  	s1 =	ssub.s32 @!p0 $0x0, s1;
	[sflag:s0] =	ssyncset.done @!p0 $0x0  }
0x5b: {  	[sflag:s0] =	ssyncadd.s32 @!p0 s1  }
0x5c: {  	[bflag:$0x3] =	sbarrier.arrive $0xFFFF  }
0x5d: {  	_ =	shalt  }

// kernel: kernel.77.cloned.1.call-start
scs
__scs_entry_jumppad:
0x0: {  	(pc) =	sbr.rel $0x88, $3  }
0x1: {  	(tag) =	ssettag $0x0;
	lr =	simm.s32 $0x1  }
0x2: {  	[smem:$0x3F8B] =	sst lr;
	_ =	strace $0xD0000000  }
0x3: {  	_ = 	snop  }
0x4: {  	_ = 	snop  }
0x5: {  	_ = 	snop  }
0x6: {  	_ = 	snop  }
0x7: {  	_ = 	snop  }
__scs_overlays_trampoline_lowered:
0x8: {  	[smem:$0x3F9A] =	sst s0  }
0x9: {  	[smem:$0x3F9B] =	sst s1  }
0xa: {  	[smem:$0x3F9C] =	sst s2  }
0xb: {  	[smem:$0x3F9D] =	sst s3  }
0xc: {  	[smem:$0x3F9E] =	sst s4  }
0xd: {  	[smem:$0x3F9F] =	sst s5  }
0xe: {  	[smem:$0x3FA0] =	sst s6  }
0xf: {  	[smem:$0x3FA1] =	sst s7  }
0x10: {  	[smem:$0x3FA2] =	sst s8  }
0x11: {  	[smem:$0x3FA3] =	sst s9;
	s0 =	simm.s32 @!p0 $0x0  }
0x12: {  	s1 =	sld [smem:$0x3F89];
	s0 =	simm.s32 @p0 $0x1  }
0x13: {  	[smem:$0x3FA4] =	sst s0;
	s0 =	simm.s32 @!p1 $0x0  }
0x14: {  	s2 =	sld [smem:$0x3F88];
	s0 =	simm.s32 @p1 $0x1  }
0x15: {  	[smem:$0x3FA5] =	sst s0;
	s0 =	simm.s32 @!p2 $0x0  }
0x16: {  	s3 =	sld [smem:$0x3FDB];
	s0 =	simm.s32 @p2 $0x1  }
0x17: {  	s4 =	simm.s32 $0x1BF5;
	[smem:$0x3FA7] =	sst s0  }
0x18: {  	s0 =	sld [smem:$0x3F8A];
	_ =	swait.ge [sflag:s4], $0x0  }
0x19: {  	s7 =	sld [smem:$0x3F8B]  }
0x1a: {  	s8 =	sadd.s32 $0xFFFFE003, lr  }
0x1b: {  	s9 =	sadd.s32 $0xFFFFFEF7, lr;
	s5 =	simm.s32 $0xFFFFFFFF;
	p2 =	slt.u32 s8, $0xFFFFF086  }
0x1c: {  	p1 =	slt.u32 s9, $0xF7A;
	s5 =	simm.s32 @!p2 $0x0  }
0x1d: {  	s5 =	simm.s32 @p1 $0x1;
	p0 =	seq.s32 s7, s2  }
0x1e: {  	s7 =	smul.u32 @!p0 $0xF7A, s2;
	p2 =	seq.s32 @!p0 s5, $0x0  }
0x1f: {  	s9 =	smul.u32 $0xF7A, s1;
	s8 =	simm.s32 @!p0 $0x1BF5;
	p2 =	por !p2, p0  }
0x20: {  	[sflag:s8] =	ssyncset.s32 @!p0 $0xFFFFF086;
	s6 =	sadd.s32 @!p0 s3, s7;
	s7 =	simm.s32 @!p0 $0x108  }
0x21: {  	s3 =	sadd.s32 s3, s9;
	s6 =	sadd.s32 @!p0 $0x88, s6;
	s7 =	simm.s32 @p2 $0x1082  }
0x22: {  	[simem:s7], [sflag:s8] =	dma.local @!p0 [hbm:s6], $0xF7A  }
0x23: {  	s9 =	sor.u32 $0xD0000000, s2;
	s6 =	simm.s32 $0x108;
	_ =	swait.ge @!p0 [sflag:s8], $0x0  }
0x24: {  	s3 =	sadd.s32 $0x88, s3;
	s6 =	simm.s32 @!p1 $0x1082;
	[sflag:s4] =	ssyncset.s32 $0xFFFFF086  }
0x25: {  	[simem:s6], [sflag:s4] =	dma.local [hbm:s3], $0xF7A  }
0x26: {  	[smem:$0x3F8B] =	sst s1;
	(tag) =	ssettag s2;
	_ =	strace s9  }
0x27: {  	s1 =	sld [smem:$0x3F9B]  }
0x28: {  	s2 =	sld [smem:$0x3F9C]  }
0x29: {  	s4 =	sld [smem:$0x3F9E]  }
0x2a: {  	p0 =	seq.s32 s5, $0x0;
	s5 =	sld [smem:$0x3F9F]  }
0x2b: {  	s6 =	sld [smem:$0x3FA0]  }
0x2c: {  	s7 =	sld [smem:$0x3FA1]  }
0x2d: {  	s3 =	simm.s32 $0x108;
	s8 =	sld [smem:$0x3FA2]  }
0x2e: {  	s3 =	simm.s32 @!p0 $0x1082;
	s9 =	sld [smem:$0x3FA3]  }
0x2f: {  	lr =	sadd.s32 s0, s3;
	s0 =	sld [smem:$0x3F9A]  }
0x30: {  	s3 =	sld [smem:$0x3F9D]  }
0x31: {  	[smem:$0x3FA6] =	sst s10  }
0x32: {  	s10 =	sld [smem:$0x3FA4];
	_ =	sdelay $0x3  }
0x33: {  	p0 =	seq.s32 s10, $0x1;
	s10 =	sld [smem:$0x3FA6];
	_ =	sdelay $0x3  }
0x34: {  	[smem:$0x3FA6] =	sst s10  }
0x35: {  	s10 =	sld [smem:$0x3FA5];
	_ =	sdelay $0x3  }
0x36: {  	p1 =	seq.s32 s10, $0x1;
	s10 =	sld [smem:$0x3FA6];
	_ =	sdelay $0x3  }
0x37: {  	[smem:$0x3FA6] =	sst s10  }
0x38: {  	s10 =	sld [smem:$0x3FA7]  }
0x39: {  	_ = 	snop;
	(pc) =	sbr.ind lr, $3  }
0x3a: {  	_ = 	snop  }
0x3b: {  	_ = 	snop  }
0x3c: {  	p2 =	seq.s32 s10, $0x1;
	s10 =	sld [smem:$0x3FA6]  }
0x3d: {  	_ =	shalt  }
0x3e: {  	_ =	shalt  }
0x3f: {  	_ =	shalt  }
0x40: {  	_ =	shalt  }
0x41: {  	_ =	shalt  }
0x42: {  	_ =	shalt  }
0x43: {  	_ =	shalt  }
0x44: {  	_ =	shalt  }
0x45: {  	_ =	shalt  }
0x46: {  	_ =	shalt  }
0x47: {  	_ =	shalt  }
0x48: {  	_ =	shalt  }
0x49: {  	_ =	shalt  }
0x4a: {  	_ =	shalt  }
0x4b: {  	_ =	shalt  }
0x4c: {  	_ =	shalt  }
0x4d: {  	_ =	shalt  }
0x4e: {  	_ =	shalt  }
0x4f: {  	_ =	shalt  }
0x50: {  	_ =	shalt  }
0x51: {  	_ =	shalt  }
0x52: {  	_ =	shalt  }
0x53: {  	_ =	shalt  }
0x54: {  	_ =	shalt  }
0x55: {  	_ =	shalt  }
0x56: {  	_ =	shalt  }
0x57: {  	_ =	shalt  }
0x58: {  	_ =	shalt  }
0x59: {  	_ =	shalt  }
0x5a: {  	_ =	shalt  }
0x5b: {  	_ =	shalt  }
0x5c: {  	_ =	shalt  }
0x5d: {  	_ =	shalt  }
0x5e: {  	_ =	shalt  }
0x5f: {  	_ =	shalt  }
0x60: {  	_ =	shalt  }
0x61: {  	_ =	shalt  }
0x62: {  	_ =	shalt  }
0x63: {  	_ =	shalt  }
0x64: {  	_ =	shalt  }
0x65: {  	_ =	shalt  }
0x66: {  	_ =	shalt  }
0x67: {  	_ =	shalt  }
0x68: {  	_ =	shalt  }
0x69: {  	_ =	shalt  }
0x6a: {  	_ =	shalt  }
0x6b: {  	_ =	shalt  }
0x6c: {  	_ =	shalt  }
0x6d: {  	_ =	shalt  }
0x6e: {  	_ =	shalt  }
0x6f: {  	_ =	shalt  }
0x70: {  	_ =	shalt  }
0x71: {  	_ =	shalt  }
0x72: {  	_ =	shalt  }
0x73: {  	_ =	shalt  }
0x74: {  	_ =	shalt  }
0x75: {  	_ =	shalt  }
0x76: {  	_ =	shalt  }
0x77: {  	_ =	shalt  }
0x78: {  	_ =	shalt  }
0x79: {  	_ =	shalt  }
0x7a: {  	_ =	shalt  }
0x7b: {  	_ =	shalt  }
0x7c: {  	_ =	shalt  }
0x7d: {  	_ =	shalt  }
0x7e: {  	_ =	shalt  }
0x7f: {  	_ =	shalt  }
0x80: {  	_ =	shalt  }
0x81: {  	_ =	shalt  }
0x82: {  	_ =	shalt  }
0x83: {  	_ =	shalt  }
0x84: {  	_ =	shalt  }
0x85: {  	_ =	shalt  }
0x86: {  	_ =	shalt  }
0x87: {  	_ =	shalt  }
.Lfunc_end0:
.L_simem_size_0:
called_computation.12_lowered:
.L_overlay_start_0:
0x88: {  	s2 =	sld [smem:$0x3FD9]  }
0x89: {  	s3 =	sld [smem:$0x3FFE];
	_ =	sdelay $0x1  }
0x8a: {  	s1 =	srdreg.scid  }
0x8b: {  	s0 =	sand.u32 $0x1, s1  }
0x8c: {  	s17 =	sshll.u32 s0, $0xA;
	s2 =	sadd.s32 s3, s2  }
0x8d: {  	s2 =	sadd.s32 s2, s17  }
0x8e: {  	[smem:$0x3FB2] =	sst s2  }
0x8f: {  	_ = 	snop  }
0x90: {  	(tm) =	ssettm $0x1  }
0x91: {  	s18 =	sld [smem:$0x3FFB];
	_ =	sdelay $0x3  }
0x92: {  	_ =	strace s18  }
0x93: {  	s2 =	sld [smem:$0x3FFC];
	_ =	sdelay $0x3  }
0x94: {  	_ =	strace s2  }
0x95: {  	s2 =	sld [smem:$0x3FFD];
	_ =	sdelay $0x3  }
0x96: {  	_ =	strace s2  }
0x97: {  	_ =	strace $0x8FFFFFFF  }
0x98: {  	s19 =	sld [smem:$0x3FDB];
	_ =	sdelay $0x1  }
0x99: {  	s20 =	simm.s32 $_scs_section_size  }
0x9a: {  	s4 =	simm.s32 $_size__tile_overlayer_lowered;
	s5 =	simm.s32 $_tile_overlayer_lowered  }
0x9b: {  	s6 =	simm.s32 $0x1BFF;
	s21 =	sshll.u32 s5, $0x1;
	s3 =	sadd.s32 s20, s19  }
0x9c: {  	s22 =	simm.s32 $0x0;
	s4 =	sshll.u32 s4, $0x1;
	s5 =	sadd.s32 s21, s3  }
0x9d: {  	[timem:s22], [sflag:s6] =	dma.local [hbm:s5], s4  }
0x9e: {  	_ =	swait.ge [sflag:s6], s4  }
0x9f: {  	s4 =	ssub.s32 $0x0, s4;
	[sflag:s6] =	ssyncset.done $0x0  }
0xa0: {  	[sflag:s6] =	ssyncadd.s32 s4;
	_ =	sdelay $0x1  }
0xa1: {  	s23 =	simm.s32 $0x1B8B  }
0xa2: {  	_ =	swait.ge [sflag:s23], $0x1  }
0xa3: {  	[sflag:s23] =	ssyncset.done $0x0  }
0xa4: {  	[sflag:s23] =	ssyncadd.s32 $0xFFFFFFFF  }
0xa5: {  	s4 =	sld [smem:$0x0]  }
0xa6: {  	s5 =	sand.u32 $0xFFFFFFFE, s1  }
0xa7: {  	p0 =	sne.s32 s1, s5  }
0xa8: {  	s5 =	sshll.u32 @p0 s5, $0xE  }
0xa9: {  	s5 =	sadd.s32 @p0 $0x11B8D, s5;
	s6 =	sshll.u32 @p0 s4, $0x11  }
0xaa: {  	s5 =	sor.u32 @p0 s6, s5  }
0xab: {  	[sflag:s5] =	ssyncadd.remote.s32 @p0 $0x1;
	_ =	sdelay $0x1  }
0xac: {  	s5 =	simm.s32 @p0 $0x1B8D  }
0xad: {  	_ =	swait.eq @p0 [sflag:s5], $0x1  }
0xae: {  	[sflag:s5] =	ssyncadd.s32 @p0 $0xFFFFFFFF  }
0xaf: {  	s6 =	sshll.u32 @!p0 s1, $0xE  }
0xb0: {  	s6 =	sor.u32 @!p0 $0x4000, s6;
	s5 =	simm.s32 @!p0 $0x1B8D  }
0xb1: {  	s4 =	sshll.u32 @!p0 s4, $0x11;
	s6 =	sadd.s32 @!p0 $0x11B8D, s6;
	_ =	swait.eq @!p0 [sflag:s5], $0x1  }
0xb2: {  	s4 =	sor.u32 @!p0 s4, s6;
	[sflag:s5] =	ssyncadd.s32 @!p0 $0xFFFFFFFF  }
0xb3: {  	s25 =	simm.s32 $0x1B8E;
	s24 =	sld [smem:$0x3FFE];
	[sflag:s4] =	ssyncadd.remote.s32 @!p0 $0x1  }
0xb4: {  	s26 =	simm.s32 $execute0_lowered;
	[smem:$0x3FD2] =	sst s25  }
0xb5: {  	s5 =	sshll.u32 s26, $0x1;
	_ =	strace $0x8000006A;
	[dreg:$0x1] =	wrdreg $0xFFFFFFFF  }
0xb6: {  	s28 =	simm.s32 $_size_execute0_lowered;
	s3 =	sadd.s32 s3, s5;
	[dreg:$0x0] =	wrdreg $0x0  }
0xb7: {  	s5 =	sshll.u32 s28, $0x1;
	[dreg:$0x2] =	wrdreg s3  }
0xb8: {  	[dreg:$0x3] =	wrdreg s5  }
0xb9: {  	[dreg:$0x4] =	wrdreg $0xC0  }
0xba: {  	_ =	task [dreg:s22], $0x5FFFF  }
0xbb: {  	[dreg:$0x1] =	wrdreg $0xFFFFFFFF  }
0xbc: {  	[dreg:$0x0] =	wrdreg $0x60  }
0xbd: {  	[dreg:$0x2] =	wrdreg s24  }
0xbe: {  	[dreg:$0x3] =	wrdreg $0x0  }
0xbf: {  	[dreg:$0x4] =	wrdreg $0xB  }
0xc0: {  	_ =	task.clear_ibuf [dreg:s22], $0x5FFFF;
	_ =	strace $0x9000006A  }
0xc1: {  	s29 =	simm.s32 $0xB;
	_ =	strace $0x8000006C  }
0xc2: {  	_ =	swait.ge [sflag:s29], $0x1  }
0xc3: {  	[sflag:s29] =	ssyncadd.s32 $0xFFFFFFFF  }
0xc4: {  	_ =	strace $0x9000006C  }
0xc5: {  	_ =	sfence  }
0xc6: {  	s30 =	sld [smem:$0x0];
	_ =	sdelay $0x2  }
0xc7: {  	s31 =	sshll.u32 s1, $0xD;
	s1 =	sshrl.u32 s1, $0x2  }
0xc8: {  	s4 =	sand.u32 $0x4000, s31;
	s1 =	sadd.s32 s1, s30  }
0xc9: {  	s0 =	sor.u32 s4, s0;
	s1 =	sshll.u32 s1, $0x11  }
0xca: {  	s0 =	sor.u32 s1, s0  }
0xcb: {  	s0 =	sadd.s32 $0x8F2B, s0  }
0xcc: {  	[sflag:s0] =	ssyncadd.remote.s32 $0x1  }
0xcd: {  	_ =	sfence.sel $0xFFFF  }
0xce: {  	[dreg:$0x0] =	wrdreg $0xFFFFFFFF;
	(pc) =	sbr.abs _section_cstart, $3  }
0xcf: {  	[dreg:$0x1] =	wrdreg $0xFFFFFFFF  }
0xd0: {  	_ =	task.clear_ibuf [dreg:s22], $0x2FFFF;
	_ =	strace $0x9FFFFFFF  }
0xd1: {  	(tm) =	ssettm $0x7FFFFFFF  }
tec
execute0_lowered:
.L_overlay_start_1:
0x0: {  	(tag) =	ssettag $0x1  }
0x1: {  	s8 =	rddreg [dreg:$0x0]  }
0x2: {  	s1 =	rddreg [dreg:$0x1]  }
0x3: {  	s2 =	srdreg.scid;
	s0 =	rddreg [dreg:$0x2]  }
0x4: {  	s3 =	simm.s32 $0x0;
	s15 =	simm.s32 $0x14000;
	s16 =	simm.s32 $0x80  }
0x5: {  	s17 =	simm.s32 $0x14100;
	s18 =	simm.s32 $0x1;
	s19 =	simm.s32 $0x2  }
0x6: {  	s20 =	simm.s32 $0x0;
	s9 =	sand.u32 $0x1, s2;
	s2 =	stileid.u32  }
0x7: {  	[smem:$0x7FF] =	sst s3;
	s4 =	sadd.s32 $0x5D800, s8;
	s7 =	smul.u32 $0x140000, s9  }
0x8: {  	s5 =	sadd.s32 $0x29800, s8;
	s6 =	sadd.s32 $0x1F800, s8;
	s10 =	smul.u32 $0x14000, s2  }
0x9: {  	_ =	strace $0x8000006B;
	s28 =	ssub.s32 $0x2, s9;
	s13 =	smul.u32 $0x50000, s2  }
0xa: {  	s29 =	sshll.u32 s2, $0x1;
	s31 =	sshll.u32 s2, $0x6;
	s12 =	sshrl.u32 s28, $0x1  }
0xb: {  	s9 =	sor.u32 s9, s29;
	s7 =	sadd.s32 s10, s7;
	s12 =	ssub.s32 s28, s12  }
0xc: {  	s30 =	sshrl.u32 s13, $0x2;
	s9 =	smul.u32 $0x2800, s9;
	s11 =	sshrl.u32 s7, $0x3  }
0xd: {  	s13 =	simm.s32 $0x3;
	s7 =	sadd.s32 $0x33800, s8;
	s11 =	sadd.s32 s11, s8  }
0xe: {  	s14 =	sadd.s32 s30, s1;
	s8 =	sor.u32 $0x1C03, s31;
	s10 =	sadd.s32 $0xD2E00, s11  }
0xf: {  	s11 =	smax.u32 s12, $0x1;
	s12 =	sshrl.u32 s14, $0x3;
	s14 =	simm.s32 $0x14080  }
.LBB2_1:
0x10: {  	[spmem:s12], [sflag:s8] =	dma.local [hbm:s7], $0x2800  }
0x11: {  	s21 =	sand.u32 $0x3C00, s3  }
0x12: {  	s22 =	sand.u32 $0x380, s3;
	_ =	swait.ge [sflag:s13], $0x2800;
	s21 =	sadd.s32 s9, s21  }
0x13: {  	[sflag:s13] =	ssyncset.done $0x0;
	s21 =	sor.u32 s22, s21  }
0x14: {  	[sflag:s13] =	ssyncadd.s32 $0xFFFFD800;
	s21 =	sshrl.u32 s21, $0x3  }
0x15: {  	[bflag:$0x0] =	sbarrier.arrive $0xFFFF;
	s29 =	sadd.s32 s6, s21  }
0x16: {  	[tilespmem:s14], [sflag:$0x3] =	stream.linear.gather [hbm4b:s29+s3], $0x80, $0x38;
	[tilespmem:$0x18100] =	vst v63  }
0x17: {  	_ =	swait.ge [sflag:s13], $0x80  }
0x18: {  	[sflag:s13] =	ssyncset.done $0x0  }
0x19: {  	s21 =	sadd.s32 s5, s21;
	[sflag:s13] =	ssyncadd.s32 $0xFFFFFF80  }
0x1a: {  	[tilespmem:s15], [sflag:$0x3] =	stream.linear.gather [hbm4b:s21+s3], $0x80, $0x38;
	[tilespmem:$0x18100] =	vst v63  }
0x1b: {  	_ =	swait.ge [sflag:s13], $0x80  }
0x1c: {  	[sflag:s13] =	ssyncset.done $0x0  }
0x1d: {  	[sflag:s13] =	ssyncadd.s32 $0xFFFFFF80  }
0x1e: {  	[tilespmem:s17], [sflag:$0x1] =	stream.indirect.gather [hbm4b:s4+s16], $0x80, s14, s16, $0xb8;
	[tilespmem:$0x18100] =	vst v63  }
0x1f: {  	_ =	swait.ge [sflag:s18], $0x4000  }
0x20: {  	s30 =	simm.s32 $0x80;
	[sflag:s18] =	ssyncset.done $0x0  }
0x21: {  	s31 =	sand.u32 $0x3C00, s30;
	[sflag:s18] =	ssyncadd.s32 $0xFFFFC000  }
0x22: {  	[spmem:s1] =	stream.indirect.scatter.add.f32 [tilespmem:s17], [sflag:$0x2], $0x80, s15, s16, $0xb8;
	[tilespmem:$0x18100] =	vst v63  }
0x23: {  	s23 =	sand.u32 $0x380, s30;
	s22 =	sadd.s32 s9, s31;
	_ =	swait.ge [sflag:s19], $0x4000  }
0x24: {  	s22 =	sor.u32 s23, s22;
	s21 =	simm.s32 $0x100;
	[sflag:s19] =	ssyncset.done $0x0  }
.LBB2_2:
0x25: {  	s22 =	sshrl.u32 s22, $0x3  }
0x26: {  	[sflag:s19] =	ssyncadd.s32 $0xFFFFC000;
	s23 =	smov.u32 s21;
	s24 =	sadd.s32 $0x80, s21  }
0x27: {  	p0 =	sne.s32 s21, $0x2780;
	s21 =	sadd.s32 s6, s22  }
0x28: {  	[tilespmem:s14], [sflag:$0x3] =	stream.linear.gather [hbm4b:s21+s3], $0x80, $0x38;
	[tilespmem:$0x18100] =	vst v63  }
0x29: {  	_ =	swait.ge [sflag:s13], $0x80  }
0x2a: {  	[sflag:s13] =	ssyncset.done $0x0  }
0x2b: {  	s21 =	sadd.s32 s5, s22;
	[sflag:s13] =	ssyncadd.s32 $0xFFFFFF80  }
0x2c: {  	[tilespmem:s15], [sflag:$0x3] =	stream.linear.gather [hbm4b:s21+s3], $0x80, $0x38;
	[tilespmem:$0x18100] =	vst v63  }
0x2d: {  	_ =	swait.ge [sflag:s13], $0x80  }
0x2e: {  	[sflag:s13] =	ssyncset.done $0x0  }
0x2f: {  	[sflag:s13] =	ssyncadd.s32 $0xFFFFFF80  }
0x30: {  	[tilespmem:s17], [sflag:$0x1] =	stream.indirect.gather [hbm4b:s4+s16], $0x80, s14, s16, $0xb8;
	[tilespmem:$0x18100] =	vst v63  }
0x31: {  	_ =	swait.ge [sflag:s18], $0x4000  }
.Ltmp0:
0x32: {  	[sflag:s18] =	ssyncset.done $0x0;
	(pc) =	sbr.rel @p0 .LBB2_2-.Ltmp0, $4  }
0x33: {  	s21 =	sand.u32 $0x3C00, s23;
	[sflag:s18] =	ssyncadd.s32 $0xFFFFC000  }
0x34: {  	[spmem:s1] =	stream.indirect.scatter.add.f32 [tilespmem:s17], [sflag:$0x2], $0x80, s15, s16, $0xb8;
	[tilespmem:$0x18100] =	vst v63  }
0x35: {  	s22 =	sand.u32 $0x380, s23;
	s21 =	sadd.s32 s9, s21;
	_ =	swait.ge [sflag:s19], $0x4000  }
0x36: {  	s22 =	sor.u32 s22, s21;
	s21 =	smov.u32 s24;
	[sflag:s19] =	ssyncset.done $0x0  }
0x37: {  	s21 =	sshrl.u32 s22, $0x3  }
0x38: {  	[sflag:s19] =	ssyncadd.s32 $0xFFFFC000;
	s22 =	sadd.s32 s6, s21  }
0x39: {  	[tilespmem:s14], [sflag:$0x3] =	stream.linear.gather [hbm4b:s22+s3], $0x80, $0x38;
	[tilespmem:$0x18100] =	vst v63  }
0x3a: {  	_ =	swait.ge [sflag:s13], $0x80  }
0x3b: {  	[sflag:s13] =	ssyncset.done $0x0  }
0x3c: {  	s21 =	sadd.s32 s5, s21;
	[sflag:s13] =	ssyncadd.s32 $0xFFFFFF80  }
0x3d: {  	[tilespmem:s15], [sflag:$0x3] =	stream.linear.gather [hbm4b:s21+s3], $0x80, $0x38;
	[tilespmem:$0x18100] =	vst v63  }
0x3e: {  	_ =	swait.ge [sflag:s13], $0x80  }
0x3f: {  	[sflag:s13] =	ssyncset.done $0x0  }
0x40: {  	[sflag:s13] =	ssyncadd.s32 $0xFFFFFF80  }
0x41: {  	[tilespmem:s17], [sflag:$0x1] =	stream.indirect.gather [hbm4b:s4+s16], $0x80, s14, s16, $0xb8;
	[tilespmem:$0x18100] =	vst v63  }
0x42: {  	_ =	swait.ge [sflag:s18], $0x4000  }
0x43: {  	[sflag:s18] =	ssyncset.done $0x0  }
0x44: {  	[sflag:s18] =	ssyncadd.s32 $0xFFFFC000  }
0x45: {  	[spmem:s1] =	stream.indirect.scatter.add.f32 [tilespmem:s17], [sflag:$0x2], $0x80, s15, s16, $0xb8;
	[tilespmem:$0x18100] =	vst v63  }
0x46: {  	_ =	swait.ge [sflag:s19], $0x4000  }
0x47: {  	s20 =	sadd.s32 $0x1, s20;
	[sflag:s19] =	ssyncset.done $0x0  }
0x48: {  	p0 =	sne.s32 s20, s11;
	[sflag:s19] =	ssyncadd.s32 $0xFFFFC000  }
.Ltmp1:
0x49: {  	[bflag:$0x0] =	sbarrier.arrive $0xFFFF;
	(pc) =	sbr.rel @p0 .LBB2_1-.Ltmp1, $4  }
0x4a: {  	[hbm:s10], [sflag:s8] =	dma.local [spmem:s12], $0x2800  }
0x4b: {  	_ =	swait.ge [sflag:s13], $0x2800  }
0x4c: {  	[sflag:s13] =	ssyncset.done $0x0  }
0x4d: {  	[sflag:s13] =	ssyncadd.s32 $0xFFFFD800  }
0x4e: {  	_ =	sfence.sel $0x180000  }
0x4f: {  	[bflag:$0x0] =	sbarrier.arrive $0xFFFF  }
0x50: {  	p0 =	sne.s32 s2, $0x0;
	_ =	strace $0x9000006B  }
0x51: {  	s0 =	sadd.s32 @!p0 $0x100000, s0;
	[bflag:$0x2] =	sbarrier.arrive $0xFFFF  }
0x52: {  	[sflag:s0] =	ssyncadd.tile.s32 @!p0 $0x1;
	_ =	shalt  }
.Lfunc_end2:
_tile_overlayer_lowered:
.L_overlay_start_2:
0x53: {  	(tag) =	ssettag $0x2  }
0x54: {  	s0 =	rddreg [dreg:$0x0];
	s2 =	stileid.u32  }
0x55: {  	s1 =	rddreg [dreg:$0x1];
	p0 =	sne.s32 s2, $0x0  }
0x56: {  	s3 =	rddreg [dreg:$0x2];
	[bflag:$0x3] =	sbarrier.arrive $0xFFFF;
	s2 =	simm.s32 @!p0 $0x1C03  }
0x57: {  	[timem:s3], [sflag:s2] =	dma.local @!p0 [hbm:s0], s1  }
0x58: {  	s0 =	simm.s32 @!p0 $0x3  }
0x59: {  	_ =	swait.ge @!p0 [sflag:s0], s1  }
0x5a: {  	s1 =	ssub.s32 @!p0 $0x0, s1;
	[sflag:s0] =	ssyncset.done @!p0 $0x0  }
0x5b: {  	[sflag:s0] =	ssyncadd.s32 @!p0 s1  }
0x5c: {  	[bflag:$0x3] =	sbarrier.arrive $0xFFFF  }
0x5d: {  	_ =	shalt  }

</sc_bundles>
